<compile_context>
chip_gen: v7x
topology: tpu7x:2x2x1
jax: 0.10.2.dev20260603
libtpu: 0.0.44.dev20260713+nightly
codegen_flags: <defaults>
</compile_context>

<pallas_src>
import functools

import jax
import jax.numpy as jnp
from jax import lax
from jax.experimental import pallas as pl
from jax.experimental.pallas import tpu as pltpu
from jax.experimental.pallas import tpu_sc as plsc

_NC = 2
_NS = 16
_NW = _NC * _NS

_C = 128
_NPAD = 10240


def _node_mlp(x, W1, b1, W2, b2, interpret=False):
    N = x.shape[0]
    BN = 1000

    def body(x_ref, W1_ref, b1_ref, W2_ref, b2_ref, o_ref):
        h = jnp.maximum(
            jnp.dot(x_ref[...], W1_ref[...], preferred_element_type=jnp.float32)
            + b1_ref[...], 0.0)
        o_ref[...] = (
            jnp.dot(h, W2_ref[...], preferred_element_type=jnp.float32)
            + b2_ref[...])

    return pl.pallas_call(
        body,
        grid=(N // BN,),
        in_specs=[
            pl.BlockSpec((BN, 128), lambda i: (i, 0)),
            pl.BlockSpec((128, 128), lambda i: (0, 0)),
            pl.BlockSpec((1, 128), lambda i: (0, 0)),
            pl.BlockSpec((128, 128), lambda i: (0, 0)),
            pl.BlockSpec((1, 128), lambda i: (0, 0)),
        ],
        out_specs=pl.BlockSpec((BN, 128), lambda i: (i, 0)),
        out_shape=jax.ShapeDtypeStruct((N, 128), jnp.float32),
        interpret=interpret,
    )(x, W1, b1.reshape(1, 128), W2, b2.reshape(1, 128))


def _sc_gather(table, idx):
    D = table.shape[1]
    NT = table.shape[0]
    E = idx.shape[0]
    per_w = E // _NW
    full = per_w // _C
    rem = per_w - full * _C
    NBUF = 2
    LOOK = 1
    ngrp = full // NBUF
    npt = 640
    ntail = NT - 15 * npt
    assert ngrp * NBUF == full and per_w % 8 == 0 and 0 < ntail <= npt
    mesh = plsc.VectorSubcoreMesh(core_axis_name="c", subcore_axis_name="s")

    @functools.partial(
        pl.kernel,
        out_type=jax.ShapeDtypeStruct((E, D), jnp.float32),
        mesh=mesh,
        scratch_types=(
            [pltpu.VMEM((per_w,), jnp.int32),
             pltpu.VMEM((NBUF, _C, D), jnp.float32),
             pltpu.VMEM((rem,), jnp.int32),
             pltpu.VMEM((rem, D), jnp.float32),
             pltpu.VMEM_SHARED((NT, D), jnp.float32)]
            + [pltpu.SemaphoreType.DMA] * (2 * NBUF)
        ),
    )
    def k(table_hbm, idx_hbm, out_hbm, idx_v, rows_v, idx_r, rows_r,
          table_sh, *sems):
        gsem = sems[:NBUF]
        wsem = sems[NBUF:]
        sid = lax.axis_index("s")
        wid = sid * _NC + lax.axis_index("c")
        base = wid * per_w
        @pl.when(sid < 15)
        def _():
            pltpu.sync_copy(table_hbm.at[pl.ds(sid * npt, npt)],
                            table_sh.at[pl.ds(sid * npt, npt)])

        @pl.when(sid == 15)
        def _():
            pltpu.sync_copy(table_hbm.at[pl.ds(15 * npt, ntail)],
                            table_sh.at[pl.ds(15 * npt, ntail)])

        pltpu.sync_copy(idx_hbm.at[pl.ds(base, per_w)], idx_v)
        plsc.subcore_barrier()
        for b in range(LOOK):
            pltpu.async_copy(
                table_sh.at[idx_v.at[pl.ds(b * _C, _C)]],
                rows_v.at[b], gsem[b])

        def outer(g, _):
            for b in range(NBUF):
                c = g * NBUF + b
                b2 = (b + LOOK) % NBUF

                @pl.when(c + LOOK - NBUF >= 0)
                def _():
                    pltpu.make_async_copy(
                        rows_v.at[b2], out_hbm.at[pl.ds(0, _C)],
                        wsem[b2]).wait()

                @pl.when(c + LOOK < full)
                def _():
                    pltpu.async_copy(
                        table_sh.at[idx_v.at[pl.ds((c + LOOK) * _C, _C)]],
                        rows_v.at[b2], gsem[b2])

                pltpu.make_async_copy(
                    table_hbm.at[pl.ds(0, _C)], rows_v.at[b],
                    gsem[b]).wait()
                pltpu.async_copy(rows_v.at[b],
                                 out_hbm.at[pl.ds(base + c * _C, _C)],
                                 wsem[b])
            return ()

        lax.fori_loop(0, ngrp, outer, ())
        pltpu.make_async_copy(rows_v.at[(full - 1) % NBUF],
                              out_hbm.at[pl.ds(0, _C)],
                              wsem[(full - 1) % NBUF]).wait()
        off = base + full * _C
        pltpu.sync_copy(idx_hbm.at[pl.ds(off, rem)], idx_r)
        pltpu.async_copy(table_sh.at[idx_r], rows_r, gsem[0]).wait()
        pltpu.sync_copy(rows_r, out_hbm.at[pl.ds(off, rem)])

    return k(table, idx)


def _sc_gather_pair(table, idx_a, idx_b):
    D = table.shape[1]
    E = idx_a.shape[0]
    per_w = E // _NW
    full = per_w // _C
    rem = per_w - full * _C
    NBUF = 3
    LOOK = 2
    ngrp = full // NBUF
    assert ngrp * NBUF == full and per_w % 8 == 0
    mesh = plsc.VectorSubcoreMesh(core_axis_name="c", subcore_axis_name="s")

    @functools.partial(
        pl.kernel,
        out_type=(jax.ShapeDtypeStruct((E, D), jnp.float32),
                  jax.ShapeDtypeStruct((E, D), jnp.float32)),
        mesh=mesh,
        scratch_types=(
            [pltpu.VMEM((per_w,), jnp.int32),
             pltpu.VMEM((per_w,), jnp.int32),
             pltpu.VMEM((NBUF, _C, D), jnp.float32),
             pltpu.VMEM((NBUF, _C, D), jnp.float32),
             pltpu.VMEM((rem,), jnp.int32),
             pltpu.VMEM((rem, D), jnp.float32)]
            + [pltpu.SemaphoreType.DMA] * (4 * NBUF)
        ),
    )
    def k(table_hbm, ia_hbm, ib_hbm, oa_hbm, ob_hbm, ia_v, ib_v, ra_v, rb_v,
          idx_r, rows_r, *sems):
        gsa = sems[:NBUF]
        gsb = sems[NBUF:2 * NBUF]
        wsa = sems[2 * NBUF:3 * NBUF]
        wsb = sems[3 * NBUF:]
        wid = lax.axis_index("s") * _NC + lax.axis_index("c")
        base = wid * per_w
        pltpu.sync_copy(ia_hbm.at[pl.ds(base, per_w)], ia_v)
        pltpu.sync_copy(ib_hbm.at[pl.ds(base, per_w)], ib_v)
        for b in range(LOOK):
            pltpu.async_copy(table_hbm.at[ia_v.at[pl.ds(b * _C, _C)]],
                             ra_v.at[b], gsa[b])
            pltpu.async_copy(table_hbm.at[ib_v.at[pl.ds(b * _C, _C)]],
                             rb_v.at[b], gsb[b])

        def outer(g, _):
            for b in range(NBUF):
                c = g * NBUF + b
                b2 = (b + LOOK) % NBUF
                for (rv, gs, ws, oh, iv) in ((ra_v, gsa, wsa, oa_hbm, ia_v),
                                             (rb_v, gsb, wsb, ob_hbm, ib_v)):

                    @pl.when(c + LOOK - NBUF >= 0)
                    def _():
                        pltpu.make_async_copy(
                            rv.at[b2], oh.at[pl.ds(0, _C)], ws[b2]).wait()

                    @pl.when(c + LOOK < full)
                    def _():
                        pltpu.async_copy(
                            table_hbm.at[iv.at[pl.ds((c + LOOK) * _C, _C)]],
                            rv.at[b2], gs[b2])

                    pltpu.make_async_copy(
                        table_hbm.at[pl.ds(0, _C)], rv.at[b], gs[b]).wait()
                    pltpu.async_copy(rv.at[b],
                                     oh.at[pl.ds(base + c * _C, _C)], ws[b])
            return ()

        lax.fori_loop(0, ngrp, outer, ())
        for (rv, ws, oh) in ((ra_v, wsa, oa_hbm), (rb_v, wsb, ob_hbm)):
            pltpu.make_async_copy(rv.at[(full - 1) % NBUF],
                                  oh.at[pl.ds(0, _C)],
                                  ws[(full - 1) % NBUF]).wait()
        off = base + full * _C
        for (ih, oh) in ((ia_hbm, oa_hbm), (ib_hbm, ob_hbm)):
            pltpu.sync_copy(ih.at[pl.ds(off, rem)], idx_r)
            pltpu.async_copy(table_hbm.at[idx_r], rows_r, gsa[0]).wait()
            pltpu.sync_copy(rows_r, oh.at[pl.ds(off, rem)])

    return k(table, idx_a, idx_b)


def _sc_gather_prod(table, idx_a, idx_b):
    D = table.shape[1]
    E = idx_a.shape[0]
    per_w = E // _NW
    full = per_w // _C
    rem = per_w - full * _C
    NBUF = 3
    LOOK = 2
    ngrp = full // NBUF
    assert ngrp * NBUF == full and per_w % 8 == 0 and D % 16 == 0
    mesh = plsc.VectorSubcoreMesh(core_axis_name="c", subcore_axis_name="s")

    @functools.partial(
        pl.kernel,
        out_type=jax.ShapeDtypeStruct((E, D), jnp.float32),
        mesh=mesh,
        scratch_types=(
            [pltpu.VMEM((per_w,), jnp.int32),
             pltpu.VMEM((per_w,), jnp.int32),
             pltpu.VMEM((NBUF, _C, D), jnp.float32),
             pltpu.VMEM((NBUF, _C, D), jnp.float32),
             pltpu.VMEM((rem,), jnp.int32),
             pltpu.VMEM((rem, D), jnp.float32),
             pltpu.VMEM((rem, D), jnp.float32)]
            + [pltpu.SemaphoreType.DMA] * (3 * NBUF)
        ),
    )
    def k(table_hbm, ia_hbm, ib_hbm, o_hbm, ia_v, ib_v, ra_v, rb_v,
          idx_r, rowsa_r, rowsb_r, *sems):
        gsa = sems[:NBUF]
        gsb = sems[NBUF:2 * NBUF]
        wsa = sems[2 * NBUF:]
        wid = lax.axis_index("s") * _NC + lax.axis_index("c")
        base = wid * per_w
        pltpu.sync_copy(ia_hbm.at[pl.ds(base, per_w)], ia_v)
        pltpu.sync_copy(ib_hbm.at[pl.ds(base, per_w)], ib_v)
        for b in range(LOOK):
            pltpu.async_copy(table_hbm.at[ia_v.at[pl.ds(b * _C, _C)]],
                             ra_v.at[b], gsa[b])
            pltpu.async_copy(table_hbm.at[ib_v.at[pl.ds(b * _C, _C)]],
                             rb_v.at[b], gsb[b])

        def outer(g, _):
            for b in range(NBUF):
                c = g * NBUF + b
                b2 = (b + LOOK) % NBUF

                @pl.when(c + LOOK - NBUF >= 0)
                def _():
                    pltpu.make_async_copy(
                        ra_v.at[b2], o_hbm.at[pl.ds(0, _C)], wsa[b2]).wait()

                @pl.when(c + LOOK < full)
                def _():
                    pltpu.async_copy(
                        table_hbm.at[ia_v.at[pl.ds((c + LOOK) * _C, _C)]],
                        ra_v.at[b2], gsa[b2])
                    pltpu.async_copy(
                        table_hbm.at[ib_v.at[pl.ds((c + LOOK) * _C, _C)]],
                        rb_v.at[b2], gsb[b2])

                pltpu.make_async_copy(
                    table_hbm.at[pl.ds(0, _C)], ra_v.at[b], gsa[b]).wait()
                pltpu.make_async_copy(
                    table_hbm.at[pl.ds(0, _C)], rb_v.at[b], gsb[b]).wait()

                def mul_row(i, _):
                    for j in range(D // 16):
                        ra_v[b, i, pl.ds(16 * j, 16)] = (
                            ra_v[b, i, pl.ds(16 * j, 16)]
                            * rb_v[b, i, pl.ds(16 * j, 16)])
                    return ()

                lax.fori_loop(0, _C, mul_row, ())
                pltpu.async_copy(ra_v.at[b],
                                 o_hbm.at[pl.ds(base + c * _C, _C)], wsa[b])
            return ()

        lax.fori_loop(0, ngrp, outer, ())
        pltpu.make_async_copy(ra_v.at[(full - 1) % NBUF],
                              o_hbm.at[pl.ds(0, _C)],
                              wsa[(full - 1) % NBUF]).wait()
        off = base + full * _C
        pltpu.sync_copy(ia_hbm.at[pl.ds(off, rem)], idx_r)
        pltpu.async_copy(table_hbm.at[idx_r], rowsa_r, gsa[0]).wait()
        pltpu.sync_copy(ib_hbm.at[pl.ds(off, rem)], idx_r)
        pltpu.async_copy(table_hbm.at[idx_r], rowsb_r, gsb[0]).wait()
        for i in range(rem):
            for j in range(D // 16):
                rowsa_r[i, pl.ds(16 * j, 16)] = (
                    rowsa_r[i, pl.ds(16 * j, 16)]
                    * rowsb_r[i, pl.ds(16 * j, 16)])
        pltpu.sync_copy(rowsa_r, o_hbm.at[pl.ds(off, rem)])

    return k(table, idx_a, idx_b)


def _sc_scatter_add(m, dst, zeros):
    E = m.shape[0]
    per_w = E // _NW
    full = per_w // _C
    rem = per_w - full * _C
    NBUF = 2
    ngrp = full // NBUF
    tail = full - ngrp * NBUF
    mesh = plsc.VectorSubcoreMesh(core_axis_name="c", subcore_axis_name="s")
    rpt = _NPAD // _NS

    @functools.partial(
        pl.kernel,
        out_type=jax.ShapeDtypeStruct((_NC, _NPAD, 128), jnp.float32),
        mesh=mesh,
        scratch_types=(
            [pltpu.VMEM((NBUF, _C), jnp.int32),
             pltpu.VMEM((NBUF, _C, 128), jnp.float32),
             pltpu.VMEM((rem,), jnp.int32),
             pltpu.VMEM((rem, 128), jnp.float32),
             pltpu.VMEM_SHARED((_NPAD, 128), jnp.float32)]
            + [pltpu.SemaphoreType.DMA] * (3 * NBUF)
        ),
    )
    def k(m_hbm, dst_hbm, z_hbm, out_hbm, idx_v, rows_v, idx_r, rows_r,
          agg_sh, *sems):
        isem = sems[:NBUF]
        lsem = sems[NBUF:2 * NBUF]
        ssem = sems[2 * NBUF:]
        cid = lax.axis_index("c")
        sid = lax.axis_index("s")
        wid = sid * _NC + cid
        base = wid * per_w
        pltpu.sync_copy(z_hbm, agg_sh.at[pl.ds(sid * rpt, rpt)])
        plsc.subcore_barrier()
        for b in range(NBUF):
            off = base + b * _C
            pltpu.async_copy(dst_hbm.at[pl.ds(off, _C)], idx_v.at[b],
                             isem[b])
            pltpu.async_copy(m_hbm.at[pl.ds(off, _C)], rows_v.at[b],
                             lsem[b])

        def outer(g, _):
            for b in range(NBUF):
                c = g * NBUF + b
                pltpu.make_async_copy(dst_hbm.at[pl.ds(0, _C)],
                                      idx_v.at[b], isem[b]).wait()
                pltpu.make_async_copy(m_hbm.at[pl.ds(0, _C)],
                                      rows_v.at[b], lsem[b]).wait()
                pltpu.async_copy(rows_v.at[b], agg_sh.at[idx_v.at[b]],
                                 ssem[b], add=True)
                pltpu.make_async_copy(rows_v.at[b], agg_sh.at[idx_v.at[b]],
                                      ssem[b]).wait()

                @pl.when(c + NBUF < full)
                def _():
                    off = base + (c + NBUF) * _C
                    pltpu.async_copy(dst_hbm.at[pl.ds(off, _C)],
                                     idx_v.at[b], isem[b])
                    pltpu.async_copy(m_hbm.at[pl.ds(off, _C)],
                                     rows_v.at[b], lsem[b])
            return ()

        lax.fori_loop(0, ngrp, outer, ())
        for t in range(tail):
            c = ngrp * NBUF + t
            b = c % NBUF
            pltpu.make_async_copy(dst_hbm.at[pl.ds(0, _C)],
                                  idx_v.at[b], isem[b]).wait()
            pltpu.make_async_copy(m_hbm.at[pl.ds(0, _C)],
                                  rows_v.at[b], lsem[b]).wait()
            pltpu.sync_copy(rows_v.at[b], agg_sh.at[idx_v.at[b]], add=True)
        off = base + full * _C
        pltpu.sync_copy(dst_hbm.at[pl.ds(off, rem)], idx_r)
        pltpu.sync_copy(m_hbm.at[pl.ds(off, rem)], rows_r)
        pltpu.sync_copy(rows_r, agg_sh.at[idx_r], add=True)
        plsc.subcore_barrier()
        pltpu.sync_copy(agg_sh.at[pl.ds(sid * rpt, rpt)],
                        out_hbm.at[cid, pl.ds(sid * rpt, rpt)])

    return k(m, dst, zeros)


def _edge_msg(g1, ea, We1, be1, We2, be2, Wc, bc, interpret=False):
    E = g1.shape[0]
    BE = 4000

    def body(g1_ref, ea_ref, We1_ref, be1_ref, We2_ref, be2_ref, Wc_ref,
             bc_ref, o_ref):
        h = jnp.maximum(
            jnp.dot(ea_ref[...], We1_ref[...], preferred_element_type=jnp.float32)
            + be1_ref[...], 0.0)
        m2 = (jnp.dot(h, We2_ref[...], preferred_element_type=jnp.float32)
              + be2_ref[...])
        t = g1_ref[...] * m2
        o_ref[...] = jnp.tanh(
            jnp.dot(t, Wc_ref[...], preferred_element_type=jnp.float32)
            + bc_ref[...])

    return pl.pallas_call(
        body,
        grid=(E // BE,),
        in_specs=[
            pl.BlockSpec((BE, 128), lambda i: (i, 0)),
            pl.BlockSpec((BE, 16), lambda i: (i, 0)),
            pl.BlockSpec((16, 128), lambda i: (0, 0)),
            pl.BlockSpec((1, 128), lambda i: (0, 0)),
            pl.BlockSpec((128, 128), lambda i: (0, 0)),
            pl.BlockSpec((1, 128), lambda i: (0, 0)),
            pl.BlockSpec((128, 128), lambda i: (0, 0)),
            pl.BlockSpec((1, 128), lambda i: (0, 0)),
        ],
        out_specs=pl.BlockSpec((BE, 128), lambda i: (i, 0)),
        out_shape=jax.ShapeDtypeStruct((E, 128), jnp.float32),
        interpret=interpret,
    )(g1, ea, We1, be1.reshape(1, 128), We2, be2.reshape(1, 128), Wc,
      bc.reshape(1, 128))


def _combine(p0, p1, x, interpret=False):
    N = x.shape[0]
    BN = 1000

    def body(a_ref, b_ref, x_ref, o_ref):
        o_ref[...] = a_ref[...] + b_ref[...] + x_ref[...]

    return pl.pallas_call(
        body,
        grid=(N // BN,),
        in_specs=[pl.BlockSpec((BN, 128), lambda i: (i, 0))] * 3,
        out_specs=pl.BlockSpec((BN, 128), lambda i: (i, 0)),
        out_shape=jax.ShapeDtypeStruct((N, 128), jnp.float32),
        interpret=interpret,
    )(p0, p1, x)


def _edge_update(prod, ea, Wu, interpret=False):
    E = prod.shape[0]
    BE = 4000

    def body(pr_ref, ea_ref, Wu_ref, o_ref):
        o_ref[...] = 0.8 * ea_ref[...] + 0.2 * jnp.dot(
            pr_ref[...], Wu_ref[...], preferred_element_type=jnp.float32)

    return pl.pallas_call(
        body,
        grid=(E // BE,),
        in_specs=[
            pl.BlockSpec((BE, 128), lambda i: (i, 0)),
            pl.BlockSpec((BE, 16), lambda i: (i, 0)),
            pl.BlockSpec((128, 16), lambda i: (0, 0)),
        ],
        out_specs=pl.BlockSpec((BE, 16), lambda i: (i, 0)),
        out_shape=jax.ShapeDtypeStruct((E, 16), jnp.float32),
        interpret=interpret,
    )(prod, ea, Wu)


def kernel(x, edge_index, edge_attr, W1, b1, W2, b2, We1, be1, We2, be2,
           Wc, bc, Wu):
    src = edge_index[0]
    dst = edge_index[1]
    node_m1 = _node_mlp(x, W1, b1, W2, b2)
    g1 = _sc_gather(node_m1, src)
    m = _edge_msg(g1, edge_attr, We1, be1, We2, be2, Wc, bc)
    zeros = jnp.zeros((_NPAD // _NS, 128), jnp.float32)
    p = _sc_scatter_add(m, dst, zeros)
    h_new = _combine(p[0, :10000], p[1, :10000], x)
    prod = _sc_gather_prod(h_new, src, dst)
    e_new = _edge_update(prod, edge_attr, Wu)
    return (h_new, e_new)

# --- scband reference (transcript-rebuilt; emitter-appended) ---
"""Pipeline reference for scband-dtnnlayer-29274497089903 (READ-ONLY COPY).

The authoritative reference and input builder live on the scoring server;
editing this copy changes nothing except your own understanding.
"""

import jax, jax.numpy as jnp
import numpy as np

N = 10000
E = 320000
DIM_NODE = 128
DIM_EDGE = 16
H = 128

def _lin_init(key, fan_in, fan_out, bias=True):
    k1, k2 = jax.random.split(key)
    bound = 1.0 / np.sqrt(fan_in)
    W = jax.random.uniform(k1, (fan_in, fan_out), jnp.float32, -bound, bound)
    if bias:
        b = jax.random.uniform(k2, (fan_out,), jnp.float32, -bound, bound)
        return W, b
    return W

def setup_inputs(seed: int = 0) -> dict:
    key = jax.random.key(seed)
    ks = jax.random.split(key, 10)
    x = jax.random.normal(ks[0], (N, DIM_NODE), jnp.float32)
    edge_index = jax.random.randint(ks[1], (2, E), 0, N, jnp.int32)
    edge_attr = jax.random.normal(ks[2], (E, DIM_EDGE), jnp.float32)
    W1, b1 = _lin_init(ks[3], DIM_NODE, H)
    W2, b2 = _lin_init(ks[4], H, H)
    We1, be1 = _lin_init(ks[5], DIM_EDGE, H)
    We2, be2 = _lin_init(ks[6], H, H)
    Wc, bc = _lin_init(ks[7], H, DIM_NODE)
    Wu = _lin_init(ks[8], DIM_NODE, DIM_EDGE, bias=False)
    return {"x": x, "edge_index": edge_index, "edge_attr": edge_attr,
            "W1": W1, "b1": b1, "W2": W2, "b2": b2,
            "We1": We1, "be1": be1, "We2": We2, "be2": be2,
            "Wc": Wc, "bc": bc, "Wu": Wu}

def reference(x, edge_index, edge_attr, W1, b1, W2, b2, We1, be1, We2, be2, Wc, bc, Wu):
    src = edge_index[0]
    dst = edge_index[1]
    # msg_func: per-edge message
    hs = jnp.take(x, src, axis=0)
    m1 = jax.nn.relu(hs @ W1 + b1) @ W2 + b2
    m2 = jax.nn.relu(edge_attr @ We1 + be1) @ We2 + be2
    m = jnp.tanh((m1 * m2) @ Wc + bc)
    # reduce_func: sum over incoming edges + residual
    agg = jnp.zeros_like(x).at[dst].add(m)
    h_new = agg + x
    # update_edges (uses updated node states)
    prod = jnp.take(h_new, src, axis=0) * jnp.take(h_new, dst, axis=0)
    e_new = 0.8 * edge_attr + 0.2 * (prod @ Wu)
    return (h_new, e_new)

if __name__ == "__main__":
    import jax
    _d = setup_inputs()
    print(jax.jit(kernel)(*tuple(_d.values())))

</pallas_src>

<mosaic_0001>
#map = affine_map<(d0, d1) -> (0, 0)>
#map1 = affine_map<(d0, d1) -> (0)>
#map2 = affine_map<(d0, d1) -> (0, 0, 0)>
module attributes {stable_mosaic.version = 14 : i64} {
  func.func @k(%arg0: i32, %arg1: i32, %arg2: memref<320000x128xf32, #tpu.memory_space<hbm>>, %arg3: memref<320000xi32, #tpu.memory_space<hbm>>, %arg4: memref<640x128xf32, #tpu.memory_space<hbm>>, %arg5: memref<2x10240x128xf32, #tpu.memory_space<hbm>>, %arg6: memref<2x128xi32, #tpu.memory_space<vmem>>, %arg7: memref<2x128x128xf32, #tpu.memory_space<vmem>>, %arg8: memref<16xi32, #tpu.memory_space<vmem>>, %arg9: memref<16x128xf32, #tpu.memory_space<vmem>>, %arg10: memref<10240x128xf32, #tpu.memory_space<vmem_shared>>, %arg11: memref<!tpu.dma_semaphore, #tpu.memory_space<semaphore_mem>>, %arg12: memref<!tpu.dma_semaphore, #tpu.memory_space<semaphore_mem>>, %arg13: memref<!tpu.dma_semaphore, #tpu.memory_space<semaphore_mem>>, %arg14: memref<!tpu.dma_semaphore, #tpu.memory_space<semaphore_mem>>, %arg15: memref<!tpu.dma_semaphore, #tpu.memory_space<semaphore_mem>>, %arg16: memref<!tpu.dma_semaphore, #tpu.memory_space<semaphore_mem>>) attributes {dimension_semantics = [#tpu.dimension_semantics<core_parallel>, #tpu.dimension_semantics<subcore_parallel>], iteration_bounds = array<i64: 2, 16>, scalar_prefetch = 0 : i64, scratch_operands = 11 : i64, tpu.core_type = #tpu.core_type<sc_vector_subcore>, window_params = [{transform_indices = #map}, {transform_indices = #map1}, {transform_indices = #map}, {transform_indices = #map2}]} {
    %mul3A = arith.constant 2 : i32
    %mul3A_0 = arith.muli %arg1, %mul3A : i32
    %add3A = arith.addi %mul3A_0, %arg0 : i32
    %mul3A_1 = arith.constant 10000 : i32
    %mul3A_2 = arith.muli %add3A, %mul3A_1 : i32
    %mul3A_3 = arith.constant 640 : i32
    %mul3A_4 = arith.muli %arg1, %mul3A_3 : i32
    "tpu.region"() ({
      %run_scoped3A = tpu.sem_alloc : memref<!tpu.dma_semaphore, #tpu.memory_space<semaphore_mem>>
      %dma_start3A_63 = arith.constant 0 : i32
      %dma_start3A_64 = tpu.memref_slice %arg10[%mul3A_4, %dma_start3A_63] : memref<10240x128xf32, #tpu.memory_space<vmem_shared>> -> memref<640x128xf32, #tpu.memory_space<vmem_shared>>
      tpu.enqueue_dma source(%arg4 : memref<640x128xf32, #tpu.memory_space<hbm>>) target(%dma_start3A_64 : memref<640x128xf32, #tpu.memory_space<vmem_shared>>) target_semaphore(%run_scoped3A : memref<!tpu.dma_semaphore, #tpu.memory_space<semaphore_mem>>)
      %dma_wait3A = arith.constant 0 : i32
      %dma_wait3A_65 = tpu.memref_slice %arg10[%mul3A_4, %dma_wait3A] : memref<10240x128xf32, #tpu.memory_space<vmem_shared>> -> memref<640x128xf32, #tpu.memory_space<vmem_shared>>
      tpu.wait_dma2 semaphore(%run_scoped3A : memref<!tpu.dma_semaphore, #tpu.memory_space<semaphore_mem>>) src(%arg4 : memref<640x128xf32, #tpu.memory_space<hbm>>) dst(%dma_wait3A_65 : memref<640x128xf32, #tpu.memory_space<vmem_shared>>)
      tpu.yield
    }) : () -> ()
    %barrier3A = arith.constant 0 : index
    tpu.barrier barrier_id(%barrier3A)
    %add3A_5 = arith.constant 0 : i32
    %add3A_6 = arith.addi %mul3A_2, %add3A_5 : i32
    %dma_start3A = arith.constant 0 : i32
    %dma_start3A_7 = arith.constant 0 : i32
    %dma_start3A_8 = tpu.memref_slice %arg6[%dma_start3A, %dma_start3A_7] : memref<2x128xi32, #tpu.memory_space<vmem>> -> memref<1x128xi32, #tpu.memory_space<vmem>>
    %dma_start3A_9 = tpu.memref_squeeze %dma_start3A_8 : memref<1x128xi32, #tpu.memory_space<vmem>> -> memref<128xi32, #tpu.memory_space<vmem>>
    %dma_start3A_10 = tpu.memref_slice %arg3[%add3A_6] : memref<320000xi32, #tpu.memory_space<hbm>> -> memref<128xi32, #tpu.memory_space<hbm>>
    %dma_start3A_11 = arith.constant 0 : i32
    %dma_start3A_12 = tpu.memref_slice %arg6[%dma_start3A, %dma_start3A_11] : memref<2x128xi32, #tpu.memory_space<vmem>> -> memref<1x128xi32, #tpu.memory_space<vmem>>
    %dma_start3A_13 = tpu.memref_squeeze %dma_start3A_12 : memref<1x128xi32, #tpu.memory_space<vmem>> -> memref<128xi32, #tpu.memory_space<vmem>>
    %dma_start3A_14 = tpu.memref_slice %arg3[%add3A_6] : memref<320000xi32, #tpu.memory_space<hbm>> -> memref<128xi32, #tpu.memory_space<hbm>>
    tpu.enqueue_dma source(%dma_start3A_14 : memref<128xi32, #tpu.memory_space<hbm>>) target(%dma_start3A_13 : memref<128xi32, #tpu.memory_space<vmem>>) target_semaphore(%arg11 : memref<!tpu.dma_semaphore, #tpu.memory_space<semaphore_mem>>)
    %dma_start3A_15 = arith.constant 0 : i32
    %dma_start3A_16 = arith.constant 0 : i32
    %dma_start3A_17 = arith.constant 0 : i32
    %dma_start3A_18 = tpu.memref_slice %arg7[%dma_start3A_15, %dma_start3A_16, %dma_start3A_17] : memref<2x128x128xf32, #tpu.memory_space<vmem>> -> memref<1x128x128xf32, #tpu.memory_space<vmem>>
    %dma_start3A_19 = tpu.memref_squeeze %dma_start3A_18 : memref<1x128x128xf32, #tpu.memory_space<vmem>> -> memref<128x128xf32, #tpu.memory_space<vmem>>
    %dma_start3A_20 = arith.constant 0 : i32
    %dma_start3A_21 = tpu.memref_slice %arg2[%add3A_6, %dma_start3A_20] : memref<320000x128xf32, #tpu.memory_space<hbm>> -> memref<128x128xf32, #tpu.memory_space<hbm>>
    %dma_start3A_22 = arith.constant 0 : i32
    %dma_start3A_23 = arith.constant 0 : i32
    %dma_start3A_24 = tpu.memref_slice %arg7[%dma_start3A_15, %dma_start3A_22, %dma_start3A_23] : memref<2x128x128xf32, #tpu.memory_space<vmem>> -> memref<1x128x128xf32, #tpu.memory_space<vmem>>
    %dma_start3A_25 = tpu.memref_squeeze %dma_start3A_24 : memref<1x128x128xf32, #tpu.memory_space<vmem>> -> memref<128x128xf32, #tpu.memory_space<vmem>>
    %dma_start3A_26 = arith.constant 0 : i32
    %dma_start3A_27 = tpu.memref_slice %arg2[%add3A_6, %dma_start3A_26] : memref<320000x128xf32, #tpu.memory_space<hbm>> -> memref<128x128xf32, #tpu.memory_space<hbm>>
    tpu.enqueue_dma source(%dma_start3A_27 : memref<128x128xf32, #tpu.memory_space<hbm>>) target(%dma_start3A_25 : memref<128x128xf32, #tpu.memory_space<vmem>>) target_semaphore(%arg13 : memref<!tpu.dma_semaphore, #tpu.memory_space<semaphore_mem>>)
    %add3A_28 = arith.constant 128 : i32
    %add3A_29 = arith.addi %mul3A_2, %add3A_28 : i32
    %dma_start3A_30 = arith.constant 1 : i32
    %dma_start3A_31 = arith.constant 0 : i32
    %dma_start3A_32 = tpu.memref_slice %arg6[%dma_start3A_30, %dma_start3A_31] : memref<2x128xi32, #tpu.memory_space<vmem>> -> memref<1x128xi32, #tpu.memory_space<vmem>>
    %dma_start3A_33 = tpu.memref_squeeze %dma_start3A_32 : memref<1x128xi32, #tpu.memory_space<vmem>> -> memref<128xi32, #tpu.memory_space<vmem>>
    %dma_start3A_34 = tpu.memref_slice %arg3[%add3A_29] : memref<320000xi32, #tpu.memory_space<hbm>> -> memref<128xi32, #tpu.memory_space<hbm>>
    %dma_start3A_35 = arith.constant 0 : i32
    %dma_start3A_36 = tpu.memref_slice %arg6[%dma_start3A_30, %dma_start3A_35] : memref<2x128xi32, #tpu.memory_space<vmem>> -> memref<1x128xi32, #tpu.memory_space<vmem>>
    %dma_start3A_37 = tpu.memref_squeeze %dma_start3A_36 : memref<1x128xi32, #tpu.memory_space<vmem>> -> memref<128xi32, #tpu.memory_space<vmem>>
    %dma_start3A_38 = tpu.memref_slice %arg3[%add3A_29] : memref<320000xi32, #tpu.memory_space<hbm>> -> memref<128xi32, #tpu.memory_space<hbm>>
    tpu.enqueue_dma source(%dma_start3A_38 : memref<128xi32, #tpu.memory_space<hbm>>) target(%dma_start3A_37 : memref<128xi32, #tpu.memory_space<vmem>>) target_semaphore(%arg12 : memref<!tpu.dma_semaphore, #tpu.memory_space<semaphore_mem>>)
    %dma_start3A_39 = arith.constant 1 : i32
    %dma_start3A_40 = arith.constant 0 : i32
    %dma_start3A_41 = arith.constant 0 : i32
    %dma_start3A_42 = tpu.memref_slice %arg7[%dma_start3A_39, %dma_start3A_40, %dma_start3A_41] : memref<2x128x128xf32, #tpu.memory_space<vmem>> -> memref<1x128x128xf32, #tpu.memory_space<vmem>>
    %dma_start3A_43 = tpu.memref_squeeze %dma_start3A_42 : memref<1x128x128xf32, #tpu.memory_space<vmem>> -> memref<128x128xf32, #tpu.memory_space<vmem>>
    %dma_start3A_44 = arith.constant 0 : i32
    %dma_start3A_45 = tpu.memref_slice %arg2[%add3A_29, %dma_start3A_44] : memref<320000x128xf32, #tpu.memory_space<hbm>> -> memref<128x128xf32, #tpu.memory_space<hbm>>
    %dma_start3A_46 = arith.constant 0 : i32
    %dma_start3A_47 = arith.constant 0 : i32
    %dma_start3A_48 = tpu.memref_slice %arg7[%dma_start3A_39, %dma_start3A_46, %dma_start3A_47] : memref<2x128x128xf32, #tpu.memory_space<vmem>> -> memref<1x128x128xf32, #tpu.memory_space<vmem>>
    %dma_start3A_49 = tpu.memref_squeeze %dma_start3A_48 : memref<1x128x128xf32, #tpu.memory_space<vmem>> -> memref<128x128xf32, #tpu.memory_space<vmem>>
    %dma_start3A_50 = arith.constant 0 : i32
    %dma_start3A_51 = tpu.memref_slice %arg2[%add3A_29, %dma_start3A_50] : memref<320000x128xf32, #tpu.memory_space<hbm>> -> memref<128x128xf32, #tpu.memory_space<hbm>>
    tpu.enqueue_dma source(%dma_start3A_51 : memref<128x128xf32, #tpu.memory_space<hbm>>) target(%dma_start3A_49 : memref<128x128xf32, #tpu.memory_space<vmem>>) target_semaphore(%arg14 : memref<!tpu.dma_semaphore, #tpu.memory_space<semaphore_mem>>)
    %scan3A = arith.constant 0 : i32
    %scan3A_52 = arith.constant 39 : i32
    %scan3A_53 = arith.addi %scan3A, %scan3A_52 : i32
    %scan3A_54 = arith.constant 1 : i32
    scf.for %scan3A_63 = %scan3A to %scan3A_53 step %scan3A_54  : i32 {
      %mul3A_64 = arith.constant 2 : i32
      %mul3A_65 = arith.muli %scan3A_63, %mul3A_64 : i32
      %add3A_66 = arith.constant 0 : i32
      %add3A_67 = arith.addi %mul3A_65, %add3A_66 : i32
      %dma_wait3A = arith.constant 0 : i32
      %dma_wait3A_68 = arith.constant 0 : i32
      %dma_wait3A_69 = tpu.memref_slice %arg6[%dma_wait3A, %dma_wait3A_68] : memref<2x128xi32, #tpu.memory_space<vmem>> -> memref<1x128xi32, #tpu.memory_space<vmem>>
      %dma_wait3A_70 = tpu.memref_squeeze %dma_wait3A_69 : memref<1x128xi32, #tpu.memory_space<vmem>> -> memref<128xi32, #tpu.memory_space<vmem>>
      %dma_wait3A_71 = arith.constant 0 : i32
      %dma_wait3A_72 = tpu.memref_slice %arg3[%dma_wait3A_71] : memref<320000xi32, #tpu.memory_space<hbm>> -> memref<128xi32, #tpu.memory_space<hbm>>
      %dma_wait3A_73 = arith.constant 0 : i32
      %dma_wait3A_74 = tpu.memref_slice %arg6[%dma_wait3A, %dma_wait3A_73] : memref<2x128xi32, #tpu.memory_space<vmem>> -> memref<1x128xi32, #tpu.memory_space<vmem>>
      %dma_wait3A_75 = tpu.memref_squeeze %dma_wait3A_74 : memref<1x128xi32, #tpu.memory_space<vmem>> -> memref<128xi32, #tpu.memory_space<vmem>>
      %dma_wait3A_76 = arith.constant 0 : i32
      %dma_wait3A_77 = tpu.memref_slice %arg3[%dma_wait3A_76] : memref<320000xi32, #tpu.memory_space<hbm>> -> memref<128xi32, #tpu.memory_space<hbm>>
      tpu.wait_dma2 semaphore(%arg11 : memref<!tpu.dma_semaphore, #tpu.memory_space<semaphore_mem>>) src(%dma_wait3A_77 : memref<128xi32, #tpu.memory_space<hbm>>) dst(%dma_wait3A_75 : memref<128xi32, #tpu.memory_space<vmem>>)
      %dma_wait3A_78 = arith.constant 0 : i32
      %dma_wait3A_79 = arith.constant 0 : i32
      %dma_wait3A_80 = arith.constant 0 : i32
      %dma_wait3A_81 = tpu.memref_slice %arg7[%dma_wait3A_78, %dma_wait3A_79, %dma_wait3A_80] : memref<2x128x128xf32, #tpu.memory_space<vmem>> -> memref<1x128x128xf32, #tpu.memory_space<vmem>>
      %dma_wait3A_82 = tpu.memref_squeeze %dma_wait3A_81 : memref<1x128x128xf32, #tpu.memory_space<vmem>> -> memref<128x128xf32, #tpu.memory_space<vmem>>
      %dma_wait3A_83 = arith.constant 0 : i32
      %dma_wait3A_84 = arith.constant 0 : i32
      %dma_wait3A_85 = tpu.memref_slice %arg2[%dma_wait3A_83, %dma_wait3A_84] : memref<320000x128xf32, #tpu.memory_space<hbm>> -> memref<128x128xf32, #tpu.memory_space<hbm>>
      %dma_wait3A_86 = arith.constant 0 : i32
      %dma_wait3A_87 = arith.constant 0 : i32
      %dma_wait3A_88 = tpu.memref_slice %arg7[%dma_wait3A_78, %dma_wait3A_86, %dma_wait3A_87] : memref<2x128x128xf32, #tpu.memory_space<vmem>> -> memref<1x128x128xf32, #tpu.memory_space<vmem>>
      %dma_wait3A_89 = tpu.memref_squeeze %dma_wait3A_88 : memref<1x128x128xf32, #tpu.memory_space<vmem>> -> memref<128x128xf32, #tpu.memory_space<vmem>>
      %dma_wait3A_90 = arith.constant 0 : i32
      %dma_wait3A_91 = arith.constant 0 : i32
      %dma_wait3A_92 = tpu.memref_slice %arg2[%dma_wait3A_90, %dma_wait3A_91] : memref<320000x128xf32, #tpu.memory_space<hbm>> -> memref<128x128xf32, #tpu.memory_space<hbm>>
      tpu.wait_dma2 semaphore(%arg13 : memref<!tpu.dma_semaphore, #tpu.memory_space<semaphore_mem>>) src(%dma_wait3A_92 : memref<128x128xf32, #tpu.memory_space<hbm>>) dst(%dma_wait3A_89 : memref<128x128xf32, #tpu.memory_space<vmem>>)
      %dma_start3A_93 = arith.constant 0 : i32
      %dma_start3A_94 = arith.constant 0 : i32
      %dma_start3A_95 = arith.constant 0 : i32
      %dma_start3A_96 = arith.constant 0 : i32
      %dma_start3A_97 = tpu.memref_slice %arg7[%dma_start3A_93, %dma_start3A_95, %dma_start3A_96] : memref<2x128x128xf32, #tpu.memory_space<vmem>> -> memref<1x128x128xf32, #tpu.memory_space<vmem>>
      %dma_start3A_98 = tpu.memref_squeeze %dma_start3A_97 : memref<1x128x128xf32, #tpu.memory_space<vmem>> -> memref<128x128xf32, #tpu.memory_space<vmem>>
      %dma_start3A_99 = arith.constant 0 : i32
      %dma_start3A_100 = tpu.memref_slice %arg6[%dma_start3A_94, %dma_start3A_99] : memref<2x128xi32, #tpu.memory_space<vmem>> -> memref<1x128xi32, #tpu.memory_space<vmem>>
      %dma_start3A_101 = tpu.memref_squeeze %dma_start3A_100 : memref<1x128xi32, #tpu.memory_space<vmem>> -> memref<128xi32, #tpu.memory_space<vmem>>
      %dma_start3A_102 = arith.constant 0 : i32
      %dma_start3A_103 = arith.constant 0 : i32
      %dma_start3A_104 = tpu.memref_slice %arg10[%dma_start3A_102, %dma_start3A_103] : memref<10240x128xf32, #tpu.memory_space<vmem_shared>> -> memref<10240x128xf32, #tpu.memory_space<vmem_shared>>
      tpu.enqueue_indirect_dma source(%dma_start3A_98 : memref<128x128xf32, #tpu.memory_space<vmem>>) target(%dma_start3A_104 : memref<10240x128xf32, #tpu.memory_space<vmem_shared>>) offsets(%dma_start3A_101 : memref<128xi32, #tpu.memory_space<vmem>>) semaphore(%arg15 : memref<!tpu.dma_semaphore, #tpu.memory_space<semaphore_mem>>) {add = true}
      %dma_wait3A_105 = arith.constant 0 : i32
      %dma_wait3A_106 = arith.constant 0 : i32
      %dma_wait3A_107 = arith.constant 0 : i32
      %dma_wait3A_108 = arith.constant 0 : i32
      %dma_wait3A_109 = tpu.memref_slice %arg7[%dma_wait3A_105, %dma_wait3A_107, %dma_wait3A_108] : memref<2x128x128xf32, #tpu.memory_space<vmem>> -> memref<1x128x128xf32, #tpu.memory_space<vmem>>
      %dma_wait3A_110 = tpu.memref_squeeze %dma_wait3A_109 : memref<1x128x128xf32, #tpu.memory_space<vmem>> -> memref<128x128xf32, #tpu.memory_space<vmem>>
      %dma_wait3A_111 = arith.constant 0 : i32
      %dma_wait3A_112 = tpu.memref_slice %arg6[%dma_wait3A_106, %dma_wait3A_111] : memref<2x128xi32, #tpu.memory_space<vmem>> -> memref<1x128xi32, #tpu.memory_space<vmem>>
      %dma_wait3A_113 = tpu.memref_squeeze %dma_wait3A_112 : memref<1x128xi32, #tpu.memory_space<vmem>> -> memref<128xi32, #tpu.memory_space<vmem>>
      %dma_wait3A_114 = arith.constant 0 : i32
      %dma_wait3A_115 = arith.constant 0 : i32
      %dma_wait3A_116 = tpu.memref_slice %arg10[%dma_wait3A_114, %dma_wait3A_115] : memref<10240x128xf32, #tpu.memory_space<vmem_shared>> -> memref<10240x128xf32, #tpu.memory_space<vmem_shared>>
      tpu.wait_indirect_dma semaphore(%arg15 : memref<!tpu.dma_semaphore, #tpu.memory_space<semaphore_mem>>) src(%dma_wait3A_110 : memref<128x128xf32, #tpu.memory_space<vmem>>) dst(%dma_wait3A_116 : memref<10240x128xf32, #tpu.memory_space<vmem_shared>>)
      %add3A_117 = arith.constant 2 : i32
      %add3A_118 = arith.addi %add3A_67, %add3A_117 : i32
      %lt3A = arith.constant 78 : i32
      %lt3A_119 = arith.cmpi slt, %add3A_118, %lt3A : i32
      %convert_element_type3A = arith.extui %lt3A_119 : i1 to i32
      %cond3A = arith.constant 0 : i32
      %cond3A_120 = arith.cmpi ne, %convert_element_type3A, %cond3A : i32
      scf.if %cond3A_120 {
        %add3A_182 = arith.constant 2 : i32
        %add3A_183 = arith.addi %add3A_67, %add3A_182 : i32
        %mul3A_184 = arith.constant 128 : i32
        %mul3A_185 = arith.muli %add3A_183, %mul3A_184 : i32
        %add3A_186 = arith.addi %mul3A_2, %mul3A_185 : i32
        %dma_start3A_187 = arith.constant 0 : i32
        %dma_start3A_188 = arith.constant 0 : i32
        %dma_start3A_189 = tpu.memref_slice %arg6[%dma_start3A_187, %dma_start3A_188] : memref<2x128xi32, #tpu.memory_space<vmem>> -> memref<1x128xi32, #tpu.memory_space<vmem>>
        %dma_start3A_190 = tpu.memref_squeeze %dma_start3A_189 : memref<1x128xi32, #tpu.memory_space<vmem>> -> memref<128xi32, #tpu.memory_space<vmem>>
        %dma_start3A_191 = tpu.memref_slice %arg3[%add3A_186] : memref<320000xi32, #tpu.memory_space<hbm>> -> memref<128xi32, #tpu.memory_space<hbm>>
        %dma_start3A_192 = arith.constant 0 : i32
        %dma_start3A_193 = tpu.memref_slice %arg6[%dma_start3A_187, %dma_start3A_192] : memref<2x128xi32, #tpu.memory_space<vmem>> -> memref<1x128xi32, #tpu.memory_space<vmem>>
        %dma_start3A_194 = tpu.memref_squeeze %dma_start3A_193 : memref<1x128xi32, #tpu.memory_space<vmem>> -> memref<128xi32, #tpu.memory_space<vmem>>
        %dma_start3A_195 = tpu.memref_slice %arg3[%add3A_186] : memref<320000xi32, #tpu.memory_space<hbm>> -> memref<128xi32, #tpu.memory_space<hbm>>
        tpu.enqueue_dma source(%dma_start3A_195 : memref<128xi32, #tpu.memory_space<hbm>>) target(%dma_start3A_194 : memref<128xi32, #tpu.memory_space<vmem>>) target_semaphore(%arg11 : memref<!tpu.dma_semaphore, #tpu.memory_space<semaphore_mem>>)
        %dma_start3A_196 = arith.constant 0 : i32
        %dma_start3A_197 = arith.constant 0 : i32
        %dma_start3A_198 = arith.constant 0 : i32
        %dma_start3A_199 = tpu.memref_slice %arg7[%dma_start3A_196, %dma_start3A_197, %dma_start3A_198] : memref<2x128x128xf32, #tpu.memory_space<vmem>> -> memref<1x128x128xf32, #tpu.memory_space<vmem>>
        %dma_start3A_200 = tpu.memref_squeeze %dma_start3A_199 : memref<1x128x128xf32, #tpu.memory_space<vmem>> -> memref<128x128xf32, #tpu.memory_space<vmem>>
        %dma_start3A_201 = arith.constant 0 : i32
        %dma_start3A_202 = tpu.memref_slice %arg2[%add3A_186, %dma_start3A_201] : memref<320000x128xf32, #tpu.memory_space<hbm>> -> memref<128x128xf32, #tpu.memory_space<hbm>>
        %dma_start3A_203 = arith.constant 0 : i32
        %dma_start3A_204 = arith.constant 0 : i32
        %dma_start3A_205 = tpu.memref_slice %arg7[%dma_start3A_196, %dma_start3A_203, %dma_start3A_204] : memref<2x128x128xf32, #tpu.memory_space<vmem>> -> memref<1x128x128xf32, #tpu.memory_space<vmem>>
        %dma_start3A_206 = tpu.memref_squeeze %dma_start3A_205 : memref<1x128x128xf32, #tpu.memory_space<vmem>> -> memref<128x128xf32, #tpu.memory_space<vmem>>
        %dma_start3A_207 = arith.constant 0 : i32
        %dma_start3A_208 = tpu.memref_slice %arg2[%add3A_186, %dma_start3A_207] : memref<320000x128xf32, #tpu.memory_space<hbm>> -> memref<128x128xf32, #tpu.memory_space<hbm>>
        tpu.enqueue_dma source(%dma_start3A_208 : memref<128x128xf32, #tpu.memory_space<hbm>>) target(%dma_start3A_206 : memref<128x128xf32, #tpu.memory_space<vmem>>) target_semaphore(%arg13 : memref<!tpu.dma_semaphore, #tpu.memory_space<semaphore_mem>>)
      } else {
      }
      %mul3A_121 = arith.constant 2 : i32
      %mul3A_122 = arith.muli %scan3A_63, %mul3A_121 : i32
      %add3A_123 = arith.constant 1 : i32
      %add3A_124 = arith.addi %mul3A_122, %add3A_123 : i32
      %dma_wait3A_125 = arith.constant 1 : i32
      %dma_wait3A_126 = arith.constant 0 : i32
      %dma_wait3A_127 = tpu.memref_slice %arg6[%dma_wait3A_125, %dma_wait3A_126] : memref<2x128xi32, #tpu.memory_space<vmem>> -> memref<1x128xi32, #tpu.memory_space<vmem>>
      %dma_wait3A_128 = tpu.memref_squeeze %dma_wait3A_127 : memref<1x128xi32, #tpu.memory_space<vmem>> -> memref<128xi32, #tpu.memory_space<vmem>>
      %dma_wait3A_129 = arith.constant 0 : i32
      %dma_wait3A_130 = tpu.memref_slice %arg3[%dma_wait3A_129] : memref<320000xi32, #tpu.memory_space<hbm>> -> memref<128xi32, #tpu.memory_space<hbm>>
      %dma_wait3A_131 = arith.constant 0 : i32
      %dma_wait3A_132 = tpu.memref_slice %arg6[%dma_wait3A_125, %dma_wait3A_131] : memref<2x128xi32, #tpu.memory_space<vmem>> -> memref<1x128xi32, #tpu.memory_space<vmem>>
      %dma_wait3A_133 = tpu.memref_squeeze %dma_wait3A_132 : memref<1x128xi32, #tpu.memory_space<vmem>> -> memref<128xi32, #tpu.memory_space<vmem>>
      %dma_wait3A_134 = arith.constant 0 : i32
      %dma_wait3A_135 = tpu.memref_slice %arg3[%dma_wait3A_134] : memref<320000xi32, #tpu.memory_space<hbm>> -> memref<128xi32, #tpu.memory_space<hbm>>
      tpu.wait_dma2 semaphore(%arg12 : memref<!tpu.dma_semaphore, #tpu.memory_space<semaphore_mem>>) src(%dma_wait3A_135 : memref<128xi32, #tpu.memory_space<hbm>>) dst(%dma_wait3A_133 : memref<128xi32, #tpu.memory_space<vmem>>)
      %dma_wait3A_136 = arith.constant 1 : i32
      %dma_wait3A_137 = arith.constant 0 : i32
      %dma_wait3A_138 = arith.constant 0 : i32
      %dma_wait3A_139 = tpu.memref_slice %arg7[%dma_wait3A_136, %dma_wait3A_137, %dma_wait3A_138] : memref<2x128x128xf32, #tpu.memory_space<vmem>> -> memref<1x128x128xf32, #tpu.memory_space<vmem>>
      %dma_wait3A_140 = tpu.memref_squeeze %dma_wait3A_139 : memref<1x128x128xf32, #tpu.memory_space<vmem>> -> memref<128x128xf32, #tpu.memory_space<vmem>>
      %dma_wait3A_141 = arith.constant 0 : i32
      %dma_wait3A_142 = arith.constant 0 : i32
      %dma_wait3A_143 = tpu.memref_slice %arg2[%dma_wait3A_141, %dma_wait3A_142] : memref<320000x128xf32, #tpu.memory_space<hbm>> -> memref<128x128xf32, #tpu.memory_space<hbm>>
      %dma_wait3A_144 = arith.constant 0 : i32
      %dma_wait3A_145 = arith.constant 0 : i32
      %dma_wait3A_146 = tpu.memref_slice %arg7[%dma_wait3A_136, %dma_wait3A_144, %dma_wait3A_145] : memref<2x128x128xf32, #tpu.memory_space<vmem>> -> memref<1x128x128xf32, #tpu.memory_space<vmem>>
      %dma_wait3A_147 = tpu.memref_squeeze %dma_wait3A_146 : memref<1x128x128xf32, #tpu.memory_space<vmem>> -> memref<128x128xf32, #tpu.memory_space<vmem>>
      %dma_wait3A_148 = arith.constant 0 : i32
      %dma_wait3A_149 = arith.constant 0 : i32
      %dma_wait3A_150 = tpu.memref_slice %arg2[%dma_wait3A_148, %dma_wait3A_149] : memref<320000x128xf32, #tpu.memory_space<hbm>> -> memref<128x128xf32, #tpu.memory_space<hbm>>
      tpu.wait_dma2 semaphore(%arg14 : memref<!tpu.dma_semaphore, #tpu.memory_space<semaphore_mem>>) src(%dma_wait3A_150 : memref<128x128xf32, #tpu.memory_space<hbm>>) dst(%dma_wait3A_147 : memref<128x128xf32, #tpu.memory_space<vmem>>)
      %dma_start3A_151 = arith.constant 1 : i32
      %dma_start3A_152 = arith.constant 1 : i32
      %dma_start3A_153 = arith.constant 0 : i32
      %dma_start3A_154 = arith.constant 0 : i32
      %dma_start3A_155 = tpu.memref_slice %arg7[%dma_start3A_151, %dma_start3A_153, %dma_start3A_154] : memref<2x128x128xf32, #tpu.memory_space<vmem>> -> memref<1x128x128xf32, #tpu.memory_space<vmem>>
      %dma_start3A_156 = tpu.memref_squeeze %dma_start3A_155 : memref<1x128x128xf32, #tpu.memory_space<vmem>> -> memref<128x128xf32, #tpu.memory_space<vmem>>
      %dma_start3A_157 = arith.constant 0 : i32
      %dma_start3A_158 = tpu.memref_slice %arg6[%dma_start3A_152, %dma_start3A_157] : memref<2x128xi32, #tpu.memory_space<vmem>> -> memref<1x128xi32, #tpu.memory_space<vmem>>
      %dma_start3A_159 = tpu.memref_squeeze %dma_start3A_158 : memref<1x128xi32, #tpu.memory_space<vmem>> -> memref<128xi32, #tpu.memory_space<vmem>>
      %dma_start3A_160 = arith.constant 0 : i32
      %dma_start3A_161 = arith.constant 0 : i32
      %dma_start3A_162 = tpu.memref_slice %arg10[%dma_start3A_160, %dma_start3A_161] : memref<10240x128xf32, #tpu.memory_space<vmem_shared>> -> memref<10240x128xf32, #tpu.memory_space<vmem_shared>>
      tpu.enqueue_indirect_dma source(%dma_start3A_156 : memref<128x128xf32, #tpu.memory_space<vmem>>) target(%dma_start3A_162 : memref<10240x128xf32, #tpu.memory_space<vmem_shared>>) offsets(%dma_start3A_159 : memref<128xi32, #tpu.memory_space<vmem>>) semaphore(%arg16 : memref<!tpu.dma_semaphore, #tpu.memory_space<semaphore_mem>>) {add = true}
      %dma_wait3A_163 = arith.constant 1 : i32
      %dma_wait3A_164 = arith.constant 1 : i32
      %dma_wait3A_165 = arith.constant 0 : i32
      %dma_wait3A_166 = arith.constant 0 : i32
      %dma_wait3A_167 = tpu.memref_slice %arg7[%dma_wait3A_163, %dma_wait3A_165, %dma_wait3A_166] : memref<2x128x128xf32, #tpu.memory_space<vmem>> -> memref<1x128x128xf32, #tpu.memory_space<vmem>>
      %dma_wait3A_168 = tpu.memref_squeeze %dma_wait3A_167 : memref<1x128x128xf32, #tpu.memory_space<vmem>> -> memref<128x128xf32, #tpu.memory_space<vmem>>
      %dma_wait3A_169 = arith.constant 0 : i32
      %dma_wait3A_170 = tpu.memref_slice %arg6[%dma_wait3A_164, %dma_wait3A_169] : memref<2x128xi32, #tpu.memory_space<vmem>> -> memref<1x128xi32, #tpu.memory_space<vmem>>
      %dma_wait3A_171 = tpu.memref_squeeze %dma_wait3A_170 : memref<1x128xi32, #tpu.memory_space<vmem>> -> memref<128xi32, #tpu.memory_space<vmem>>
      %dma_wait3A_172 = arith.constant 0 : i32
      %dma_wait3A_173 = arith.constant 0 : i32
      %dma_wait3A_174 = tpu.memref_slice %arg10[%dma_wait3A_172, %dma_wait3A_173] : memref<10240x128xf32, #tpu.memory_space<vmem_shared>> -> memref<10240x128xf32, #tpu.memory_space<vmem_shared>>
      tpu.wait_indirect_dma semaphore(%arg16 : memref<!tpu.dma_semaphore, #tpu.memory_space<semaphore_mem>>) src(%dma_wait3A_168 : memref<128x128xf32, #tpu.memory_space<vmem>>) dst(%dma_wait3A_174 : memref<10240x128xf32, #tpu.memory_space<vmem_shared>>)
      %add3A_175 = arith.constant 2 : i32
      %add3A_176 = arith.addi %add3A_124, %add3A_175 : i32
      %lt3A_177 = arith.constant 78 : i32
      %lt3A_178 = arith.cmpi slt, %add3A_176, %lt3A_177 : i32
      %convert_element_type3A_179 = arith.extui %lt3A_178 : i1 to i32
      %cond3A_180 = arith.constant 0 : i32
      %cond3A_181 = arith.cmpi ne, %convert_element_type3A_179, %cond3A_180 : i32
      scf.if %cond3A_181 {
        %add3A_182 = arith.constant 2 : i32
        %add3A_183 = arith.addi %add3A_124, %add3A_182 : i32
        %mul3A_184 = arith.constant 128 : i32
        %mul3A_185 = arith.muli %add3A_183, %mul3A_184 : i32
        %add3A_186 = arith.addi %mul3A_2, %mul3A_185 : i32
        %dma_start3A_187 = arith.constant 1 : i32
        %dma_start3A_188 = arith.constant 0 : i32
        %dma_start3A_189 = tpu.memref_slice %arg6[%dma_start3A_187, %dma_start3A_188] : memref<2x128xi32, #tpu.memory_space<vmem>> -> memref<1x128xi32, #tpu.memory_space<vmem>>
        %dma_start3A_190 = tpu.memref_squeeze %dma_start3A_189 : memref<1x128xi32, #tpu.memory_space<vmem>> -> memref<128xi32, #tpu.memory_space<vmem>>
        %dma_start3A_191 = tpu.memref_slice %arg3[%add3A_186] : memref<320000xi32, #tpu.memory_space<hbm>> -> memref<128xi32, #tpu.memory_space<hbm>>
        %dma_start3A_192 = arith.constant 0 : i32
        %dma_start3A_193 = tpu.memref_slice %arg6[%dma_start3A_187, %dma_start3A_192] : memref<2x128xi32, #tpu.memory_space<vmem>> -> memref<1x128xi32, #tpu.memory_space<vmem>>
        %dma_start3A_194 = tpu.memref_squeeze %dma_start3A_193 : memref<1x128xi32, #tpu.memory_space<vmem>> -> memref<128xi32, #tpu.memory_space<vmem>>
        %dma_start3A_195 = tpu.memref_slice %arg3[%add3A_186] : memref<320000xi32, #tpu.memory_space<hbm>> -> memref<128xi32, #tpu.memory_space<hbm>>
        tpu.enqueue_dma source(%dma_start3A_195 : memref<128xi32, #tpu.memory_space<hbm>>) target(%dma_start3A_194 : memref<128xi32, #tpu.memory_space<vmem>>) target_semaphore(%arg12 : memref<!tpu.dma_semaphore, #tpu.memory_space<semaphore_mem>>)
        %dma_start3A_196 = arith.constant 1 : i32
        %dma_start3A_197 = arith.constant 0 : i32
        %dma_start3A_198 = arith.constant 0 : i32
        %dma_start3A_199 = tpu.memref_slice %arg7[%dma_start3A_196, %dma_start3A_197, %dma_start3A_198] : memref<2x128x128xf32, #tpu.memory_space<vmem>> -> memref<1x128x128xf32, #tpu.memory_space<vmem>>
        %dma_start3A_200 = tpu.memref_squeeze %dma_start3A_199 : memref<1x128x128xf32, #tpu.memory_space<vmem>> -> memref<128x128xf32, #tpu.memory_space<vmem>>
        %dma_start3A_201 = arith.constant 0 : i32
        %dma_start3A_202 = tpu.memref_slice %arg2[%add3A_186, %dma_start3A_201] : memref<320000x128xf32, #tpu.memory_space<hbm>> -> memref<128x128xf32, #tpu.memory_space<hbm>>
        %dma_start3A_203 = arith.constant 0 : i32
        %dma_start3A_204 = arith.constant 0 : i32
        %dma_start3A_205 = tpu.memref_slice %arg7[%dma_start3A_196, %dma_start3A_203, %dma_start3A_204] : memref<2x128x128xf32, #tpu.memory_space<vmem>> -> memref<1x128x128xf32, #tpu.memory_space<vmem>>
        %dma_start3A_206 = tpu.memref_squeeze %dma_start3A_205 : memref<1x128x128xf32, #tpu.memory_space<vmem>> -> memref<128x128xf32, #tpu.memory_space<vmem>>
        %dma_start3A_207 = arith.constant 0 : i32
        %dma_start3A_208 = tpu.memref_slice %arg2[%add3A_186, %dma_start3A_207] : memref<320000x128xf32, #tpu.memory_space<hbm>> -> memref<128x128xf32, #tpu.memory_space<hbm>>
        tpu.enqueue_dma source(%dma_start3A_208 : memref<128x128xf32, #tpu.memory_space<hbm>>) target(%dma_start3A_206 : memref<128x128xf32, #tpu.memory_space<vmem>>) target_semaphore(%arg14 : memref<!tpu.dma_semaphore, #tpu.memory_space<semaphore_mem>>)
      } else {
      }
    }
    %scan3A_55 = arith.constant 39 : i32
    %add3A_56 = arith.constant 9984 : i32
    %add3A_57 = arith.addi %mul3A_2, %add3A_56 : i32
    "tpu.region"() ({
      %run_scoped3A = tpu.sem_alloc : memref<!tpu.dma_semaphore, #tpu.memory_space<semaphore_mem>>
      %dma_start3A_63 = tpu.memref_slice %arg3[%add3A_57] : memref<320000xi32, #tpu.memory_space<hbm>> -> memref<16xi32, #tpu.memory_space<hbm>>
      %dma_start3A_64 = tpu.memref_slice %arg3[%add3A_57] : memref<320000xi32, #tpu.memory_space<hbm>> -> memref<16xi32, #tpu.memory_space<hbm>>
      tpu.enqueue_dma source(%dma_start3A_64 : memref<16xi32, #tpu.memory_space<hbm>>) target(%arg8 : memref<16xi32, #tpu.memory_space<vmem>>) target_semaphore(%run_scoped3A : memref<!tpu.dma_semaphore, #tpu.memory_space<semaphore_mem>>)
      %dma_wait3A = tpu.memref_slice %arg3[%add3A_57] : memref<320000xi32, #tpu.memory_space<hbm>> -> memref<16xi32, #tpu.memory_space<hbm>>
      %dma_wait3A_65 = tpu.memref_slice %arg3[%add3A_57] : memref<320000xi32, #tpu.memory_space<hbm>> -> memref<16xi32, #tpu.memory_space<hbm>>
      tpu.wait_dma2 semaphore(%run_scoped3A : memref<!tpu.dma_semaphore, #tpu.memory_space<semaphore_mem>>) src(%dma_wait3A_65 : memref<16xi32, #tpu.memory_space<hbm>>) dst(%arg8 : memref<16xi32, #tpu.memory_space<vmem>>)
      tpu.yield
    }) : () -> ()
    "tpu.region"() ({
      %run_scoped3A = tpu.sem_alloc : memref<!tpu.dma_semaphore, #tpu.memory_space<semaphore_mem>>
      %dma_start3A_63 = arith.constant 0 : i32
      %dma_start3A_64 = tpu.memref_slice %arg2[%add3A_57, %dma_start3A_63] : memref<320000x128xf32, #tpu.memory_space<hbm>> -> memref<16x128xf32, #tpu.memory_space<hbm>>
      %dma_start3A_65 = arith.constant 0 : i32
      %dma_start3A_66 = tpu.memref_slice %arg2[%add3A_57, %dma_start3A_65] : memref<320000x128xf32, #tpu.memory_space<hbm>> -> memref<16x128xf32, #tpu.memory_space<hbm>>
      tpu.enqueue_dma source(%dma_start3A_66 : memref<16x128xf32, #tpu.memory_space<hbm>>) target(%arg9 : memref<16x128xf32, #tpu.memory_space<vmem>>) target_semaphore(%run_scoped3A : memref<!tpu.dma_semaphore, #tpu.memory_space<semaphore_mem>>)
      %dma_wait3A = arith.constant 0 : i32
      %dma_wait3A_67 = tpu.memref_slice %arg2[%add3A_57, %dma_wait3A] : memref<320000x128xf32, #tpu.memory_space<hbm>> -> memref<16x128xf32, #tpu.memory_space<hbm>>
      %dma_wait3A_68 = arith.constant 0 : i32
      %dma_wait3A_69 = tpu.memref_slice %arg2[%add3A_57, %dma_wait3A_68] : memref<320000x128xf32, #tpu.memory_space<hbm>> -> memref<16x128xf32, #tpu.memory_space<hbm>>
      tpu.wait_dma2 semaphore(%run_scoped3A : memref<!tpu.dma_semaphore, #tpu.memory_space<semaphore_mem>>) src(%dma_wait3A_69 : memref<16x128xf32, #tpu.memory_space<hbm>>) dst(%arg9 : memref<16x128xf32, #tpu.memory_space<vmem>>)
      tpu.yield
    }) : () -> ()
    "tpu.region"() ({
      %run_scoped3A = tpu.sem_alloc : memref<!tpu.dma_semaphore, #tpu.memory_space<semaphore_mem>>
      %dma_start3A_63 = arith.constant 0 : i32
      %dma_start3A_64 = arith.constant 0 : i32
      %dma_start3A_65 = tpu.memref_slice %arg10[%dma_start3A_63, %dma_start3A_64] : memref<10240x128xf32, #tpu.memory_space<vmem_shared>> -> memref<10240x128xf32, #tpu.memory_space<vmem_shared>>
      tpu.enqueue_indirect_dma source(%arg9 : memref<16x128xf32, #tpu.memory_space<vmem>>) target(%dma_start3A_65 : memref<10240x128xf32, #tpu.memory_space<vmem_shared>>) offsets(%arg8 : memref<16xi32, #tpu.memory_space<vmem>>) semaphore(%run_scoped3A : memref<!tpu.dma_semaphore, #tpu.memory_space<semaphore_mem>>) {add = true}
      %dma_wait3A = arith.constant 0 : i32
      %dma_wait3A_66 = arith.constant 0 : i32
      %dma_wait3A_67 = tpu.memref_slice %arg10[%dma_wait3A, %dma_wait3A_66] : memref<10240x128xf32, #tpu.memory_space<vmem_shared>> -> memref<10240x128xf32, #tpu.memory_space<vmem_shared>>
      tpu.wait_indirect_dma semaphore(%run_scoped3A : memref<!tpu.dma_semaphore, #tpu.memory_space<semaphore_mem>>) src(%arg9 : memref<16x128xf32, #tpu.memory_space<vmem>>) dst(%dma_wait3A_67 : memref<10240x128xf32, #tpu.memory_space<vmem_shared>>)
      tpu.yield
    }) : () -> ()
    %barrier3A_58 = arith.constant 0 : index
    tpu.barrier barrier_id(%barrier3A_58)
    %mul3A_59 = arith.constant 640 : i32
    %mul3A_60 = arith.muli %arg1, %mul3A_59 : i32
    %mul3A_61 = arith.constant 640 : i32
    %mul3A_62 = arith.muli %arg1, %mul3A_61 : i32
    "tpu.region"() ({
      %run_scoped3A = tpu.sem_alloc : memref<!tpu.dma_semaphore, #tpu.memory_space<semaphore_mem>>
      %dma_start3A_63 = arith.constant 0 : i32
      %dma_start3A_64 = tpu.memref_slice %arg5[%arg0, %mul3A_62, %dma_start3A_63] : memref<2x10240x128xf32, #tpu.memory_space<hbm>> -> memref<1x640x128xf32, #tpu.memory_space<hbm>>
      %dma_start3A_65 = tpu.memref_squeeze %dma_start3A_64 : memref<1x640x128xf32, #tpu.memory_space<hbm>> -> memref<640x128xf32, #tpu.memory_space<hbm>>
      %dma_start3A_66 = arith.constant 0 : i32
      %dma_start3A_67 = tpu.memref_slice %arg10[%mul3A_60, %dma_start3A_66] : memref<10240x128xf32, #tpu.memory_space<vmem_shared>> -> memref<640x128xf32, #tpu.memory_space<vmem_shared>>
      tpu.enqueue_dma source(%dma_start3A_67 : memref<640x128xf32, #tpu.memory_space<vmem_shared>>) target(%dma_start3A_65 : memref<640x128xf32, #tpu.memory_space<hbm>>) target_semaphore(%run_scoped3A : memref<!tpu.dma_semaphore, #tpu.memory_space<semaphore_mem>>)
      %dma_wait3A = arith.constant 0 : i32
      %dma_wait3A_68 = tpu.memref_slice %arg5[%arg0, %mul3A_62, %dma_wait3A] : memref<2x10240x128xf32, #tpu.memory_space<hbm>> -> memref<1x640x128xf32, #tpu.memory_space<hbm>>
      %dma_wait3A_69 = tpu.memref_squeeze %dma_wait3A_68 : memref<1x640x128xf32, #tpu.memory_space<hbm>> -> memref<640x128xf32, #tpu.memory_space<hbm>>
      %dma_wait3A_70 = arith.constant 0 : i32
      %dma_wait3A_71 = tpu.memref_slice %arg10[%mul3A_60, %dma_wait3A_70] : memref<10240x128xf32, #tpu.memory_space<vmem_shared>> -> memref<640x128xf32, #tpu.memory_space<vmem_shared>>
      tpu.wait_dma2 semaphore(%run_scoped3A : memref<!tpu.dma_semaphore, #tpu.memory_space<semaphore_mem>>) src(%dma_wait3A_71 : memref<640x128xf32, #tpu.memory_space<vmem_shared>>) dst(%dma_wait3A_69 : memref<640x128xf32, #tpu.memory_space<hbm>>)
      tpu.yield
    }) : () -> ()
    return
  }
}

#map = affine_map<(d0, d1) -> (0, 0)>
#map1 = affine_map<(d0, d1) -> (0)>
module attributes {stable_mosaic.version = 14 : i64} {
  func.func @k(%arg0: i32, %arg1: i32, %arg2: memref<10000x128xf32, #tpu.memory_space<hbm>>, %arg3: memref<320000xi32, #tpu.memory_space<hbm>>, %arg4: memref<320000xi32, #tpu.memory_space<hbm>>, %arg5: memref<320000x128xf32, #tpu.memory_space<hbm>>, %arg6: memref<10000xi32, #tpu.memory_space<vmem>>, %arg7: memref<10000xi32, #tpu.memory_space<vmem>>, %arg8: memref<3x128x128xf32, #tpu.memory_space<vmem>>, %arg9: memref<3x128x128xf32, #tpu.memory_space<vmem>>, %arg10: memref<16xi32, #tpu.memory_space<vmem>>, %arg11: memref<16x128xf32, #tpu.memory_space<vmem>>, %arg12: memref<16x128xf32, #tpu.memory_space<vmem>>, %arg13: memref<!tpu.dma_semaphore, #tpu.memory_space<semaphore_mem>>, %arg14: memref<!tpu.dma_semaphore, #tpu.memory_space<semaphore_mem>>, %arg15: memref<!tpu.dma_semaphore, #tpu.memory_space<semaphore_mem>>, %arg16: memref<!tpu.dma_semaphore, #tpu.memory_space<semaphore_mem>>, %arg17: memref<!tpu.dma_semaphore, #tpu.memory_space<semaphore_mem>>, %arg18: memref<!tpu.dma_semaphore, #tpu.memory_space<semaphore_mem>>, %arg19: memref<!tpu.dma_semaphore, #tpu.memory_space<semaphore_mem>>, %arg20: memref<!tpu.dma_semaphore, #tpu.memory_space<semaphore_mem>>, %arg21: memref<!tpu.dma_semaphore, #tpu.memory_space<semaphore_mem>>) attributes {dimension_semantics = [#tpu.dimension_semantics<core_parallel>, #tpu.dimension_semantics<subcore_parallel>], iteration_bounds = array<i64: 2, 16>, scalar_prefetch = 0 : i64, scratch_operands = 16 : i64, tpu.core_type = #tpu.core_type<sc_vector_subcore>, window_params = [{transform_indices = #map}, {transform_indices = #map1}, {transform_indices = #map1}, {transform_indices = #map}]} {
    %mul3A = arith.constant 2 : i32
    %mul3A_0 = arith.muli %arg1, %mul3A : i32
    %add3A = arith.addi %mul3A_0, %arg0 : i32
    %mul3A_1 = arith.constant 10000 : i32
    %mul3A_2 = arith.muli %add3A, %mul3A_1 : i32
    "tpu.region"() ({
      %run_scoped3A = tpu.sem_alloc : memref<!tpu.dma_semaphore, #tpu.memory_space<semaphore_mem>>
      %dma_start3A_2248 = tpu.memref_slice %arg3[%mul3A_2] : memref<320000xi32, #tpu.memory_space<hbm>> -> memref<10000xi32, #tpu.memory_space<hbm>>
      %dma_start3A_2249 = tpu.memref_slice %arg3[%mul3A_2] : memref<320000xi32, #tpu.memory_space<hbm>> -> memref<10000xi32, #tpu.memory_space<hbm>>
      tpu.enqueue_dma source(%dma_start3A_2249 : memref<10000xi32, #tpu.memory_space<hbm>>) target(%arg6 : memref<10000xi32, #tpu.memory_space<vmem>>) target_semaphore(%run_scoped3A : memref<!tpu.dma_semaphore, #tpu.memory_space<semaphore_mem>>)
      %dma_wait3A_2250 = tpu.memref_slice %arg3[%mul3A_2] : memref<320000xi32, #tpu.memory_space<hbm>> -> memref<10000xi32, #tpu.memory_space<hbm>>
      %dma_wait3A_2251 = tpu.memref_slice %arg3[%mul3A_2] : memref<320000xi32, #tpu.memory_space<hbm>> -> memref<10000xi32, #tpu.memory_space<hbm>>
      tpu.wait_dma2 semaphore(%run_scoped3A : memref<!tpu.dma_semaphore, #tpu.memory_space<semaphore_mem>>) src(%dma_wait3A_2251 : memref<10000xi32, #tpu.memory_space<hbm>>) dst(%arg6 : memref<10000xi32, #tpu.memory_space<vmem>>)
      tpu.yield
    }) : () -> ()
    "tpu.region"() ({
      %run_scoped3A = tpu.sem_alloc : memref<!tpu.dma_semaphore, #tpu.memory_space<semaphore_mem>>
      %dma_start3A_2248 = tpu.memref_slice %arg4[%mul3A_2] : memref<320000xi32, #tpu.memory_space<hbm>> -> memref<10000xi32, #tpu.memory_space<hbm>>
      %dma_start3A_2249 = tpu.memref_slice %arg4[%mul3A_2] : memref<320000xi32, #tpu.memory_space<hbm>> -> memref<10000xi32, #tpu.memory_space<hbm>>
      tpu.enqueue_dma source(%dma_start3A_2249 : memref<10000xi32, #tpu.memory_space<hbm>>) target(%arg7 : memref<10000xi32, #tpu.memory_space<vmem>>) target_semaphore(%run_scoped3A : memref<!tpu.dma_semaphore, #tpu.memory_space<semaphore_mem>>)
      %dma_wait3A_2250 = tpu.memref_slice %arg4[%mul3A_2] : memref<320000xi32, #tpu.memory_space<hbm>> -> memref<10000xi32, #tpu.memory_space<hbm>>
      %dma_wait3A_2251 = tpu.memref_slice %arg4[%mul3A_2] : memref<320000xi32, #tpu.memory_space<hbm>> -> memref<10000xi32, #tpu.memory_space<hbm>>
      tpu.wait_dma2 semaphore(%run_scoped3A : memref<!tpu.dma_semaphore, #tpu.memory_space<semaphore_mem>>) src(%dma_wait3A_2251 : memref<10000xi32, #tpu.memory_space<hbm>>) dst(%arg7 : memref<10000xi32, #tpu.memory_space<vmem>>)
      tpu.yield
    }) : () -> ()
    %dma_start3A = arith.constant 0 : i32
    %dma_start3A_3 = arith.constant 0 : i32
    %dma_start3A_4 = arith.constant 0 : i32
    %dma_start3A_5 = tpu.memref_slice %arg8[%dma_start3A, %dma_start3A_3, %dma_start3A_4] : memref<3x128x128xf32, #tpu.memory_space<vmem>> -> memref<1x128x128xf32, #tpu.memory_space<vmem>>
    %dma_start3A_6 = tpu.memref_squeeze %dma_start3A_5 : memref<1x128x128xf32, #tpu.memory_space<vmem>> -> memref<128x128xf32, #tpu.memory_space<vmem>>
    %dma_start3A_7 = arith.constant 0 : i32
    %dma_start3A_8 = tpu.memref_slice %arg6[%dma_start3A_7] : memref<10000xi32, #tpu.memory_space<vmem>> -> memref<128xi32, #tpu.memory_space<vmem>>
    %dma_start3A_9 = arith.constant 0 : i32
    %dma_start3A_10 = arith.constant 0 : i32
    %dma_start3A_11 = tpu.memref_slice %arg2[%dma_start3A_9, %dma_start3A_10] : memref<10000x128xf32, #tpu.memory_space<hbm>> -> memref<10000x128xf32, #tpu.memory_space<hbm>>
    tpu.enqueue_indirect_dma source(%dma_start3A_11 : memref<10000x128xf32, #tpu.memory_space<hbm>>) target(%dma_start3A_6 : memref<128x128xf32, #tpu.memory_space<vmem>>) offsets(%dma_start3A_8 : memref<128xi32, #tpu.memory_space<vmem>>) semaphore(%arg13 : memref<!tpu.dma_semaphore, #tpu.memory_space<semaphore_mem>>)
    %dma_start3A_12 = arith.constant 0 : i32
    %dma_start3A_13 = arith.constant 0 : i32
    %dma_start3A_14 = arith.constant 0 : i32
    %dma_start3A_15 = tpu.memref_slice %arg9[%dma_start3A_12, %dma_start3A_13, %dma_start3A_14] : memref<3x128x128xf32, #tpu.memory_space<vmem>> -> memref<1x128x128xf32, #tpu.memory_space<vmem>>
    %dma_start3A_16 = tpu.memref_squeeze %dma_start3A_15 : memref<1x128x128xf32, #tpu.memory_space<vmem>> -> memref<128x128xf32, #tpu.memory_space<vmem>>
    %dma_start3A_17 = arith.constant 0 : i32
    %dma_start3A_18 = tpu.memref_slice %arg7[%dma_start3A_17] : memref<10000xi32, #tpu.memory_space<vmem>> -> memref<128xi32, #tpu.memory_space<vmem>>
    %dma_start3A_19 = arith.constant 0 : i32
    %dma_start3A_20 = arith.constant 0 : i32
    %dma_start3A_21 = tpu.memref_slice %arg2[%dma_start3A_19, %dma_start3A_20] : memref<10000x128xf32, #tpu.memory_space<hbm>> -> memref<10000x128xf32, #tpu.memory_space<hbm>>
    tpu.enqueue_indirect_dma source(%dma_start3A_21 : memref<10000x128xf32, #tpu.memory_space<hbm>>) target(%dma_start3A_16 : memref<128x128xf32, #tpu.memory_space<vmem>>) offsets(%dma_start3A_18 : memref<128xi32, #tpu.memory_space<vmem>>) semaphore(%arg16 : memref<!tpu.dma_semaphore, #tpu.memory_space<semaphore_mem>>)
    %dma_start3A_22 = arith.constant 1 : i32
    %dma_start3A_23 = arith.constant 0 : i32
    %dma_start3A_24 = arith.constant 0 : i32
    %dma_start3A_25 = tpu.memref_slice %arg8[%dma_start3A_22, %dma_start3A_23, %dma_start3A_24] : memref<3x128x128xf32, #tpu.memory_space<vmem>> -> memref<1x128x128xf32, #tpu.memory_space<vmem>>
    %dma_start3A_26 = tpu.memref_squeeze %dma_start3A_25 : memref<1x128x128xf32, #tpu.memory_space<vmem>> -> memref<128x128xf32, #tpu.memory_space<vmem>>
    %dma_start3A_27 = arith.constant 128 : i32
    %dma_start3A_28 = tpu.memref_slice %arg6[%dma_start3A_27] : memref<10000xi32, #tpu.memory_space<vmem>> -> memref<128xi32, #tpu.memory_space<vmem>>
    %dma_start3A_29 = arith.constant 0 : i32
    %dma_start3A_30 = arith.constant 0 : i32
    %dma_start3A_31 = tpu.memref_slice %arg2[%dma_start3A_29, %dma_start3A_30] : memref<10000x128xf32, #tpu.memory_space<hbm>> -> memref<10000x128xf32, #tpu.memory_space<hbm>>
    tpu.enqueue_indirect_dma source(%dma_start3A_31 : memref<10000x128xf32, #tpu.memory_space<hbm>>) target(%dma_start3A_26 : memref<128x128xf32, #tpu.memory_space<vmem>>) offsets(%dma_start3A_28 : memref<128xi32, #tpu.memory_space<vmem>>) semaphore(%arg14 : memref<!tpu.dma_semaphore, #tpu.memory_space<semaphore_mem>>)
    %dma_start3A_32 = arith.constant 1 : i32
    %dma_start3A_33 = arith.constant 0 : i32
    %dma_start3A_34 = arith.constant 0 : i32
    %dma_start3A_35 = tpu.memref_slice %arg9[%dma_start3A_32, %dma_start3A_33, %dma_start3A_34] : memref<3x128x128xf32, #tpu.memory_space<vmem>> -> memref<1x128x128xf32, #tpu.memory_space<vmem>>
    %dma_start3A_36 = tpu.memref_squeeze %dma_start3A_35 : memref<1x128x128xf32, #tpu.memory_space<vmem>> -> memref<128x128xf32, #tpu.memory_space<vmem>>
    %dma_start3A_37 = arith.constant 128 : i32
    %dma_start3A_38 = tpu.memref_slice %arg7[%dma_start3A_37] : memref<10000xi32, #tpu.memory_space<vmem>> -> memref<128xi32, #tpu.memory_space<vmem>>
    %dma_start3A_39 = arith.constant 0 : i32
    %dma_start3A_40 = arith.constant 0 : i32
    %dma_start3A_41 = tpu.memref_slice %arg2[%dma_start3A_39, %dma_start3A_40] : memref<10000x128xf32, #tpu.memory_space<hbm>> -> memref<10000x128xf32, #tpu.memory_space<hbm>>
    tpu.enqueue_indirect_dma source(%dma_start3A_41 : memref<10000x128xf32, #tpu.memory_space<hbm>>) target(%dma_start3A_36 : memref<128x128xf32, #tpu.memory_space<vmem>>) offsets(%dma_start3A_38 : memref<128xi32, #tpu.memory_space<vmem>>) semaphore(%arg17 : memref<!tpu.dma_semaphore, #tpu.memory_space<semaphore_mem>>)
    %scan3A = arith.constant 0 : i32
    %scan3A_42 = arith.constant 26 : i32
    %scan3A_43 = arith.addi %scan3A, %scan3A_42 : i32
    %scan3A_44 = arith.constant 1 : i32
    scf.for %scan3A_2248 = %scan3A to %scan3A_43 step %scan3A_44  : i32 {
      %mul3A_2249 = arith.constant 3 : i32
      %mul3A_2250 = arith.muli %scan3A_2248, %mul3A_2249 : i32
      %add3A_2251 = arith.constant 0 : i32
      %add3A_2252 = arith.addi %mul3A_2250, %add3A_2251 : i32
      %add3A_2253 = arith.constant 2 : i32
      %add3A_2254 = arith.addi %add3A_2252, %add3A_2253 : i32
      %sub3A = arith.constant 3 : i32
      %sub3A_2255 = arith.subi %add3A_2254, %sub3A : i32
      %ge3A = arith.constant 0 : i32
      %ge3A_2256 = arith.cmpi sge, %sub3A_2255, %ge3A : i32
      %convert_element_type3A = arith.extui %ge3A_2256 : i1 to i32
      %cond3A = arith.constant 0 : i32
      %cond3A_2257 = arith.cmpi ne, %convert_element_type3A, %cond3A : i32
      scf.if %cond3A_2257 {
        %dma_wait3A_2457 = arith.constant 2 : i32
        %dma_wait3A_2458 = arith.constant 0 : i32
        %dma_wait3A_2459 = arith.constant 0 : i32
        %dma_wait3A_2460 = tpu.memref_slice %arg8[%dma_wait3A_2457, %dma_wait3A_2458, %dma_wait3A_2459] : memref<3x128x128xf32, #tpu.memory_space<vmem>> -> memref<1x128x128xf32, #tpu.memory_space<vmem>>
        %dma_wait3A_2461 = tpu.memref_squeeze %dma_wait3A_2460 : memref<1x128x128xf32, #tpu.memory_space<vmem>> -> memref<128x128xf32, #tpu.memory_space<vmem>>
        %dma_wait3A_2462 = arith.constant 0 : i32
        %dma_wait3A_2463 = arith.constant 0 : i32
        %dma_wait3A_2464 = tpu.memref_slice %arg5[%dma_wait3A_2462, %dma_wait3A_2463] : memref<320000x128xf32, #tpu.memory_space<hbm>> -> memref<128x128xf32, #tpu.memory_space<hbm>>
        %dma_wait3A_2465 = arith.constant 0 : i32
        %dma_wait3A_2466 = arith.constant 0 : i32
        %dma_wait3A_2467 = tpu.memref_slice %arg5[%dma_wait3A_2465, %dma_wait3A_2466] : memref<320000x128xf32, #tpu.memory_space<hbm>> -> memref<128x128xf32, #tpu.memory_space<hbm>>
        %dma_wait3A_2468 = arith.constant 0 : i32
        %dma_wait3A_2469 = arith.constant 0 : i32
        %dma_wait3A_2470 = tpu.memref_slice %arg8[%dma_wait3A_2457, %dma_wait3A_2468, %dma_wait3A_2469] : memref<3x128x128xf32, #tpu.memory_space<vmem>> -> memref<1x128x128xf32, #tpu.memory_space<vmem>>
        %dma_wait3A_2471 = tpu.memref_squeeze %dma_wait3A_2470 : memref<1x128x128xf32, #tpu.memory_space<vmem>> -> memref<128x128xf32, #tpu.memory_space<vmem>>
        tpu.wait_dma2 semaphore(%arg21 : memref<!tpu.dma_semaphore, #tpu.memory_space<semaphore_mem>>) src(%dma_wait3A_2471 : memref<128x128xf32, #tpu.memory_space<vmem>>) dst(%dma_wait3A_2467 : memref<128x128xf32, #tpu.memory_space<hbm>>)
      } else {
      }
      %add3A_2258 = arith.constant 2 : i32
      %add3A_2259 = arith.addi %add3A_2252, %add3A_2258 : i32
      %lt3A = arith.constant 78 : i32
      %lt3A_2260 = arith.cmpi slt, %add3A_2259, %lt3A : i32
      %convert_element_type3A_2261 = arith.extui %lt3A_2260 : i1 to i32
      %cond3A_2262 = arith.constant 0 : i32
      %cond3A_2263 = arith.cmpi ne, %convert_element_type3A_2261, %cond3A_2262 : i32
      scf.if %cond3A_2263 {
        %add3A_2457 = arith.constant 2 : i32
        %add3A_2458 = arith.addi %add3A_2252, %add3A_2457 : i32
        %mul3A_2459 = arith.constant 128 : i32
        %mul3A_2460 = arith.muli %add3A_2458, %mul3A_2459 : i32
        %dma_start3A_2461 = arith.constant 2 : i32
        %dma_start3A_2462 = arith.constant 0 : i32
        %dma_start3A_2463 = arith.constant 0 : i32
        %dma_start3A_2464 = tpu.memref_slice %arg8[%dma_start3A_2461, %dma_start3A_2462, %dma_start3A_2463] : memref<3x128x128xf32, #tpu.memory_space<vmem>> -> memref<1x128x128xf32, #tpu.memory_space<vmem>>
        %dma_start3A_2465 = tpu.memref_squeeze %dma_start3A_2464 : memref<1x128x128xf32, #tpu.memory_space<vmem>> -> memref<128x128xf32, #tpu.memory_space<vmem>>
        %dma_start3A_2466 = tpu.memref_slice %arg6[%mul3A_2460] : memref<10000xi32, #tpu.memory_space<vmem>> -> memref<128xi32, #tpu.memory_space<vmem>>
        %dma_start3A_2467 = arith.constant 0 : i32
        %dma_start3A_2468 = arith.constant 0 : i32
        %dma_start3A_2469 = tpu.memref_slice %arg2[%dma_start3A_2467, %dma_start3A_2468] : memref<10000x128xf32, #tpu.memory_space<hbm>> -> memref<10000x128xf32, #tpu.memory_space<hbm>>
        tpu.enqueue_indirect_dma source(%dma_start3A_2469 : memref<10000x128xf32, #tpu.memory_space<hbm>>) target(%dma_start3A_2465 : memref<128x128xf32, #tpu.memory_space<vmem>>) offsets(%dma_start3A_2466 : memref<128xi32, #tpu.memory_space<vmem>>) semaphore(%arg15 : memref<!tpu.dma_semaphore, #tpu.memory_space<semaphore_mem>>)
        %add3A_2470 = arith.constant 2 : i32
        %add3A_2471 = arith.addi %add3A_2252, %add3A_2470 : i32
        %mul3A_2472 = arith.constant 128 : i32
        %mul3A_2473 = arith.muli %add3A_2471, %mul3A_2472 : i32
        %dma_start3A_2474 = arith.constant 2 : i32
        %dma_start3A_2475 = arith.constant 0 : i32
        %dma_start3A_2476 = arith.constant 0 : i32
        %dma_start3A_2477 = tpu.memref_slice %arg9[%dma_start3A_2474, %dma_start3A_2475, %dma_start3A_2476] : memref<3x128x128xf32, #tpu.memory_space<vmem>> -> memref<1x128x128xf32, #tpu.memory_space<vmem>>
        %dma_start3A_2478 = tpu.memref_squeeze %dma_start3A_2477 : memref<1x128x128xf32, #tpu.memory_space<vmem>> -> memref<128x128xf32, #tpu.memory_space<vmem>>
        %dma_start3A_2479 = tpu.memref_slice %arg7[%mul3A_2473] : memref<10000xi32, #tpu.memory_space<vmem>> -> memref<128xi32, #tpu.memory_space<vmem>>
        %dma_start3A_2480 = arith.constant 0 : i32
        %dma_start3A_2481 = arith.constant 0 : i32
        %dma_start3A_2482 = tpu.memref_slice %arg2[%dma_start3A_2480, %dma_start3A_2481] : memref<10000x128xf32, #tpu.memory_space<hbm>> -> memref<10000x128xf32, #tpu.memory_space<hbm>>
        tpu.enqueue_indirect_dma source(%dma_start3A_2482 : memref<10000x128xf32, #tpu.memory_space<hbm>>) target(%dma_start3A_2478 : memref<128x128xf32, #tpu.memory_space<vmem>>) offsets(%dma_start3A_2479 : memref<128xi32, #tpu.memory_space<vmem>>) semaphore(%arg18 : memref<!tpu.dma_semaphore, #tpu.memory_space<semaphore_mem>>)
      } else {
      }
      %dma_wait3A_2264 = arith.constant 0 : i32
      %dma_wait3A_2265 = arith.constant 0 : i32
      %dma_wait3A_2266 = arith.constant 0 : i32
      %dma_wait3A_2267 = tpu.memref_slice %arg8[%dma_wait3A_2264, %dma_wait3A_2265, %dma_wait3A_2266] : memref<3x128x128xf32, #tpu.memory_space<vmem>> -> memref<1x128x128xf32, #tpu.memory_space<vmem>>
      %dma_wait3A_2268 = tpu.memref_squeeze %dma_wait3A_2267 : memref<1x128x128xf32, #tpu.memory_space<vmem>> -> memref<128x128xf32, #tpu.memory_space<vmem>>
      %dma_wait3A_2269 = arith.constant 0 : i32
      %dma_wait3A_2270 = arith.constant 0 : i32
      %dma_wait3A_2271 = tpu.memref_slice %arg2[%dma_wait3A_2269, %dma_wait3A_2270] : memref<10000x128xf32, #tpu.memory_space<hbm>> -> memref<128x128xf32, #tpu.memory_space<hbm>>
      %dma_wait3A_2272 = arith.constant 0 : i32
      %dma_wait3A_2273 = arith.constant 0 : i32
      %dma_wait3A_2274 = tpu.memref_slice %arg8[%dma_wait3A_2264, %dma_wait3A_2272, %dma_wait3A_2273] : memref<3x128x128xf32, #tpu.memory_space<vmem>> -> memref<1x128x128xf32, #tpu.memory_space<vmem>>
      %dma_wait3A_2275 = tpu.memref_squeeze %dma_wait3A_2274 : memref<1x128x128xf32, #tpu.memory_space<vmem>> -> memref<128x128xf32, #tpu.memory_space<vmem>>
      %dma_wait3A_2276 = arith.constant 0 : i32
      %dma_wait3A_2277 = arith.constant 0 : i32
      %dma_wait3A_2278 = tpu.memref_slice %arg2[%dma_wait3A_2276, %dma_wait3A_2277] : memref<10000x128xf32, #tpu.memory_space<hbm>> -> memref<128x128xf32, #tpu.memory_space<hbm>>
      tpu.wait_dma2 semaphore(%arg13 : memref<!tpu.dma_semaphore, #tpu.memory_space<semaphore_mem>>) src(%dma_wait3A_2278 : memref<128x128xf32, #tpu.memory_space<hbm>>) dst(%dma_wait3A_2275 : memref<128x128xf32, #tpu.memory_space<vmem>>)
      %dma_wait3A_2279 = arith.constant 0 : i32
      %dma_wait3A_2280 = arith.constant 0 : i32
      %dma_wait3A_2281 = arith.constant 0 : i32
      %dma_wait3A_2282 = tpu.memref_slice %arg9[%dma_wait3A_2279, %dma_wait3A_2280, %dma_wait3A_2281] : memref<3x128x128xf32, #tpu.memory_space<vmem>> -> memref<1x128x128xf32, #tpu.memory_space<vmem>>
      %dma_wait3A_2283 = tpu.memref_squeeze %dma_wait3A_2282 : memref<1x128x128xf32, #tpu.memory_space<vmem>> -> memref<128x128xf32, #tpu.memory_space<vmem>>
      %dma_wait3A_2284 = arith.constant 0 : i32
      %dma_wait3A_2285 = arith.constant 0 : i32
      %dma_wait3A_2286 = tpu.memref_slice %arg2[%dma_wait3A_2284, %dma_wait3A_2285] : memref<10000x128xf32, #tpu.memory_space<hbm>> -> memref<128x128xf32, #tpu.memory_space<hbm>>
      %dma_wait3A_2287 = arith.constant 0 : i32
      %dma_wait3A_2288 = arith.constant 0 : i32
      %dma_wait3A_2289 = tpu.memref_slice %arg9[%dma_wait3A_2279, %dma_wait3A_2287, %dma_wait3A_2288] : memref<3x128x128xf32, #tpu.memory_space<vmem>> -> memref<1x128x128xf32, #tpu.memory_space<vmem>>
      %dma_wait3A_2290 = tpu.memref_squeeze %dma_wait3A_2289 : memref<1x128x128xf32, #tpu.memory_space<vmem>> -> memref<128x128xf32, #tpu.memory_space<vmem>>
      %dma_wait3A_2291 = arith.constant 0 : i32
      %dma_wait3A_2292 = arith.constant 0 : i32
      %dma_wait3A_2293 = tpu.memref_slice %arg2[%dma_wait3A_2291, %dma_wait3A_2292] : memref<10000x128xf32, #tpu.memory_space<hbm>> -> memref<128x128xf32, #tpu.memory_space<hbm>>
      tpu.wait_dma2 semaphore(%arg16 : memref<!tpu.dma_semaphore, #tpu.memory_space<semaphore_mem>>) src(%dma_wait3A_2293 : memref<128x128xf32, #tpu.memory_space<hbm>>) dst(%dma_wait3A_2290 : memref<128x128xf32, #tpu.memory_space<vmem>>)
      %scan3A_2294 = arith.constant 0 : i32
      %scan3A_2295 = arith.constant 128 : i32
      %scan3A_2296 = arith.addi %scan3A_2294, %scan3A_2295 : i32
      %scan3A_2297 = arith.constant 1 : i32
      scf.for %scan3A_2457 = %scan3A_2294 to %scan3A_2296 step %scan3A_2297  : i32 {
        %get3A_2458 = arith.constant 0 : i32
        %get3A_2459 = arith.index_cast %get3A_2458 : i32 to index
        %get3A_2460 = arith.index_cast %scan3A_2457 : i32 to index
        %get3A_2461 = arith.constant 0 : index
        %get3A_2462 = tpu.vector_load %arg8[%get3A_2459, %get3A_2460, %get3A_2461] {strides = array<i32>} : memref<3x128x128xf32, #tpu.memory_space<vmem>>, vector<1x1x16xf32>,
        %get3A_2463 = vector.shape_cast %get3A_2462 : vector<1x1x16xf32> to vector<16xf32>
        %get3A_2464 = arith.constant 0 : i32
        %get3A_2465 = arith.index_cast %get3A_2464 : i32 to index
        %get3A_2466 = arith.index_cast %scan3A_2457 : i32 to index
        %get3A_2467 = arith.constant 0 : index
        %get3A_2468 = tpu.vector_load %arg9[%get3A_2465, %get3A_2466, %get3A_2467] {strides = array<i32>} : memref<3x128x128xf32, #tpu.memory_space<vmem>>, vector<1x1x16xf32>,
        %get3A_2469 = vector.shape_cast %get3A_2468 : vector<1x1x16xf32> to vector<16xf32>
        %mul3A_2470 = arith.mulf %get3A_2463, %get3A_2469 : vector<16xf32>
        %swap3A_2471 = arith.constant 0 : i32
        %swap3A_2472 = arith.index_cast %swap3A_2471 : i32 to index
        %swap3A_2473 = arith.index_cast %scan3A_2457 : i32 to index
        %swap3A_2474 = arith.constant 0 : index
        %swap3A_2475 = tpu.vector_load %arg8[%swap3A_2472, %swap3A_2473, %swap3A_2474] {strides = array<i32>} : memref<3x128x128xf32, #tpu.memory_space<vmem>>, vector<1x1x16xf32>,
        %swap3A_2476 = vector.shape_cast %swap3A_2475 : vector<1x1x16xf32> to vector<16xf32>
        %swap3A_2477 = vector.shape_cast %mul3A_2470 : vector<16xf32> to vector<1x1x16xf32>
        tpu.vector_store %arg8[%swap3A_2472, %swap3A_2473, %swap3A_2474], %swap3A_2477 {strides = array<i32>} : memref<3x128x128xf32, #tpu.memory_space<vmem>>, vector<1x1x16xf32>,
        %get3A_2478 = arith.constant 0 : i32
        %get3A_2479 = arith.index_cast %get3A_2478 : i32 to index
        %get3A_2480 = arith.index_cast %scan3A_2457 : i32 to index
        %get3A_2481 = arith.constant 16 : index
        %get3A_2482 = tpu.vector_load %arg8[%get3A_2479, %get3A_2480, %get3A_2481] {strides = array<i32>} : memref<3x128x128xf32, #tpu.memory_space<vmem>>, vector<1x1x16xf32>,
        %get3A_2483 = vector.shape_cast %get3A_2482 : vector<1x1x16xf32> to vector<16xf32>
        %get3A_2484 = arith.constant 0 : i32
        %get3A_2485 = arith.index_cast %get3A_2484 : i32 to index
        %get3A_2486 = arith.index_cast %scan3A_2457 : i32 to index
        %get3A_2487 = arith.constant 16 : index
        %get3A_2488 = tpu.vector_load %arg9[%get3A_2485, %get3A_2486, %get3A_2487] {strides = array<i32>} : memref<3x128x128xf32, #tpu.memory_space<vmem>>, vector<1x1x16xf32>,
        %get3A_2489 = vector.shape_cast %get3A_2488 : vector<1x1x16xf32> to vector<16xf32>
        %mul3A_2490 = arith.mulf %get3A_2483, %get3A_2489 : vector<16xf32>
        %swap3A_2491 = arith.constant 0 : i32
        %swap3A_2492 = arith.index_cast %swap3A_2491 : i32 to index
        %swap3A_2493 = arith.index_cast %scan3A_2457 : i32 to index
        %swap3A_2494 = arith.constant 16 : index
        %swap3A_2495 = tpu.vector_load %arg8[%swap3A_2492, %swap3A_2493, %swap3A_2494] {strides = array<i32>} : memref<3x128x128xf32, #tpu.memory_space<vmem>>, vector<1x1x16xf32>,
        %swap3A_2496 = vector.shape_cast %swap3A_2495 : vector<1x1x16xf32> to vector<16xf32>
        %swap3A_2497 = vector.shape_cast %mul3A_2490 : vector<16xf32> to vector<1x1x16xf32>
        tpu.vector_store %arg8[%swap3A_2492, %swap3A_2493, %swap3A_2494], %swap3A_2497 {strides = array<i32>} : memref<3x128x128xf32, #tpu.memory_space<vmem>>, vector<1x1x16xf32>,
        %get3A_2498 = arith.constant 0 : i32
        %get3A_2499 = arith.index_cast %get3A_2498 : i32 to index
        %get3A_2500 = arith.index_cast %scan3A_2457 : i32 to index
        %get3A_2501 = arith.constant 32 : index
        %get3A_2502 = tpu.vector_load %arg8[%get3A_2499, %get3A_2500, %get3A_2501] {strides = array<i32>} : memref<3x128x128xf32, #tpu.memory_space<vmem>>, vector<1x1x16xf32>,
        %get3A_2503 = vector.shape_cast %get3A_2502 : vector<1x1x16xf32> to vector<16xf32>
        %get3A_2504 = arith.constant 0 : i32
        %get3A_2505 = arith.index_cast %get3A_2504 : i32 to index
        %get3A_2506 = arith.index_cast %scan3A_2457 : i32 to index
        %get3A_2507 = arith.constant 32 : index
        %get3A_2508 = tpu.vector_load %arg9[%get3A_2505, %get3A_2506, %get3A_2507] {strides = array<i32>} : memref<3x128x128xf32, #tpu.memory_space<vmem>>, vector<1x1x16xf32>,
        %get3A_2509 = vector.shape_cast %get3A_2508 : vector<1x1x16xf32> to vector<16xf32>
        %mul3A_2510 = arith.mulf %get3A_2503, %get3A_2509 : vector<16xf32>
        %swap3A_2511 = arith.constant 0 : i32
        %swap3A_2512 = arith.index_cast %swap3A_2511 : i32 to index
        %swap3A_2513 = arith.index_cast %scan3A_2457 : i32 to index
        %swap3A_2514 = arith.constant 32 : index
        %swap3A_2515 = tpu.vector_load %arg8[%swap3A_2512, %swap3A_2513, %swap3A_2514] {strides = array<i32>} : memref<3x128x128xf32, #tpu.memory_space<vmem>>, vector<1x1x16xf32>,
        %swap3A_2516 = vector.shape_cast %swap3A_2515 : vector<1x1x16xf32> to vector<16xf32>
        %swap3A_2517 = vector.shape_cast %mul3A_2510 : vector<16xf32> to vector<1x1x16xf32>
        tpu.vector_store %arg8[%swap3A_2512, %swap3A_2513, %swap3A_2514], %swap3A_2517 {strides = array<i32>} : memref<3x128x128xf32, #tpu.memory_space<vmem>>, vector<1x1x16xf32>,
        %get3A_2518 = arith.constant 0 : i32
        %get3A_2519 = arith.index_cast %get3A_2518 : i32 to index
        %get3A_2520 = arith.index_cast %scan3A_2457 : i32 to index
        %get3A_2521 = arith.constant 48 : index
        %get3A_2522 = tpu.vector_load %arg8[%get3A_2519, %get3A_2520, %get3A_2521] {strides = array<i32>} : memref<3x128x128xf32, #tpu.memory_space<vmem>>, vector<1x1x16xf32>,
        %get3A_2523 = vector.shape_cast %get3A_2522 : vector<1x1x16xf32> to vector<16xf32>
        %get3A_2524 = arith.constant 0 : i32
        %get3A_2525 = arith.index_cast %get3A_2524 : i32 to index
        %get3A_2526 = arith.index_cast %scan3A_2457 : i32 to index
        %get3A_2527 = arith.constant 48 : index
        %get3A_2528 = tpu.vector_load %arg9[%get3A_2525, %get3A_2526, %get3A_2527] {strides = array<i32>} : memref<3x128x128xf32, #tpu.memory_space<vmem>>, vector<1x1x16xf32>,
        %get3A_2529 = vector.shape_cast %get3A_2528 : vector<1x1x16xf32> to vector<16xf32>
        %mul3A_2530 = arith.mulf %get3A_2523, %get3A_2529 : vector<16xf32>
        %swap3A_2531 = arith.constant 0 : i32
        %swap3A_2532 = arith.index_cast %swap3A_2531 : i32 to index
        %swap3A_2533 = arith.index_cast %scan3A_2457 : i32 to index
        %swap3A_2534 = arith.constant 48 : index
        %swap3A_2535 = tpu.vector_load %arg8[%swap3A_2532, %swap3A_2533, %swap3A_2534] {strides = array<i32>} : memref<3x128x128xf32, #tpu.memory_space<vmem>>, vector<1x1x16xf32>,
        %swap3A_2536 = vector.shape_cast %swap3A_2535 : vector<1x1x16xf32> to vector<16xf32>
        %swap3A_2537 = vector.shape_cast %mul3A_2530 : vector<16xf32> to vector<1x1x16xf32>
        tpu.vector_store %arg8[%swap3A_2532, %swap3A_2533, %swap3A_2534], %swap3A_2537 {strides = array<i32>} : memref<3x128x128xf32, #tpu.memory_space<vmem>>, vector<1x1x16xf32>,
        %get3A_2538 = arith.constant 0 : i32
        %get3A_2539 = arith.index_cast %get3A_2538 : i32 to index
        %get3A_2540 = arith.index_cast %scan3A_2457 : i32 to index
        %get3A_2541 = arith.constant 64 : index
        %get3A_2542 = tpu.vector_load %arg8[%get3A_2539, %get3A_2540, %get3A_2541] {strides = array<i32>} : memref<3x128x128xf32, #tpu.memory_space<vmem>>, vector<1x1x16xf32>,
        %get3A_2543 = vector.shape_cast %get3A_2542 : vector<1x1x16xf32> to vector<16xf32>
        %get3A_2544 = arith.constant 0 : i32
        %get3A_2545 = arith.index_cast %get3A_2544 : i32 to index
        %get3A_2546 = arith.index_cast %scan3A_2457 : i32 to index
        %get3A_2547 = arith.constant 64 : index
        %get3A_2548 = tpu.vector_load %arg9[%get3A_2545, %get3A_2546, %get3A_2547] {strides = array<i32>} : memref<3x128x128xf32, #tpu.memory_space<vmem>>, vector<1x1x16xf32>,
        %get3A_2549 = vector.shape_cast %get3A_2548 : vector<1x1x16xf32> to vector<16xf32>
        %mul3A_2550 = arith.mulf %get3A_2543, %get3A_2549 : vector<16xf32>
        %swap3A_2551 = arith.constant 0 : i32
        %swap3A_2552 = arith.index_cast %swap3A_2551 : i32 to index
        %swap3A_2553 = arith.index_cast %scan3A_2457 : i32 to index
        %swap3A_2554 = arith.constant 64 : index
        %swap3A_2555 = tpu.vector_load %arg8[%swap3A_2552, %swap3A_2553, %swap3A_2554] {strides = array<i32>} : memref<3x128x128xf32, #tpu.memory_space<vmem>>, vector<1x1x16xf32>,
        %swap3A_2556 = vector.shape_cast %swap3A_2555 : vector<1x1x16xf32> to vector<16xf32>
        %swap3A_2557 = vector.shape_cast %mul3A_2550 : vector<16xf32> to vector<1x1x16xf32>
        tpu.vector_store %arg8[%swap3A_2552, %swap3A_2553, %swap3A_2554], %swap3A_2557 {strides = array<i32>} : memref<3x128x128xf32, #tpu.memory_space<vmem>>, vector<1x1x16xf32>,
        %get3A_2558 = arith.constant 0 : i32
        %get3A_2559 = arith.index_cast %get3A_2558 : i32 to index
        %get3A_2560 = arith.index_cast %scan3A_2457 : i32 to index
        %get3A_2561 = arith.constant 80 : index
        %get3A_2562 = tpu.vector_load %arg8[%get3A_2559, %get3A_2560, %get3A_2561] {strides = array<i32>} : memref<3x128x128xf32, #tpu.memory_space<vmem>>, vector<1x1x16xf32>,
        %get3A_2563 = vector.shape_cast %get3A_2562 : vector<1x1x16xf32> to vector<16xf32>
        %get3A_2564 = arith.constant 0 : i32
        %get3A_2565 = arith.index_cast %get3A_2564 : i32 to index
        %get3A_2566 = arith.index_cast %scan3A_2457 : i32 to index
        %get3A_2567 = arith.constant 80 : index
        %get3A_2568 = tpu.vector_load %arg9[%get3A_2565, %get3A_2566, %get3A_2567] {strides = array<i32>} : memref<3x128x128xf32, #tpu.memory_space<vmem>>, vector<1x1x16xf32>,
        %get3A_2569 = vector.shape_cast %get3A_2568 : vector<1x1x16xf32> to vector<16xf32>
        %mul3A_2570 = arith.mulf %get3A_2563, %get3A_2569 : vector<16xf32>
        %swap3A_2571 = arith.constant 0 : i32
        %swap3A_2572 = arith.index_cast %swap3A_2571 : i32 to index
        %swap3A_2573 = arith.index_cast %scan3A_2457 : i32 to index
        %swap3A_2574 = arith.constant 80 : index
        %swap3A_2575 = tpu.vector_load %arg8[%swap3A_2572, %swap3A_2573, %swap3A_2574] {strides = array<i32>} : memref<3x128x128xf32, #tpu.memory_space<vmem>>, vector<1x1x16xf32>,
        %swap3A_2576 = vector.shape_cast %swap3A_2575 : vector<1x1x16xf32> to vector<16xf32>
        %swap3A_2577 = vector.shape_cast %mul3A_2570 : vector<16xf32> to vector<1x1x16xf32>
        tpu.vector_store %arg8[%swap3A_2572, %swap3A_2573, %swap3A_2574], %swap3A_2577 {strides = array<i32>} : memref<3x128x128xf32, #tpu.memory_space<vmem>>, vector<1x1x16xf32>,
        %get3A_2578 = arith.constant 0 : i32
        %get3A_2579 = arith.index_cast %get3A_2578 : i32 to index
        %get3A_2580 = arith.index_cast %scan3A_2457 : i32 to index
        %get3A_2581 = arith.constant 96 : index
        %get3A_2582 = tpu.vector_load %arg8[%get3A_2579, %get3A_2580, %get3A_2581] {strides = array<i32>} : memref<3x128x128xf32, #tpu.memory_space<vmem>>, vector<1x1x16xf32>,
        %get3A_2583 = vector.shape_cast %get3A_2582 : vector<1x1x16xf32> to vector<16xf32>
        %get3A_2584 = arith.constant 0 : i32
        %get3A_2585 = arith.index_cast %get3A_2584 : i32 to index
        %get3A_2586 = arith.index_cast %scan3A_2457 : i32 to index
        %get3A_2587 = arith.constant 96 : index
        %get3A_2588 = tpu.vector_load %arg9[%get3A_2585, %get3A_2586, %get3A_2587] {strides = array<i32>} : memref<3x128x128xf32, #tpu.memory_space<vmem>>, vector<1x1x16xf32>,
        %get3A_2589 = vector.shape_cast %get3A_2588 : vector<1x1x16xf32> to vector<16xf32>
        %mul3A_2590 = arith.mulf %get3A_2583, %get3A_2589 : vector<16xf32>
        %swap3A_2591 = arith.constant 0 : i32
        %swap3A_2592 = arith.index_cast %swap3A_2591 : i32 to index
        %swap3A_2593 = arith.index_cast %scan3A_2457 : i32 to index
        %swap3A_2594 = arith.constant 96 : index
        %swap3A_2595 = tpu.vector_load %arg8[%swap3A_2592, %swap3A_2593, %swap3A_2594] {strides = array<i32>} : memref<3x128x128xf32, #tpu.memory_space<vmem>>, vector<1x1x16xf32>,
        %swap3A_2596 = vector.shape_cast %swap3A_2595 : vector<1x1x16xf32> to vector<16xf32>
        %swap3A_2597 = vector.shape_cast %mul3A_2590 : vector<16xf32> to vector<1x1x16xf32>
        tpu.vector_store %arg8[%swap3A_2592, %swap3A_2593, %swap3A_2594], %swap3A_2597 {strides = array<i32>} : memref<3x128x128xf32, #tpu.memory_space<vmem>>, vector<1x1x16xf32>,
        %get3A_2598 = arith.constant 0 : i32
        %get3A_2599 = arith.index_cast %get3A_2598 : i32 to index
        %get3A_2600 = arith.index_cast %scan3A_2457 : i32 to index
        %get3A_2601 = arith.constant 112 : index
        %get3A_2602 = tpu.vector_load %arg8[%get3A_2599, %get3A_2600, %get3A_2601] {strides = array<i32>} : memref<3x128x128xf32, #tpu.memory_space<vmem>>, vector<1x1x16xf32>,
        %get3A_2603 = vector.shape_cast %get3A_2602 : vector<1x1x16xf32> to vector<16xf32>
        %get3A_2604 = arith.constant 0 : i32
        %get3A_2605 = arith.index_cast %get3A_2604 : i32 to index
        %get3A_2606 = arith.index_cast %scan3A_2457 : i32 to index
        %get3A_2607 = arith.constant 112 : index
        %get3A_2608 = tpu.vector_load %arg9[%get3A_2605, %get3A_2606, %get3A_2607] {strides = array<i32>} : memref<3x128x128xf32, #tpu.memory_space<vmem>>, vector<1x1x16xf32>,
        %get3A_2609 = vector.shape_cast %get3A_2608 : vector<1x1x16xf32> to vector<16xf32>
        %mul3A_2610 = arith.mulf %get3A_2603, %get3A_2609 : vector<16xf32>
        %swap3A_2611 = arith.constant 0 : i32
        %swap3A_2612 = arith.index_cast %swap3A_2611 : i32 to index
        %swap3A_2613 = arith.index_cast %scan3A_2457 : i32 to index
        %swap3A_2614 = arith.constant 112 : index
        %swap3A_2615 = tpu.vector_load %arg8[%swap3A_2612, %swap3A_2613, %swap3A_2614] {strides = array<i32>} : memref<3x128x128xf32, #tpu.memory_space<vmem>>, vector<1x1x16xf32>,
        %swap3A_2616 = vector.shape_cast %swap3A_2615 : vector<1x1x16xf32> to vector<16xf32>
        %swap3A_2617 = vector.shape_cast %mul3A_2610 : vector<16xf32> to vector<1x1x16xf32>
        tpu.vector_store %arg8[%swap3A_2612, %swap3A_2613, %swap3A_2614], %swap3A_2617 {strides = array<i32>} : memref<3x128x128xf32, #tpu.memory_space<vmem>>, vector<1x1x16xf32>,
      }
      %scan3A_2298 = arith.constant 128 : i32
      %mul3A_2299 = arith.constant 128 : i32
      %mul3A_2300 = arith.muli %add3A_2252, %mul3A_2299 : i32
      %add3A_2301 = arith.addi %mul3A_2, %mul3A_2300 : i32
      %dma_start3A_2302 = arith.constant 0 : i32
      %dma_start3A_2303 = arith.constant 0 : i32
      %dma_start3A_2304 = arith.constant 0 : i32
      %dma_start3A_2305 = tpu.memref_slice %arg8[%dma_start3A_2302, %dma_start3A_2303, %dma_start3A_2304] : memref<3x128x128xf32, #tpu.memory_space<vmem>> -> memref<1x128x128xf32, #tpu.memory_space<vmem>>
      %dma_start3A_2306 = tpu.memref_squeeze %dma_start3A_2305 : memref<1x128x128xf32, #tpu.memory_space<vmem>> -> memref<128x128xf32, #tpu.memory_space<vmem>>
      %dma_start3A_2307 = arith.constant 0 : i32
      %dma_start3A_2308 = tpu.memref_slice %arg5[%add3A_2301, %dma_start3A_2307] : memref<320000x128xf32, #tpu.memory_space<hbm>> -> memref<128x128xf32, #tpu.memory_space<hbm>>
      %dma_start3A_2309 = arith.constant 0 : i32
      %dma_start3A_2310 = tpu.memref_slice %arg5[%add3A_2301, %dma_start3A_2309] : memref<320000x128xf32, #tpu.memory_space<hbm>> -> memref<128x128xf32, #tpu.memory_space<hbm>>
      %dma_start3A_2311 = arith.constant 0 : i32
      %dma_start3A_2312 = arith.constant 0 : i32
      %dma_start3A_2313 = tpu.memref_slice %arg8[%dma_start3A_2302, %dma_start3A_2311, %dma_start3A_2312] : memref<3x128x128xf32, #tpu.memory_space<vmem>> -> memref<1x128x128xf32, #tpu.memory_space<vmem>>
      %dma_start3A_2314 = tpu.memref_squeeze %dma_start3A_2313 : memref<1x128x128xf32, #tpu.memory_space<vmem>> -> memref<128x128xf32, #tpu.memory_space<vmem>>
      tpu.enqueue_dma source(%dma_start3A_2314 : memref<128x128xf32, #tpu.memory_space<vmem>>) target(%dma_start3A_2310 : memref<128x128xf32, #tpu.memory_space<hbm>>) target_semaphore(%arg19 : memref<!tpu.dma_semaphore, #tpu.memory_space<semaphore_mem>>)
      %mul3A_2315 = arith.constant 3 : i32
      %mul3A_2316 = arith.muli %scan3A_2248, %mul3A_2315 : i32
      %add3A_2317 = arith.constant 1 : i32
      %add3A_2318 = arith.addi %mul3A_2316, %add3A_2317 : i32
      %add3A_2319 = arith.constant 2 : i32
      %add3A_2320 = arith.addi %add3A_2318, %add3A_2319 : i32
      %sub3A_2321 = arith.constant 3 : i32
      %sub3A_2322 = arith.subi %add3A_2320, %sub3A_2321 : i32
      %ge3A_2323 = arith.constant 0 : i32
      %ge3A_2324 = arith.cmpi sge, %sub3A_2322, %ge3A_2323 : i32
      %convert_element_type3A_2325 = arith.extui %ge3A_2324 : i1 to i32
      %cond3A_2326 = arith.constant 0 : i32
      %cond3A_2327 = arith.cmpi ne, %convert_element_type3A_2325, %cond3A_2326 : i32
      scf.if %cond3A_2327 {
        %dma_wait3A_2457 = arith.constant 0 : i32
        %dma_wait3A_2458 = arith.constant 0 : i32
        %dma_wait3A_2459 = arith.constant 0 : i32
        %dma_wait3A_2460 = tpu.memref_slice %arg8[%dma_wait3A_2457, %dma_wait3A_2458, %dma_wait3A_2459] : memref<3x128x128xf32, #tpu.memory_space<vmem>> -> memref<1x128x128xf32, #tpu.memory_space<vmem>>
        %dma_wait3A_2461 = tpu.memref_squeeze %dma_wait3A_2460 : memref<1x128x128xf32, #tpu.memory_space<vmem>> -> memref<128x128xf32, #tpu.memory_space<vmem>>
        %dma_wait3A_2462 = arith.constant 0 : i32
        %dma_wait3A_2463 = arith.constant 0 : i32
        %dma_wait3A_2464 = tpu.memref_slice %arg5[%dma_wait3A_2462, %dma_wait3A_2463] : memref<320000x128xf32, #tpu.memory_space<hbm>> -> memref<128x128xf32, #tpu.memory_space<hbm>>
        %dma_wait3A_2465 = arith.constant 0 : i32
        %dma_wait3A_2466 = arith.constant 0 : i32
        %dma_wait3A_2467 = tpu.memref_slice %arg5[%dma_wait3A_2465, %dma_wait3A_2466] : memref<320000x128xf32, #tpu.memory_space<hbm>> -> memref<128x128xf32, #tpu.memory_space<hbm>>
        %dma_wait3A_2468 = arith.constant 0 : i32
        %dma_wait3A_2469 = arith.constant 0 : i32
        %dma_wait3A_2470 = tpu.memref_slice %arg8[%dma_wait3A_2457, %dma_wait3A_2468, %dma_wait3A_2469] : memref<3x128x128xf32, #tpu.memory_space<vmem>> -> memref<1x128x128xf32, #tpu.memory_space<vmem>>
        %dma_wait3A_2471 = tpu.memref_squeeze %dma_wait3A_2470 : memref<1x128x128xf32, #tpu.memory_space<vmem>> -> memref<128x128xf32, #tpu.memory_space<vmem>>
        tpu.wait_dma2 semaphore(%arg19 : memref<!tpu.dma_semaphore, #tpu.memory_space<semaphore_mem>>) src(%dma_wait3A_2471 : memref<128x128xf32, #tpu.memory_space<vmem>>) dst(%dma_wait3A_2467 : memref<128x128xf32, #tpu.memory_space<hbm>>)
      } else {
      }
      %add3A_2328 = arith.constant 2 : i32
      %add3A_2329 = arith.addi %add3A_2318, %add3A_2328 : i32
      %lt3A_2330 = arith.constant 78 : i32
      %lt3A_2331 = arith.cmpi slt, %add3A_2329, %lt3A_2330 : i32
      %convert_element_type3A_2332 = arith.extui %lt3A_2331 : i1 to i32
      %cond3A_2333 = arith.constant 0 : i32
      %cond3A_2334 = arith.cmpi ne, %convert_element_type3A_2332, %cond3A_2333 : i32
      scf.if %cond3A_2334 {
        %add3A_2457 = arith.constant 2 : i32
        %add3A_2458 = arith.addi %add3A_2318, %add3A_2457 : i32
        %mul3A_2459 = arith.constant 128 : i32
        %mul3A_2460 = arith.muli %add3A_2458, %mul3A_2459 : i32
        %dma_start3A_2461 = arith.constant 0 : i32
        %dma_start3A_2462 = arith.constant 0 : i32
        %dma_start3A_2463 = arith.constant 0 : i32
        %dma_start3A_2464 = tpu.memref_slice %arg8[%dma_start3A_2461, %dma_start3A_2462, %dma_start3A_2463] : memref<3x128x128xf32, #tpu.memory_space<vmem>> -> memref<1x128x128xf32, #tpu.memory_space<vmem>>
        %dma_start3A_2465 = tpu.memref_squeeze %dma_start3A_2464 : memref<1x128x128xf32, #tpu.memory_space<vmem>> -> memref<128x128xf32, #tpu.memory_space<vmem>>
        %dma_start3A_2466 = tpu.memref_slice %arg6[%mul3A_2460] : memref<10000xi32, #tpu.memory_space<vmem>> -> memref<128xi32, #tpu.memory_space<vmem>>
        %dma_start3A_2467 = arith.constant 0 : i32
        %dma_start3A_2468 = arith.constant 0 : i32
        %dma_start3A_2469 = tpu.memref_slice %arg2[%dma_start3A_2467, %dma_start3A_2468] : memref<10000x128xf32, #tpu.memory_space<hbm>> -> memref<10000x128xf32, #tpu.memory_space<hbm>>
        tpu.enqueue_indirect_dma source(%dma_start3A_2469 : memref<10000x128xf32, #tpu.memory_space<hbm>>) target(%dma_start3A_2465 : memref<128x128xf32, #tpu.memory_space<vmem>>) offsets(%dma_start3A_2466 : memref<128xi32, #tpu.memory_space<vmem>>) semaphore(%arg13 : memref<!tpu.dma_semaphore, #tpu.memory_space<semaphore_mem>>)
        %add3A_2470 = arith.constant 2 : i32
        %add3A_2471 = arith.addi %add3A_2318, %add3A_2470 : i32
        %mul3A_2472 = arith.constant 128 : i32
        %mul3A_2473 = arith.muli %add3A_2471, %mul3A_2472 : i32
        %dma_start3A_2474 = arith.constant 0 : i32
        %dma_start3A_2475 = arith.constant 0 : i32
        %dma_start3A_2476 = arith.constant 0 : i32
        %dma_start3A_2477 = tpu.memref_slice %arg9[%dma_start3A_2474, %dma_start3A_2475, %dma_start3A_2476] : memref<3x128x128xf32, #tpu.memory_space<vmem>> -> memref<1x128x128xf32, #tpu.memory_space<vmem>>
        %dma_start3A_2478 = tpu.memref_squeeze %dma_start3A_2477 : memref<1x128x128xf32, #tpu.memory_space<vmem>> -> memref<128x128xf32, #tpu.memory_space<vmem>>
        %dma_start3A_2479 = tpu.memref_slice %arg7[%mul3A_2473] : memref<10000xi32, #tpu.memory_space<vmem>> -> memref<128xi32, #tpu.memory_space<vmem>>
        %dma_start3A_2480 = arith.constant 0 : i32
        %dma_start3A_2481 = arith.constant 0 : i32
        %dma_start3A_2482 = tpu.memref_slice %arg2[%dma_start3A_2480, %dma_start3A_2481] : memref<10000x128xf32, #tpu.memory_space<hbm>> -> memref<10000x128xf32, #tpu.memory_space<hbm>>
        tpu.enqueue_indirect_dma source(%dma_start3A_2482 : memref<10000x128xf32, #tpu.memory_space<hbm>>) target(%dma_start3A_2478 : memref<128x128xf32, #tpu.memory_space<vmem>>) offsets(%dma_start3A_2479 : memref<128xi32, #tpu.memory_space<vmem>>) semaphore(%arg16 : memref<!tpu.dma_semaphore, #tpu.memory_space<semaphore_mem>>)
      } else {
      }
      %dma_wait3A_2335 = arith.constant 1 : i32
      %dma_wait3A_2336 = arith.constant 0 : i32
      %dma_wait3A_2337 = arith.constant 0 : i32
      %dma_wait3A_2338 = tpu.memref_slice %arg8[%dma_wait3A_2335, %dma_wait3A_2336, %dma_wait3A_2337] : memref<3x128x128xf32, #tpu.memory_space<vmem>> -> memref<1x128x128xf32, #tpu.memory_space<vmem>>
      %dma_wait3A_2339 = tpu.memref_squeeze %dma_wait3A_2338 : memref<1x128x128xf32, #tpu.memory_space<vmem>> -> memref<128x128xf32, #tpu.memory_space<vmem>>
      %dma_wait3A_2340 = arith.constant 0 : i32
      %dma_wait3A_2341 = arith.constant 0 : i32
      %dma_wait3A_2342 = tpu.memref_slice %arg2[%dma_wait3A_2340, %dma_wait3A_2341] : memref<10000x128xf32, #tpu.memory_space<hbm>> -> memref<128x128xf32, #tpu.memory_space<hbm>>
      %dma_wait3A_2343 = arith.constant 0 : i32
      %dma_wait3A_2344 = arith.constant 0 : i32
      %dma_wait3A_2345 = tpu.memref_slice %arg8[%dma_wait3A_2335, %dma_wait3A_2343, %dma_wait3A_2344] : memref<3x128x128xf32, #tpu.memory_space<vmem>> -> memref<1x128x128xf32, #tpu.memory_space<vmem>>
      %dma_wait3A_2346 = tpu.memref_squeeze %dma_wait3A_2345 : memref<1x128x128xf32, #tpu.memory_space<vmem>> -> memref<128x128xf32, #tpu.memory_space<vmem>>
      %dma_wait3A_2347 = arith.constant 0 : i32
      %dma_wait3A_2348 = arith.constant 0 : i32
      %dma_wait3A_2349 = tpu.memref_slice %arg2[%dma_wait3A_2347, %dma_wait3A_2348] : memref<10000x128xf32, #tpu.memory_space<hbm>> -> memref<128x128xf32, #tpu.memory_space<hbm>>
      tpu.wait_dma2 semaphore(%arg14 : memref<!tpu.dma_semaphore, #tpu.memory_space<semaphore_mem>>) src(%dma_wait3A_2349 : memref<128x128xf32, #tpu.memory_space<hbm>>) dst(%dma_wait3A_2346 : memref<128x128xf32, #tpu.memory_space<vmem>>)
      %dma_wait3A_2350 = arith.constant 1 : i32
      %dma_wait3A_2351 = arith.constant 0 : i32
      %dma_wait3A_2352 = arith.constant 0 : i32
      %dma_wait3A_2353 = tpu.memref_slice %arg9[%dma_wait3A_2350, %dma_wait3A_2351, %dma_wait3A_2352] : memref<3x128x128xf32, #tpu.memory_space<vmem>> -> memref<1x128x128xf32, #tpu.memory_space<vmem>>
      %dma_wait3A_2354 = tpu.memref_squeeze %dma_wait3A_2353 : memref<1x128x128xf32, #tpu.memory_space<vmem>> -> memref<128x128xf32, #tpu.memory_space<vmem>>
      %dma_wait3A_2355 = arith.constant 0 : i32
      %dma_wait3A_2356 = arith.constant 0 : i32
      %dma_wait3A_2357 = tpu.memref_slice %arg2[%dma_wait3A_2355, %dma_wait3A_2356] : memref<10000x128xf32, #tpu.memory_space<hbm>> -> memref<128x128xf32, #tpu.memory_space<hbm>>
      %dma_wait3A_2358 = arith.constant 0 : i32
      %dma_wait3A_2359 = arith.constant 0 : i32
      %dma_wait3A_2360 = tpu.memref_slice %arg9[%dma_wait3A_2350, %dma_wait3A_2358, %dma_wait3A_2359] : memref<3x128x128xf32, #tpu.memory_space<vmem>> -> memref<1x128x128xf32, #tpu.memory_space<vmem>>
      %dma_wait3A_2361 = tpu.memref_squeeze %dma_wait3A_2360 : memref<1x128x128xf32, #tpu.memory_space<vmem>> -> memref<128x128xf32, #tpu.memory_space<vmem>>
      %dma_wait3A_2362 = arith.constant 0 : i32
      %dma_wait3A_2363 = arith.constant 0 : i32
      %dma_wait3A_2364 = tpu.memref_slice %arg2[%dma_wait3A_2362, %dma_wait3A_2363] : memref<10000x128xf32, #tpu.memory_space<hbm>> -> memref<128x128xf32, #tpu.memory_space<hbm>>
      tpu.wait_dma2 semaphore(%arg17 : memref<!tpu.dma_semaphore, #tpu.memory_space<semaphore_mem>>) src(%dma_wait3A_2364 : memref<128x128xf32, #tpu.memory_space<hbm>>) dst(%dma_wait3A_2361 : memref<128x128xf32, #tpu.memory_space<vmem>>)
      %scan3A_2365 = arith.constant 0 : i32
      %scan3A_2366 = arith.constant 128 : i32
      %scan3A_2367 = arith.addi %scan3A_2365, %scan3A_2366 : i32
      %scan3A_2368 = arith.constant 1 : i32
      scf.for %scan3A_2457 = %scan3A_2365 to %scan3A_2367 step %scan3A_2368  : i32 {
        %get3A_2458 = arith.constant 1 : i32
        %get3A_2459 = arith.index_cast %get3A_2458 : i32 to index
        %get3A_2460 = arith.index_cast %scan3A_2457 : i32 to index
        %get3A_2461 = arith.constant 0 : index
        %get3A_2462 = tpu.vector_load %arg8[%get3A_2459, %get3A_2460, %get3A_2461] {strides = array<i32>} : memref<3x128x128xf32, #tpu.memory_space<vmem>>, vector<1x1x16xf32>,
        %get3A_2463 = vector.shape_cast %get3A_2462 : vector<1x1x16xf32> to vector<16xf32>
        %get3A_2464 = arith.constant 1 : i32
        %get3A_2465 = arith.index_cast %get3A_2464 : i32 to index
        %get3A_2466 = arith.index_cast %scan3A_2457 : i32 to index
        %get3A_2467 = arith.constant 0 : index
        %get3A_2468 = tpu.vector_load %arg9[%get3A_2465, %get3A_2466, %get3A_2467] {strides = array<i32>} : memref<3x128x128xf32, #tpu.memory_space<vmem>>, vector<1x1x16xf32>,
        %get3A_2469 = vector.shape_cast %get3A_2468 : vector<1x1x16xf32> to vector<16xf32>
        %mul3A_2470 = arith.mulf %get3A_2463, %get3A_2469 : vector<16xf32>
        %swap3A_2471 = arith.constant 1 : i32
        %swap3A_2472 = arith.index_cast %swap3A_2471 : i32 to index
        %swap3A_2473 = arith.index_cast %scan3A_2457 : i32 to index
        %swap3A_2474 = arith.constant 0 : index
        %swap3A_2475 = tpu.vector_load %arg8[%swap3A_2472, %swap3A_2473, %swap3A_2474] {strides = array<i32>} : memref<3x128x128xf32, #tpu.memory_space<vmem>>, vector<1x1x16xf32>,
        %swap3A_2476 = vector.shape_cast %swap3A_2475 : vector<1x1x16xf32> to vector<16xf32>
        %swap3A_2477 = vector.shape_cast %mul3A_2470 : vector<16xf32> to vector<1x1x16xf32>
        tpu.vector_store %arg8[%swap3A_2472, %swap3A_2473, %swap3A_2474], %swap3A_2477 {strides = array<i32>} : memref<3x128x128xf32, #tpu.memory_space<vmem>>, vector<1x1x16xf32>,
        %get3A_2478 = arith.constant 1 : i32
        %get3A_2479 = arith.index_cast %get3A_2478 : i32 to index
        %get3A_2480 = arith.index_cast %scan3A_2457 : i32 to index
        %get3A_2481 = arith.constant 16 : index
        %get3A_2482 = tpu.vector_load %arg8[%get3A_2479, %get3A_2480, %get3A_2481] {strides = array<i32>} : memref<3x128x128xf32, #tpu.memory_space<vmem>>, vector<1x1x16xf32>,
        %get3A_2483 = vector.shape_cast %get3A_2482 : vector<1x1x16xf32> to vector<16xf32>
        %get3A_2484 = arith.constant 1 : i32
        %get3A_2485 = arith.index_cast %get3A_2484 : i32 to index
        %get3A_2486 = arith.index_cast %scan3A_2457 : i32 to index
        %get3A_2487 = arith.constant 16 : index
        %get3A_2488 = tpu.vector_load %arg9[%get3A_2485, %get3A_2486, %get3A_2487] {strides = array<i32>} : memref<3x128x128xf32, #tpu.memory_space<vmem>>, vector<1x1x16xf32>,
        %get3A_2489 = vector.shape_cast %get3A_2488 : vector<1x1x16xf32> to vector<16xf32>
        %mul3A_2490 = arith.mulf %get3A_2483, %get3A_2489 : vector<16xf32>
        %swap3A_2491 = arith.constant 1 : i32
        %swap3A_2492 = arith.index_cast %swap3A_2491 : i32 to index
        %swap3A_2493 = arith.index_cast %scan3A_2457 : i32 to index
        %swap3A_2494 = arith.constant 16 : index
        %swap3A_2495 = tpu.vector_load %arg8[%swap3A_2492, %swap3A_2493, %swap3A_2494] {strides = array<i32>} : memref<3x128x128xf32, #tpu.memory_space<vmem>>, vector<1x1x16xf32>,
        %swap3A_2496 = vector.shape_cast %swap3A_2495 : vector<1x1x16xf32> to vector<16xf32>
        %swap3A_2497 = vector.shape_cast %mul3A_2490 : vector<16xf32> to vector<1x1x16xf32>
        tpu.vector_store %arg8[%swap3A_2492, %swap3A_2493, %swap3A_2494], %swap3A_2497 {strides = array<i32>} : memref<3x128x128xf32, #tpu.memory_space<vmem>>, vector<1x1x16xf32>,
        %get3A_2498 = arith.constant 1 : i32
        %get3A_2499 = arith.index_cast %get3A_2498 : i32 to index
        %get3A_2500 = arith.index_cast %scan3A_2457 : i32 to index
        %get3A_2501 = arith.constant 32 : index
        %get3A_2502 = tpu.vector_load %arg8[%get3A_2499, %get3A_2500, %get3A_2501] {strides = array<i32>} : memref<3x128x128xf32, #tpu.memory_space<vmem>>, vector<1x1x16xf32>,
        %get3A_2503 = vector.shape_cast %get3A_2502 : vector<1x1x16xf32> to vector<16xf32>
        %get3A_2504 = arith.constant 1 : i32
        %get3A_2505 = arith.index_cast %get3A_2504 : i32 to index
        %get3A_2506 = arith.index_cast %scan3A_2457 : i32 to index
        %get3A_2507 = arith.constant 32 : index
        %get3A_2508 = tpu.vector_load %arg9[%get3A_2505, %get3A_2506, %get3A_2507] {strides = array<i32>} : memref<3x128x128xf32, #tpu.memory_space<vmem>>, vector<1x1x16xf32>,
        %get3A_2509 = vector.shape_cast %get3A_2508 : vector<1x1x16xf32> to vector<16xf32>
        %mul3A_2510 = arith.mulf %get3A_2503, %get3A_2509 : vector<16xf32>
        %swap3A_2511 = arith.constant 1 : i32
        %swap3A_2512 = arith.index_cast %swap3A_2511 : i32 to index
        %swap3A_2513 = arith.index_cast %scan3A_2457 : i32 to index
        %swap3A_2514 = arith.constant 32 : index
        %swap3A_2515 = tpu.vector_load %arg8[%swap3A_2512, %swap3A_2513, %swap3A_2514] {strides = array<i32>} : memref<3x128x128xf32, #tpu.memory_space<vmem>>, vector<1x1x16xf32>,
        %swap3A_2516 = vector.shape_cast %swap3A_2515 : vector<1x1x16xf32> to vector<16xf32>
        %swap3A_2517 = vector.shape_cast %mul3A_2510 : vector<16xf32> to vector<1x1x16xf32>
        tpu.vector_store %arg8[%swap3A_2512, %swap3A_2513, %swap3A_2514], %swap3A_2517 {strides = array<i32>} : memref<3x128x128xf32, #tpu.memory_space<vmem>>, vector<1x1x16xf32>,
        %get3A_2518 = arith.constant 1 : i32
        %get3A_2519 = arith.index_cast %get3A_2518 : i32 to index
        %get3A_2520 = arith.index_cast %scan3A_2457 : i32 to index
        %get3A_2521 = arith.constant 48 : index
        %get3A_2522 = tpu.vector_load %arg8[%get3A_2519, %get3A_2520, %get3A_2521] {strides = array<i32>} : memref<3x128x128xf32, #tpu.memory_space<vmem>>, vector<1x1x16xf32>,
        %get3A_2523 = vector.shape_cast %get3A_2522 : vector<1x1x16xf32> to vector<16xf32>
        %get3A_2524 = arith.constant 1 : i32
        %get3A_2525 = arith.index_cast %get3A_2524 : i32 to index
        %get3A_2526 = arith.index_cast %scan3A_2457 : i32 to index
        %get3A_2527 = arith.constant 48 : index
        %get3A_2528 = tpu.vector_load %arg9[%get3A_2525, %get3A_2526, %get3A_2527] {strides = array<i32>} : memref<3x128x128xf32, #tpu.memory_space<vmem>>, vector<1x1x16xf32>,
        %get3A_2529 = vector.shape_cast %get3A_2528 : vector<1x1x16xf32> to vector<16xf32>
        %mul3A_2530 = arith.mulf %get3A_2523, %get3A_2529 : vector<16xf32>
        %swap3A_2531 = arith.constant 1 : i32
        %swap3A_2532 = arith.index_cast %swap3A_2531 : i32 to index
        %swap3A_2533 = arith.index_cast %scan3A_2457 : i32 to index
        %swap3A_2534 = arith.constant 48 : index
        %swap3A_2535 = tpu.vector_load %arg8[%swap3A_2532, %swap3A_2533, %swap3A_2534] {strides = array<i32>} : memref<3x128x128xf32, #tpu.memory_space<vmem>>, vector<1x1x16xf32>,
        %swap3A_2536 = vector.shape_cast %swap3A_2535 : vector<1x1x16xf32> to vector<16xf32>
        %swap3A_2537 = vector.shape_cast %mul3A_2530 : vector<16xf32> to vector<1x1x16xf32>
        tpu.vector_store %arg8[%swap3A_2532, %swap3A_2533, %swap3A_2534], %swap3A_2537 {strides = array<i32>} : memref<3x128x128xf32, #tpu.memory_space<vmem>>, vector<1x1x16xf32>,
        %get3A_2538 = arith.constant 1 : i32
        %get3A_2539 = arith.index_cast %get3A_2538 : i32 to index
        %get3A_2540 = arith.index_cast %scan3A_2457 : i32 to index
        %get3A_2541 = arith.constant 64 : index
        %get3A_2542 = tpu.vector_load %arg8[%get3A_2539, %get3A_2540, %get3A_2541] {strides = array<i32>} : memref<3x128x128xf32, #tpu.memory_space<vmem>>, vector<1x1x16xf32>,
        %get3A_2543 = vector.shape_cast %get3A_2542 : vector<1x1x16xf32> to vector<16xf32>
        %get3A_2544 = arith.constant 1 : i32
        %get3A_2545 = arith.index_cast %get3A_2544 : i32 to index
        %get3A_2546 = arith.index_cast %scan3A_2457 : i32 to index
        %get3A_2547 = arith.constant 64 : index
        %get3A_2548 = tpu.vector_load %arg9[%get3A_2545, %get3A_2546, %get3A_2547] {strides = array<i32>} : memref<3x128x128xf32, #tpu.memory_space<vmem>>, vector<1x1x16xf32>,
        %get3A_2549 = vector.shape_cast %get3A_2548 : vector<1x1x16xf32> to vector<16xf32>
        %mul3A_2550 = arith.mulf %get3A_2543, %get3A_2549 : vector<16xf32>
        %swap3A_2551 = arith.constant 1 : i32
        %swap3A_2552 = arith.index_cast %swap3A_2551 : i32 to index
        %swap3A_2553 = arith.index_cast %scan3A_2457 : i32 to index
        %swap3A_2554 = arith.constant 64 : index
        %swap3A_2555 = tpu.vector_load %arg8[%swap3A_2552, %swap3A_2553, %swap3A_2554] {strides = array<i32>} : memref<3x128x128xf32, #tpu.memory_space<vmem>>, vector<1x1x16xf32>,
        %swap3A_2556 = vector.shape_cast %swap3A_2555 : vector<1x1x16xf32> to vector<16xf32>
        %swap3A_2557 = vector.shape_cast %mul3A_2550 : vector<16xf32> to vector<1x1x16xf32>
        tpu.vector_store %arg8[%swap3A_2552, %swap3A_2553, %swap3A_2554], %swap3A_2557 {strides = array<i32>} : memref<3x128x128xf32, #tpu.memory_space<vmem>>, vector<1x1x16xf32>,
        %get3A_2558 = arith.constant 1 : i32
        %get3A_2559 = arith.index_cast %get3A_2558 : i32 to index
        %get3A_2560 = arith.index_cast %scan3A_2457 : i32 to index
        %get3A_2561 = arith.constant 80 : index
        %get3A_2562 = tpu.vector_load %arg8[%get3A_2559, %get3A_2560, %get3A_2561] {strides = array<i32>} : memref<3x128x128xf32, #tpu.memory_space<vmem>>, vector<1x1x16xf32>,
        %get3A_2563 = vector.shape_cast %get3A_2562 : vector<1x1x16xf32> to vector<16xf32>
        %get3A_2564 = arith.constant 1 : i32
        %get3A_2565 = arith.index_cast %get3A_2564 : i32 to index
        %get3A_2566 = arith.index_cast %scan3A_2457 : i32 to index
        %get3A_2567 = arith.constant 80 : index
        %get3A_2568 = tpu.vector_load %arg9[%get3A_2565, %get3A_2566, %get3A_2567] {strides = array<i32>} : memref<3x128x128xf32, #tpu.memory_space<vmem>>, vector<1x1x16xf32>,
        %get3A_2569 = vector.shape_cast %get3A_2568 : vector<1x1x16xf32> to vector<16xf32>
        %mul3A_2570 = arith.mulf %get3A_2563, %get3A_2569 : vector<16xf32>
        %swap3A_2571 = arith.constant 1 : i32
        %swap3A_2572 = arith.index_cast %swap3A_2571 : i32 to index
        %swap3A_2573 = arith.index_cast %scan3A_2457 : i32 to index
        %swap3A_2574 = arith.constant 80 : index
        %swap3A_2575 = tpu.vector_load %arg8[%swap3A_2572, %swap3A_2573, %swap3A_2574] {strides = array<i32>} : memref<3x128x128xf32, #tpu.memory_space<vmem>>, vector<1x1x16xf32>,
        %swap3A_2576 = vector.shape_cast %swap3A_2575 : vector<1x1x16xf32> to vector<16xf32>
        %swap3A_2577 = vector.shape_cast %mul3A_2570 : vector<16xf32> to vector<1x1x16xf32>
        tpu.vector_store %arg8[%swap3A_2572, %swap3A_2573, %swap3A_2574], %swap3A_2577 {strides = array<i32>} : memref<3x128x128xf32, #tpu.memory_space<vmem>>, vector<1x1x16xf32>,
        %get3A_2578 = arith.constant 1 : i32
        %get3A_2579 = arith.index_cast %get3A_2578 : i32 to index
        %get3A_2580 = arith.index_cast %scan3A_2457 : i32 to index
        %get3A_2581 = arith.constant 96 : index
        %get3A_2582 = tpu.vector_load %arg8[%get3A_2579, %get3A_2580, %get3A_2581] {strides = array<i32>} : memref<3x128x128xf32, #tpu.memory_space<vmem>>, vector<1x1x16xf32>,
        %get3A_2583 = vector.shape_cast %get3A_2582 : vector<1x1x16xf32> to vector<16xf32>
        %get3A_2584 = arith.constant 1 : i32
        %get3A_2585 = arith.index_cast %get3A_2584 : i32 to index
        %get3A_2586 = arith.index_cast %scan3A_2457 : i32 to index
        %get3A_2587 = arith.constant 96 : index
        %get3A_2588 = tpu.vector_load %arg9[%get3A_2585, %get3A_2586, %get3A_2587] {strides = array<i32>} : memref<3x128x128xf32, #tpu.memory_space<vmem>>, vector<1x1x16xf32>,
        %get3A_2589 = vector.shape_cast %get3A_2588 : vector<1x1x16xf32> to vector<16xf32>
        %mul3A_2590 = arith.mulf %get3A_2583, %get3A_2589 : vector<16xf32>
        %swap3A_2591 = arith.constant 1 : i32
        %swap3A_2592 = arith.index_cast %swap3A_2591 : i32 to index
        %swap3A_2593 = arith.index_cast %scan3A_2457 : i32 to index
        %swap3A_2594 = arith.constant 96 : index
        %swap3A_2595 = tpu.vector_load %arg8[%swap3A_2592, %swap3A_2593, %swap3A_2594] {strides = array<i32>} : memref<3x128x128xf32, #tpu.memory_space<vmem>>, vector<1x1x16xf32>,
        %swap3A_2596 = vector.shape_cast %swap3A_2595 : vector<1x1x16xf32> to vector<16xf32>
        %swap3A_2597 = vector.shape_cast %mul3A_2590 : vector<16xf32> to vector<1x1x16xf32>
        tpu.vector_store %arg8[%swap3A_2592, %swap3A_2593, %swap3A_2594], %swap3A_2597 {strides = array<i32>} : memref<3x128x128xf32, #tpu.memory_space<vmem>>, vector<1x1x16xf32>,
        %get3A_2598 = arith.constant 1 : i32
        %get3A_2599 = arith.index_cast %get3A_2598 : i32 to index
        %get3A_2600 = arith.index_cast %scan3A_2457 : i32 to index
        %get3A_2601 = arith.constant 112 : index
        %get3A_2602 = tpu.vector_load %arg8[%get3A_2599, %get3A_2600, %get3A_2601] {strides = array<i32>} : memref<3x128x128xf32, #tpu.memory_space<vmem>>, vector<1x1x16xf32>,
        %get3A_2603 = vector.shape_cast %get3A_2602 : vector<1x1x16xf32> to vector<16xf32>
        %get3A_2604 = arith.constant 1 : i32
        %get3A_2605 = arith.index_cast %get3A_2604 : i32 to index
        %get3A_2606 = arith.index_cast %scan3A_2457 : i32 to index
        %get3A_2607 = arith.constant 112 : index
        %get3A_2608 = tpu.vector_load %arg9[%get3A_2605, %get3A_2606, %get3A_2607] {strides = array<i32>} : memref<3x128x128xf32, #tpu.memory_space<vmem>>, vector<1x1x16xf32>,
        %get3A_2609 = vector.shape_cast %get3A_2608 : vector<1x1x16xf32> to vector<16xf32>
        %mul3A_2610 = arith.mulf %get3A_2603, %get3A_2609 : vector<16xf32>
        %swap3A_2611 = arith.constant 1 : i32
        %swap3A_2612 = arith.index_cast %swap3A_2611 : i32 to index
        %swap3A_2613 = arith.index_cast %scan3A_2457 : i32 to index
        %swap3A_2614 = arith.constant 112 : index
        %swap3A_2615 = tpu.vector_load %arg8[%swap3A_2612, %swap3A_2613, %swap3A_2614] {strides = array<i32>} : memref<3x128x128xf32, #tpu.memory_space<vmem>>, vector<1x1x16xf32>,
        %swap3A_2616 = vector.shape_cast %swap3A_2615 : vector<1x1x16xf32> to vector<16xf32>
        %swap3A_2617 = vector.shape_cast %mul3A_2610 : vector<16xf32> to vector<1x1x16xf32>
        tpu.vector_store %arg8[%swap3A_2612, %swap3A_2613, %swap3A_2614], %swap3A_2617 {strides = array<i32>} : memref<3x128x128xf32, #tpu.memory_space<vmem>>, vector<1x1x16xf32>,
      }
      %scan3A_2369 = arith.constant 128 : i32
      %mul3A_2370 = arith.constant 128 : i32
      %mul3A_2371 = arith.muli %add3A_2318, %mul3A_2370 : i32
      %add3A_2372 = arith.addi %mul3A_2, %mul3A_2371 : i32
      %dma_start3A_2373 = arith.constant 1 : i32
      %dma_start3A_2374 = arith.constant 0 : i32
      %dma_start3A_2375 = arith.constant 0 : i32
      %dma_start3A_2376 = tpu.memref_slice %arg8[%dma_start3A_2373, %dma_start3A_2374, %dma_start3A_2375] : memref<3x128x128xf32, #tpu.memory_space<vmem>> -> memref<1x128x128xf32, #tpu.memory_space<vmem>>
      %dma_start3A_2377 = tpu.memref_squeeze %dma_start3A_2376 : memref<1x128x128xf32, #tpu.memory_space<vmem>> -> memref<128x128xf32, #tpu.memory_space<vmem>>
      %dma_start3A_2378 = arith.constant 0 : i32
      %dma_start3A_2379 = tpu.memref_slice %arg5[%add3A_2372, %dma_start3A_2378] : memref<320000x128xf32, #tpu.memory_space<hbm>> -> memref<128x128xf32, #tpu.memory_space<hbm>>
      %dma_start3A_2380 = arith.constant 0 : i32
      %dma_start3A_2381 = tpu.memref_slice %arg5[%add3A_2372, %dma_start3A_2380] : memref<320000x128xf32, #tpu.memory_space<hbm>> -> memref<128x128xf32, #tpu.memory_space<hbm>>
      %dma_start3A_2382 = arith.constant 0 : i32
      %dma_start3A_2383 = arith.constant 0 : i32
      %dma_start3A_2384 = tpu.memref_slice %arg8[%dma_start3A_2373, %dma_start3A_2382, %dma_start3A_2383] : memref<3x128x128xf32, #tpu.memory_space<vmem>> -> memref<1x128x128xf32, #tpu.memory_space<vmem>>
      %dma_start3A_2385 = tpu.memref_squeeze %dma_start3A_2384 : memref<1x128x128xf32, #tpu.memory_space<vmem>> -> memref<128x128xf32, #tpu.memory_space<vmem>>
      tpu.enqueue_dma source(%dma_start3A_2385 : memref<128x128xf32, #tpu.memory_space<vmem>>) target(%dma_start3A_2381 : memref<128x128xf32, #tpu.memory_space<hbm>>) target_semaphore(%arg20 : memref<!tpu.dma_semaphore, #tpu.memory_space<semaphore_mem>>)
      %mul3A_2386 = arith.constant 3 : i32
      %mul3A_2387 = arith.muli %scan3A_2248, %mul3A_2386 : i32
      %add3A_2388 = arith.constant 2 : i32
      %add3A_2389 = arith.addi %mul3A_2387, %add3A_2388 : i32
      %add3A_2390 = arith.constant 2 : i32
      %add3A_2391 = arith.addi %add3A_2389, %add3A_2390 : i32
      %sub3A_2392 = arith.constant 3 : i32
      %sub3A_2393 = arith.subi %add3A_2391, %sub3A_2392 : i32
      %ge3A_2394 = arith.constant 0 : i32
      %ge3A_2395 = arith.cmpi sge, %sub3A_2393, %ge3A_2394 : i32
      %convert_element_type3A_2396 = arith.extui %ge3A_2395 : i1 to i32
      %cond3A_2397 = arith.constant 0 : i32
      %cond3A_2398 = arith.cmpi ne, %convert_element_type3A_2396, %cond3A_2397 : i32
      scf.if %cond3A_2398 {
        %dma_wait3A_2457 = arith.constant 1 : i32
        %dma_wait3A_2458 = arith.constant 0 : i32
        %dma_wait3A_2459 = arith.constant 0 : i32
        %dma_wait3A_2460 = tpu.memref_slice %arg8[%dma_wait3A_2457, %dma_wait3A_2458, %dma_wait3A_2459] : memref<3x128x128xf32, #tpu.memory_space<vmem>> -> memref<1x128x128xf32, #tpu.memory_space<vmem>>
        %dma_wait3A_2461 = tpu.memref_squeeze %dma_wait3A_2460 : memref<1x128x128xf32, #tpu.memory_space<vmem>> -> memref<128x128xf32, #tpu.memory_space<vmem>>
        %dma_wait3A_2462 = arith.constant 0 : i32
        %dma_wait3A_2463 = arith.constant 0 : i32
        %dma_wait3A_2464 = tpu.memref_slice %arg5[%dma_wait3A_2462, %dma_wait3A_2463] : memref<320000x128xf32, #tpu.memory_space<hbm>> -> memref<128x128xf32, #tpu.memory_space<hbm>>
        %dma_wait3A_2465 = arith.constant 0 : i32
        %dma_wait3A_2466 = arith.constant 0 : i32
        %dma_wait3A_2467 = tpu.memref_slice %arg5[%dma_wait3A_2465, %dma_wait3A_2466] : memref<320000x128xf32, #tpu.memory_space<hbm>> -> memref<128x128xf32, #tpu.memory_space<hbm>>
        %dma_wait3A_2468 = arith.constant 0 : i32
        %dma_wait3A_2469 = arith.constant 0 : i32
        %dma_wait3A_2470 = tpu.memref_slice %arg8[%dma_wait3A_2457, %dma_wait3A_2468, %dma_wait3A_2469] : memref<3x128x128xf32, #tpu.memory_space<vmem>> -> memref<1x128x128xf32, #tpu.memory_space<vmem>>
        %dma_wait3A_2471 = tpu.memref_squeeze %dma_wait3A_2470 : memref<1x128x128xf32, #tpu.memory_space<vmem>> -> memref<128x128xf32, #tpu.memory_space<vmem>>
        tpu.wait_dma2 semaphore(%arg20 : memref<!tpu.dma_semaphore, #tpu.memory_space<semaphore_mem>>) src(%dma_wait3A_2471 : memref<128x128xf32, #tpu.memory_space<vmem>>) dst(%dma_wait3A_2467 : memref<128x128xf32, #tpu.memory_space<hbm>>)
      } else {
      }
      %add3A_2399 = arith.constant 2 : i32
      %add3A_2400 = arith.addi %add3A_2389, %add3A_2399 : i32
      %lt3A_2401 = arith.constant 78 : i32
      %lt3A_2402 = arith.cmpi slt, %add3A_2400, %lt3A_2401 : i32
      %convert_element_type3A_2403 = arith.extui %lt3A_2402 : i1 to i32
      %cond3A_2404 = arith.constant 0 : i32
      %cond3A_2405 = arith.cmpi ne, %convert_element_type3A_2403, %cond3A_2404 : i32
      scf.if %cond3A_2405 {
        %add3A_2457 = arith.constant 2 : i32
        %add3A_2458 = arith.addi %add3A_2389, %add3A_2457 : i32
        %mul3A_2459 = arith.constant 128 : i32
        %mul3A_2460 = arith.muli %add3A_2458, %mul3A_2459 : i32
        %dma_start3A_2461 = arith.constant 1 : i32
        %dma_start3A_2462 = arith.constant 0 : i32
        %dma_start3A_2463 = arith.constant 0 : i32
        %dma_start3A_2464 = tpu.memref_slice %arg8[%dma_start3A_2461, %dma_start3A_2462, %dma_start3A_2463] : memref<3x128x128xf32, #tpu.memory_space<vmem>> -> memref<1x128x128xf32, #tpu.memory_space<vmem>>
        %dma_start3A_2465 = tpu.memref_squeeze %dma_start3A_2464 : memref<1x128x128xf32, #tpu.memory_space<vmem>> -> memref<128x128xf32, #tpu.memory_space<vmem>>
        %dma_start3A_2466 = tpu.memref_slice %arg6[%mul3A_2460] : memref<10000xi32, #tpu.memory_space<vmem>> -> memref<128xi32, #tpu.memory_space<vmem>>
        %dma_start3A_2467 = arith.constant 0 : i32
        %dma_start3A_2468 = arith.constant 0 : i32
        %dma_start3A_2469 = tpu.memref_slice %arg2[%dma_start3A_2467, %dma_start3A_2468] : memref<10000x128xf32, #tpu.memory_space<hbm>> -> memref<10000x128xf32, #tpu.memory_space<hbm>>
        tpu.enqueue_indirect_dma source(%dma_start3A_2469 : memref<10000x128xf32, #tpu.memory_space<hbm>>) target(%dma_start3A_2465 : memref<128x128xf32, #tpu.memory_space<vmem>>) offsets(%dma_start3A_2466 : memref<128xi32, #tpu.memory_space<vmem>>) semaphore(%arg14 : memref<!tpu.dma_semaphore, #tpu.memory_space<semaphore_mem>>)
        %add3A_2470 = arith.constant 2 : i32
        %add3A_2471 = arith.addi %add3A_2389, %add3A_2470 : i32
        %mul3A_2472 = arith.constant 128 : i32
        %mul3A_2473 = arith.muli %add3A_2471, %mul3A_2472 : i32
        %dma_start3A_2474 = arith.constant 1 : i32
        %dma_start3A_2475 = arith.constant 0 : i32
        %dma_start3A_2476 = arith.constant 0 : i32
        %dma_start3A_2477 = tpu.memref_slice %arg9[%dma_start3A_2474, %dma_start3A_2475, %dma_start3A_2476] : memref<3x128x128xf32, #tpu.memory_space<vmem>> -> memref<1x128x128xf32, #tpu.memory_space<vmem>>
        %dma_start3A_2478 = tpu.memref_squeeze %dma_start3A_2477 : memref<1x128x128xf32, #tpu.memory_space<vmem>> -> memref<128x128xf32, #tpu.memory_space<vmem>>
        %dma_start3A_2479 = tpu.memref_slice %arg7[%mul3A_2473] : memref<10000xi32, #tpu.memory_space<vmem>> -> memref<128xi32, #tpu.memory_space<vmem>>
        %dma_start3A_2480 = arith.constant 0 : i32
        %dma_start3A_2481 = arith.constant 0 : i32
        %dma_start3A_2482 = tpu.memref_slice %arg2[%dma_start3A_2480, %dma_start3A_2481] : memref<10000x128xf32, #tpu.memory_space<hbm>> -> memref<10000x128xf32, #tpu.memory_space<hbm>>
        tpu.enqueue_indirect_dma source(%dma_start3A_2482 : memref<10000x128xf32, #tpu.memory_space<hbm>>) target(%dma_start3A_2478 : memref<128x128xf32, #tpu.memory_space<vmem>>) offsets(%dma_start3A_2479 : memref<128xi32, #tpu.memory_space<vmem>>) semaphore(%arg17 : memref<!tpu.dma_semaphore, #tpu.memory_space<semaphore_mem>>)
      } else {
      }
      %dma_wait3A_2406 = arith.constant 2 : i32
      %dma_wait3A_2407 = arith.constant 0 : i32
      %dma_wait3A_2408 = arith.constant 0 : i32
      %dma_wait3A_2409 = tpu.memref_slice %arg8[%dma_wait3A_2406, %dma_wait3A_2407, %dma_wait3A_2408] : memref<3x128x128xf32, #tpu.memory_space<vmem>> -> memref<1x128x128xf32, #tpu.memory_space<vmem>>
      %dma_wait3A_2410 = tpu.memref_squeeze %dma_wait3A_2409 : memref<1x128x128xf32, #tpu.memory_space<vmem>> -> memref<128x128xf32, #tpu.memory_space<vmem>>
      %dma_wait3A_2411 = arith.constant 0 : i32
      %dma_wait3A_2412 = arith.constant 0 : i32
      %dma_wait3A_2413 = tpu.memref_slice %arg2[%dma_wait3A_2411, %dma_wait3A_2412] : memref<10000x128xf32, #tpu.memory_space<hbm>> -> memref<128x128xf32, #tpu.memory_space<hbm>>
      %dma_wait3A_2414 = arith.constant 0 : i32
      %dma_wait3A_2415 = arith.constant 0 : i32
      %dma_wait3A_2416 = tpu.memref_slice %arg8[%dma_wait3A_2406, %dma_wait3A_2414, %dma_wait3A_2415] : memref<3x128x128xf32, #tpu.memory_space<vmem>> -> memref<1x128x128xf32, #tpu.memory_space<vmem>>
      %dma_wait3A_2417 = tpu.memref_squeeze %dma_wait3A_2416 : memref<1x128x128xf32, #tpu.memory_space<vmem>> -> memref<128x128xf32, #tpu.memory_space<vmem>>
      %dma_wait3A_2418 = arith.constant 0 : i32
      %dma_wait3A_2419 = arith.constant 0 : i32
      %dma_wait3A_2420 = tpu.memref_slice %arg2[%dma_wait3A_2418, %dma_wait3A_2419] : memref<10000x128xf32, #tpu.memory_space<hbm>> -> memref<128x128xf32, #tpu.memory_space<hbm>>
      tpu.wait_dma2 semaphore(%arg15 : memref<!tpu.dma_semaphore, #tpu.memory_space<semaphore_mem>>) src(%dma_wait3A_2420 : memref<128x128xf32, #tpu.memory_space<hbm>>) dst(%dma_wait3A_2417 : memref<128x128xf32, #tpu.memory_space<vmem>>)
      %dma_wait3A_2421 = arith.constant 2 : i32
      %dma_wait3A_2422 = arith.constant 0 : i32
      %dma_wait3A_2423 = arith.constant 0 : i32
      %dma_wait3A_2424 = tpu.memref_slice %arg9[%dma_wait3A_2421, %dma_wait3A_2422, %dma_wait3A_2423] : memref<3x128x128xf32, #tpu.memory_space<vmem>> -> memref<1x128x128xf32, #tpu.memory_space<vmem>>
      %dma_wait3A_2425 = tpu.memref_squeeze %dma_wait3A_2424 : memref<1x128x128xf32, #tpu.memory_space<vmem>> -> memref<128x128xf32, #tpu.memory_space<vmem>>
      %dma_wait3A_2426 = arith.constant 0 : i32
      %dma_wait3A_2427 = arith.constant 0 : i32
      %dma_wait3A_2428 = tpu.memref_slice %arg2[%dma_wait3A_2426, %dma_wait3A_2427] : memref<10000x128xf32, #tpu.memory_space<hbm>> -> memref<128x128xf32, #tpu.memory_space<hbm>>
      %dma_wait3A_2429 = arith.constant 0 : i32
      %dma_wait3A_2430 = arith.constant 0 : i32
      %dma_wait3A_2431 = tpu.memref_slice %arg9[%dma_wait3A_2421, %dma_wait3A_2429, %dma_wait3A_2430] : memref<3x128x128xf32, #tpu.memory_space<vmem>> -> memref<1x128x128xf32, #tpu.memory_space<vmem>>
      %dma_wait3A_2432 = tpu.memref_squeeze %dma_wait3A_2431 : memref<1x128x128xf32, #tpu.memory_space<vmem>> -> memref<128x128xf32, #tpu.memory_space<vmem>>
      %dma_wait3A_2433 = arith.constant 0 : i32
      %dma_wait3A_2434 = arith.constant 0 : i32
      %dma_wait3A_2435 = tpu.memref_slice %arg2[%dma_wait3A_2433, %dma_wait3A_2434] : memref<10000x128xf32, #tpu.memory_space<hbm>> -> memref<128x128xf32, #tpu.memory_space<hbm>>
      tpu.wait_dma2 semaphore(%arg18 : memref<!tpu.dma_semaphore, #tpu.memory_space<semaphore_mem>>) src(%dma_wait3A_2435 : memref<128x128xf32, #tpu.memory_space<hbm>>) dst(%dma_wait3A_2432 : memref<128x128xf32, #tpu.memory_space<vmem>>)
      %scan3A_2436 = arith.constant 0 : i32
      %scan3A_2437 = arith.constant 128 : i32
      %scan3A_2438 = arith.addi %scan3A_2436, %scan3A_2437 : i32
      %scan3A_2439 = arith.constant 1 : i32
      scf.for %scan3A_2457 = %scan3A_2436 to %scan3A_2438 step %scan3A_2439  : i32 {
        %get3A_2458 = arith.constant 2 : i32
        %get3A_2459 = arith.index_cast %get3A_2458 : i32 to index
        %get3A_2460 = arith.index_cast %scan3A_2457 : i32 to index
        %get3A_2461 = arith.constant 0 : index
        %get3A_2462 = tpu.vector_load %arg8[%get3A_2459, %get3A_2460, %get3A_2461] {strides = array<i32>} : memref<3x128x128xf32, #tpu.memory_space<vmem>>, vector<1x1x16xf32>,
        %get3A_2463 = vector.shape_cast %get3A_2462 : vector<1x1x16xf32> to vector<16xf32>
        %get3A_2464 = arith.constant 2 : i32
        %get3A_2465 = arith.index_cast %get3A_2464 : i32 to index
        %get3A_2466 = arith.index_cast %scan3A_2457 : i32 to index
        %get3A_2467 = arith.constant 0 : index
        %get3A_2468 = tpu.vector_load %arg9[%get3A_2465, %get3A_2466, %get3A_2467] {strides = array<i32>} : memref<3x128x128xf32, #tpu.memory_space<vmem>>, vector<1x1x16xf32>,
        %get3A_2469 = vector.shape_cast %get3A_2468 : vector<1x1x16xf32> to vector<16xf32>
        %mul3A_2470 = arith.mulf %get3A_2463, %get3A_2469 : vector<16xf32>
        %swap3A_2471 = arith.constant 2 : i32
        %swap3A_2472 = arith.index_cast %swap3A_2471 : i32 to index
        %swap3A_2473 = arith.index_cast %scan3A_2457 : i32 to index
        %swap3A_2474 = arith.constant 0 : index
        %swap3A_2475 = tpu.vector_load %arg8[%swap3A_2472, %swap3A_2473, %swap3A_2474] {strides = array<i32>} : memref<3x128x128xf32, #tpu.memory_space<vmem>>, vector<1x1x16xf32>,
        %swap3A_2476 = vector.shape_cast %swap3A_2475 : vector<1x1x16xf32> to vector<16xf32>
        %swap3A_2477 = vector.shape_cast %mul3A_2470 : vector<16xf32> to vector<1x1x16xf32>
        tpu.vector_store %arg8[%swap3A_2472, %swap3A_2473, %swap3A_2474], %swap3A_2477 {strides = array<i32>} : memref<3x128x128xf32, #tpu.memory_space<vmem>>, vector<1x1x16xf32>,
        %get3A_2478 = arith.constant 2 : i32
        %get3A_2479 = arith.index_cast %get3A_2478 : i32 to index
        %get3A_2480 = arith.index_cast %scan3A_2457 : i32 to index
        %get3A_2481 = arith.constant 16 : index
        %get3A_2482 = tpu.vector_load %arg8[%get3A_2479, %get3A_2480, %get3A_2481] {strides = array<i32>} : memref<3x128x128xf32, #tpu.memory_space<vmem>>, vector<1x1x16xf32>,
        %get3A_2483 = vector.shape_cast %get3A_2482 : vector<1x1x16xf32> to vector<16xf32>
        %get3A_2484 = arith.constant 2 : i32
        %get3A_2485 = arith.index_cast %get3A_2484 : i32 to index
        %get3A_2486 = arith.index_cast %scan3A_2457 : i32 to index
        %get3A_2487 = arith.constant 16 : index
        %get3A_2488 = tpu.vector_load %arg9[%get3A_2485, %get3A_2486, %get3A_2487] {strides = array<i32>} : memref<3x128x128xf32, #tpu.memory_space<vmem>>, vector<1x1x16xf32>,
        %get3A_2489 = vector.shape_cast %get3A_2488 : vector<1x1x16xf32> to vector<16xf32>
        %mul3A_2490 = arith.mulf %get3A_2483, %get3A_2489 : vector<16xf32>
        %swap3A_2491 = arith.constant 2 : i32
        %swap3A_2492 = arith.index_cast %swap3A_2491 : i32 to index
        %swap3A_2493 = arith.index_cast %scan3A_2457 : i32 to index
        %swap3A_2494 = arith.constant 16 : index
        %swap3A_2495 = tpu.vector_load %arg8[%swap3A_2492, %swap3A_2493, %swap3A_2494] {strides = array<i32>} : memref<3x128x128xf32, #tpu.memory_space<vmem>>, vector<1x1x16xf32>,
        %swap3A_2496 = vector.shape_cast %swap3A_2495 : vector<1x1x16xf32> to vector<16xf32>
        %swap3A_2497 = vector.shape_cast %mul3A_2490 : vector<16xf32> to vector<1x1x16xf32>
        tpu.vector_store %arg8[%swap3A_2492, %swap3A_2493, %swap3A_2494], %swap3A_2497 {strides = array<i32>} : memref<3x128x128xf32, #tpu.memory_space<vmem>>, vector<1x1x16xf32>,
        %get3A_2498 = arith.constant 2 : i32
        %get3A_2499 = arith.index_cast %get3A_2498 : i32 to index
        %get3A_2500 = arith.index_cast %scan3A_2457 : i32 to index
        %get3A_2501 = arith.constant 32 : index
        %get3A_2502 = tpu.vector_load %arg8[%get3A_2499, %get3A_2500, %get3A_2501] {strides = array<i32>} : memref<3x128x128xf32, #tpu.memory_space<vmem>>, vector<1x1x16xf32>,
        %get3A_2503 = vector.shape_cast %get3A_2502 : vector<1x1x16xf32> to vector<16xf32>
        %get3A_2504 = arith.constant 2 : i32
        %get3A_2505 = arith.index_cast %get3A_2504 : i32 to index
        %get3A_2506 = arith.index_cast %scan3A_2457 : i32 to index
        %get3A_2507 = arith.constant 32 : index
        %get3A_2508 = tpu.vector_load %arg9[%get3A_2505, %get3A_2506, %get3A_2507] {strides = array<i32>} : memref<3x128x128xf32, #tpu.memory_space<vmem>>, vector<1x1x16xf32>,
        %get3A_2509 = vector.shape_cast %get3A_2508 : vector<1x1x16xf32> to vector<16xf32>
        %mul3A_2510 = arith.mulf %get3A_2503, %get3A_2509 : vector<16xf32>
        %swap3A_2511 = arith.constant 2 : i32
        %swap3A_2512 = arith.index_cast %swap3A_2511 : i32 to index
        %swap3A_2513 = arith.index_cast %scan3A_2457 : i32 to index
        %swap3A_2514 = arith.constant 32 : index
        %swap3A_2515 = tpu.vector_load %arg8[%swap3A_2512, %swap3A_2513, %swap3A_2514] {strides = array<i32>} : memref<3x128x128xf32, #tpu.memory_space<vmem>>, vector<1x1x16xf32>,
        %swap3A_2516 = vector.shape_cast %swap3A_2515 : vector<1x1x16xf32> to vector<16xf32>
        %swap3A_2517 = vector.shape_cast %mul3A_2510 : vector<16xf32> to vector<1x1x16xf32>
        tpu.vector_store %arg8[%swap3A_2512, %swap3A_2513, %swap3A_2514], %swap3A_2517 {strides = array<i32>} : memref<3x128x128xf32, #tpu.memory_space<vmem>>, vector<1x1x16xf32>,
        %get3A_2518 = arith.constant 2 : i32
        %get3A_2519 = arith.index_cast %get3A_2518 : i32 to index
        %get3A_2520 = arith.index_cast %scan3A_2457 : i32 to index
        %get3A_2521 = arith.constant 48 : index
        %get3A_2522 = tpu.vector_load %arg8[%get3A_2519, %get3A_2520, %get3A_2521] {strides = array<i32>} : memref<3x128x128xf32, #tpu.memory_space<vmem>>, vector<1x1x16xf32>,
        %get3A_2523 = vector.shape_cast %get3A_2522 : vector<1x1x16xf32> to vector<16xf32>
        %get3A_2524 = arith.constant 2 : i32
        %get3A_2525 = arith.index_cast %get3A_2524 : i32 to index
        %get3A_2526 = arith.index_cast %scan3A_2457 : i32 to index
        %get3A_2527 = arith.constant 48 : index
        %get3A_2528 = tpu.vector_load %arg9[%get3A_2525, %get3A_2526, %get3A_2527] {strides = array<i32>} : memref<3x128x128xf32, #tpu.memory_space<vmem>>, vector<1x1x16xf32>,
        %get3A_2529 = vector.shape_cast %get3A_2528 : vector<1x1x16xf32> to vector<16xf32>
        %mul3A_2530 = arith.mulf %get3A_2523, %get3A_2529 : vector<16xf32>
        %swap3A_2531 = arith.constant 2 : i32
        %swap3A_2532 = arith.index_cast %swap3A_2531 : i32 to index
        %swap3A_2533 = arith.index_cast %scan3A_2457 : i32 to index
        %swap3A_2534 = arith.constant 48 : index
        %swap3A_2535 = tpu.vector_load %arg8[%swap3A_2532, %swap3A_2533, %swap3A_2534] {strides = array<i32>} : memref<3x128x128xf32, #tpu.memory_space<vmem>>, vector<1x1x16xf32>,
        %swap3A_2536 = vector.shape_cast %swap3A_2535 : vector<1x1x16xf32> to vector<16xf32>
        %swap3A_2537 = vector.shape_cast %mul3A_2530 : vector<16xf32> to vector<1x1x16xf32>
        tpu.vector_store %arg8[%swap3A_2532, %swap3A_2533, %swap3A_2534], %swap3A_2537 {strides = array<i32>} : memref<3x128x128xf32, #tpu.memory_space<vmem>>, vector<1x1x16xf32>,
        %get3A_2538 = arith.constant 2 : i32
        %get3A_2539 = arith.index_cast %get3A_2538 : i32 to index
        %get3A_2540 = arith.index_cast %scan3A_2457 : i32 to index
        %get3A_2541 = arith.constant 64 : index
        %get3A_2542 = tpu.vector_load %arg8[%get3A_2539, %get3A_2540, %get3A_2541] {strides = array<i32>} : memref<3x128x128xf32, #tpu.memory_space<vmem>>, vector<1x1x16xf32>,
        %get3A_2543 = vector.shape_cast %get3A_2542 : vector<1x1x16xf32> to vector<16xf32>
        %get3A_2544 = arith.constant 2 : i32
        %get3A_2545 = arith.index_cast %get3A_2544 : i32 to index
        %get3A_2546 = arith.index_cast %scan3A_2457 : i32 to index
        %get3A_2547 = arith.constant 64 : index
        %get3A_2548 = tpu.vector_load %arg9[%get3A_2545, %get3A_2546, %get3A_2547] {strides = array<i32>} : memref<3x128x128xf32, #tpu.memory_space<vmem>>, vector<1x1x16xf32>,
        %get3A_2549 = vector.shape_cast %get3A_2548 : vector<1x1x16xf32> to vector<16xf32>
        %mul3A_2550 = arith.mulf %get3A_2543, %get3A_2549 : vector<16xf32>
        %swap3A_2551 = arith.constant 2 : i32
        %swap3A_2552 = arith.index_cast %swap3A_2551 : i32 to index
        %swap3A_2553 = arith.index_cast %scan3A_2457 : i32 to index
        %swap3A_2554 = arith.constant 64 : index
        %swap3A_2555 = tpu.vector_load %arg8[%swap3A_2552, %swap3A_2553, %swap3A_2554] {strides = array<i32>} : memref<3x128x128xf32, #tpu.memory_space<vmem>>, vector<1x1x16xf32>,
        %swap3A_2556 = vector.shape_cast %swap3A_2555 : vector<1x1x16xf32> to vector<16xf32>
        %swap3A_2557 = vector.shape_cast %mul3A_2550 : vector<16xf32> to vector<1x1x16xf32>
        tpu.vector_store %arg8[%swap3A_2552, %swap3A_2553, %swap3A_2554], %swap3A_2557 {strides = array<i32>} : memref<3x128x128xf32, #tpu.memory_space<vmem>>, vector<1x1x16xf32>,
        %get3A_2558 = arith.constant 2 : i32
        %get3A_2559 = arith.index_cast %get3A_2558 : i32 to index
        %get3A_2560 = arith.index_cast %scan3A_2457 : i32 to index
        %get3A_2561 = arith.constant 80 : index
        %get3A_2562 = tpu.vector_load %arg8[%get3A_2559, %get3A_2560, %get3A_2561] {strides = array<i32>} : memref<3x128x128xf32, #tpu.memory_space<vmem>>, vector<1x1x16xf32>,
        %get3A_2563 = vector.shape_cast %get3A_2562 : vector<1x1x16xf32> to vector<16xf32>
        %get3A_2564 = arith.constant 2 : i32
        %get3A_2565 = arith.index_cast %get3A_2564 : i32 to index
        %get3A_2566 = arith.index_cast %scan3A_2457 : i32 to index
        %get3A_2567 = arith.constant 80 : index
        %get3A_2568 = tpu.vector_load %arg9[%get3A_2565, %get3A_2566, %get3A_2567] {strides = array<i32>} : memref<3x128x128xf32, #tpu.memory_space<vmem>>, vector<1x1x16xf32>,
        %get3A_2569 = vector.shape_cast %get3A_2568 : vector<1x1x16xf32> to vector<16xf32>
        %mul3A_2570 = arith.mulf %get3A_2563, %get3A_2569 : vector<16xf32>
        %swap3A_2571 = arith.constant 2 : i32
        %swap3A_2572 = arith.index_cast %swap3A_2571 : i32 to index
        %swap3A_2573 = arith.index_cast %scan3A_2457 : i32 to index
        %swap3A_2574 = arith.constant 80 : index
        %swap3A_2575 = tpu.vector_load %arg8[%swap3A_2572, %swap3A_2573, %swap3A_2574] {strides = array<i32>} : memref<3x128x128xf32, #tpu.memory_space<vmem>>, vector<1x1x16xf32>,
        %swap3A_2576 = vector.shape_cast %swap3A_2575 : vector<1x1x16xf32> to vector<16xf32>
        %swap3A_2577 = vector.shape_cast %mul3A_2570 : vector<16xf32> to vector<1x1x16xf32>
        tpu.vector_store %arg8[%swap3A_2572, %swap3A_2573, %swap3A_2574], %swap3A_2577 {strides = array<i32>} : memref<3x128x128xf32, #tpu.memory_space<vmem>>, vector<1x1x16xf32>,
        %get3A_2578 = arith.constant 2 : i32
        %get3A_2579 = arith.index_cast %get3A_2578 : i32 to index
        %get3A_2580 = arith.index_cast %scan3A_2457 : i32 to index
        %get3A_2581 = arith.constant 96 : index
        %get3A_2582 = tpu.vector_load %arg8[%get3A_2579, %get3A_2580, %get3A_2581] {strides = array<i32>} : memref<3x128x128xf32, #tpu.memory_space<vmem>>, vector<1x1x16xf32>,
        %get3A_2583 = vector.shape_cast %get3A_2582 : vector<1x1x16xf32> to vector<16xf32>
        %get3A_2584 = arith.constant 2 : i32
        %get3A_2585 = arith.index_cast %get3A_2584 : i32 to index
        %get3A_2586 = arith.index_cast %scan3A_2457 : i32 to index
        %get3A_2587 = arith.constant 96 : index
        %get3A_2588 = tpu.vector_load %arg9[%get3A_2585, %get3A_2586, %get3A_2587] {strides = array<i32>} : memref<3x128x128xf32, #tpu.memory_space<vmem>>, vector<1x1x16xf32>,
        %get3A_2589 = vector.shape_cast %get3A_2588 : vector<1x1x16xf32> to vector<16xf32>
        %mul3A_2590 = arith.mulf %get3A_2583, %get3A_2589 : vector<16xf32>
        %swap3A_2591 = arith.constant 2 : i32
        %swap3A_2592 = arith.index_cast %swap3A_2591 : i32 to index
        %swap3A_2593 = arith.index_cast %scan3A_2457 : i32 to index
        %swap3A_2594 = arith.constant 96 : index
        %swap3A_2595 = tpu.vector_load %arg8[%swap3A_2592, %swap3A_2593, %swap3A_2594] {strides = array<i32>} : memref<3x128x128xf32, #tpu.memory_space<vmem>>, vector<1x1x16xf32>,
        %swap3A_2596 = vector.shape_cast %swap3A_2595 : vector<1x1x16xf32> to vector<16xf32>
        %swap3A_2597 = vector.shape_cast %mul3A_2590 : vector<16xf32> to vector<1x1x16xf32>
        tpu.vector_store %arg8[%swap3A_2592, %swap3A_2593, %swap3A_2594], %swap3A_2597 {strides = array<i32>} : memref<3x128x128xf32, #tpu.memory_space<vmem>>, vector<1x1x16xf32>,
        %get3A_2598 = arith.constant 2 : i32
        %get3A_2599 = arith.index_cast %get3A_2598 : i32 to index
        %get3A_2600 = arith.index_cast %scan3A_2457 : i32 to index
        %get3A_2601 = arith.constant 112 : index
        %get3A_2602 = tpu.vector_load %arg8[%get3A_2599, %get3A_2600, %get3A_2601] {strides = array<i32>} : memref<3x128x128xf32, #tpu.memory_space<vmem>>, vector<1x1x16xf32>,
        %get3A_2603 = vector.shape_cast %get3A_2602 : vector<1x1x16xf32> to vector<16xf32>
        %get3A_2604 = arith.constant 2 : i32
        %get3A_2605 = arith.index_cast %get3A_2604 : i32 to index
        %get3A_2606 = arith.index_cast %scan3A_2457 : i32 to index
        %get3A_2607 = arith.constant 112 : index
        %get3A_2608 = tpu.vector_load %arg9[%get3A_2605, %get3A_2606, %get3A_2607] {strides = array<i32>} : memref<3x128x128xf32, #tpu.memory_space<vmem>>, vector<1x1x16xf32>,
        %get3A_2609 = vector.shape_cast %get3A_2608 : vector<1x1x16xf32> to vector<16xf32>
        %mul3A_2610 = arith.mulf %get3A_2603, %get3A_2609 : vector<16xf32>
        %swap3A_2611 = arith.constant 2 : i32
        %swap3A_2612 = arith.index_cast %swap3A_2611 : i32 to index
        %swap3A_2613 = arith.index_cast %scan3A_2457 : i32 to index
        %swap3A_2614 = arith.constant 112 : index
        %swap3A_2615 = tpu.vector_load %arg8[%swap3A_2612, %swap3A_2613, %swap3A_2614] {strides = array<i32>} : memref<3x128x128xf32, #tpu.memory_space<vmem>>, vector<1x1x16xf32>,
        %swap3A_2616 = vector.shape_cast %swap3A_2615 : vector<1x1x16xf32> to vector<16xf32>
        %swap3A_2617 = vector.shape_cast %mul3A_2610 : vector<16xf32> to vector<1x1x16xf32>
        tpu.vector_store %arg8[%swap3A_2612, %swap3A_2613, %swap3A_2614], %swap3A_2617 {strides = array<i32>} : memref<3x128x128xf32, #tpu.memory_space<vmem>>, vector<1x1x16xf32>,
      }
      %scan3A_2440 = arith.constant 128 : i32
      %mul3A_2441 = arith.constant 128 : i32
      %mul3A_2442 = arith.muli %add3A_2389, %mul3A_2441 : i32
      %add3A_2443 = arith.addi %mul3A_2, %mul3A_2442 : i32
      %dma_start3A_2444 = arith.constant 2 : i32
      %dma_start3A_2445 = arith.constant 0 : i32
      %dma_start3A_2446 = arith.constant 0 : i32
      %dma_start3A_2447 = tpu.memref_slice %arg8[%dma_start3A_2444, %dma_start3A_2445, %dma_start3A_2446] : memref<3x128x128xf32, #tpu.memory_space<vmem>> -> memref<1x128x128xf32, #tpu.memory_space<vmem>>
      %dma_start3A_2448 = tpu.memref_squeeze %dma_start3A_2447 : memref<1x128x128xf32, #tpu.memory_space<vmem>> -> memref<128x128xf32, #tpu.memory_space<vmem>>
      %dma_start3A_2449 = arith.constant 0 : i32
      %dma_start3A_2450 = tpu.memref_slice %arg5[%add3A_2443, %dma_start3A_2449] : memref<320000x128xf32, #tpu.memory_space<hbm>> -> memref<128x128xf32, #tpu.memory_space<hbm>>
      %dma_start3A_2451 = arith.constant 0 : i32
      %dma_start3A_2452 = tpu.memref_slice %arg5[%add3A_2443, %dma_start3A_2451] : memref<320000x128xf32, #tpu.memory_space<hbm>> -> memref<128x128xf32, #tpu.memory_space<hbm>>
      %dma_start3A_2453 = arith.constant 0 : i32
      %dma_start3A_2454 = arith.constant 0 : i32
      %dma_start3A_2455 = tpu.memref_slice %arg8[%dma_start3A_2444, %dma_start3A_2453, %dma_start3A_2454] : memref<3x128x128xf32, #tpu.memory_space<vmem>> -> memref<1x128x128xf32, #tpu.memory_space<vmem>>
      %dma_start3A_2456 = tpu.memref_squeeze %dma_start3A_2455 : memref<1x128x128xf32, #tpu.memory_space<vmem>> -> memref<128x128xf32, #tpu.memory_space<vmem>>
      tpu.enqueue_dma source(%dma_start3A_2456 : memref<128x128xf32, #tpu.memory_space<vmem>>) target(%dma_start3A_2452 : memref<128x128xf32, #tpu.memory_space<hbm>>) target_semaphore(%arg21 : memref<!tpu.dma_semaphore, #tpu.memory_space<semaphore_mem>>)
    }
    %scan3A_45 = arith.constant 26 : i32
    %dma_wait3A = arith.constant 2 : i32
    %dma_wait3A_46 = arith.constant 0 : i32
    %dma_wait3A_47 = arith.constant 0 : i32
    %dma_wait3A_48 = tpu.memref_slice %arg8[%dma_wait3A, %dma_wait3A_46, %dma_wait3A_47] : memref<3x128x128xf32, #tpu.memory_space<vmem>> -> memref<1x128x128xf32, #tpu.memory_space<vmem>>
    %dma_wait3A_49 = tpu.memref_squeeze %dma_wait3A_48 : memref<1x128x128xf32, #tpu.memory_space<vmem>> -> memref<128x128xf32, #tpu.memory_space<vmem>>
    %dma_wait3A_50 = arith.constant 0 : i32
    %dma_wait3A_51 = arith.constant 0 : i32
    %dma_wait3A_52 = tpu.memref_slice %arg5[%dma_wait3A_50, %dma_wait3A_51] : memref<320000x128xf32, #tpu.memory_space<hbm>> -> memref<128x128xf32, #tpu.memory_space<hbm>>
    %dma_wait3A_53 = arith.constant 0 : i32
    %dma_wait3A_54 = arith.constant 0 : i32
    %dma_wait3A_55 = tpu.memref_slice %arg5[%dma_wait3A_53, %dma_wait3A_54] : memref<320000x128xf32, #tpu.memory_space<hbm>> -> memref<128x128xf32, #tpu.memory_space<hbm>>
    %dma_wait3A_56 = arith.constant 0 : i32
    %dma_wait3A_57 = arith.constant 0 : i32
    %dma_wait3A_58 = tpu.memref_slice %arg8[%dma_wait3A, %dma_wait3A_56, %dma_wait3A_57] : memref<3x128x128xf32, #tpu.memory_space<vmem>> -> memref<1x128x128xf32, #tpu.memory_space<vmem>>
    %dma_wait3A_59 = tpu.memref_squeeze %dma_wait3A_58 : memref<1x128x128xf32, #tpu.memory_space<vmem>> -> memref<128x128xf32, #tpu.memory_space<vmem>>
    tpu.wait_dma2 semaphore(%arg21 : memref<!tpu.dma_semaphore, #tpu.memory_space<semaphore_mem>>) src(%dma_wait3A_59 : memref<128x128xf32, #tpu.memory_space<vmem>>) dst(%dma_wait3A_55 : memref<128x128xf32, #tpu.memory_space<hbm>>)
    %add3A_60 = arith.constant 9984 : i32
    %add3A_61 = arith.addi %mul3A_2, %add3A_60 : i32
    "tpu.region"() ({
      %run_scoped3A = tpu.sem_alloc : memref<!tpu.dma_semaphore, #tpu.memory_space<semaphore_mem>>
      %dma_start3A_2248 = tpu.memref_slice %arg3[%add3A_61] : memref<320000xi32, #tpu.memory_space<hbm>> -> memref<16xi32, #tpu.memory_space<hbm>>
      %dma_start3A_2249 = tpu.memref_slice %arg3[%add3A_61] : memref<320000xi32, #tpu.memory_space<hbm>> -> memref<16xi32, #tpu.memory_space<hbm>>
      tpu.enqueue_dma source(%dma_start3A_2249 : memref<16xi32, #tpu.memory_space<hbm>>) target(%arg10 : memref<16xi32, #tpu.memory_space<vmem>>) target_semaphore(%run_scoped3A : memref<!tpu.dma_semaphore, #tpu.memory_space<semaphore_mem>>)
      %dma_wait3A_2250 = tpu.memref_slice %arg3[%add3A_61] : memref<320000xi32, #tpu.memory_space<hbm>> -> memref<16xi32, #tpu.memory_space<hbm>>
      %dma_wait3A_2251 = tpu.memref_slice %arg3[%add3A_61] : memref<320000xi32, #tpu.memory_space<hbm>> -> memref<16xi32, #tpu.memory_space<hbm>>
      tpu.wait_dma2 semaphore(%run_scoped3A : memref<!tpu.dma_semaphore, #tpu.memory_space<semaphore_mem>>) src(%dma_wait3A_2251 : memref<16xi32, #tpu.memory_space<hbm>>) dst(%arg10 : memref<16xi32, #tpu.memory_space<vmem>>)
      tpu.yield
    }) : () -> ()
    %dma_start3A_62 = arith.constant 0 : i32
    %dma_start3A_63 = arith.constant 0 : i32
    %dma_start3A_64 = tpu.memref_slice %arg2[%dma_start3A_62, %dma_start3A_63] : memref<10000x128xf32, #tpu.memory_space<hbm>> -> memref<10000x128xf32, #tpu.memory_space<hbm>>
    tpu.enqueue_indirect_dma source(%dma_start3A_64 : memref<10000x128xf32, #tpu.memory_space<hbm>>) target(%arg11 : memref<16x128xf32, #tpu.memory_space<vmem>>) offsets(%arg10 : memref<16xi32, #tpu.memory_space<vmem>>) semaphore(%arg13 : memref<!tpu.dma_semaphore, #tpu.memory_space<semaphore_mem>>)
    %dma_wait3A_65 = arith.constant 0 : i32
    %dma_wait3A_66 = arith.constant 0 : i32
    %dma_wait3A_67 = tpu.memref_slice %arg2[%dma_wait3A_65, %dma_wait3A_66] : memref<10000x128xf32, #tpu.memory_space<hbm>> -> memref<10000x128xf32, #tpu.memory_space<hbm>>
    tpu.wait_indirect_dma semaphore(%arg13 : memref<!tpu.dma_semaphore, #tpu.memory_space<semaphore_mem>>) src(%dma_wait3A_67 : memref<10000x128xf32, #tpu.memory_space<hbm>>) dst(%arg11 : memref<16x128xf32, #tpu.memory_space<vmem>>)
    "tpu.region"() ({
      %run_scoped3A = tpu.sem_alloc : memref<!tpu.dma_semaphore, #tpu.memory_space<semaphore_mem>>
      %dma_start3A_2248 = tpu.memref_slice %arg4[%add3A_61] : memref<320000xi32, #tpu.memory_space<hbm>> -> memref<16xi32, #tpu.memory_space<hbm>>
      %dma_start3A_2249 = tpu.memref_slice %arg4[%add3A_61] : memref<320000xi32, #tpu.memory_space<hbm>> -> memref<16xi32, #tpu.memory_space<hbm>>
      tpu.enqueue_dma source(%dma_start3A_2249 : memref<16xi32, #tpu.memory_space<hbm>>) target(%arg10 : memref<16xi32, #tpu.memory_space<vmem>>) target_semaphore(%run_scoped3A : memref<!tpu.dma_semaphore, #tpu.memory_space<semaphore_mem>>)
      %dma_wait3A_2250 = tpu.memref_slice %arg4[%add3A_61] : memref<320000xi32, #tpu.memory_space<hbm>> -> memref<16xi32, #tpu.memory_space<hbm>>
      %dma_wait3A_2251 = tpu.memref_slice %arg4[%add3A_61] : memref<320000xi32, #tpu.memory_space<hbm>> -> memref<16xi32, #tpu.memory_space<hbm>>
      tpu.wait_dma2 semaphore(%run_scoped3A : memref<!tpu.dma_semaphore, #tpu.memory_space<semaphore_mem>>) src(%dma_wait3A_2251 : memref<16xi32, #tpu.memory_space<hbm>>) dst(%arg10 : memref<16xi32, #tpu.memory_space<vmem>>)
      tpu.yield
    }) : () -> ()
    %dma_start3A_68 = arith.constant 0 : i32
    %dma_start3A_69 = arith.constant 0 : i32
    %dma_start3A_70 = tpu.memref_slice %arg2[%dma_start3A_68, %dma_start3A_69] : memref<10000x128xf32, #tpu.memory_space<hbm>> -> memref<10000x128xf32, #tpu.memory_space<hbm>>
    tpu.enqueue_indirect_dma source(%dma_start3A_70 : memref<10000x128xf32, #tpu.memory_space<hbm>>) target(%arg12 : memref<16x128xf32, #tpu.memory_space<vmem>>) offsets(%arg10 : memref<16xi32, #tpu.memory_space<vmem>>) semaphore(%arg16 : memref<!tpu.dma_semaphore, #tpu.memory_space<semaphore_mem>>)
    %dma_wait3A_71 = arith.constant 0 : i32
    %dma_wait3A_72 = arith.constant 0 : i32
    %dma_wait3A_73 = tpu.memref_slice %arg2[%dma_wait3A_71, %dma_wait3A_72] : memref<10000x128xf32, #tpu.memory_space<hbm>> -> memref<10000x128xf32, #tpu.memory_space<hbm>>
    tpu.wait_indirect_dma semaphore(%arg16 : memref<!tpu.dma_semaphore, #tpu.memory_space<semaphore_mem>>) src(%dma_wait3A_73 : memref<10000x128xf32, #tpu.memory_space<hbm>>) dst(%arg12 : memref<16x128xf32, #tpu.memory_space<vmem>>)
    %get3A = arith.constant 0 : i32
    %get3A_74 = arith.index_cast %get3A : i32 to index
    %get3A_75 = arith.constant 0 : index
    %get3A_76 = tpu.vector_load %arg11[%get3A_74, %get3A_75] {strides = array<i32>} : memref<16x128xf32, #tpu.memory_space<vmem>>, vector<1x16xf32>,
    %get3A_77 = vector.shape_cast %get3A_76 : vector<1x16xf32> to vector<16xf32>
    %get3A_78 = arith.constant 0 : i32
    %get3A_79 = arith.index_cast %get3A_78 : i32 to index
    %get3A_80 = arith.constant 0 : index
    %get3A_81 = tpu.vector_load %arg12[%get3A_79, %get3A_80] {strides = array<i32>} : memref<16x128xf32, #tpu.memory_space<vmem>>, vector<1x16xf32>,
    %get3A_82 = vector.shape_cast %get3A_81 : vector<1x16xf32> to vector<16xf32>
    %mul3A_83 = arith.mulf %get3A_77, %get3A_82 : vector<16xf32>
    %swap3A = arith.constant 0 : i32
    %swap3A_84 = arith.index_cast %swap3A : i32 to index
    %swap3A_85 = arith.constant 0 : index
    %swap3A_86 = tpu.vector_load %arg11[%swap3A_84, %swap3A_85] {strides = array<i32>} : memref<16x128xf32, #tpu.memory_space<vmem>>, vector<1x16xf32>,
    %swap3A_87 = vector.shape_cast %swap3A_86 : vector<1x16xf32> to vector<16xf32>
    %swap3A_88 = vector.shape_cast %mul3A_83 : vector<16xf32> to vector<1x16xf32>
    tpu.vector_store %arg11[%swap3A_84, %swap3A_85], %swap3A_88 {strides = array<i32>} : memref<16x128xf32, #tpu.memory_space<vmem>>, vector<1x16xf32>,
    %get3A_89 = arith.constant 0 : i32
    %get3A_90 = arith.index_cast %get3A_89 : i32 to index
    %get3A_91 = arith.constant 16 : index
    %get3A_92 = tpu.vector_load %arg11[%get3A_90, %get3A_91] {strides = array<i32>} : memref<16x128xf32, #tpu.memory_space<vmem>>, vector<1x16xf32>,
    %get3A_93 = vector.shape_cast %get3A_92 : vector<1x16xf32> to vector<16xf32>
    %get3A_94 = arith.constant 0 : i32
    %get3A_95 = arith.index_cast %get3A_94 : i32 to index
    %get3A_96 = arith.constant 16 : index
    %get3A_97 = tpu.vector_load %arg12[%get3A_95, %get3A_96] {strides = array<i32>} : memref<16x128xf32, #tpu.memory_space<vmem>>, vector<1x16xf32>,
    %get3A_98 = vector.shape_cast %get3A_97 : vector<1x16xf32> to vector<16xf32>
    %mul3A_99 = arith.mulf %get3A_93, %get3A_98 : vector<16xf32>
    %swap3A_100 = arith.constant 0 : i32
    %swap3A_101 = arith.index_cast %swap3A_100 : i32 to index
    %swap3A_102 = arith.constant 16 : index
    %swap3A_103 = tpu.vector_load %arg11[%swap3A_101, %swap3A_102] {strides = array<i32>} : memref<16x128xf32, #tpu.memory_space<vmem>>, vector<1x16xf32>,
    %swap3A_104 = vector.shape_cast %swap3A_103 : vector<1x16xf32> to vector<16xf32>
    %swap3A_105 = vector.shape_cast %mul3A_99 : vector<16xf32> to vector<1x16xf32>
    tpu.vector_store %arg11[%swap3A_101, %swap3A_102], %swap3A_105 {strides = array<i32>} : memref<16x128xf32, #tpu.memory_space<vmem>>, vector<1x16xf32>,
    %get3A_106 = arith.constant 0 : i32
    %get3A_107 = arith.index_cast %get3A_106 : i32 to index
    %get3A_108 = arith.constant 32 : index
    %get3A_109 = tpu.vector_load %arg11[%get3A_107, %get3A_108] {strides = array<i32>} : memref<16x128xf32, #tpu.memory_space<vmem>>, vector<1x16xf32>,
    %get3A_110 = vector.shape_cast %get3A_109 : vector<1x16xf32> to vector<16xf32>
    %get3A_111 = arith.constant 0 : i32
    %get3A_112 = arith.index_cast %get3A_111 : i32 to index
    %get3A_113 = arith.constant 32 : index
    %get3A_114 = tpu.vector_load %arg12[%get3A_112, %get3A_113] {strides = array<i32>} : memref<16x128xf32, #tpu.memory_space<vmem>>, vector<1x16xf32>,
    %get3A_115 = vector.shape_cast %get3A_114 : vector<1x16xf32> to vector<16xf32>
    %mul3A_116 = arith.mulf %get3A_110, %get3A_115 : vector<16xf32>
    %swap3A_117 = arith.constant 0 : i32
    %swap3A_118 = arith.index_cast %swap3A_117 : i32 to index
    %swap3A_119 = arith.constant 32 : index
    %swap3A_120 = tpu.vector_load %arg11[%swap3A_118, %swap3A_119] {strides = array<i32>} : memref<16x128xf32, #tpu.memory_space<vmem>>, vector<1x16xf32>,
    %swap3A_121 = vector.shape_cast %swap3A_120 : vector<1x16xf32> to vector<16xf32>
    %swap3A_122 = vector.shape_cast %mul3A_116 : vector<16xf32> to vector<1x16xf32>
    tpu.vector_store %arg11[%swap3A_118, %swap3A_119], %swap3A_122 {strides = array<i32>} : memref<16x128xf32, #tpu.memory_space<vmem>>, vector<1x16xf32>,
    %get3A_123 = arith.constant 0 : i32
    %get3A_124 = arith.index_cast %get3A_123 : i32 to index
    %get3A_125 = arith.constant 48 : index
    %get3A_126 = tpu.vector_load %arg11[%get3A_124, %get3A_125] {strides = array<i32>} : memref<16x128xf32, #tpu.memory_space<vmem>>, vector<1x16xf32>,
    %get3A_127 = vector.shape_cast %get3A_126 : vector<1x16xf32> to vector<16xf32>
    %get3A_128 = arith.constant 0 : i32
    %get3A_129 = arith.index_cast %get3A_128 : i32 to index
    %get3A_130 = arith.constant 48 : index
    %get3A_131 = tpu.vector_load %arg12[%get3A_129, %get3A_130] {strides = array<i32>} : memref<16x128xf32, #tpu.memory_space<vmem>>, vector<1x16xf32>,
    %get3A_132 = vector.shape_cast %get3A_131 : vector<1x16xf32> to vector<16xf32>
    %mul3A_133 = arith.mulf %get3A_127, %get3A_132 : vector<16xf32>
    %swap3A_134 = arith.constant 0 : i32
    %swap3A_135 = arith.index_cast %swap3A_134 : i32 to index
    %swap3A_136 = arith.constant 48 : index
    %swap3A_137 = tpu.vector_load %arg11[%swap3A_135, %swap3A_136] {strides = array<i32>} : memref<16x128xf32, #tpu.memory_space<vmem>>, vector<1x16xf32>,
    %swap3A_138 = vector.shape_cast %swap3A_137 : vector<1x16xf32> to vector<16xf32>
    %swap3A_139 = vector.shape_cast %mul3A_133 : vector<16xf32> to vector<1x16xf32>
    tpu.vector_store %arg11[%swap3A_135, %swap3A_136], %swap3A_139 {strides = array<i32>} : memref<16x128xf32, #tpu.memory_space<vmem>>, vector<1x16xf32>,
    %get3A_140 = arith.constant 0 : i32
    %get3A_141 = arith.index_cast %get3A_140 : i32 to index
    %get3A_142 = arith.constant 64 : index
    %get3A_143 = tpu.vector_load %arg11[%get3A_141, %get3A_142] {strides = array<i32>} : memref<16x128xf32, #tpu.memory_space<vmem>>, vector<1x16xf32>,
    %get3A_144 = vector.shape_cast %get3A_143 : vector<1x16xf32> to vector<16xf32>
    %get3A_145 = arith.constant 0 : i32
    %get3A_146 = arith.index_cast %get3A_145 : i32 to index
    %get3A_147 = arith.constant 64 : index
    %get3A_148 = tpu.vector_load %arg12[%get3A_146, %get3A_147] {strides = array<i32>} : memref<16x128xf32, #tpu.memory_space<vmem>>, vector<1x16xf32>,
    %get3A_149 = vector.shape_cast %get3A_148 : vector<1x16xf32> to vector<16xf32>
    %mul3A_150 = arith.mulf %get3A_144, %get3A_149 : vector<16xf32>
    %swap3A_151 = arith.constant 0 : i32
    %swap3A_152 = arith.index_cast %swap3A_151 : i32 to index
    %swap3A_153 = arith.constant 64 : index
    %swap3A_154 = tpu.vector_load %arg11[%swap3A_152, %swap3A_153] {strides = array<i32>} : memref<16x128xf32, #tpu.memory_space<vmem>>, vector<1x16xf32>,
    %swap3A_155 = vector.shape_cast %swap3A_154 : vector<1x16xf32> to vector<16xf32>
    %swap3A_156 = vector.shape_cast %mul3A_150 : vector<16xf32> to vector<1x16xf32>
    tpu.vector_store %arg11[%swap3A_152, %swap3A_153], %swap3A_156 {strides = array<i32>} : memref<16x128xf32, #tpu.memory_space<vmem>>, vector<1x16xf32>,
    %get3A_157 = arith.constant 0 : i32
    %get3A_158 = arith.index_cast %get3A_157 : i32 to index
    %get3A_159 = arith.constant 80 : index
    %get3A_160 = tpu.vector_load %arg11[%get3A_158, %get3A_159] {strides = array<i32>} : memref<16x128xf32, #tpu.memory_space<vmem>>, vector<1x16xf32>,
    %get3A_161 = vector.shape_cast %get3A_160 : vector<1x16xf32> to vector<16xf32>
    %get3A_162 = arith.constant 0 : i32
    %get3A_163 = arith.index_cast %get3A_162 : i32 to index
    %get3A_164 = arith.constant 80 : index
    %get3A_165 = tpu.vector_load %arg12[%get3A_163, %get3A_164] {strides = array<i32>} : memref<16x128xf32, #tpu.memory_space<vmem>>, vector<1x16xf32>,
    %get3A_166 = vector.shape_cast %get3A_165 : vector<1x16xf32> to vector<16xf32>
    %mul3A_167 = arith.mulf %get3A_161, %get3A_166 : vector<16xf32>
    %swap3A_168 = arith.constant 0 : i32
    %swap3A_169 = arith.index_cast %swap3A_168 : i32 to index
    %swap3A_170 = arith.constant 80 : index
    %swap3A_171 = tpu.vector_load %arg11[%swap3A_169, %swap3A_170] {strides = array<i32>} : memref<16x128xf32, #tpu.memory_space<vmem>>, vector<1x16xf32>,
    %swap3A_172 = vector.shape_cast %swap3A_171 : vector<1x16xf32> to vector<16xf32>
    %swap3A_173 = vector.shape_cast %mul3A_167 : vector<16xf32> to vector<1x16xf32>
    tpu.vector_store %arg11[%swap3A_169, %swap3A_170], %swap3A_173 {strides = array<i32>} : memref<16x128xf32, #tpu.memory_space<vmem>>, vector<1x16xf32>,
    %get3A_174 = arith.constant 0 : i32
    %get3A_175 = arith.index_cast %get3A_174 : i32 to index
    %get3A_176 = arith.constant 96 : index
    %get3A_177 = tpu.vector_load %arg11[%get3A_175, %get3A_176] {strides = array<i32>} : memref<16x128xf32, #tpu.memory_space<vmem>>, vector<1x16xf32>,
    %get3A_178 = vector.shape_cast %get3A_177 : vector<1x16xf32> to vector<16xf32>
    %get3A_179 = arith.constant 0 : i32
    %get3A_180 = arith.index_cast %get3A_179 : i32 to index
    %get3A_181 = arith.constant 96 : index
    %get3A_182 = tpu.vector_load %arg12[%get3A_180, %get3A_181] {strides = array<i32>} : memref<16x128xf32, #tpu.memory_space<vmem>>, vector<1x16xf32>,
    %get3A_183 = vector.shape_cast %get3A_182 : vector<1x16xf32> to vector<16xf32>
    %mul3A_184 = arith.mulf %get3A_178, %get3A_183 : vector<16xf32>
    %swap3A_185 = arith.constant 0 : i32
    %swap3A_186 = arith.index_cast %swap3A_185 : i32 to index
    %swap3A_187 = arith.constant 96 : index
    %swap3A_188 = tpu.vector_load %arg11[%swap3A_186, %swap3A_187] {strides = array<i32>} : memref<16x128xf32, #tpu.memory_space<vmem>>, vector<1x16xf32>,
    %swap3A_189 = vector.shape_cast %swap3A_188 : vector<1x16xf32> to vector<16xf32>
    %swap3A_190 = vector.shape_cast %mul3A_184 : vector<16xf32> to vector<1x16xf32>
    tpu.vector_store %arg11[%swap3A_186, %swap3A_187], %swap3A_190 {strides = array<i32>} : memref<16x128xf32, #tpu.memory_space<vmem>>, vector<1x16xf32>,
    %get3A_191 = arith.constant 0 : i32
    %get3A_192 = arith.index_cast %get3A_191 : i32 to index
    %get3A_193 = arith.constant 112 : index
    %get3A_194 = tpu.vector_load %arg11[%get3A_192, %get3A_193] {strides = array<i32>} : memref<16x128xf32, #tpu.memory_space<vmem>>, vector<1x16xf32>,
    %get3A_195 = vector.shape_cast %get3A_194 : vector<1x16xf32> to vector<16xf32>
    %get3A_196 = arith.constant 0 : i32
    %get3A_197 = arith.index_cast %get3A_196 : i32 to index
    %get3A_198 = arith.constant 112 : index
    %get3A_199 = tpu.vector_load %arg12[%get3A_197, %get3A_198] {strides = array<i32>} : memref<16x128xf32, #tpu.memory_space<vmem>>, vector<1x16xf32>,
    %get3A_200 = vector.shape_cast %get3A_199 : vector<1x16xf32> to vector<16xf32>
    %mul3A_201 = arith.mulf %get3A_195, %get3A_200 : vector<16xf32>
    %swap3A_202 = arith.constant 0 : i32
    %swap3A_203 = arith.index_cast %swap3A_202 : i32 to index
    %swap3A_204 = arith.constant 112 : index
    %swap3A_205 = tpu.vector_load %arg11[%swap3A_203, %swap3A_204] {strides = array<i32>} : memref<16x128xf32, #tpu.memory_space<vmem>>, vector<1x16xf32>,
    %swap3A_206 = vector.shape_cast %swap3A_205 : vector<1x16xf32> to vector<16xf32>
    %swap3A_207 = vector.shape_cast %mul3A_201 : vector<16xf32> to vector<1x16xf32>
    tpu.vector_store %arg11[%swap3A_203, %swap3A_204], %swap3A_207 {strides = array<i32>} : memref<16x128xf32, #tpu.memory_space<vmem>>, vector<1x16xf32>,
    %get3A_208 = arith.constant 1 : i32
    %get3A_209 = arith.index_cast %get3A_208 : i32 to index
    %get3A_210 = arith.constant 0 : index
    %get3A_211 = tpu.vector_load %arg11[%get3A_209, %get3A_210] {strides = array<i32>} : memref<16x128xf32, #tpu.memory_space<vmem>>, vector<1x16xf32>,
    %get3A_212 = vector.shape_cast %get3A_211 : vector<1x16xf32> to vector<16xf32>
    %get3A_213 = arith.constant 1 : i32
    %get3A_214 = arith.index_cast %get3A_213 : i32 to index
    %get3A_215 = arith.constant 0 : index
    %get3A_216 = tpu.vector_load %arg12[%get3A_214, %get3A_215] {strides = array<i32>} : memref<16x128xf32, #tpu.memory_space<vmem>>, vector<1x16xf32>,
    %get3A_217 = vector.shape_cast %get3A_216 : vector<1x16xf32> to vector<16xf32>
    %mul3A_218 = arith.mulf %get3A_212, %get3A_217 : vector<16xf32>
    %swap3A_219 = arith.constant 1 : i32
    %swap3A_220 = arith.index_cast %swap3A_219 : i32 to index
    %swap3A_221 = arith.constant 0 : index
    %swap3A_222 = tpu.vector_load %arg11[%swap3A_220, %swap3A_221] {strides = array<i32>} : memref<16x128xf32, #tpu.memory_space<vmem>>, vector<1x16xf32>,
    %swap3A_223 = vector.shape_cast %swap3A_222 : vector<1x16xf32> to vector<16xf32>
    %swap3A_224 = vector.shape_cast %mul3A_218 : vector<16xf32> to vector<1x16xf32>
    tpu.vector_store %arg11[%swap3A_220, %swap3A_221], %swap3A_224 {strides = array<i32>} : memref<16x128xf32, #tpu.memory_space<vmem>>, vector<1x16xf32>,
    %get3A_225 = arith.constant 1 : i32
    %get3A_226 = arith.index_cast %get3A_225 : i32 to index
    %get3A_227 = arith.constant 16 : index
    %get3A_228 = tpu.vector_load %arg11[%get3A_226, %get3A_227] {strides = array<i32>} : memref<16x128xf32, #tpu.memory_space<vmem>>, vector<1x16xf32>,
    %get3A_229 = vector.shape_cast %get3A_228 : vector<1x16xf32> to vector<16xf32>
    %get3A_230 = arith.constant 1 : i32
    %get3A_231 = arith.index_cast %get3A_230 : i32 to index
    %get3A_232 = arith.constant 16 : index
    %get3A_233 = tpu.vector_load %arg12[%get3A_231, %get3A_232] {strides = array<i32>} : memref<16x128xf32, #tpu.memory_space<vmem>>, vector<1x16xf32>,
    %get3A_234 = vector.shape_cast %get3A_233 : vector<1x16xf32> to vector<16xf32>
    %mul3A_235 = arith.mulf %get3A_229, %get3A_234 : vector<16xf32>
    %swap3A_236 = arith.constant 1 : i32
    %swap3A_237 = arith.index_cast %swap3A_236 : i32 to index
    %swap3A_238 = arith.constant 16 : index
    %swap3A_239 = tpu.vector_load %arg11[%swap3A_237, %swap3A_238] {strides = array<i32>} : memref<16x128xf32, #tpu.memory_space<vmem>>, vector<1x16xf32>,
    %swap3A_240 = vector.shape_cast %swap3A_239 : vector<1x16xf32> to vector<16xf32>
    %swap3A_241 = vector.shape_cast %mul3A_235 : vector<16xf32> to vector<1x16xf32>
    tpu.vector_store %arg11[%swap3A_237, %swap3A_238], %swap3A_241 {strides = array<i32>} : memref<16x128xf32, #tpu.memory_space<vmem>>, vector<1x16xf32>,
    %get3A_242 = arith.constant 1 : i32
    %get3A_243 = arith.index_cast %get3A_242 : i32 to index
    %get3A_244 = arith.constant 32 : index
    %get3A_245 = tpu.vector_load %arg11[%get3A_243, %get3A_244] {strides = array<i32>} : memref<16x128xf32, #tpu.memory_space<vmem>>, vector<1x16xf32>,
    %get3A_246 = vector.shape_cast %get3A_245 : vector<1x16xf32> to vector<16xf32>
    %get3A_247 = arith.constant 1 : i32
    %get3A_248 = arith.index_cast %get3A_247 : i32 to index
    %get3A_249 = arith.constant 32 : index
    %get3A_250 = tpu.vector_load %arg12[%get3A_248, %get3A_249] {strides = array<i32>} : memref<16x128xf32, #tpu.memory_space<vmem>>, vector<1x16xf32>,
    %get3A_251 = vector.shape_cast %get3A_250 : vector<1x16xf32> to vector<16xf32>
    %mul3A_252 = arith.mulf %get3A_246, %get3A_251 : vector<16xf32>
    %swap3A_253 = arith.constant 1 : i32
    %swap3A_254 = arith.index_cast %swap3A_253 : i32 to index
    %swap3A_255 = arith.constant 32 : index
    %swap3A_256 = tpu.vector_load %arg11[%swap3A_254, %swap3A_255] {strides = array<i32>} : memref<16x128xf32, #tpu.memory_space<vmem>>, vector<1x16xf32>,
    %swap3A_257 = vector.shape_cast %swap3A_256 : vector<1x16xf32> to vector<16xf32>
    %swap3A_258 = vector.shape_cast %mul3A_252 : vector<16xf32> to vector<1x16xf32>
    tpu.vector_store %arg11[%swap3A_254, %swap3A_255], %swap3A_258 {strides = array<i32>} : memref<16x128xf32, #tpu.memory_space<vmem>>, vector<1x16xf32>,
    %get3A_259 = arith.constant 1 : i32
    %get3A_260 = arith.index_cast %get3A_259 : i32 to index
    %get3A_261 = arith.constant 48 : index
    %get3A_262 = tpu.vector_load %arg11[%get3A_260, %get3A_261] {strides = array<i32>} : memref<16x128xf32, #tpu.memory_space<vmem>>, vector<1x16xf32>,
    %get3A_263 = vector.shape_cast %get3A_262 : vector<1x16xf32> to vector<16xf32>
    %get3A_264 = arith.constant 1 : i32
    %get3A_265 = arith.index_cast %get3A_264 : i32 to index
    %get3A_266 = arith.constant 48 : index
    %get3A_267 = tpu.vector_load %arg12[%get3A_265, %get3A_266] {strides = array<i32>} : memref<16x128xf32, #tpu.memory_space<vmem>>, vector<1x16xf32>,
    %get3A_268 = vector.shape_cast %get3A_267 : vector<1x16xf32> to vector<16xf32>
    %mul3A_269 = arith.mulf %get3A_263, %get3A_268 : vector<16xf32>
    %swap3A_270 = arith.constant 1 : i32
    %swap3A_271 = arith.index_cast %swap3A_270 : i32 to index
    %swap3A_272 = arith.constant 48 : index
    %swap3A_273 = tpu.vector_load %arg11[%swap3A_271, %swap3A_272] {strides = array<i32>} : memref<16x128xf32, #tpu.memory_space<vmem>>, vector<1x16xf32>,
    %swap3A_274 = vector.shape_cast %swap3A_273 : vector<1x16xf32> to vector<16xf32>
    %swap3A_275 = vector.shape_cast %mul3A_269 : vector<16xf32> to vector<1x16xf32>
    tpu.vector_store %arg11[%swap3A_271, %swap3A_272], %swap3A_275 {strides = array<i32>} : memref<16x128xf32, #tpu.memory_space<vmem>>, vector<1x16xf32>,
    %get3A_276 = arith.constant 1 : i32
    %get3A_277 = arith.index_cast %get3A_276 : i32 to index
    %get3A_278 = arith.constant 64 : index
    %get3A_279 = tpu.vector_load %arg11[%get3A_277, %get3A_278] {strides = array<i32>} : memref<16x128xf32, #tpu.memory_space<vmem>>, vector<1x16xf32>,
    %get3A_280 = vector.shape_cast %get3A_279 : vector<1x16xf32> to vector<16xf32>
    %get3A_281 = arith.constant 1 : i32
    %get3A_282 = arith.index_cast %get3A_281 : i32 to index
    %get3A_283 = arith.constant 64 : index
    %get3A_284 = tpu.vector_load %arg12[%get3A_282, %get3A_283] {strides = array<i32>} : memref<16x128xf32, #tpu.memory_space<vmem>>, vector<1x16xf32>,
    %get3A_285 = vector.shape_cast %get3A_284 : vector<1x16xf32> to vector<16xf32>
    %mul3A_286 = arith.mulf %get3A_280, %get3A_285 : vector<16xf32>
    %swap3A_287 = arith.constant 1 : i32
    %swap3A_288 = arith.index_cast %swap3A_287 : i32 to index
    %swap3A_289 = arith.constant 64 : index
    %swap3A_290 = tpu.vector_load %arg11[%swap3A_288, %swap3A_289] {strides = array<i32>} : memref<16x128xf32, #tpu.memory_space<vmem>>, vector<1x16xf32>,
    %swap3A_291 = vector.shape_cast %swap3A_290 : vector<1x16xf32> to vector<16xf32>
    %swap3A_292 = vector.shape_cast %mul3A_286 : vector<16xf32> to vector<1x16xf32>
    tpu.vector_store %arg11[%swap3A_288, %swap3A_289], %swap3A_292 {strides = array<i32>} : memref<16x128xf32, #tpu.memory_space<vmem>>, vector<1x16xf32>,
    %get3A_293 = arith.constant 1 : i32
    %get3A_294 = arith.index_cast %get3A_293 : i32 to index
    %get3A_295 = arith.constant 80 : index
    %get3A_296 = tpu.vector_load %arg11[%get3A_294, %get3A_295] {strides = array<i32>} : memref<16x128xf32, #tpu.memory_space<vmem>>, vector<1x16xf32>,
    %get3A_297 = vector.shape_cast %get3A_296 : vector<1x16xf32> to vector<16xf32>
    %get3A_298 = arith.constant 1 : i32
    %get3A_299 = arith.index_cast %get3A_298 : i32 to index
    %get3A_300 = arith.constant 80 : index
    %get3A_301 = tpu.vector_load %arg12[%get3A_299, %get3A_300] {strides = array<i32>} : memref<16x128xf32, #tpu.memory_space<vmem>>, vector<1x16xf32>,
    %get3A_302 = vector.shape_cast %get3A_301 : vector<1x16xf32> to vector<16xf32>
    %mul3A_303 = arith.mulf %get3A_297, %get3A_302 : vector<16xf32>
    %swap3A_304 = arith.constant 1 : i32
    %swap3A_305 = arith.index_cast %swap3A_304 : i32 to index
    %swap3A_306 = arith.constant 80 : index
    %swap3A_307 = tpu.vector_load %arg11[%swap3A_305, %swap3A_306] {strides = array<i32>} : memref<16x128xf32, #tpu.memory_space<vmem>>, vector<1x16xf32>,
    %swap3A_308 = vector.shape_cast %swap3A_307 : vector<1x16xf32> to vector<16xf32>
    %swap3A_309 = vector.shape_cast %mul3A_303 : vector<16xf32> to vector<1x16xf32>
    tpu.vector_store %arg11[%swap3A_305, %swap3A_306], %swap3A_309 {strides = array<i32>} : memref<16x128xf32, #tpu.memory_space<vmem>>, vector<1x16xf32>,
    %get3A_310 = arith.constant 1 : i32
    %get3A_311 = arith.index_cast %get3A_310 : i32 to index
    %get3A_312 = arith.constant 96 : index
    %get3A_313 = tpu.vector_load %arg11[%get3A_311, %get3A_312] {strides = array<i32>} : memref<16x128xf32, #tpu.memory_space<vmem>>, vector<1x16xf32>,
    %get3A_314 = vector.shape_cast %get3A_313 : vector<1x16xf32> to vector<16xf32>
    %get3A_315 = arith.constant 1 : i32
    %get3A_316 = arith.index_cast %get3A_315 : i32 to index
    %get3A_317 = arith.constant 96 : index
    %get3A_318 = tpu.vector_load %arg12[%get3A_316, %get3A_317] {strides = array<i32>} : memref<16x128xf32, #tpu.memory_space<vmem>>, vector<1x16xf32>,
    %get3A_319 = vector.shape_cast %get3A_318 : vector<1x16xf32> to vector<16xf32>
    %mul3A_320 = arith.mulf %get3A_314, %get3A_319 : vector<16xf32>
    %swap3A_321 = arith.constant 1 : i32
    %swap3A_322 = arith.index_cast %swap3A_321 : i32 to index
    %swap3A_323 = arith.constant 96 : index
    %swap3A_324 = tpu.vector_load %arg11[%swap3A_322, %swap3A_323] {strides = array<i32>} : memref<16x128xf32, #tpu.memory_space<vmem>>, vector<1x16xf32>,
    %swap3A_325 = vector.shape_cast %swap3A_324 : vector<1x16xf32> to vector<16xf32>
    %swap3A_326 = vector.shape_cast %mul3A_320 : vector<16xf32> to vector<1x16xf32>
    tpu.vector_store %arg11[%swap3A_322, %swap3A_323], %swap3A_326 {strides = array<i32>} : memref<16x128xf32, #tpu.memory_space<vmem>>, vector<1x16xf32>,
    %get3A_327 = arith.constant 1 : i32
    %get3A_328 = arith.index_cast %get3A_327 : i32 to index
    %get3A_329 = arith.constant 112 : index
    %get3A_330 = tpu.vector_load %arg11[%get3A_328, %get3A_329] {strides = array<i32>} : memref<16x128xf32, #tpu.memory_space<vmem>>, vector<1x16xf32>,
    %get3A_331 = vector.shape_cast %get3A_330 : vector<1x16xf32> to vector<16xf32>
    %get3A_332 = arith.constant 1 : i32
    %get3A_333 = arith.index_cast %get3A_332 : i32 to index
    %get3A_334 = arith.constant 112 : index
    %get3A_335 = tpu.vector_load %arg12[%get3A_333, %get3A_334] {strides = array<i32>} : memref<16x128xf32, #tpu.memory_space<vmem>>, vector<1x16xf32>,
    %get3A_336 = vector.shape_cast %get3A_335 : vector<1x16xf32> to vector<16xf32>
    %mul3A_337 = arith.mulf %get3A_331, %get3A_336 : vector<16xf32>
    %swap3A_338 = arith.constant 1 : i32
    %swap3A_339 = arith.index_cast %swap3A_338 : i32 to index
    %swap3A_340 = arith.constant 112 : index
    %swap3A_341 = tpu.vector_load %arg11[%swap3A_339, %swap3A_340] {strides = array<i32>} : memref<16x128xf32, #tpu.memory_space<vmem>>, vector<1x16xf32>,
    %swap3A_342 = vector.shape_cast %swap3A_341 : vector<1x16xf32> to vector<16xf32>
    %swap3A_343 = vector.shape_cast %mul3A_337 : vector<16xf32> to vector<1x16xf32>
    tpu.vector_store %arg11[%swap3A_339, %swap3A_340], %swap3A_343 {strides = array<i32>} : memref<16x128xf32, #tpu.memory_space<vmem>>, vector<1x16xf32>,
    %get3A_344 = arith.constant 2 : i32
    %get3A_345 = arith.index_cast %get3A_344 : i32 to index
    %get3A_346 = arith.constant 0 : index
    %get3A_347 = tpu.vector_load %arg11[%get3A_345, %get3A_346] {strides = array<i32>} : memref<16x128xf32, #tpu.memory_space<vmem>>, vector<1x16xf32>,
    %get3A_348 = vector.shape_cast %get3A_347 : vector<1x16xf32> to vector<16xf32>
    %get3A_349 = arith.constant 2 : i32
    %get3A_350 = arith.index_cast %get3A_349 : i32 to index
    %get3A_351 = arith.constant 0 : index
    %get3A_352 = tpu.vector_load %arg12[%get3A_350, %get3A_351] {strides = array<i32>} : memref<16x128xf32, #tpu.memory_space<vmem>>, vector<1x16xf32>,
    %get3A_353 = vector.shape_cast %get3A_352 : vector<1x16xf32> to vector<16xf32>
    %mul3A_354 = arith.mulf %get3A_348, %get3A_353 : vector<16xf32>
    %swap3A_355 = arith.constant 2 : i32
    %swap3A_356 = arith.index_cast %swap3A_355 : i32 to index
    %swap3A_357 = arith.constant 0 : index
    %swap3A_358 = tpu.vector_load %arg11[%swap3A_356, %swap3A_357] {strides = array<i32>} : memref<16x128xf32, #tpu.memory_space<vmem>>, vector<1x16xf32>,
    %swap3A_359 = vector.shape_cast %swap3A_358 : vector<1x16xf32> to vector<16xf32>
    %swap3A_360 = vector.shape_cast %mul3A_354 : vector<16xf32> to vector<1x16xf32>
    tpu.vector_store %arg11[%swap3A_356, %swap3A_357], %swap3A_360 {strides = array<i32>} : memref<16x128xf32, #tpu.memory_space<vmem>>, vector<1x16xf32>,
    %get3A_361 = arith.constant 2 : i32
    %get3A_362 = arith.index_cast %get3A_361 : i32 to index
    %get3A_363 = arith.constant 16 : index
    %get3A_364 = tpu.vector_load %arg11[%get3A_362, %get3A_363] {strides = array<i32>} : memref<16x128xf32, #tpu.memory_space<vmem>>, vector<1x16xf32>,
    %get3A_365 = vector.shape_cast %get3A_364 : vector<1x16xf32> to vector<16xf32>
    %get3A_366 = arith.constant 2 : i32
    %get3A_367 = arith.index_cast %get3A_366 : i32 to index
    %get3A_368 = arith.constant 16 : index
    %get3A_369 = tpu.vector_load %arg12[%get3A_367, %get3A_368] {strides = array<i32>} : memref<16x128xf32, #tpu.memory_space<vmem>>, vector<1x16xf32>,
    %get3A_370 = vector.shape_cast %get3A_369 : vector<1x16xf32> to vector<16xf32>
    %mul3A_371 = arith.mulf %get3A_365, %get3A_370 : vector<16xf32>
    %swap3A_372 = arith.constant 2 : i32
    %swap3A_373 = arith.index_cast %swap3A_372 : i32 to index
    %swap3A_374 = arith.constant 16 : index
    %swap3A_375 = tpu.vector_load %arg11[%swap3A_373, %swap3A_374] {strides = array<i32>} : memref<16x128xf32, #tpu.memory_space<vmem>>, vector<1x16xf32>,
    %swap3A_376 = vector.shape_cast %swap3A_375 : vector<1x16xf32> to vector<16xf32>
    %swap3A_377 = vector.shape_cast %mul3A_371 : vector<16xf32> to vector<1x16xf32>
    tpu.vector_store %arg11[%swap3A_373, %swap3A_374], %swap3A_377 {strides = array<i32>} : memref<16x128xf32, #tpu.memory_space<vmem>>, vector<1x16xf32>,
    %get3A_378 = arith.constant 2 : i32
    %get3A_379 = arith.index_cast %get3A_378 : i32 to index
    %get3A_380 = arith.constant 32 : index
    %get3A_381 = tpu.vector_load %arg11[%get3A_379, %get3A_380] {strides = array<i32>} : memref<16x128xf32, #tpu.memory_space<vmem>>, vector<1x16xf32>,
    %get3A_382 = vector.shape_cast %get3A_381 : vector<1x16xf32> to vector<16xf32>
    %get3A_383 = arith.constant 2 : i32
    %get3A_384 = arith.index_cast %get3A_383 : i32 to index
    %get3A_385 = arith.constant 32 : index
    %get3A_386 = tpu.vector_load %arg12[%get3A_384, %get3A_385] {strides = array<i32>} : memref<16x128xf32, #tpu.memory_space<vmem>>, vector<1x16xf32>,
    %get3A_387 = vector.shape_cast %get3A_386 : vector<1x16xf32> to vector<16xf32>
    %mul3A_388 = arith.mulf %get3A_382, %get3A_387 : vector<16xf32>
    %swap3A_389 = arith.constant 2 : i32
    %swap3A_390 = arith.index_cast %swap3A_389 : i32 to index
    %swap3A_391 = arith.constant 32 : index
    %swap3A_392 = tpu.vector_load %arg11[%swap3A_390, %swap3A_391] {strides = array<i32>} : memref<16x128xf32, #tpu.memory_space<vmem>>, vector<1x16xf32>,
    %swap3A_393 = vector.shape_cast %swap3A_392 : vector<1x16xf32> to vector<16xf32>
    %swap3A_394 = vector.shape_cast %mul3A_388 : vector<16xf32> to vector<1x16xf32>
    tpu.vector_store %arg11[%swap3A_390, %swap3A_391], %swap3A_394 {strides = array<i32>} : memref<16x128xf32, #tpu.memory_space<vmem>>, vector<1x16xf32>,
    %get3A_395 = arith.constant 2 : i32
    %get3A_396 = arith.index_cast %get3A_395 : i32 to index
    %get3A_397 = arith.constant 48 : index
    %get3A_398 = tpu.vector_load %arg11[%get3A_396, %get3A_397] {strides = array<i32>} : memref<16x128xf32, #tpu.memory_space<vmem>>, vector<1x16xf32>,
    %get3A_399 = vector.shape_cast %get3A_398 : vector<1x16xf32> to vector<16xf32>
    %get3A_400 = arith.constant 2 : i32
    %get3A_401 = arith.index_cast %get3A_400 : i32 to index
    %get3A_402 = arith.constant 48 : index
    %get3A_403 = tpu.vector_load %arg12[%get3A_401, %get3A_402] {strides = array<i32>} : memref<16x128xf32, #tpu.memory_space<vmem>>, vector<1x16xf32>,
    %get3A_404 = vector.shape_cast %get3A_403 : vector<1x16xf32> to vector<16xf32>
    %mul3A_405 = arith.mulf %get3A_399, %get3A_404 : vector<16xf32>
    %swap3A_406 = arith.constant 2 : i32
    %swap3A_407 = arith.index_cast %swap3A_406 : i32 to index
    %swap3A_408 = arith.constant 48 : index
    %swap3A_409 = tpu.vector_load %arg11[%swap3A_407, %swap3A_408] {strides = array<i32>} : memref<16x128xf32, #tpu.memory_space<vmem>>, vector<1x16xf32>,
    %swap3A_410 = vector.shape_cast %swap3A_409 : vector<1x16xf32> to vector<16xf32>
    %swap3A_411 = vector.shape_cast %mul3A_405 : vector<16xf32> to vector<1x16xf32>
    tpu.vector_store %arg11[%swap3A_407, %swap3A_408], %swap3A_411 {strides = array<i32>} : memref<16x128xf32, #tpu.memory_space<vmem>>, vector<1x16xf32>,
    %get3A_412 = arith.constant 2 : i32
    %get3A_413 = arith.index_cast %get3A_412 : i32 to index
    %get3A_414 = arith.constant 64 : index
    %get3A_415 = tpu.vector_load %arg11[%get3A_413, %get3A_414] {strides = array<i32>} : memref<16x128xf32, #tpu.memory_space<vmem>>, vector<1x16xf32>,
    %get3A_416 = vector.shape_cast %get3A_415 : vector<1x16xf32> to vector<16xf32>
    %get3A_417 = arith.constant 2 : i32
    %get3A_418 = arith.index_cast %get3A_417 : i32 to index
    %get3A_419 = arith.constant 64 : index
    %get3A_420 = tpu.vector_load %arg12[%get3A_418, %get3A_419] {strides = array<i32>} : memref<16x128xf32, #tpu.memory_space<vmem>>, vector<1x16xf32>,
    %get3A_421 = vector.shape_cast %get3A_420 : vector<1x16xf32> to vector<16xf32>
    %mul3A_422 = arith.mulf %get3A_416, %get3A_421 : vector<16xf32>
    %swap3A_423 = arith.constant 2 : i32
    %swap3A_424 = arith.index_cast %swap3A_423 : i32 to index
    %swap3A_425 = arith.constant 64 : index
    %swap3A_426 = tpu.vector_load %arg11[%swap3A_424, %swap3A_425] {strides = array<i32>} : memref<16x128xf32, #tpu.memory_space<vmem>>, vector<1x16xf32>,
    %swap3A_427 = vector.shape_cast %swap3A_426 : vector<1x16xf32> to vector<16xf32>
    %swap3A_428 = vector.shape_cast %mul3A_422 : vector<16xf32> to vector<1x16xf32>
    tpu.vector_store %arg11[%swap3A_424, %swap3A_425], %swap3A_428 {strides = array<i32>} : memref<16x128xf32, #tpu.memory_space<vmem>>, vector<1x16xf32>,
    %get3A_429 = arith.constant 2 : i32
    %get3A_430 = arith.index_cast %get3A_429 : i32 to index
    %get3A_431 = arith.constant 80 : index
    %get3A_432 = tpu.vector_load %arg11[%get3A_430, %get3A_431] {strides = array<i32>} : memref<16x128xf32, #tpu.memory_space<vmem>>, vector<1x16xf32>,
    %get3A_433 = vector.shape_cast %get3A_432 : vector<1x16xf32> to vector<16xf32>
    %get3A_434 = arith.constant 2 : i32
    %get3A_435 = arith.index_cast %get3A_434 : i32 to index
    %get3A_436 = arith.constant 80 : index
    %get3A_437 = tpu.vector_load %arg12[%get3A_435, %get3A_436] {strides = array<i32>} : memref<16x128xf32, #tpu.memory_space<vmem>>, vector<1x16xf32>,
    %get3A_438 = vector.shape_cast %get3A_437 : vector<1x16xf32> to vector<16xf32>
    %mul3A_439 = arith.mulf %get3A_433, %get3A_438 : vector<16xf32>
    %swap3A_440 = arith.constant 2 : i32
    %swap3A_441 = arith.index_cast %swap3A_440 : i32 to index
    %swap3A_442 = arith.constant 80 : index
    %swap3A_443 = tpu.vector_load %arg11[%swap3A_441, %swap3A_442] {strides = array<i32>} : memref<16x128xf32, #tpu.memory_space<vmem>>, vector<1x16xf32>,
    %swap3A_444 = vector.shape_cast %swap3A_443 : vector<1x16xf32> to vector<16xf32>
    %swap3A_445 = vector.shape_cast %mul3A_439 : vector<16xf32> to vector<1x16xf32>
    tpu.vector_store %arg11[%swap3A_441, %swap3A_442], %swap3A_445 {strides = array<i32>} : memref<16x128xf32, #tpu.memory_space<vmem>>, vector<1x16xf32>,
    %get3A_446 = arith.constant 2 : i32
    %get3A_447 = arith.index_cast %get3A_446 : i32 to index
    %get3A_448 = arith.constant 96 : index
    %get3A_449 = tpu.vector_load %arg11[%get3A_447, %get3A_448] {strides = array<i32>} : memref<16x128xf32, #tpu.memory_space<vmem>>, vector<1x16xf32>,
    %get3A_450 = vector.shape_cast %get3A_449 : vector<1x16xf32> to vector<16xf32>
    %get3A_451 = arith.constant 2 : i32
    %get3A_452 = arith.index_cast %get3A_451 : i32 to index
    %get3A_453 = arith.constant 96 : index
    %get3A_454 = tpu.vector_load %arg12[%get3A_452, %get3A_453] {strides = array<i32>} : memref<16x128xf32, #tpu.memory_space<vmem>>, vector<1x16xf32>,
    %get3A_455 = vector.shape_cast %get3A_454 : vector<1x16xf32> to vector<16xf32>
    %mul3A_456 = arith.mulf %get3A_450, %get3A_455 : vector<16xf32>
    %swap3A_457 = arith.constant 2 : i32
    %swap3A_458 = arith.index_cast %swap3A_457 : i32 to index
    %swap3A_459 = arith.constant 96 : index
    %swap3A_460 = tpu.vector_load %arg11[%swap3A_458, %swap3A_459] {strides = array<i32>} : memref<16x128xf32, #tpu.memory_space<vmem>>, vector<1x16xf32>,
    %swap3A_461 = vector.shape_cast %swap3A_460 : vector<1x16xf32> to vector<16xf32>
    %swap3A_462 = vector.shape_cast %mul3A_456 : vector<16xf32> to vector<1x16xf32>
    tpu.vector_store %arg11[%swap3A_458, %swap3A_459], %swap3A_462 {strides = array<i32>} : memref<16x128xf32, #tpu.memory_space<vmem>>, vector<1x16xf32>,
    %get3A_463 = arith.constant 2 : i32
    %get3A_464 = arith.index_cast %get3A_463 : i32 to index
    %get3A_465 = arith.constant 112 : index
    %get3A_466 = tpu.vector_load %arg11[%get3A_464, %get3A_465] {strides = array<i32>} : memref<16x128xf32, #tpu.memory_space<vmem>>, vector<1x16xf32>,
    %get3A_467 = vector.shape_cast %get3A_466 : vector<1x16xf32> to vector<16xf32>
    %get3A_468 = arith.constant 2 : i32
    %get3A_469 = arith.index_cast %get3A_468 : i32 to index
    %get3A_470 = arith.constant 112 : index
    %get3A_471 = tpu.vector_load %arg12[%get3A_469, %get3A_470] {strides = array<i32>} : memref<16x128xf32, #tpu.memory_space<vmem>>, vector<1x16xf32>,
    %get3A_472 = vector.shape_cast %get3A_471 : vector<1x16xf32> to vector<16xf32>
    %mul3A_473 = arith.mulf %get3A_467, %get3A_472 : vector<16xf32>
    %swap3A_474 = arith.constant 2 : i32
    %swap3A_475 = arith.index_cast %swap3A_474 : i32 to index
    %swap3A_476 = arith.constant 112 : index
    %swap3A_477 = tpu.vector_load %arg11[%swap3A_475, %swap3A_476] {strides = array<i32>} : memref<16x128xf32, #tpu.memory_space<vmem>>, vector<1x16xf32>,
    %swap3A_478 = vector.shape_cast %swap3A_477 : vector<1x16xf32> to vector<16xf32>
    %swap3A_479 = vector.shape_cast %mul3A_473 : vector<16xf32> to vector<1x16xf32>
    tpu.vector_store %arg11[%swap3A_475, %swap3A_476], %swap3A_479 {strides = array<i32>} : memref<16x128xf32, #tpu.memory_space<vmem>>, vector<1x16xf32>,
    %get3A_480 = arith.constant 3 : i32
    %get3A_481 = arith.index_cast %get3A_480 : i32 to index
    %get3A_482 = arith.constant 0 : index
    %get3A_483 = tpu.vector_load %arg11[%get3A_481, %get3A_482] {strides = array<i32>} : memref<16x128xf32, #tpu.memory_space<vmem>>, vector<1x16xf32>,
    %get3A_484 = vector.shape_cast %get3A_483 : vector<1x16xf32> to vector<16xf32>
    %get3A_485 = arith.constant 3 : i32
    %get3A_486 = arith.index_cast %get3A_485 : i32 to index
    %get3A_487 = arith.constant 0 : index
    %get3A_488 = tpu.vector_load %arg12[%get3A_486, %get3A_487] {strides = array<i32>} : memref<16x128xf32, #tpu.memory_space<vmem>>, vector<1x16xf32>,
    %get3A_489 = vector.shape_cast %get3A_488 : vector<1x16xf32> to vector<16xf32>
    %mul3A_490 = arith.mulf %get3A_484, %get3A_489 : vector<16xf32>
    %swap3A_491 = arith.constant 3 : i32
    %swap3A_492 = arith.index_cast %swap3A_491 : i32 to index
    %swap3A_493 = arith.constant 0 : index
    %swap3A_494 = tpu.vector_load %arg11[%swap3A_492, %swap3A_493] {strides = array<i32>} : memref<16x128xf32, #tpu.memory_space<vmem>>, vector<1x16xf32>,
    %swap3A_495 = vector.shape_cast %swap3A_494 : vector<1x16xf32> to vector<16xf32>
    %swap3A_496 = vector.shape_cast %mul3A_490 : vector<16xf32> to vector<1x16xf32>
    tpu.vector_store %arg11[%swap3A_492, %swap3A_493], %swap3A_496 {strides = array<i32>} : memref<16x128xf32, #tpu.memory_space<vmem>>, vector<1x16xf32>,
    %get3A_497 = arith.constant 3 : i32
    %get3A_498 = arith.index_cast %get3A_497 : i32 to index
    %get3A_499 = arith.constant 16 : index
    %get3A_500 = tpu.vector_load %arg11[%get3A_498, %get3A_499] {strides = array<i32>} : memref<16x128xf32, #tpu.memory_space<vmem>>, vector<1x16xf32>,
    %get3A_501 = vector.shape_cast %get3A_500 : vector<1x16xf32> to vector<16xf32>
    %get3A_502 = arith.constant 3 : i32
    %get3A_503 = arith.index_cast %get3A_502 : i32 to index
    %get3A_504 = arith.constant 16 : index
    %get3A_505 = tpu.vector_load %arg12[%get3A_503, %get3A_504] {strides = array<i32>} : memref<16x128xf32, #tpu.memory_space<vmem>>, vector<1x16xf32>,
    %get3A_506 = vector.shape_cast %get3A_505 : vector<1x16xf32> to vector<16xf32>
    %mul3A_507 = arith.mulf %get3A_501, %get3A_506 : vector<16xf32>
    %swap3A_508 = arith.constant 3 : i32
    %swap3A_509 = arith.index_cast %swap3A_508 : i32 to index
    %swap3A_510 = arith.constant 16 : index
    %swap3A_511 = tpu.vector_load %arg11[%swap3A_509, %swap3A_510] {strides = array<i32>} : memref<16x128xf32, #tpu.memory_space<vmem>>, vector<1x16xf32>,
    %swap3A_512 = vector.shape_cast %swap3A_511 : vector<1x16xf32> to vector<16xf32>
    %swap3A_513 = vector.shape_cast %mul3A_507 : vector<16xf32> to vector<1x16xf32>
    tpu.vector_store %arg11[%swap3A_509, %swap3A_510], %swap3A_513 {strides = array<i32>} : memref<16x128xf32, #tpu.memory_space<vmem>>, vector<1x16xf32>,
    %get3A_514 = arith.constant 3 : i32
    %get3A_515 = arith.index_cast %get3A_514 : i32 to index
    %get3A_516 = arith.constant 32 : index
    %get3A_517 = tpu.vector_load %arg11[%get3A_515, %get3A_516] {strides = array<i32>} : memref<16x128xf32, #tpu.memory_space<vmem>>, vector<1x16xf32>,
    %get3A_518 = vector.shape_cast %get3A_517 : vector<1x16xf32> to vector<16xf32>
    %get3A_519 = arith.constant 3 : i32
    %get3A_520 = arith.index_cast %get3A_519 : i32 to index
    %get3A_521 = arith.constant 32 : index
    %get3A_522 = tpu.vector_load %arg12[%get3A_520, %get3A_521] {strides = array<i32>} : memref<16x128xf32, #tpu.memory_space<vmem>>, vector<1x16xf32>,
    %get3A_523 = vector.shape_cast %get3A_522 : vector<1x16xf32> to vector<16xf32>
    %mul3A_524 = arith.mulf %get3A_518, %get3A_523 : vector<16xf32>
    %swap3A_525 = arith.constant 3 : i32
    %swap3A_526 = arith.index_cast %swap3A_525 : i32 to index
    %swap3A_527 = arith.constant 32 : index
    %swap3A_528 = tpu.vector_load %arg11[%swap3A_526, %swap3A_527] {strides = array<i32>} : memref<16x128xf32, #tpu.memory_space<vmem>>, vector<1x16xf32>,
    %swap3A_529 = vector.shape_cast %swap3A_528 : vector<1x16xf32> to vector<16xf32>
    %swap3A_530 = vector.shape_cast %mul3A_524 : vector<16xf32> to vector<1x16xf32>
    tpu.vector_store %arg11[%swap3A_526, %swap3A_527], %swap3A_530 {strides = array<i32>} : memref<16x128xf32, #tpu.memory_space<vmem>>, vector<1x16xf32>,
    %get3A_531 = arith.constant 3 : i32
    %get3A_532 = arith.index_cast %get3A_531 : i32 to index
    %get3A_533 = arith.constant 48 : index
    %get3A_534 = tpu.vector_load %arg11[%get3A_532, %get3A_533] {strides = array<i32>} : memref<16x128xf32, #tpu.memory_space<vmem>>, vector<1x16xf32>,
    %get3A_535 = vector.shape_cast %get3A_534 : vector<1x16xf32> to vector<16xf32>
    %get3A_536 = arith.constant 3 : i32
    %get3A_537 = arith.index_cast %get3A_536 : i32 to index
    %get3A_538 = arith.constant 48 : index
    %get3A_539 = tpu.vector_load %arg12[%get3A_537, %get3A_538] {strides = array<i32>} : memref<16x128xf32, #tpu.memory_space<vmem>>, vector<1x16xf32>,
    %get3A_540 = vector.shape_cast %get3A_539 : vector<1x16xf32> to vector<16xf32>
    %mul3A_541 = arith.mulf %get3A_535, %get3A_540 : vector<16xf32>
    %swap3A_542 = arith.constant 3 : i32
    %swap3A_543 = arith.index_cast %swap3A_542 : i32 to index
    %swap3A_544 = arith.constant 48 : index
    %swap3A_545 = tpu.vector_load %arg11[%swap3A_543, %swap3A_544] {strides = array<i32>} : memref<16x128xf32, #tpu.memory_space<vmem>>, vector<1x16xf32>,
    %swap3A_546 = vector.shape_cast %swap3A_545 : vector<1x16xf32> to vector<16xf32>
    %swap3A_547 = vector.shape_cast %mul3A_541 : vector<16xf32> to vector<1x16xf32>
    tpu.vector_store %arg11[%swap3A_543, %swap3A_544], %swap3A_547 {strides = array<i32>} : memref<16x128xf32, #tpu.memory_space<vmem>>, vector<1x16xf32>,
    %get3A_548 = arith.constant 3 : i32
    %get3A_549 = arith.index_cast %get3A_548 : i32 to index
    %get3A_550 = arith.constant 64 : index
    %get3A_551 = tpu.vector_load %arg11[%get3A_549, %get3A_550] {strides = array<i32>} : memref<16x128xf32, #tpu.memory_space<vmem>>, vector<1x16xf32>,
    %get3A_552 = vector.shape_cast %get3A_551 : vector<1x16xf32> to vector<16xf32>
    %get3A_553 = arith.constant 3 : i32
    %get3A_554 = arith.index_cast %get3A_553 : i32 to index
    %get3A_555 = arith.constant 64 : index
    %get3A_556 = tpu.vector_load %arg12[%get3A_554, %get3A_555] {strides = array<i32>} : memref<16x128xf32, #tpu.memory_space<vmem>>, vector<1x16xf32>,
    %get3A_557 = vector.shape_cast %get3A_556 : vector<1x16xf32> to vector<16xf32>
    %mul3A_558 = arith.mulf %get3A_552, %get3A_557 : vector<16xf32>
    %swap3A_559 = arith.constant 3 : i32
    %swap3A_560 = arith.index_cast %swap3A_559 : i32 to index
    %swap3A_561 = arith.constant 64 : index
    %swap3A_562 = tpu.vector_load %arg11[%swap3A_560, %swap3A_561] {strides = array<i32>} : memref<16x128xf32, #tpu.memory_space<vmem>>, vector<1x16xf32>,
    %swap3A_563 = vector.shape_cast %swap3A_562 : vector<1x16xf32> to vector<16xf32>
    %swap3A_564 = vector.shape_cast %mul3A_558 : vector<16xf32> to vector<1x16xf32>
    tpu.vector_store %arg11[%swap3A_560, %swap3A_561], %swap3A_564 {strides = array<i32>} : memref<16x128xf32, #tpu.memory_space<vmem>>, vector<1x16xf32>,
    %get3A_565 = arith.constant 3 : i32
    %get3A_566 = arith.index_cast %get3A_565 : i32 to index
    %get3A_567 = arith.constant 80 : index
    %get3A_568 = tpu.vector_load %arg11[%get3A_566, %get3A_567] {strides = array<i32>} : memref<16x128xf32, #tpu.memory_space<vmem>>, vector<1x16xf32>,
    %get3A_569 = vector.shape_cast %get3A_568 : vector<1x16xf32> to vector<16xf32>
    %get3A_570 = arith.constant 3 : i32
    %get3A_571 = arith.index_cast %get3A_570 : i32 to index
    %get3A_572 = arith.constant 80 : index
    %get3A_573 = tpu.vector_load %arg12[%get3A_571, %get3A_572] {strides = array<i32>} : memref<16x128xf32, #tpu.memory_space<vmem>>, vector<1x16xf32>,
    %get3A_574 = vector.shape_cast %get3A_573 : vector<1x16xf32> to vector<16xf32>
    %mul3A_575 = arith.mulf %get3A_569, %get3A_574 : vector<16xf32>
    %swap3A_576 = arith.constant 3 : i32
    %swap3A_577 = arith.index_cast %swap3A_576 : i32 to index
    %swap3A_578 = arith.constant 80 : index
    %swap3A_579 = tpu.vector_load %arg11[%swap3A_577, %swap3A_578] {strides = array<i32>} : memref<16x128xf32, #tpu.memory_space<vmem>>, vector<1x16xf32>,
    %swap3A_580 = vector.shape_cast %swap3A_579 : vector<1x16xf32> to vector<16xf32>
    %swap3A_581 = vector.shape_cast %mul3A_575 : vector<16xf32> to vector<1x16xf32>
    tpu.vector_store %arg11[%swap3A_577, %swap3A_578], %swap3A_581 {strides = array<i32>} : memref<16x128xf32, #tpu.memory_space<vmem>>, vector<1x16xf32>,
    %get3A_582 = arith.constant 3 : i32
    %get3A_583 = arith.index_cast %get3A_582 : i32 to index
    %get3A_584 = arith.constant 96 : index
    %get3A_585 = tpu.vector_load %arg11[%get3A_583, %get3A_584] {strides = array<i32>} : memref<16x128xf32, #tpu.memory_space<vmem>>, vector<1x16xf32>,
    %get3A_586 = vector.shape_cast %get3A_585 : vector<1x16xf32> to vector<16xf32>
    %get3A_587 = arith.constant 3 : i32
    %get3A_588 = arith.index_cast %get3A_587 : i32 to index
    %get3A_589 = arith.constant 96 : index
    %get3A_590 = tpu.vector_load %arg12[%get3A_588, %get3A_589] {strides = array<i32>} : memref<16x128xf32, #tpu.memory_space<vmem>>, vector<1x16xf32>,
    %get3A_591 = vector.shape_cast %get3A_590 : vector<1x16xf32> to vector<16xf32>
    %mul3A_592 = arith.mulf %get3A_586, %get3A_591 : vector<16xf32>
    %swap3A_593 = arith.constant 3 : i32
    %swap3A_594 = arith.index_cast %swap3A_593 : i32 to index
    %swap3A_595 = arith.constant 96 : index
    %swap3A_596 = tpu.vector_load %arg11[%swap3A_594, %swap3A_595] {strides = array<i32>} : memref<16x128xf32, #tpu.memory_space<vmem>>, vector<1x16xf32>,
    %swap3A_597 = vector.shape_cast %swap3A_596 : vector<1x16xf32> to vector<16xf32>
    %swap3A_598 = vector.shape_cast %mul3A_592 : vector<16xf32> to vector<1x16xf32>
    tpu.vector_store %arg11[%swap3A_594, %swap3A_595], %swap3A_598 {strides = array<i32>} : memref<16x128xf32, #tpu.memory_space<vmem>>, vector<1x16xf32>,
    %get3A_599 = arith.constant 3 : i32
    %get3A_600 = arith.index_cast %get3A_599 : i32 to index
    %get3A_601 = arith.constant 112 : index
    %get3A_602 = tpu.vector_load %arg11[%get3A_600, %get3A_601] {strides = array<i32>} : memref<16x128xf32, #tpu.memory_space<vmem>>, vector<1x16xf32>,
    %get3A_603 = vector.shape_cast %get3A_602 : vector<1x16xf32> to vector<16xf32>
    %get3A_604 = arith.constant 3 : i32
    %get3A_605 = arith.index_cast %get3A_604 : i32 to index
    %get3A_606 = arith.constant 112 : index
    %get3A_607 = tpu.vector_load %arg12[%get3A_605, %get3A_606] {strides = array<i32>} : memref<16x128xf32, #tpu.memory_space<vmem>>, vector<1x16xf32>,
    %get3A_608 = vector.shape_cast %get3A_607 : vector<1x16xf32> to vector<16xf32>
    %mul3A_609 = arith.mulf %get3A_603, %get3A_608 : vector<16xf32>
    %swap3A_610 = arith.constant 3 : i32
    %swap3A_611 = arith.index_cast %swap3A_610 : i32 to index
    %swap3A_612 = arith.constant 112 : index
    %swap3A_613 = tpu.vector_load %arg11[%swap3A_611, %swap3A_612] {strides = array<i32>} : memref<16x128xf32, #tpu.memory_space<vmem>>, vector<1x16xf32>,
    %swap3A_614 = vector.shape_cast %swap3A_613 : vector<1x16xf32> to vector<16xf32>
    %swap3A_615 = vector.shape_cast %mul3A_609 : vector<16xf32> to vector<1x16xf32>
    tpu.vector_store %arg11[%swap3A_611, %swap3A_612], %swap3A_615 {strides = array<i32>} : memref<16x128xf32, #tpu.memory_space<vmem>>, vector<1x16xf32>,
    %get3A_616 = arith.constant 4 : i32
    %get3A_617 = arith.index_cast %get3A_616 : i32 to index
    %get3A_618 = arith.constant 0 : index
    %get3A_619 = tpu.vector_load %arg11[%get3A_617, %get3A_618] {strides = array<i32>} : memref<16x128xf32, #tpu.memory_space<vmem>>, vector<1x16xf32>,
    %get3A_620 = vector.shape_cast %get3A_619 : vector<1x16xf32> to vector<16xf32>
    %get3A_621 = arith.constant 4 : i32
    %get3A_622 = arith.index_cast %get3A_621 : i32 to index
    %get3A_623 = arith.constant 0 : index
    %get3A_624 = tpu.vector_load %arg12[%get3A_622, %get3A_623] {strides = array<i32>} : memref<16x128xf32, #tpu.memory_space<vmem>>, vector<1x16xf32>,
    %get3A_625 = vector.shape_cast %get3A_624 : vector<1x16xf32> to vector<16xf32>
    %mul3A_626 = arith.mulf %get3A_620, %get3A_625 : vector<16xf32>
    %swap3A_627 = arith.constant 4 : i32
    %swap3A_628 = arith.index_cast %swap3A_627 : i32 to index
    %swap3A_629 = arith.constant 0 : index
    %swap3A_630 = tpu.vector_load %arg11[%swap3A_628, %swap3A_629] {strides = array<i32>} : memref<16x128xf32, #tpu.memory_space<vmem>>, vector<1x16xf32>,
    %swap3A_631 = vector.shape_cast %swap3A_630 : vector<1x16xf32> to vector<16xf32>
    %swap3A_632 = vector.shape_cast %mul3A_626 : vector<16xf32> to vector<1x16xf32>
    tpu.vector_store %arg11[%swap3A_628, %swap3A_629], %swap3A_632 {strides = array<i32>} : memref<16x128xf32, #tpu.memory_space<vmem>>, vector<1x16xf32>,
    %get3A_633 = arith.constant 4 : i32
    %get3A_634 = arith.index_cast %get3A_633 : i32 to index
    %get3A_635 = arith.constant 16 : index
    %get3A_636 = tpu.vector_load %arg11[%get3A_634, %get3A_635] {strides = array<i32>} : memref<16x128xf32, #tpu.memory_space<vmem>>, vector<1x16xf32>,
    %get3A_637 = vector.shape_cast %get3A_636 : vector<1x16xf32> to vector<16xf32>
    %get3A_638 = arith.constant 4 : i32
    %get3A_639 = arith.index_cast %get3A_638 : i32 to index
    %get3A_640 = arith.constant 16 : index
    %get3A_641 = tpu.vector_load %arg12[%get3A_639, %get3A_640] {strides = array<i32>} : memref<16x128xf32, #tpu.memory_space<vmem>>, vector<1x16xf32>,
    %get3A_642 = vector.shape_cast %get3A_641 : vector<1x16xf32> to vector<16xf32>
    %mul3A_643 = arith.mulf %get3A_637, %get3A_642 : vector<16xf32>
    %swap3A_644 = arith.constant 4 : i32
    %swap3A_645 = arith.index_cast %swap3A_644 : i32 to index
    %swap3A_646 = arith.constant 16 : index
    %swap3A_647 = tpu.vector_load %arg11[%swap3A_645, %swap3A_646] {strides = array<i32>} : memref<16x128xf32, #tpu.memory_space<vmem>>, vector<1x16xf32>,
    %swap3A_648 = vector.shape_cast %swap3A_647 : vector<1x16xf32> to vector<16xf32>
    %swap3A_649 = vector.shape_cast %mul3A_643 : vector<16xf32> to vector<1x16xf32>
    tpu.vector_store %arg11[%swap3A_645, %swap3A_646], %swap3A_649 {strides = array<i32>} : memref<16x128xf32, #tpu.memory_space<vmem>>, vector<1x16xf32>,
    %get3A_650 = arith.constant 4 : i32
    %get3A_651 = arith.index_cast %get3A_650 : i32 to index
    %get3A_652 = arith.constant 32 : index
    %get3A_653 = tpu.vector_load %arg11[%get3A_651, %get3A_652] {strides = array<i32>} : memref<16x128xf32, #tpu.memory_space<vmem>>, vector<1x16xf32>,
    %get3A_654 = vector.shape_cast %get3A_653 : vector<1x16xf32> to vector<16xf32>
    %get3A_655 = arith.constant 4 : i32
    %get3A_656 = arith.index_cast %get3A_655 : i32 to index
    %get3A_657 = arith.constant 32 : index
    %get3A_658 = tpu.vector_load %arg12[%get3A_656, %get3A_657] {strides = array<i32>} : memref<16x128xf32, #tpu.memory_space<vmem>>, vector<1x16xf32>,
    %get3A_659 = vector.shape_cast %get3A_658 : vector<1x16xf32> to vector<16xf32>
    %mul3A_660 = arith.mulf %get3A_654, %get3A_659 : vector<16xf32>
    %swap3A_661 = arith.constant 4 : i32
    %swap3A_662 = arith.index_cast %swap3A_661 : i32 to index
    %swap3A_663 = arith.constant 32 : index
    %swap3A_664 = tpu.vector_load %arg11[%swap3A_662, %swap3A_663] {strides = array<i32>} : memref<16x128xf32, #tpu.memory_space<vmem>>, vector<1x16xf32>,
    %swap3A_665 = vector.shape_cast %swap3A_664 : vector<1x16xf32> to vector<16xf32>
    %swap3A_666 = vector.shape_cast %mul3A_660 : vector<16xf32> to vector<1x16xf32>
    tpu.vector_store %arg11[%swap3A_662, %swap3A_663], %swap3A_666 {strides = array<i32>} : memref<16x128xf32, #tpu.memory_space<vmem>>, vector<1x16xf32>,
    %get3A_667 = arith.constant 4 : i32
    %get3A_668 = arith.index_cast %get3A_667 : i32 to index
    %get3A_669 = arith.constant 48 : index
    %get3A_670 = tpu.vector_load %arg11[%get3A_668, %get3A_669] {strides = array<i32>} : memref<16x128xf32, #tpu.memory_space<vmem>>, vector<1x16xf32>,
    %get3A_671 = vector.shape_cast %get3A_670 : vector<1x16xf32> to vector<16xf32>
    %get3A_672 = arith.constant 4 : i32
    %get3A_673 = arith.index_cast %get3A_672 : i32 to index
    %get3A_674 = arith.constant 48 : index
    %get3A_675 = tpu.vector_load %arg12[%get3A_673, %get3A_674] {strides = array<i32>} : memref<16x128xf32, #tpu.memory_space<vmem>>, vector<1x16xf32>,
    %get3A_676 = vector.shape_cast %get3A_675 : vector<1x16xf32> to vector<16xf32>
    %mul3A_677 = arith.mulf %get3A_671, %get3A_676 : vector<16xf32>
    %swap3A_678 = arith.constant 4 : i32
    %swap3A_679 = arith.index_cast %swap3A_678 : i32 to index
    %swap3A_680 = arith.constant 48 : index
    %swap3A_681 = tpu.vector_load %arg11[%swap3A_679, %swap3A_680] {strides = array<i32>} : memref<16x128xf32, #tpu.memory_space<vmem>>, vector<1x16xf32>,
    %swap3A_682 = vector.shape_cast %swap3A_681 : vector<1x16xf32> to vector<16xf32>
    %swap3A_683 = vector.shape_cast %mul3A_677 : vector<16xf32> to vector<1x16xf32>
    tpu.vector_store %arg11[%swap3A_679, %swap3A_680], %swap3A_683 {strides = array<i32>} : memref<16x128xf32, #tpu.memory_space<vmem>>, vector<1x16xf32>,
    %get3A_684 = arith.constant 4 : i32
    %get3A_685 = arith.index_cast %get3A_684 : i32 to index
    %get3A_686 = arith.constant 64 : index
    %get3A_687 = tpu.vector_load %arg11[%get3A_685, %get3A_686] {strides = array<i32>} : memref<16x128xf32, #tpu.memory_space<vmem>>, vector<1x16xf32>,
    %get3A_688 = vector.shape_cast %get3A_687 : vector<1x16xf32> to vector<16xf32>
    %get3A_689 = arith.constant 4 : i32
    %get3A_690 = arith.index_cast %get3A_689 : i32 to index
    %get3A_691 = arith.constant 64 : index
    %get3A_692 = tpu.vector_load %arg12[%get3A_690, %get3A_691] {strides = array<i32>} : memref<16x128xf32, #tpu.memory_space<vmem>>, vector<1x16xf32>,
    %get3A_693 = vector.shape_cast %get3A_692 : vector<1x16xf32> to vector<16xf32>
    %mul3A_694 = arith.mulf %get3A_688, %get3A_693 : vector<16xf32>
    %swap3A_695 = arith.constant 4 : i32
    %swap3A_696 = arith.index_cast %swap3A_695 : i32 to index
    %swap3A_697 = arith.constant 64 : index
    %swap3A_698 = tpu.vector_load %arg11[%swap3A_696, %swap3A_697] {strides = array<i32>} : memref<16x128xf32, #tpu.memory_space<vmem>>, vector<1x16xf32>,
    %swap3A_699 = vector.shape_cast %swap3A_698 : vector<1x16xf32> to vector<16xf32>
    %swap3A_700 = vector.shape_cast %mul3A_694 : vector<16xf32> to vector<1x16xf32>
    tpu.vector_store %arg11[%swap3A_696, %swap3A_697], %swap3A_700 {strides = array<i32>} : memref<16x128xf32, #tpu.memory_space<vmem>>, vector<1x16xf32>,
    %get3A_701 = arith.constant 4 : i32
    %get3A_702 = arith.index_cast %get3A_701 : i32 to index
    %get3A_703 = arith.constant 80 : index
    %get3A_704 = tpu.vector_load %arg11[%get3A_702, %get3A_703] {strides = array<i32>} : memref<16x128xf32, #tpu.memory_space<vmem>>, vector<1x16xf32>,
    %get3A_705 = vector.shape_cast %get3A_704 : vector<1x16xf32> to vector<16xf32>
    %get3A_706 = arith.constant 4 : i32
    %get3A_707 = arith.index_cast %get3A_706 : i32 to index
    %get3A_708 = arith.constant 80 : index
    %get3A_709 = tpu.vector_load %arg12[%get3A_707, %get3A_708] {strides = array<i32>} : memref<16x128xf32, #tpu.memory_space<vmem>>, vector<1x16xf32>,
    %get3A_710 = vector.shape_cast %get3A_709 : vector<1x16xf32> to vector<16xf32>
    %mul3A_711 = arith.mulf %get3A_705, %get3A_710 : vector<16xf32>
    %swap3A_712 = arith.constant 4 : i32
    %swap3A_713 = arith.index_cast %swap3A_712 : i32 to index
    %swap3A_714 = arith.constant 80 : index
    %swap3A_715 = tpu.vector_load %arg11[%swap3A_713, %swap3A_714] {strides = array<i32>} : memref<16x128xf32, #tpu.memory_space<vmem>>, vector<1x16xf32>,
    %swap3A_716 = vector.shape_cast %swap3A_715 : vector<1x16xf32> to vector<16xf32>
    %swap3A_717 = vector.shape_cast %mul3A_711 : vector<16xf32> to vector<1x16xf32>
    tpu.vector_store %arg11[%swap3A_713, %swap3A_714], %swap3A_717 {strides = array<i32>} : memref<16x128xf32, #tpu.memory_space<vmem>>, vector<1x16xf32>,
    %get3A_718 = arith.constant 4 : i32
    %get3A_719 = arith.index_cast %get3A_718 : i32 to index
    %get3A_720 = arith.constant 96 : index
    %get3A_721 = tpu.vector_load %arg11[%get3A_719, %get3A_720] {strides = array<i32>} : memref<16x128xf32, #tpu.memory_space<vmem>>, vector<1x16xf32>,
    %get3A_722 = vector.shape_cast %get3A_721 : vector<1x16xf32> to vector<16xf32>
    %get3A_723 = arith.constant 4 : i32
    %get3A_724 = arith.index_cast %get3A_723 : i32 to index
    %get3A_725 = arith.constant 96 : index
    %get3A_726 = tpu.vector_load %arg12[%get3A_724, %get3A_725] {strides = array<i32>} : memref<16x128xf32, #tpu.memory_space<vmem>>, vector<1x16xf32>,
    %get3A_727 = vector.shape_cast %get3A_726 : vector<1x16xf32> to vector<16xf32>
    %mul3A_728 = arith.mulf %get3A_722, %get3A_727 : vector<16xf32>
    %swap3A_729 = arith.constant 4 : i32
    %swap3A_730 = arith.index_cast %swap3A_729 : i32 to index
    %swap3A_731 = arith.constant 96 : index
    %swap3A_732 = tpu.vector_load %arg11[%swap3A_730, %swap3A_731] {strides = array<i32>} : memref<16x128xf32, #tpu.memory_space<vmem>>, vector<1x16xf32>,
    %swap3A_733 = vector.shape_cast %swap3A_732 : vector<1x16xf32> to vector<16xf32>
    %swap3A_734 = vector.shape_cast %mul3A_728 : vector<16xf32> to vector<1x16xf32>
    tpu.vector_store %arg11[%swap3A_730, %swap3A_731], %swap3A_734 {strides = array<i32>} : memref<16x128xf32, #tpu.memory_space<vmem>>, vector<1x16xf32>,
    %get3A_735 = arith.constant 4 : i32
    %get3A_736 = arith.index_cast %get3A_735 : i32 to index
    %get3A_737 = arith.constant 112 : index
    %get3A_738 = tpu.vector_load %arg11[%get3A_736, %get3A_737] {strides = array<i32>} : memref<16x128xf32, #tpu.memory_space<vmem>>, vector<1x16xf32>,
    %get3A_739 = vector.shape_cast %get3A_738 : vector<1x16xf32> to vector<16xf32>
    %get3A_740 = arith.constant 4 : i32
    %get3A_741 = arith.index_cast %get3A_740 : i32 to index
    %get3A_742 = arith.constant 112 : index
    %get3A_743 = tpu.vector_load %arg12[%get3A_741, %get3A_742] {strides = array<i32>} : memref<16x128xf32, #tpu.memory_space<vmem>>, vector<1x16xf32>,
    %get3A_744 = vector.shape_cast %get3A_743 : vector<1x16xf32> to vector<16xf32>
    %mul3A_745 = arith.mulf %get3A_739, %get3A_744 : vector<16xf32>
    %swap3A_746 = arith.constant 4 : i32
    %swap3A_747 = arith.index_cast %swap3A_746 : i32 to index
    %swap3A_748 = arith.constant 112 : index
    %swap3A_749 = tpu.vector_load %arg11[%swap3A_747, %swap3A_748] {strides = array<i32>} : memref<16x128xf32, #tpu.memory_space<vmem>>, vector<1x16xf32>,
    %swap3A_750 = vector.shape_cast %swap3A_749 : vector<1x16xf32> to vector<16xf32>
    %swap3A_751 = vector.shape_cast %mul3A_745 : vector<16xf32> to vector<1x16xf32>
    tpu.vector_store %arg11[%swap3A_747, %swap3A_748], %swap3A_751 {strides = array<i32>} : memref<16x128xf32, #tpu.memory_space<vmem>>, vector<1x16xf32>,
    %get3A_752 = arith.constant 5 : i32
    %get3A_753 = arith.index_cast %get3A_752 : i32 to index
    %get3A_754 = arith.constant 0 : index
    %get3A_755 = tpu.vector_load %arg11[%get3A_753, %get3A_754] {strides = array<i32>} : memref<16x128xf32, #tpu.memory_space<vmem>>, vector<1x16xf32>,
    %get3A_756 = vector.shape_cast %get3A_755 : vector<1x16xf32> to vector<16xf32>
    %get3A_757 = arith.constant 5 : i32
    %get3A_758 = arith.index_cast %get3A_757 : i32 to index
    %get3A_759 = arith.constant 0 : index
    %get3A_760 = tpu.vector_load %arg12[%get3A_758, %get3A_759] {strides = array<i32>} : memref<16x128xf32, #tpu.memory_space<vmem>>, vector<1x16xf32>,
    %get3A_761 = vector.shape_cast %get3A_760 : vector<1x16xf32> to vector<16xf32>
    %mul3A_762 = arith.mulf %get3A_756, %get3A_761 : vector<16xf32>
    %swap3A_763 = arith.constant 5 : i32
    %swap3A_764 = arith.index_cast %swap3A_763 : i32 to index
    %swap3A_765 = arith.constant 0 : index
    %swap3A_766 = tpu.vector_load %arg11[%swap3A_764, %swap3A_765] {strides = array<i32>} : memref<16x128xf32, #tpu.memory_space<vmem>>, vector<1x16xf32>,
    %swap3A_767 = vector.shape_cast %swap3A_766 : vector<1x16xf32> to vector<16xf32>
    %swap3A_768 = vector.shape_cast %mul3A_762 : vector<16xf32> to vector<1x16xf32>
    tpu.vector_store %arg11[%swap3A_764, %swap3A_765], %swap3A_768 {strides = array<i32>} : memref<16x128xf32, #tpu.memory_space<vmem>>, vector<1x16xf32>,
    %get3A_769 = arith.constant 5 : i32
    %get3A_770 = arith.index_cast %get3A_769 : i32 to index
    %get3A_771 = arith.constant 16 : index
    %get3A_772 = tpu.vector_load %arg11[%get3A_770, %get3A_771] {strides = array<i32>} : memref<16x128xf32, #tpu.memory_space<vmem>>, vector<1x16xf32>,
    %get3A_773 = vector.shape_cast %get3A_772 : vector<1x16xf32> to vector<16xf32>
    %get3A_774 = arith.constant 5 : i32
    %get3A_775 = arith.index_cast %get3A_774 : i32 to index
    %get3A_776 = arith.constant 16 : index
    %get3A_777 = tpu.vector_load %arg12[%get3A_775, %get3A_776] {strides = array<i32>} : memref<16x128xf32, #tpu.memory_space<vmem>>, vector<1x16xf32>,
    %get3A_778 = vector.shape_cast %get3A_777 : vector<1x16xf32> to vector<16xf32>
    %mul3A_779 = arith.mulf %get3A_773, %get3A_778 : vector<16xf32>
    %swap3A_780 = arith.constant 5 : i32
    %swap3A_781 = arith.index_cast %swap3A_780 : i32 to index
    %swap3A_782 = arith.constant 16 : index
    %swap3A_783 = tpu.vector_load %arg11[%swap3A_781, %swap3A_782] {strides = array<i32>} : memref<16x128xf32, #tpu.memory_space<vmem>>, vector<1x16xf32>,
    %swap3A_784 = vector.shape_cast %swap3A_783 : vector<1x16xf32> to vector<16xf32>
    %swap3A_785 = vector.shape_cast %mul3A_779 : vector<16xf32> to vector<1x16xf32>
    tpu.vector_store %arg11[%swap3A_781, %swap3A_782], %swap3A_785 {strides = array<i32>} : memref<16x128xf32, #tpu.memory_space<vmem>>, vector<1x16xf32>,
    %get3A_786 = arith.constant 5 : i32
    %get3A_787 = arith.index_cast %get3A_786 : i32 to index
    %get3A_788 = arith.constant 32 : index
    %get3A_789 = tpu.vector_load %arg11[%get3A_787, %get3A_788] {strides = array<i32>} : memref<16x128xf32, #tpu.memory_space<vmem>>, vector<1x16xf32>,
    %get3A_790 = vector.shape_cast %get3A_789 : vector<1x16xf32> to vector<16xf32>
    %get3A_791 = arith.constant 5 : i32
    %get3A_792 = arith.index_cast %get3A_791 : i32 to index
    %get3A_793 = arith.constant 32 : index
    %get3A_794 = tpu.vector_load %arg12[%get3A_792, %get3A_793] {strides = array<i32>} : memref<16x128xf32, #tpu.memory_space<vmem>>, vector<1x16xf32>,
    %get3A_795 = vector.shape_cast %get3A_794 : vector<1x16xf32> to vector<16xf32>
    %mul3A_796 = arith.mulf %get3A_790, %get3A_795 : vector<16xf32>
    %swap3A_797 = arith.constant 5 : i32
    %swap3A_798 = arith.index_cast %swap3A_797 : i32 to index
    %swap3A_799 = arith.constant 32 : index
    %swap3A_800 = tpu.vector_load %arg11[%swap3A_798, %swap3A_799] {strides = array<i32>} : memref<16x128xf32, #tpu.memory_space<vmem>>, vector<1x16xf32>,
    %swap3A_801 = vector.shape_cast %swap3A_800 : vector<1x16xf32> to vector<16xf32>
    %swap3A_802 = vector.shape_cast %mul3A_796 : vector<16xf32> to vector<1x16xf32>
    tpu.vector_store %arg11[%swap3A_798, %swap3A_799], %swap3A_802 {strides = array<i32>} : memref<16x128xf32, #tpu.memory_space<vmem>>, vector<1x16xf32>,
    %get3A_803 = arith.constant 5 : i32
    %get3A_804 = arith.index_cast %get3A_803 : i32 to index
    %get3A_805 = arith.constant 48 : index
    %get3A_806 = tpu.vector_load %arg11[%get3A_804, %get3A_805] {strides = array<i32>} : memref<16x128xf32, #tpu.memory_space<vmem>>, vector<1x16xf32>,
    %get3A_807 = vector.shape_cast %get3A_806 : vector<1x16xf32> to vector<16xf32>
    %get3A_808 = arith.constant 5 : i32
    %get3A_809 = arith.index_cast %get3A_808 : i32 to index
    %get3A_810 = arith.constant 48 : index
    %get3A_811 = tpu.vector_load %arg12[%get3A_809, %get3A_810] {strides = array<i32>} : memref<16x128xf32, #tpu.memory_space<vmem>>, vector<1x16xf32>,
    %get3A_812 = vector.shape_cast %get3A_811 : vector<1x16xf32> to vector<16xf32>
    %mul3A_813 = arith.mulf %get3A_807, %get3A_812 : vector<16xf32>
    %swap3A_814 = arith.constant 5 : i32
    %swap3A_815 = arith.index_cast %swap3A_814 : i32 to index
    %swap3A_816 = arith.constant 48 : index
    %swap3A_817 = tpu.vector_load %arg11[%swap3A_815, %swap3A_816] {strides = array<i32>} : memref<16x128xf32, #tpu.memory_space<vmem>>, vector<1x16xf32>,
    %swap3A_818 = vector.shape_cast %swap3A_817 : vector<1x16xf32> to vector<16xf32>
    %swap3A_819 = vector.shape_cast %mul3A_813 : vector<16xf32> to vector<1x16xf32>
    tpu.vector_store %arg11[%swap3A_815, %swap3A_816], %swap3A_819 {strides = array<i32>} : memref<16x128xf32, #tpu.memory_space<vmem>>, vector<1x16xf32>,
    %get3A_820 = arith.constant 5 : i32
    %get3A_821 = arith.index_cast %get3A_820 : i32 to index
    %get3A_822 = arith.constant 64 : index
    %get3A_823 = tpu.vector_load %arg11[%get3A_821, %get3A_822] {strides = array<i32>} : memref<16x128xf32, #tpu.memory_space<vmem>>, vector<1x16xf32>,
    %get3A_824 = vector.shape_cast %get3A_823 : vector<1x16xf32> to vector<16xf32>
    %get3A_825 = arith.constant 5 : i32
    %get3A_826 = arith.index_cast %get3A_825 : i32 to index
    %get3A_827 = arith.constant 64 : index
    %get3A_828 = tpu.vector_load %arg12[%get3A_826, %get3A_827] {strides = array<i32>} : memref<16x128xf32, #tpu.memory_space<vmem>>, vector<1x16xf32>,
    %get3A_829 = vector.shape_cast %get3A_828 : vector<1x16xf32> to vector<16xf32>
    %mul3A_830 = arith.mulf %get3A_824, %get3A_829 : vector<16xf32>
    %swap3A_831 = arith.constant 5 : i32
    %swap3A_832 = arith.index_cast %swap3A_831 : i32 to index
    %swap3A_833 = arith.constant 64 : index
    %swap3A_834 = tpu.vector_load %arg11[%swap3A_832, %swap3A_833] {strides = array<i32>} : memref<16x128xf32, #tpu.memory_space<vmem>>, vector<1x16xf32>,
    %swap3A_835 = vector.shape_cast %swap3A_834 : vector<1x16xf32> to vector<16xf32>
    %swap3A_836 = vector.shape_cast %mul3A_830 : vector<16xf32> to vector<1x16xf32>
    tpu.vector_store %arg11[%swap3A_832, %swap3A_833], %swap3A_836 {strides = array<i32>} : memref<16x128xf32, #tpu.memory_space<vmem>>, vector<1x16xf32>,
    %get3A_837 = arith.constant 5 : i32
    %get3A_838 = arith.index_cast %get3A_837 : i32 to index
    %get3A_839 = arith.constant 80 : index
    %get3A_840 = tpu.vector_load %arg11[%get3A_838, %get3A_839] {strides = array<i32>} : memref<16x128xf32, #tpu.memory_space<vmem>>, vector<1x16xf32>,
    %get3A_841 = vector.shape_cast %get3A_840 : vector<1x16xf32> to vector<16xf32>
    %get3A_842 = arith.constant 5 : i32
    %get3A_843 = arith.index_cast %get3A_842 : i32 to index
    %get3A_844 = arith.constant 80 : index
    %get3A_845 = tpu.vector_load %arg12[%get3A_843, %get3A_844] {strides = array<i32>} : memref<16x128xf32, #tpu.memory_space<vmem>>, vector<1x16xf32>,
    %get3A_846 = vector.shape_cast %get3A_845 : vector<1x16xf32> to vector<16xf32>
    %mul3A_847 = arith.mulf %get3A_841, %get3A_846 : vector<16xf32>
    %swap3A_848 = arith.constant 5 : i32
    %swap3A_849 = arith.index_cast %swap3A_848 : i32 to index
    %swap3A_850 = arith.constant 80 : index
    %swap3A_851 = tpu.vector_load %arg11[%swap3A_849, %swap3A_850] {strides = array<i32>} : memref<16x128xf32, #tpu.memory_space<vmem>>, vector<1x16xf32>,
    %swap3A_852 = vector.shape_cast %swap3A_851 : vector<1x16xf32> to vector<16xf32>
    %swap3A_853 = vector.shape_cast %mul3A_847 : vector<16xf32> to vector<1x16xf32>
    tpu.vector_store %arg11[%swap3A_849, %swap3A_850], %swap3A_853 {strides = array<i32>} : memref<16x128xf32, #tpu.memory_space<vmem>>, vector<1x16xf32>,
    %get3A_854 = arith.constant 5 : i32
    %get3A_855 = arith.index_cast %get3A_854 : i32 to index
    %get3A_856 = arith.constant 96 : index
    %get3A_857 = tpu.vector_load %arg11[%get3A_855, %get3A_856] {strides = array<i32>} : memref<16x128xf32, #tpu.memory_space<vmem>>, vector<1x16xf32>,
    %get3A_858 = vector.shape_cast %get3A_857 : vector<1x16xf32> to vector<16xf32>
    %get3A_859 = arith.constant 5 : i32
    %get3A_860 = arith.index_cast %get3A_859 : i32 to index
    %get3A_861 = arith.constant 96 : index
    %get3A_862 = tpu.vector_load %arg12[%get3A_860, %get3A_861] {strides = array<i32>} : memref<16x128xf32, #tpu.memory_space<vmem>>, vector<1x16xf32>,
    %get3A_863 = vector.shape_cast %get3A_862 : vector<1x16xf32> to vector<16xf32>
    %mul3A_864 = arith.mulf %get3A_858, %get3A_863 : vector<16xf32>
    %swap3A_865 = arith.constant 5 : i32
    %swap3A_866 = arith.index_cast %swap3A_865 : i32 to index
    %swap3A_867 = arith.constant 96 : index
    %swap3A_868 = tpu.vector_load %arg11[%swap3A_866, %swap3A_867] {strides = array<i32>} : memref<16x128xf32, #tpu.memory_space<vmem>>, vector<1x16xf32>,
    %swap3A_869 = vector.shape_cast %swap3A_868 : vector<1x16xf32> to vector<16xf32>
    %swap3A_870 = vector.shape_cast %mul3A_864 : vector<16xf32> to vector<1x16xf32>
    tpu.vector_store %arg11[%swap3A_866, %swap3A_867], %swap3A_870 {strides = array<i32>} : memref<16x128xf32, #tpu.memory_space<vmem>>, vector<1x16xf32>,
    %get3A_871 = arith.constant 5 : i32
    %get3A_872 = arith.index_cast %get3A_871 : i32 to index
    %get3A_873 = arith.constant 112 : index
    %get3A_874 = tpu.vector_load %arg11[%get3A_872, %get3A_873] {strides = array<i32>} : memref<16x128xf32, #tpu.memory_space<vmem>>, vector<1x16xf32>,
    %get3A_875 = vector.shape_cast %get3A_874 : vector<1x16xf32> to vector<16xf32>
    %get3A_876 = arith.constant 5 : i32
    %get3A_877 = arith.index_cast %get3A_876 : i32 to index
    %get3A_878 = arith.constant 112 : index
    %get3A_879 = tpu.vector_load %arg12[%get3A_877, %get3A_878] {strides = array<i32>} : memref<16x128xf32, #tpu.memory_space<vmem>>, vector<1x16xf32>,
    %get3A_880 = vector.shape_cast %get3A_879 : vector<1x16xf32> to vector<16xf32>
    %mul3A_881 = arith.mulf %get3A_875, %get3A_880 : vector<16xf32>
    %swap3A_882 = arith.constant 5 : i32
    %swap3A_883 = arith.index_cast %swap3A_882 : i32 to index
    %swap3A_884 = arith.constant 112 : index
    %swap3A_885 = tpu.vector_load %arg11[%swap3A_883, %swap3A_884] {strides = array<i32>} : memref<16x128xf32, #tpu.memory_space<vmem>>, vector<1x16xf32>,
    %swap3A_886 = vector.shape_cast %swap3A_885 : vector<1x16xf32> to vector<16xf32>
    %swap3A_887 = vector.shape_cast %mul3A_881 : vector<16xf32> to vector<1x16xf32>
    tpu.vector_store %arg11[%swap3A_883, %swap3A_884], %swap3A_887 {strides = array<i32>} : memref<16x128xf32, #tpu.memory_space<vmem>>, vector<1x16xf32>,
    %get3A_888 = arith.constant 6 : i32
    %get3A_889 = arith.index_cast %get3A_888 : i32 to index
    %get3A_890 = arith.constant 0 : index
    %get3A_891 = tpu.vector_load %arg11[%get3A_889, %get3A_890] {strides = array<i32>} : memref<16x128xf32, #tpu.memory_space<vmem>>, vector<1x16xf32>,
    %get3A_892 = vector.shape_cast %get3A_891 : vector<1x16xf32> to vector<16xf32>
    %get3A_893 = arith.constant 6 : i32
    %get3A_894 = arith.index_cast %get3A_893 : i32 to index
    %get3A_895 = arith.constant 0 : index
    %get3A_896 = tpu.vector_load %arg12[%get3A_894, %get3A_895] {strides = array<i32>} : memref<16x128xf32, #tpu.memory_space<vmem>>, vector<1x16xf32>,
    %get3A_897 = vector.shape_cast %get3A_896 : vector<1x16xf32> to vector<16xf32>
    %mul3A_898 = arith.mulf %get3A_892, %get3A_897 : vector<16xf32>
    %swap3A_899 = arith.constant 6 : i32
    %swap3A_900 = arith.index_cast %swap3A_899 : i32 to index
    %swap3A_901 = arith.constant 0 : index
    %swap3A_902 = tpu.vector_load %arg11[%swap3A_900, %swap3A_901] {strides = array<i32>} : memref<16x128xf32, #tpu.memory_space<vmem>>, vector<1x16xf32>,
    %swap3A_903 = vector.shape_cast %swap3A_902 : vector<1x16xf32> to vector<16xf32>
    %swap3A_904 = vector.shape_cast %mul3A_898 : vector<16xf32> to vector<1x16xf32>
    tpu.vector_store %arg11[%swap3A_900, %swap3A_901], %swap3A_904 {strides = array<i32>} : memref<16x128xf32, #tpu.memory_space<vmem>>, vector<1x16xf32>,
    %get3A_905 = arith.constant 6 : i32
    %get3A_906 = arith.index_cast %get3A_905 : i32 to index
    %get3A_907 = arith.constant 16 : index
    %get3A_908 = tpu.vector_load %arg11[%get3A_906, %get3A_907] {strides = array<i32>} : memref<16x128xf32, #tpu.memory_space<vmem>>, vector<1x16xf32>,
    %get3A_909 = vector.shape_cast %get3A_908 : vector<1x16xf32> to vector<16xf32>
    %get3A_910 = arith.constant 6 : i32
    %get3A_911 = arith.index_cast %get3A_910 : i32 to index
    %get3A_912 = arith.constant 16 : index
    %get3A_913 = tpu.vector_load %arg12[%get3A_911, %get3A_912] {strides = array<i32>} : memref<16x128xf32, #tpu.memory_space<vmem>>, vector<1x16xf32>,
    %get3A_914 = vector.shape_cast %get3A_913 : vector<1x16xf32> to vector<16xf32>
    %mul3A_915 = arith.mulf %get3A_909, %get3A_914 : vector<16xf32>
    %swap3A_916 = arith.constant 6 : i32
    %swap3A_917 = arith.index_cast %swap3A_916 : i32 to index
    %swap3A_918 = arith.constant 16 : index
    %swap3A_919 = tpu.vector_load %arg11[%swap3A_917, %swap3A_918] {strides = array<i32>} : memref<16x128xf32, #tpu.memory_space<vmem>>, vector<1x16xf32>,
    %swap3A_920 = vector.shape_cast %swap3A_919 : vector<1x16xf32> to vector<16xf32>
    %swap3A_921 = vector.shape_cast %mul3A_915 : vector<16xf32> to vector<1x16xf32>
    tpu.vector_store %arg11[%swap3A_917, %swap3A_918], %swap3A_921 {strides = array<i32>} : memref<16x128xf32, #tpu.memory_space<vmem>>, vector<1x16xf32>,
    %get3A_922 = arith.constant 6 : i32
    %get3A_923 = arith.index_cast %get3A_922 : i32 to index
    %get3A_924 = arith.constant 32 : index
    %get3A_925 = tpu.vector_load %arg11[%get3A_923, %get3A_924] {strides = array<i32>} : memref<16x128xf32, #tpu.memory_space<vmem>>, vector<1x16xf32>,
    %get3A_926 = vector.shape_cast %get3A_925 : vector<1x16xf32> to vector<16xf32>
    %get3A_927 = arith.constant 6 : i32
    %get3A_928 = arith.index_cast %get3A_927 : i32 to index
    %get3A_929 = arith.constant 32 : index
    %get3A_930 = tpu.vector_load %arg12[%get3A_928, %get3A_929] {strides = array<i32>} : memref<16x128xf32, #tpu.memory_space<vmem>>, vector<1x16xf32>,
    %get3A_931 = vector.shape_cast %get3A_930 : vector<1x16xf32> to vector<16xf32>
    %mul3A_932 = arith.mulf %get3A_926, %get3A_931 : vector<16xf32>
    %swap3A_933 = arith.constant 6 : i32
    %swap3A_934 = arith.index_cast %swap3A_933 : i32 to index
    %swap3A_935 = arith.constant 32 : index
    %swap3A_936 = tpu.vector_load %arg11[%swap3A_934, %swap3A_935] {strides = array<i32>} : memref<16x128xf32, #tpu.memory_space<vmem>>, vector<1x16xf32>,
    %swap3A_937 = vector.shape_cast %swap3A_936 : vector<1x16xf32> to vector<16xf32>
    %swap3A_938 = vector.shape_cast %mul3A_932 : vector<16xf32> to vector<1x16xf32>
    tpu.vector_store %arg11[%swap3A_934, %swap3A_935], %swap3A_938 {strides = array<i32>} : memref<16x128xf32, #tpu.memory_space<vmem>>, vector<1x16xf32>,
    %get3A_939 = arith.constant 6 : i32
    %get3A_940 = arith.index_cast %get3A_939 : i32 to index
    %get3A_941 = arith.constant 48 : index
    %get3A_942 = tpu.vector_load %arg11[%get3A_940, %get3A_941] {strides = array<i32>} : memref<16x128xf32, #tpu.memory_space<vmem>>, vector<1x16xf32>,
    %get3A_943 = vector.shape_cast %get3A_942 : vector<1x16xf32> to vector<16xf32>
    %get3A_944 = arith.constant 6 : i32
    %get3A_945 = arith.index_cast %get3A_944 : i32 to index
    %get3A_946 = arith.constant 48 : index
    %get3A_947 = tpu.vector_load %arg12[%get3A_945, %get3A_946] {strides = array<i32>} : memref<16x128xf32, #tpu.memory_space<vmem>>, vector<1x16xf32>,
    %get3A_948 = vector.shape_cast %get3A_947 : vector<1x16xf32> to vector<16xf32>
    %mul3A_949 = arith.mulf %get3A_943, %get3A_948 : vector<16xf32>
    %swap3A_950 = arith.constant 6 : i32
    %swap3A_951 = arith.index_cast %swap3A_950 : i32 to index
    %swap3A_952 = arith.constant 48 : index
    %swap3A_953 = tpu.vector_load %arg11[%swap3A_951, %swap3A_952] {strides = array<i32>} : memref<16x128xf32, #tpu.memory_space<vmem>>, vector<1x16xf32>,
    %swap3A_954 = vector.shape_cast %swap3A_953 : vector<1x16xf32> to vector<16xf32>
    %swap3A_955 = vector.shape_cast %mul3A_949 : vector<16xf32> to vector<1x16xf32>
    tpu.vector_store %arg11[%swap3A_951, %swap3A_952], %swap3A_955 {strides = array<i32>} : memref<16x128xf32, #tpu.memory_space<vmem>>, vector<1x16xf32>,
    %get3A_956 = arith.constant 6 : i32
    %get3A_957 = arith.index_cast %get3A_956 : i32 to index
    %get3A_958 = arith.constant 64 : index
    %get3A_959 = tpu.vector_load %arg11[%get3A_957, %get3A_958] {strides = array<i32>} : memref<16x128xf32, #tpu.memory_space<vmem>>, vector<1x16xf32>,
    %get3A_960 = vector.shape_cast %get3A_959 : vector<1x16xf32> to vector<16xf32>
    %get3A_961 = arith.constant 6 : i32
    %get3A_962 = arith.index_cast %get3A_961 : i32 to index
    %get3A_963 = arith.constant 64 : index
    %get3A_964 = tpu.vector_load %arg12[%get3A_962, %get3A_963] {strides = array<i32>} : memref<16x128xf32, #tpu.memory_space<vmem>>, vector<1x16xf32>,
    %get3A_965 = vector.shape_cast %get3A_964 : vector<1x16xf32> to vector<16xf32>
    %mul3A_966 = arith.mulf %get3A_960, %get3A_965 : vector<16xf32>
    %swap3A_967 = arith.constant 6 : i32
    %swap3A_968 = arith.index_cast %swap3A_967 : i32 to index
    %swap3A_969 = arith.constant 64 : index
    %swap3A_970 = tpu.vector_load %arg11[%swap3A_968, %swap3A_969] {strides = array<i32>} : memref<16x128xf32, #tpu.memory_space<vmem>>, vector<1x16xf32>,
    %swap3A_971 = vector.shape_cast %swap3A_970 : vector<1x16xf32> to vector<16xf32>
    %swap3A_972 = vector.shape_cast %mul3A_966 : vector<16xf32> to vector<1x16xf32>
    tpu.vector_store %arg11[%swap3A_968, %swap3A_969], %swap3A_972 {strides = array<i32>} : memref<16x128xf32, #tpu.memory_space<vmem>>, vector<1x16xf32>,
    %get3A_973 = arith.constant 6 : i32
    %get3A_974 = arith.index_cast %get3A_973 : i32 to index
    %get3A_975 = arith.constant 80 : index
    %get3A_976 = tpu.vector_load %arg11[%get3A_974, %get3A_975] {strides = array<i32>} : memref<16x128xf32, #tpu.memory_space<vmem>>, vector<1x16xf32>,
    %get3A_977 = vector.shape_cast %get3A_976 : vector<1x16xf32> to vector<16xf32>
    %get3A_978 = arith.constant 6 : i32
    %get3A_979 = arith.index_cast %get3A_978 : i32 to index
    %get3A_980 = arith.constant 80 : index
    %get3A_981 = tpu.vector_load %arg12[%get3A_979, %get3A_980] {strides = array<i32>} : memref<16x128xf32, #tpu.memory_space<vmem>>, vector<1x16xf32>,
    %get3A_982 = vector.shape_cast %get3A_981 : vector<1x16xf32> to vector<16xf32>
    %mul3A_983 = arith.mulf %get3A_977, %get3A_982 : vector<16xf32>
    %swap3A_984 = arith.constant 6 : i32
    %swap3A_985 = arith.index_cast %swap3A_984 : i32 to index
    %swap3A_986 = arith.constant 80 : index
    %swap3A_987 = tpu.vector_load %arg11[%swap3A_985, %swap3A_986] {strides = array<i32>} : memref<16x128xf32, #tpu.memory_space<vmem>>, vector<1x16xf32>,
    %swap3A_988 = vector.shape_cast %swap3A_987 : vector<1x16xf32> to vector<16xf32>
    %swap3A_989 = vector.shape_cast %mul3A_983 : vector<16xf32> to vector<1x16xf32>
    tpu.vector_store %arg11[%swap3A_985, %swap3A_986], %swap3A_989 {strides = array<i32>} : memref<16x128xf32, #tpu.memory_space<vmem>>, vector<1x16xf32>,
    %get3A_990 = arith.constant 6 : i32
    %get3A_991 = arith.index_cast %get3A_990 : i32 to index
    %get3A_992 = arith.constant 96 : index
    %get3A_993 = tpu.vector_load %arg11[%get3A_991, %get3A_992] {strides = array<i32>} : memref<16x128xf32, #tpu.memory_space<vmem>>, vector<1x16xf32>,
    %get3A_994 = vector.shape_cast %get3A_993 : vector<1x16xf32> to vector<16xf32>
    %get3A_995 = arith.constant 6 : i32
    %get3A_996 = arith.index_cast %get3A_995 : i32 to index
    %get3A_997 = arith.constant 96 : index
    %get3A_998 = tpu.vector_load %arg12[%get3A_996, %get3A_997] {strides = array<i32>} : memref<16x128xf32, #tpu.memory_space<vmem>>, vector<1x16xf32>,
    %get3A_999 = vector.shape_cast %get3A_998 : vector<1x16xf32> to vector<16xf32>
    %mul3A_1000 = arith.mulf %get3A_994, %get3A_999 : vector<16xf32>
    %swap3A_1001 = arith.constant 6 : i32
    %swap3A_1002 = arith.index_cast %swap3A_1001 : i32 to index
    %swap3A_1003 = arith.constant 96 : index
    %swap3A_1004 = tpu.vector_load %arg11[%swap3A_1002, %swap3A_1003] {strides = array<i32>} : memref<16x128xf32, #tpu.memory_space<vmem>>, vector<1x16xf32>,
    %swap3A_1005 = vector.shape_cast %swap3A_1004 : vector<1x16xf32> to vector<16xf32>
    %swap3A_1006 = vector.shape_cast %mul3A_1000 : vector<16xf32> to vector<1x16xf32>
    tpu.vector_store %arg11[%swap3A_1002, %swap3A_1003], %swap3A_1006 {strides = array<i32>} : memref<16x128xf32, #tpu.memory_space<vmem>>, vector<1x16xf32>,
    %get3A_1007 = arith.constant 6 : i32
    %get3A_1008 = arith.index_cast %get3A_1007 : i32 to index
    %get3A_1009 = arith.constant 112 : index
    %get3A_1010 = tpu.vector_load %arg11[%get3A_1008, %get3A_1009] {strides = array<i32>} : memref<16x128xf32, #tpu.memory_space<vmem>>, vector<1x16xf32>,
    %get3A_1011 = vector.shape_cast %get3A_1010 : vector<1x16xf32> to vector<16xf32>
    %get3A_1012 = arith.constant 6 : i32
    %get3A_1013 = arith.index_cast %get3A_1012 : i32 to index
    %get3A_1014 = arith.constant 112 : index
    %get3A_1015 = tpu.vector_load %arg12[%get3A_1013, %get3A_1014] {strides = array<i32>} : memref<16x128xf32, #tpu.memory_space<vmem>>, vector<1x16xf32>,
    %get3A_1016 = vector.shape_cast %get3A_1015 : vector<1x16xf32> to vector<16xf32>
    %mul3A_1017 = arith.mulf %get3A_1011, %get3A_1016 : vector<16xf32>
    %swap3A_1018 = arith.constant 6 : i32
    %swap3A_1019 = arith.index_cast %swap3A_1018 : i32 to index
    %swap3A_1020 = arith.constant 112 : index
    %swap3A_1021 = tpu.vector_load %arg11[%swap3A_1019, %swap3A_1020] {strides = array<i32>} : memref<16x128xf32, #tpu.memory_space<vmem>>, vector<1x16xf32>,
    %swap3A_1022 = vector.shape_cast %swap3A_1021 : vector<1x16xf32> to vector<16xf32>
    %swap3A_1023 = vector.shape_cast %mul3A_1017 : vector<16xf32> to vector<1x16xf32>
    tpu.vector_store %arg11[%swap3A_1019, %swap3A_1020], %swap3A_1023 {strides = array<i32>} : memref<16x128xf32, #tpu.memory_space<vmem>>, vector<1x16xf32>,
    %get3A_1024 = arith.constant 7 : i32
    %get3A_1025 = arith.index_cast %get3A_1024 : i32 to index
    %get3A_1026 = arith.constant 0 : index
    %get3A_1027 = tpu.vector_load %arg11[%get3A_1025, %get3A_1026] {strides = array<i32>} : memref<16x128xf32, #tpu.memory_space<vmem>>, vector<1x16xf32>,
    %get3A_1028 = vector.shape_cast %get3A_1027 : vector<1x16xf32> to vector<16xf32>
    %get3A_1029 = arith.constant 7 : i32
    %get3A_1030 = arith.index_cast %get3A_1029 : i32 to index
    %get3A_1031 = arith.constant 0 : index
    %get3A_1032 = tpu.vector_load %arg12[%get3A_1030, %get3A_1031] {strides = array<i32>} : memref<16x128xf32, #tpu.memory_space<vmem>>, vector<1x16xf32>,
    %get3A_1033 = vector.shape_cast %get3A_1032 : vector<1x16xf32> to vector<16xf32>
    %mul3A_1034 = arith.mulf %get3A_1028, %get3A_1033 : vector<16xf32>
    %swap3A_1035 = arith.constant 7 : i32
    %swap3A_1036 = arith.index_cast %swap3A_1035 : i32 to index
    %swap3A_1037 = arith.constant 0 : index
    %swap3A_1038 = tpu.vector_load %arg11[%swap3A_1036, %swap3A_1037] {strides = array<i32>} : memref<16x128xf32, #tpu.memory_space<vmem>>, vector<1x16xf32>,
    %swap3A_1039 = vector.shape_cast %swap3A_1038 : vector<1x16xf32> to vector<16xf32>
    %swap3A_1040 = vector.shape_cast %mul3A_1034 : vector<16xf32> to vector<1x16xf32>
    tpu.vector_store %arg11[%swap3A_1036, %swap3A_1037], %swap3A_1040 {strides = array<i32>} : memref<16x128xf32, #tpu.memory_space<vmem>>, vector<1x16xf32>,
    %get3A_1041 = arith.constant 7 : i32
    %get3A_1042 = arith.index_cast %get3A_1041 : i32 to index
    %get3A_1043 = arith.constant 16 : index
    %get3A_1044 = tpu.vector_load %arg11[%get3A_1042, %get3A_1043] {strides = array<i32>} : memref<16x128xf32, #tpu.memory_space<vmem>>, vector<1x16xf32>,
    %get3A_1045 = vector.shape_cast %get3A_1044 : vector<1x16xf32> to vector<16xf32>
    %get3A_1046 = arith.constant 7 : i32
    %get3A_1047 = arith.index_cast %get3A_1046 : i32 to index
    %get3A_1048 = arith.constant 16 : index
    %get3A_1049 = tpu.vector_load %arg12[%get3A_1047, %get3A_1048] {strides = array<i32>} : memref<16x128xf32, #tpu.memory_space<vmem>>, vector<1x16xf32>,
    %get3A_1050 = vector.shape_cast %get3A_1049 : vector<1x16xf32> to vector<16xf32>
    %mul3A_1051 = arith.mulf %get3A_1045, %get3A_1050 : vector<16xf32>
    %swap3A_1052 = arith.constant 7 : i32
    %swap3A_1053 = arith.index_cast %swap3A_1052 : i32 to index
    %swap3A_1054 = arith.constant 16 : index
    %swap3A_1055 = tpu.vector_load %arg11[%swap3A_1053, %swap3A_1054] {strides = array<i32>} : memref<16x128xf32, #tpu.memory_space<vmem>>, vector<1x16xf32>,
    %swap3A_1056 = vector.shape_cast %swap3A_1055 : vector<1x16xf32> to vector<16xf32>
    %swap3A_1057 = vector.shape_cast %mul3A_1051 : vector<16xf32> to vector<1x16xf32>
    tpu.vector_store %arg11[%swap3A_1053, %swap3A_1054], %swap3A_1057 {strides = array<i32>} : memref<16x128xf32, #tpu.memory_space<vmem>>, vector<1x16xf32>,
    %get3A_1058 = arith.constant 7 : i32
    %get3A_1059 = arith.index_cast %get3A_1058 : i32 to index
    %get3A_1060 = arith.constant 32 : index
    %get3A_1061 = tpu.vector_load %arg11[%get3A_1059, %get3A_1060] {strides = array<i32>} : memref<16x128xf32, #tpu.memory_space<vmem>>, vector<1x16xf32>,
    %get3A_1062 = vector.shape_cast %get3A_1061 : vector<1x16xf32> to vector<16xf32>
    %get3A_1063 = arith.constant 7 : i32
    %get3A_1064 = arith.index_cast %get3A_1063 : i32 to index
    %get3A_1065 = arith.constant 32 : index
    %get3A_1066 = tpu.vector_load %arg12[%get3A_1064, %get3A_1065] {strides = array<i32>} : memref<16x128xf32, #tpu.memory_space<vmem>>, vector<1x16xf32>,
    %get3A_1067 = vector.shape_cast %get3A_1066 : vector<1x16xf32> to vector<16xf32>
    %mul3A_1068 = arith.mulf %get3A_1062, %get3A_1067 : vector<16xf32>
    %swap3A_1069 = arith.constant 7 : i32
    %swap3A_1070 = arith.index_cast %swap3A_1069 : i32 to index
    %swap3A_1071 = arith.constant 32 : index
    %swap3A_1072 = tpu.vector_load %arg11[%swap3A_1070, %swap3A_1071] {strides = array<i32>} : memref<16x128xf32, #tpu.memory_space<vmem>>, vector<1x16xf32>,
    %swap3A_1073 = vector.shape_cast %swap3A_1072 : vector<1x16xf32> to vector<16xf32>
    %swap3A_1074 = vector.shape_cast %mul3A_1068 : vector<16xf32> to vector<1x16xf32>
    tpu.vector_store %arg11[%swap3A_1070, %swap3A_1071], %swap3A_1074 {strides = array<i32>} : memref<16x128xf32, #tpu.memory_space<vmem>>, vector<1x16xf32>,
    %get3A_1075 = arith.constant 7 : i32
    %get3A_1076 = arith.index_cast %get3A_1075 : i32 to index
    %get3A_1077 = arith.constant 48 : index
    %get3A_1078 = tpu.vector_load %arg11[%get3A_1076, %get3A_1077] {strides = array<i32>} : memref<16x128xf32, #tpu.memory_space<vmem>>, vector<1x16xf32>,
    %get3A_1079 = vector.shape_cast %get3A_1078 : vector<1x16xf32> to vector<16xf32>
    %get3A_1080 = arith.constant 7 : i32
    %get3A_1081 = arith.index_cast %get3A_1080 : i32 to index
    %get3A_1082 = arith.constant 48 : index
    %get3A_1083 = tpu.vector_load %arg12[%get3A_1081, %get3A_1082] {strides = array<i32>} : memref<16x128xf32, #tpu.memory_space<vmem>>, vector<1x16xf32>,
    %get3A_1084 = vector.shape_cast %get3A_1083 : vector<1x16xf32> to vector<16xf32>
    %mul3A_1085 = arith.mulf %get3A_1079, %get3A_1084 : vector<16xf32>
    %swap3A_1086 = arith.constant 7 : i32
    %swap3A_1087 = arith.index_cast %swap3A_1086 : i32 to index
    %swap3A_1088 = arith.constant 48 : index
    %swap3A_1089 = tpu.vector_load %arg11[%swap3A_1087, %swap3A_1088] {strides = array<i32>} : memref<16x128xf32, #tpu.memory_space<vmem>>, vector<1x16xf32>,
    %swap3A_1090 = vector.shape_cast %swap3A_1089 : vector<1x16xf32> to vector<16xf32>
    %swap3A_1091 = vector.shape_cast %mul3A_1085 : vector<16xf32> to vector<1x16xf32>
    tpu.vector_store %arg11[%swap3A_1087, %swap3A_1088], %swap3A_1091 {strides = array<i32>} : memref<16x128xf32, #tpu.memory_space<vmem>>, vector<1x16xf32>,
    %get3A_1092 = arith.constant 7 : i32
    %get3A_1093 = arith.index_cast %get3A_1092 : i32 to index
    %get3A_1094 = arith.constant 64 : index
    %get3A_1095 = tpu.vector_load %arg11[%get3A_1093, %get3A_1094] {strides = array<i32>} : memref<16x128xf32, #tpu.memory_space<vmem>>, vector<1x16xf32>,
    %get3A_1096 = vector.shape_cast %get3A_1095 : vector<1x16xf32> to vector<16xf32>
    %get3A_1097 = arith.constant 7 : i32
    %get3A_1098 = arith.index_cast %get3A_1097 : i32 to index
    %get3A_1099 = arith.constant 64 : index
    %get3A_1100 = tpu.vector_load %arg12[%get3A_1098, %get3A_1099] {strides = array<i32>} : memref<16x128xf32, #tpu.memory_space<vmem>>, vector<1x16xf32>,
    %get3A_1101 = vector.shape_cast %get3A_1100 : vector<1x16xf32> to vector<16xf32>
    %mul3A_1102 = arith.mulf %get3A_1096, %get3A_1101 : vector<16xf32>
    %swap3A_1103 = arith.constant 7 : i32
    %swap3A_1104 = arith.index_cast %swap3A_1103 : i32 to index
    %swap3A_1105 = arith.constant 64 : index
    %swap3A_1106 = tpu.vector_load %arg11[%swap3A_1104, %swap3A_1105] {strides = array<i32>} : memref<16x128xf32, #tpu.memory_space<vmem>>, vector<1x16xf32>,
    %swap3A_1107 = vector.shape_cast %swap3A_1106 : vector<1x16xf32> to vector<16xf32>
    %swap3A_1108 = vector.shape_cast %mul3A_1102 : vector<16xf32> to vector<1x16xf32>
    tpu.vector_store %arg11[%swap3A_1104, %swap3A_1105], %swap3A_1108 {strides = array<i32>} : memref<16x128xf32, #tpu.memory_space<vmem>>, vector<1x16xf32>,
    %get3A_1109 = arith.constant 7 : i32
    %get3A_1110 = arith.index_cast %get3A_1109 : i32 to index
    %get3A_1111 = arith.constant 80 : index
    %get3A_1112 = tpu.vector_load %arg11[%get3A_1110, %get3A_1111] {strides = array<i32>} : memref<16x128xf32, #tpu.memory_space<vmem>>, vector<1x16xf32>,
    %get3A_1113 = vector.shape_cast %get3A_1112 : vector<1x16xf32> to vector<16xf32>
    %get3A_1114 = arith.constant 7 : i32
    %get3A_1115 = arith.index_cast %get3A_1114 : i32 to index
    %get3A_1116 = arith.constant 80 : index
    %get3A_1117 = tpu.vector_load %arg12[%get3A_1115, %get3A_1116] {strides = array<i32>} : memref<16x128xf32, #tpu.memory_space<vmem>>, vector<1x16xf32>,
    %get3A_1118 = vector.shape_cast %get3A_1117 : vector<1x16xf32> to vector<16xf32>
    %mul3A_1119 = arith.mulf %get3A_1113, %get3A_1118 : vector<16xf32>
    %swap3A_1120 = arith.constant 7 : i32
    %swap3A_1121 = arith.index_cast %swap3A_1120 : i32 to index
    %swap3A_1122 = arith.constant 80 : index
    %swap3A_1123 = tpu.vector_load %arg11[%swap3A_1121, %swap3A_1122] {strides = array<i32>} : memref<16x128xf32, #tpu.memory_space<vmem>>, vector<1x16xf32>,
    %swap3A_1124 = vector.shape_cast %swap3A_1123 : vector<1x16xf32> to vector<16xf32>
    %swap3A_1125 = vector.shape_cast %mul3A_1119 : vector<16xf32> to vector<1x16xf32>
    tpu.vector_store %arg11[%swap3A_1121, %swap3A_1122], %swap3A_1125 {strides = array<i32>} : memref<16x128xf32, #tpu.memory_space<vmem>>, vector<1x16xf32>,
    %get3A_1126 = arith.constant 7 : i32
    %get3A_1127 = arith.index_cast %get3A_1126 : i32 to index
    %get3A_1128 = arith.constant 96 : index
    %get3A_1129 = tpu.vector_load %arg11[%get3A_1127, %get3A_1128] {strides = array<i32>} : memref<16x128xf32, #tpu.memory_space<vmem>>, vector<1x16xf32>,
    %get3A_1130 = vector.shape_cast %get3A_1129 : vector<1x16xf32> to vector<16xf32>
    %get3A_1131 = arith.constant 7 : i32
    %get3A_1132 = arith.index_cast %get3A_1131 : i32 to index
    %get3A_1133 = arith.constant 96 : index
    %get3A_1134 = tpu.vector_load %arg12[%get3A_1132, %get3A_1133] {strides = array<i32>} : memref<16x128xf32, #tpu.memory_space<vmem>>, vector<1x16xf32>,
    %get3A_1135 = vector.shape_cast %get3A_1134 : vector<1x16xf32> to vector<16xf32>
    %mul3A_1136 = arith.mulf %get3A_1130, %get3A_1135 : vector<16xf32>
    %swap3A_1137 = arith.constant 7 : i32
    %swap3A_1138 = arith.index_cast %swap3A_1137 : i32 to index
    %swap3A_1139 = arith.constant 96 : index
    %swap3A_1140 = tpu.vector_load %arg11[%swap3A_1138, %swap3A_1139] {strides = array<i32>} : memref<16x128xf32, #tpu.memory_space<vmem>>, vector<1x16xf32>,
    %swap3A_1141 = vector.shape_cast %swap3A_1140 : vector<1x16xf32> to vector<16xf32>
    %swap3A_1142 = vector.shape_cast %mul3A_1136 : vector<16xf32> to vector<1x16xf32>
    tpu.vector_store %arg11[%swap3A_1138, %swap3A_1139], %swap3A_1142 {strides = array<i32>} : memref<16x128xf32, #tpu.memory_space<vmem>>, vector<1x16xf32>,
    %get3A_1143 = arith.constant 7 : i32
    %get3A_1144 = arith.index_cast %get3A_1143 : i32 to index
    %get3A_1145 = arith.constant 112 : index
    %get3A_1146 = tpu.vector_load %arg11[%get3A_1144, %get3A_1145] {strides = array<i32>} : memref<16x128xf32, #tpu.memory_space<vmem>>, vector<1x16xf32>,
    %get3A_1147 = vector.shape_cast %get3A_1146 : vector<1x16xf32> to vector<16xf32>
    %get3A_1148 = arith.constant 7 : i32
    %get3A_1149 = arith.index_cast %get3A_1148 : i32 to index
    %get3A_1150 = arith.constant 112 : index
    %get3A_1151 = tpu.vector_load %arg12[%get3A_1149, %get3A_1150] {strides = array<i32>} : memref<16x128xf32, #tpu.memory_space<vmem>>, vector<1x16xf32>,
    %get3A_1152 = vector.shape_cast %get3A_1151 : vector<1x16xf32> to vector<16xf32>
    %mul3A_1153 = arith.mulf %get3A_1147, %get3A_1152 : vector<16xf32>
    %swap3A_1154 = arith.constant 7 : i32
    %swap3A_1155 = arith.index_cast %swap3A_1154 : i32 to index
    %swap3A_1156 = arith.constant 112 : index
    %swap3A_1157 = tpu.vector_load %arg11[%swap3A_1155, %swap3A_1156] {strides = array<i32>} : memref<16x128xf32, #tpu.memory_space<vmem>>, vector<1x16xf32>,
    %swap3A_1158 = vector.shape_cast %swap3A_1157 : vector<1x16xf32> to vector<16xf32>
    %swap3A_1159 = vector.shape_cast %mul3A_1153 : vector<16xf32> to vector<1x16xf32>
    tpu.vector_store %arg11[%swap3A_1155, %swap3A_1156], %swap3A_1159 {strides = array<i32>} : memref<16x128xf32, #tpu.memory_space<vmem>>, vector<1x16xf32>,
    %get3A_1160 = arith.constant 8 : i32
    %get3A_1161 = arith.index_cast %get3A_1160 : i32 to index
    %get3A_1162 = arith.constant 0 : index
    %get3A_1163 = tpu.vector_load %arg11[%get3A_1161, %get3A_1162] {strides = array<i32>} : memref<16x128xf32, #tpu.memory_space<vmem>>, vector<1x16xf32>,
    %get3A_1164 = vector.shape_cast %get3A_1163 : vector<1x16xf32> to vector<16xf32>
    %get3A_1165 = arith.constant 8 : i32
    %get3A_1166 = arith.index_cast %get3A_1165 : i32 to index
    %get3A_1167 = arith.constant 0 : index
    %get3A_1168 = tpu.vector_load %arg12[%get3A_1166, %get3A_1167] {strides = array<i32>} : memref<16x128xf32, #tpu.memory_space<vmem>>, vector<1x16xf32>,
    %get3A_1169 = vector.shape_cast %get3A_1168 : vector<1x16xf32> to vector<16xf32>
    %mul3A_1170 = arith.mulf %get3A_1164, %get3A_1169 : vector<16xf32>
    %swap3A_1171 = arith.constant 8 : i32
    %swap3A_1172 = arith.index_cast %swap3A_1171 : i32 to index
    %swap3A_1173 = arith.constant 0 : index
    %swap3A_1174 = tpu.vector_load %arg11[%swap3A_1172, %swap3A_1173] {strides = array<i32>} : memref<16x128xf32, #tpu.memory_space<vmem>>, vector<1x16xf32>,
    %swap3A_1175 = vector.shape_cast %swap3A_1174 : vector<1x16xf32> to vector<16xf32>
    %swap3A_1176 = vector.shape_cast %mul3A_1170 : vector<16xf32> to vector<1x16xf32>
    tpu.vector_store %arg11[%swap3A_1172, %swap3A_1173], %swap3A_1176 {strides = array<i32>} : memref<16x128xf32, #tpu.memory_space<vmem>>, vector<1x16xf32>,
    %get3A_1177 = arith.constant 8 : i32
    %get3A_1178 = arith.index_cast %get3A_1177 : i32 to index
    %get3A_1179 = arith.constant 16 : index
    %get3A_1180 = tpu.vector_load %arg11[%get3A_1178, %get3A_1179] {strides = array<i32>} : memref<16x128xf32, #tpu.memory_space<vmem>>, vector<1x16xf32>,
    %get3A_1181 = vector.shape_cast %get3A_1180 : vector<1x16xf32> to vector<16xf32>
    %get3A_1182 = arith.constant 8 : i32
    %get3A_1183 = arith.index_cast %get3A_1182 : i32 to index
    %get3A_1184 = arith.constant 16 : index
    %get3A_1185 = tpu.vector_load %arg12[%get3A_1183, %get3A_1184] {strides = array<i32>} : memref<16x128xf32, #tpu.memory_space<vmem>>, vector<1x16xf32>,
    %get3A_1186 = vector.shape_cast %get3A_1185 : vector<1x16xf32> to vector<16xf32>
    %mul3A_1187 = arith.mulf %get3A_1181, %get3A_1186 : vector<16xf32>
    %swap3A_1188 = arith.constant 8 : i32
    %swap3A_1189 = arith.index_cast %swap3A_1188 : i32 to index
    %swap3A_1190 = arith.constant 16 : index
    %swap3A_1191 = tpu.vector_load %arg11[%swap3A_1189, %swap3A_1190] {strides = array<i32>} : memref<16x128xf32, #tpu.memory_space<vmem>>, vector<1x16xf32>,
    %swap3A_1192 = vector.shape_cast %swap3A_1191 : vector<1x16xf32> to vector<16xf32>
    %swap3A_1193 = vector.shape_cast %mul3A_1187 : vector<16xf32> to vector<1x16xf32>
    tpu.vector_store %arg11[%swap3A_1189, %swap3A_1190], %swap3A_1193 {strides = array<i32>} : memref<16x128xf32, #tpu.memory_space<vmem>>, vector<1x16xf32>,
    %get3A_1194 = arith.constant 8 : i32
    %get3A_1195 = arith.index_cast %get3A_1194 : i32 to index
    %get3A_1196 = arith.constant 32 : index
    %get3A_1197 = tpu.vector_load %arg11[%get3A_1195, %get3A_1196] {strides = array<i32>} : memref<16x128xf32, #tpu.memory_space<vmem>>, vector<1x16xf32>,
    %get3A_1198 = vector.shape_cast %get3A_1197 : vector<1x16xf32> to vector<16xf32>
    %get3A_1199 = arith.constant 8 : i32
    %get3A_1200 = arith.index_cast %get3A_1199 : i32 to index
    %get3A_1201 = arith.constant 32 : index
    %get3A_1202 = tpu.vector_load %arg12[%get3A_1200, %get3A_1201] {strides = array<i32>} : memref<16x128xf32, #tpu.memory_space<vmem>>, vector<1x16xf32>,
    %get3A_1203 = vector.shape_cast %get3A_1202 : vector<1x16xf32> to vector<16xf32>
    %mul3A_1204 = arith.mulf %get3A_1198, %get3A_1203 : vector<16xf32>
    %swap3A_1205 = arith.constant 8 : i32
    %swap3A_1206 = arith.index_cast %swap3A_1205 : i32 to index
    %swap3A_1207 = arith.constant 32 : index
    %swap3A_1208 = tpu.vector_load %arg11[%swap3A_1206, %swap3A_1207] {strides = array<i32>} : memref<16x128xf32, #tpu.memory_space<vmem>>, vector<1x16xf32>,
    %swap3A_1209 = vector.shape_cast %swap3A_1208 : vector<1x16xf32> to vector<16xf32>
    %swap3A_1210 = vector.shape_cast %mul3A_1204 : vector<16xf32> to vector<1x16xf32>
    tpu.vector_store %arg11[%swap3A_1206, %swap3A_1207], %swap3A_1210 {strides = array<i32>} : memref<16x128xf32, #tpu.memory_space<vmem>>, vector<1x16xf32>,
    %get3A_1211 = arith.constant 8 : i32
    %get3A_1212 = arith.index_cast %get3A_1211 : i32 to index
    %get3A_1213 = arith.constant 48 : index
    %get3A_1214 = tpu.vector_load %arg11[%get3A_1212, %get3A_1213] {strides = array<i32>} : memref<16x128xf32, #tpu.memory_space<vmem>>, vector<1x16xf32>,
    %get3A_1215 = vector.shape_cast %get3A_1214 : vector<1x16xf32> to vector<16xf32>
    %get3A_1216 = arith.constant 8 : i32
    %get3A_1217 = arith.index_cast %get3A_1216 : i32 to index
    %get3A_1218 = arith.constant 48 : index
    %get3A_1219 = tpu.vector_load %arg12[%get3A_1217, %get3A_1218] {strides = array<i32>} : memref<16x128xf32, #tpu.memory_space<vmem>>, vector<1x16xf32>,
    %get3A_1220 = vector.shape_cast %get3A_1219 : vector<1x16xf32> to vector<16xf32>
    %mul3A_1221 = arith.mulf %get3A_1215, %get3A_1220 : vector<16xf32>
    %swap3A_1222 = arith.constant 8 : i32
    %swap3A_1223 = arith.index_cast %swap3A_1222 : i32 to index
    %swap3A_1224 = arith.constant 48 : index
    %swap3A_1225 = tpu.vector_load %arg11[%swap3A_1223, %swap3A_1224] {strides = array<i32>} : memref<16x128xf32, #tpu.memory_space<vmem>>, vector<1x16xf32>,
    %swap3A_1226 = vector.shape_cast %swap3A_1225 : vector<1x16xf32> to vector<16xf32>
    %swap3A_1227 = vector.shape_cast %mul3A_1221 : vector<16xf32> to vector<1x16xf32>
    tpu.vector_store %arg11[%swap3A_1223, %swap3A_1224], %swap3A_1227 {strides = array<i32>} : memref<16x128xf32, #tpu.memory_space<vmem>>, vector<1x16xf32>,
    %get3A_1228 = arith.constant 8 : i32
    %get3A_1229 = arith.index_cast %get3A_1228 : i32 to index
    %get3A_1230 = arith.constant 64 : index
    %get3A_1231 = tpu.vector_load %arg11[%get3A_1229, %get3A_1230] {strides = array<i32>} : memref<16x128xf32, #tpu.memory_space<vmem>>, vector<1x16xf32>,
    %get3A_1232 = vector.shape_cast %get3A_1231 : vector<1x16xf32> to vector<16xf32>
    %get3A_1233 = arith.constant 8 : i32
    %get3A_1234 = arith.index_cast %get3A_1233 : i32 to index
    %get3A_1235 = arith.constant 64 : index
    %get3A_1236 = tpu.vector_load %arg12[%get3A_1234, %get3A_1235] {strides = array<i32>} : memref<16x128xf32, #tpu.memory_space<vmem>>, vector<1x16xf32>,
    %get3A_1237 = vector.shape_cast %get3A_1236 : vector<1x16xf32> to vector<16xf32>
    %mul3A_1238 = arith.mulf %get3A_1232, %get3A_1237 : vector<16xf32>
    %swap3A_1239 = arith.constant 8 : i32
    %swap3A_1240 = arith.index_cast %swap3A_1239 : i32 to index
    %swap3A_1241 = arith.constant 64 : index
    %swap3A_1242 = tpu.vector_load %arg11[%swap3A_1240, %swap3A_1241] {strides = array<i32>} : memref<16x128xf32, #tpu.memory_space<vmem>>, vector<1x16xf32>,
    %swap3A_1243 = vector.shape_cast %swap3A_1242 : vector<1x16xf32> to vector<16xf32>
    %swap3A_1244 = vector.shape_cast %mul3A_1238 : vector<16xf32> to vector<1x16xf32>
    tpu.vector_store %arg11[%swap3A_1240, %swap3A_1241], %swap3A_1244 {strides = array<i32>} : memref<16x128xf32, #tpu.memory_space<vmem>>, vector<1x16xf32>,
    %get3A_1245 = arith.constant 8 : i32
    %get3A_1246 = arith.index_cast %get3A_1245 : i32 to index
    %get3A_1247 = arith.constant 80 : index
    %get3A_1248 = tpu.vector_load %arg11[%get3A_1246, %get3A_1247] {strides = array<i32>} : memref<16x128xf32, #tpu.memory_space<vmem>>, vector<1x16xf32>,
    %get3A_1249 = vector.shape_cast %get3A_1248 : vector<1x16xf32> to vector<16xf32>
    %get3A_1250 = arith.constant 8 : i32
    %get3A_1251 = arith.index_cast %get3A_1250 : i32 to index
    %get3A_1252 = arith.constant 80 : index
    %get3A_1253 = tpu.vector_load %arg12[%get3A_1251, %get3A_1252] {strides = array<i32>} : memref<16x128xf32, #tpu.memory_space<vmem>>, vector<1x16xf32>,
    %get3A_1254 = vector.shape_cast %get3A_1253 : vector<1x16xf32> to vector<16xf32>
    %mul3A_1255 = arith.mulf %get3A_1249, %get3A_1254 : vector<16xf32>
    %swap3A_1256 = arith.constant 8 : i32
    %swap3A_1257 = arith.index_cast %swap3A_1256 : i32 to index
    %swap3A_1258 = arith.constant 80 : index
    %swap3A_1259 = tpu.vector_load %arg11[%swap3A_1257, %swap3A_1258] {strides = array<i32>} : memref<16x128xf32, #tpu.memory_space<vmem>>, vector<1x16xf32>,
    %swap3A_1260 = vector.shape_cast %swap3A_1259 : vector<1x16xf32> to vector<16xf32>
    %swap3A_1261 = vector.shape_cast %mul3A_1255 : vector<16xf32> to vector<1x16xf32>
    tpu.vector_store %arg11[%swap3A_1257, %swap3A_1258], %swap3A_1261 {strides = array<i32>} : memref<16x128xf32, #tpu.memory_space<vmem>>, vector<1x16xf32>,
    %get3A_1262 = arith.constant 8 : i32
    %get3A_1263 = arith.index_cast %get3A_1262 : i32 to index
    %get3A_1264 = arith.constant 96 : index
    %get3A_1265 = tpu.vector_load %arg11[%get3A_1263, %get3A_1264] {strides = array<i32>} : memref<16x128xf32, #tpu.memory_space<vmem>>, vector<1x16xf32>,
    %get3A_1266 = vector.shape_cast %get3A_1265 : vector<1x16xf32> to vector<16xf32>
    %get3A_1267 = arith.constant 8 : i32
    %get3A_1268 = arith.index_cast %get3A_1267 : i32 to index
    %get3A_1269 = arith.constant 96 : index
    %get3A_1270 = tpu.vector_load %arg12[%get3A_1268, %get3A_1269] {strides = array<i32>} : memref<16x128xf32, #tpu.memory_space<vmem>>, vector<1x16xf32>,
    %get3A_1271 = vector.shape_cast %get3A_1270 : vector<1x16xf32> to vector<16xf32>
    %mul3A_1272 = arith.mulf %get3A_1266, %get3A_1271 : vector<16xf32>
    %swap3A_1273 = arith.constant 8 : i32
    %swap3A_1274 = arith.index_cast %swap3A_1273 : i32 to index
    %swap3A_1275 = arith.constant 96 : index
    %swap3A_1276 = tpu.vector_load %arg11[%swap3A_1274, %swap3A_1275] {strides = array<i32>} : memref<16x128xf32, #tpu.memory_space<vmem>>, vector<1x16xf32>,
    %swap3A_1277 = vector.shape_cast %swap3A_1276 : vector<1x16xf32> to vector<16xf32>
    %swap3A_1278 = vector.shape_cast %mul3A_1272 : vector<16xf32> to vector<1x16xf32>
    tpu.vector_store %arg11[%swap3A_1274, %swap3A_1275], %swap3A_1278 {strides = array<i32>} : memref<16x128xf32, #tpu.memory_space<vmem>>, vector<1x16xf32>,
    %get3A_1279 = arith.constant 8 : i32
    %get3A_1280 = arith.index_cast %get3A_1279 : i32 to index
    %get3A_1281 = arith.constant 112 : index
    %get3A_1282 = tpu.vector_load %arg11[%get3A_1280, %get3A_1281] {strides = array<i32>} : memref<16x128xf32, #tpu.memory_space<vmem>>, vector<1x16xf32>,
    %get3A_1283 = vector.shape_cast %get3A_1282 : vector<1x16xf32> to vector<16xf32>
    %get3A_1284 = arith.constant 8 : i32
    %get3A_1285 = arith.index_cast %get3A_1284 : i32 to index
    %get3A_1286 = arith.constant 112 : index
    %get3A_1287 = tpu.vector_load %arg12[%get3A_1285, %get3A_1286] {strides = array<i32>} : memref<16x128xf32, #tpu.memory_space<vmem>>, vector<1x16xf32>,
    %get3A_1288 = vector.shape_cast %get3A_1287 : vector<1x16xf32> to vector<16xf32>
    %mul3A_1289 = arith.mulf %get3A_1283, %get3A_1288 : vector<16xf32>
    %swap3A_1290 = arith.constant 8 : i32
    %swap3A_1291 = arith.index_cast %swap3A_1290 : i32 to index
    %swap3A_1292 = arith.constant 112 : index
    %swap3A_1293 = tpu.vector_load %arg11[%swap3A_1291, %swap3A_1292] {strides = array<i32>} : memref<16x128xf32, #tpu.memory_space<vmem>>, vector<1x16xf32>,
    %swap3A_1294 = vector.shape_cast %swap3A_1293 : vector<1x16xf32> to vector<16xf32>
    %swap3A_1295 = vector.shape_cast %mul3A_1289 : vector<16xf32> to vector<1x16xf32>
    tpu.vector_store %arg11[%swap3A_1291, %swap3A_1292], %swap3A_1295 {strides = array<i32>} : memref<16x128xf32, #tpu.memory_space<vmem>>, vector<1x16xf32>,
    %get3A_1296 = arith.constant 9 : i32
    %get3A_1297 = arith.index_cast %get3A_1296 : i32 to index
    %get3A_1298 = arith.constant 0 : index
    %get3A_1299 = tpu.vector_load %arg11[%get3A_1297, %get3A_1298] {strides = array<i32>} : memref<16x128xf32, #tpu.memory_space<vmem>>, vector<1x16xf32>,
    %get3A_1300 = vector.shape_cast %get3A_1299 : vector<1x16xf32> to vector<16xf32>
    %get3A_1301 = arith.constant 9 : i32
    %get3A_1302 = arith.index_cast %get3A_1301 : i32 to index
    %get3A_1303 = arith.constant 0 : index
    %get3A_1304 = tpu.vector_load %arg12[%get3A_1302, %get3A_1303] {strides = array<i32>} : memref<16x128xf32, #tpu.memory_space<vmem>>, vector<1x16xf32>,
    %get3A_1305 = vector.shape_cast %get3A_1304 : vector<1x16xf32> to vector<16xf32>
    %mul3A_1306 = arith.mulf %get3A_1300, %get3A_1305 : vector<16xf32>
    %swap3A_1307 = arith.constant 9 : i32
    %swap3A_1308 = arith.index_cast %swap3A_1307 : i32 to index
    %swap3A_1309 = arith.constant 0 : index
    %swap3A_1310 = tpu.vector_load %arg11[%swap3A_1308, %swap3A_1309] {strides = array<i32>} : memref<16x128xf32, #tpu.memory_space<vmem>>, vector<1x16xf32>,
    %swap3A_1311 = vector.shape_cast %swap3A_1310 : vector<1x16xf32> to vector<16xf32>
    %swap3A_1312 = vector.shape_cast %mul3A_1306 : vector<16xf32> to vector<1x16xf32>
    tpu.vector_store %arg11[%swap3A_1308, %swap3A_1309], %swap3A_1312 {strides = array<i32>} : memref<16x128xf32, #tpu.memory_space<vmem>>, vector<1x16xf32>,
    %get3A_1313 = arith.constant 9 : i32
    %get3A_1314 = arith.index_cast %get3A_1313 : i32 to index
    %get3A_1315 = arith.constant 16 : index
    %get3A_1316 = tpu.vector_load %arg11[%get3A_1314, %get3A_1315] {strides = array<i32>} : memref<16x128xf32, #tpu.memory_space<vmem>>, vector<1x16xf32>,
    %get3A_1317 = vector.shape_cast %get3A_1316 : vector<1x16xf32> to vector<16xf32>
    %get3A_1318 = arith.constant 9 : i32
    %get3A_1319 = arith.index_cast %get3A_1318 : i32 to index
    %get3A_1320 = arith.constant 16 : index
    %get3A_1321 = tpu.vector_load %arg12[%get3A_1319, %get3A_1320] {strides = array<i32>} : memref<16x128xf32, #tpu.memory_space<vmem>>, vector<1x16xf32>,
    %get3A_1322 = vector.shape_cast %get3A_1321 : vector<1x16xf32> to vector<16xf32>
    %mul3A_1323 = arith.mulf %get3A_1317, %get3A_1322 : vector<16xf32>
    %swap3A_1324 = arith.constant 9 : i32
    %swap3A_1325 = arith.index_cast %swap3A_1324 : i32 to index
    %swap3A_1326 = arith.constant 16 : index
    %swap3A_1327 = tpu.vector_load %arg11[%swap3A_1325, %swap3A_1326] {strides = array<i32>} : memref<16x128xf32, #tpu.memory_space<vmem>>, vector<1x16xf32>,
    %swap3A_1328 = vector.shape_cast %swap3A_1327 : vector<1x16xf32> to vector<16xf32>
    %swap3A_1329 = vector.shape_cast %mul3A_1323 : vector<16xf32> to vector<1x16xf32>
    tpu.vector_store %arg11[%swap3A_1325, %swap3A_1326], %swap3A_1329 {strides = array<i32>} : memref<16x128xf32, #tpu.memory_space<vmem>>, vector<1x16xf32>,
    %get3A_1330 = arith.constant 9 : i32
    %get3A_1331 = arith.index_cast %get3A_1330 : i32 to index
    %get3A_1332 = arith.constant 32 : index
    %get3A_1333 = tpu.vector_load %arg11[%get3A_1331, %get3A_1332] {strides = array<i32>} : memref<16x128xf32, #tpu.memory_space<vmem>>, vector<1x16xf32>,
    %get3A_1334 = vector.shape_cast %get3A_1333 : vector<1x16xf32> to vector<16xf32>
    %get3A_1335 = arith.constant 9 : i32
    %get3A_1336 = arith.index_cast %get3A_1335 : i32 to index
    %get3A_1337 = arith.constant 32 : index
    %get3A_1338 = tpu.vector_load %arg12[%get3A_1336, %get3A_1337] {strides = array<i32>} : memref<16x128xf32, #tpu.memory_space<vmem>>, vector<1x16xf32>,
    %get3A_1339 = vector.shape_cast %get3A_1338 : vector<1x16xf32> to vector<16xf32>
    %mul3A_1340 = arith.mulf %get3A_1334, %get3A_1339 : vector<16xf32>
    %swap3A_1341 = arith.constant 9 : i32
    %swap3A_1342 = arith.index_cast %swap3A_1341 : i32 to index
    %swap3A_1343 = arith.constant 32 : index
    %swap3A_1344 = tpu.vector_load %arg11[%swap3A_1342, %swap3A_1343] {strides = array<i32>} : memref<16x128xf32, #tpu.memory_space<vmem>>, vector<1x16xf32>,
    %swap3A_1345 = vector.shape_cast %swap3A_1344 : vector<1x16xf32> to vector<16xf32>
    %swap3A_1346 = vector.shape_cast %mul3A_1340 : vector<16xf32> to vector<1x16xf32>
    tpu.vector_store %arg11[%swap3A_1342, %swap3A_1343], %swap3A_1346 {strides = array<i32>} : memref<16x128xf32, #tpu.memory_space<vmem>>, vector<1x16xf32>,
    %get3A_1347 = arith.constant 9 : i32
    %get3A_1348 = arith.index_cast %get3A_1347 : i32 to index
    %get3A_1349 = arith.constant 48 : index
    %get3A_1350 = tpu.vector_load %arg11[%get3A_1348, %get3A_1349] {strides = array<i32>} : memref<16x128xf32, #tpu.memory_space<vmem>>, vector<1x16xf32>,
    %get3A_1351 = vector.shape_cast %get3A_1350 : vector<1x16xf32> to vector<16xf32>
    %get3A_1352 = arith.constant 9 : i32
    %get3A_1353 = arith.index_cast %get3A_1352 : i32 to index
    %get3A_1354 = arith.constant 48 : index
    %get3A_1355 = tpu.vector_load %arg12[%get3A_1353, %get3A_1354] {strides = array<i32>} : memref<16x128xf32, #tpu.memory_space<vmem>>, vector<1x16xf32>,
    %get3A_1356 = vector.shape_cast %get3A_1355 : vector<1x16xf32> to vector<16xf32>
    %mul3A_1357 = arith.mulf %get3A_1351, %get3A_1356 : vector<16xf32>
    %swap3A_1358 = arith.constant 9 : i32
    %swap3A_1359 = arith.index_cast %swap3A_1358 : i32 to index
    %swap3A_1360 = arith.constant 48 : index
    %swap3A_1361 = tpu.vector_load %arg11[%swap3A_1359, %swap3A_1360] {strides = array<i32>} : memref<16x128xf32, #tpu.memory_space<vmem>>, vector<1x16xf32>,
    %swap3A_1362 = vector.shape_cast %swap3A_1361 : vector<1x16xf32> to vector<16xf32>
    %swap3A_1363 = vector.shape_cast %mul3A_1357 : vector<16xf32> to vector<1x16xf32>
    tpu.vector_store %arg11[%swap3A_1359, %swap3A_1360], %swap3A_1363 {strides = array<i32>} : memref<16x128xf32, #tpu.memory_space<vmem>>, vector<1x16xf32>,
    %get3A_1364 = arith.constant 9 : i32
    %get3A_1365 = arith.index_cast %get3A_1364 : i32 to index
    %get3A_1366 = arith.constant 64 : index
    %get3A_1367 = tpu.vector_load %arg11[%get3A_1365, %get3A_1366] {strides = array<i32>} : memref<16x128xf32, #tpu.memory_space<vmem>>, vector<1x16xf32>,
    %get3A_1368 = vector.shape_cast %get3A_1367 : vector<1x16xf32> to vector<16xf32>
    %get3A_1369 = arith.constant 9 : i32
    %get3A_1370 = arith.index_cast %get3A_1369 : i32 to index
    %get3A_1371 = arith.constant 64 : index
    %get3A_1372 = tpu.vector_load %arg12[%get3A_1370, %get3A_1371] {strides = array<i32>} : memref<16x128xf32, #tpu.memory_space<vmem>>, vector<1x16xf32>,
    %get3A_1373 = vector.shape_cast %get3A_1372 : vector<1x16xf32> to vector<16xf32>
    %mul3A_1374 = arith.mulf %get3A_1368, %get3A_1373 : vector<16xf32>
    %swap3A_1375 = arith.constant 9 : i32
    %swap3A_1376 = arith.index_cast %swap3A_1375 : i32 to index
    %swap3A_1377 = arith.constant 64 : index
    %swap3A_1378 = tpu.vector_load %arg11[%swap3A_1376, %swap3A_1377] {strides = array<i32>} : memref<16x128xf32, #tpu.memory_space<vmem>>, vector<1x16xf32>,
    %swap3A_1379 = vector.shape_cast %swap3A_1378 : vector<1x16xf32> to vector<16xf32>
    %swap3A_1380 = vector.shape_cast %mul3A_1374 : vector<16xf32> to vector<1x16xf32>
    tpu.vector_store %arg11[%swap3A_1376, %swap3A_1377], %swap3A_1380 {strides = array<i32>} : memref<16x128xf32, #tpu.memory_space<vmem>>, vector<1x16xf32>,
    %get3A_1381 = arith.constant 9 : i32
    %get3A_1382 = arith.index_cast %get3A_1381 : i32 to index
    %get3A_1383 = arith.constant 80 : index
    %get3A_1384 = tpu.vector_load %arg11[%get3A_1382, %get3A_1383] {strides = array<i32>} : memref<16x128xf32, #tpu.memory_space<vmem>>, vector<1x16xf32>,
    %get3A_1385 = vector.shape_cast %get3A_1384 : vector<1x16xf32> to vector<16xf32>
    %get3A_1386 = arith.constant 9 : i32
    %get3A_1387 = arith.index_cast %get3A_1386 : i32 to index
    %get3A_1388 = arith.constant 80 : index
    %get3A_1389 = tpu.vector_load %arg12[%get3A_1387, %get3A_1388] {strides = array<i32>} : memref<16x128xf32, #tpu.memory_space<vmem>>, vector<1x16xf32>,
    %get3A_1390 = vector.shape_cast %get3A_1389 : vector<1x16xf32> to vector<16xf32>
    %mul3A_1391 = arith.mulf %get3A_1385, %get3A_1390 : vector<16xf32>
    %swap3A_1392 = arith.constant 9 : i32
    %swap3A_1393 = arith.index_cast %swap3A_1392 : i32 to index
    %swap3A_1394 = arith.constant 80 : index
    %swap3A_1395 = tpu.vector_load %arg11[%swap3A_1393, %swap3A_1394] {strides = array<i32>} : memref<16x128xf32, #tpu.memory_space<vmem>>, vector<1x16xf32>,
    %swap3A_1396 = vector.shape_cast %swap3A_1395 : vector<1x16xf32> to vector<16xf32>
    %swap3A_1397 = vector.shape_cast %mul3A_1391 : vector<16xf32> to vector<1x16xf32>
    tpu.vector_store %arg11[%swap3A_1393, %swap3A_1394], %swap3A_1397 {strides = array<i32>} : memref<16x128xf32, #tpu.memory_space<vmem>>, vector<1x16xf32>,
    %get3A_1398 = arith.constant 9 : i32
    %get3A_1399 = arith.index_cast %get3A_1398 : i32 to index
    %get3A_1400 = arith.constant 96 : index
    %get3A_1401 = tpu.vector_load %arg11[%get3A_1399, %get3A_1400] {strides = array<i32>} : memref<16x128xf32, #tpu.memory_space<vmem>>, vector<1x16xf32>,
    %get3A_1402 = vector.shape_cast %get3A_1401 : vector<1x16xf32> to vector<16xf32>
    %get3A_1403 = arith.constant 9 : i32
    %get3A_1404 = arith.index_cast %get3A_1403 : i32 to index
    %get3A_1405 = arith.constant 96 : index
    %get3A_1406 = tpu.vector_load %arg12[%get3A_1404, %get3A_1405] {strides = array<i32>} : memref<16x128xf32, #tpu.memory_space<vmem>>, vector<1x16xf32>,
    %get3A_1407 = vector.shape_cast %get3A_1406 : vector<1x16xf32> to vector<16xf32>
    %mul3A_1408 = arith.mulf %get3A_1402, %get3A_1407 : vector<16xf32>
    %swap3A_1409 = arith.constant 9 : i32
    %swap3A_1410 = arith.index_cast %swap3A_1409 : i32 to index
    %swap3A_1411 = arith.constant 96 : index
    %swap3A_1412 = tpu.vector_load %arg11[%swap3A_1410, %swap3A_1411] {strides = array<i32>} : memref<16x128xf32, #tpu.memory_space<vmem>>, vector<1x16xf32>,
    %swap3A_1413 = vector.shape_cast %swap3A_1412 : vector<1x16xf32> to vector<16xf32>
    %swap3A_1414 = vector.shape_cast %mul3A_1408 : vector<16xf32> to vector<1x16xf32>
    tpu.vector_store %arg11[%swap3A_1410, %swap3A_1411], %swap3A_1414 {strides = array<i32>} : memref<16x128xf32, #tpu.memory_space<vmem>>, vector<1x16xf32>,
    %get3A_1415 = arith.constant 9 : i32
    %get3A_1416 = arith.index_cast %get3A_1415 : i32 to index
    %get3A_1417 = arith.constant 112 : index
    %get3A_1418 = tpu.vector_load %arg11[%get3A_1416, %get3A_1417] {strides = array<i32>} : memref<16x128xf32, #tpu.memory_space<vmem>>, vector<1x16xf32>,
    %get3A_1419 = vector.shape_cast %get3A_1418 : vector<1x16xf32> to vector<16xf32>
    %get3A_1420 = arith.constant 9 : i32
    %get3A_1421 = arith.index_cast %get3A_1420 : i32 to index
    %get3A_1422 = arith.constant 112 : index
    %get3A_1423 = tpu.vector_load %arg12[%get3A_1421, %get3A_1422] {strides = array<i32>} : memref<16x128xf32, #tpu.memory_space<vmem>>, vector<1x16xf32>,
    %get3A_1424 = vector.shape_cast %get3A_1423 : vector<1x16xf32> to vector<16xf32>
    %mul3A_1425 = arith.mulf %get3A_1419, %get3A_1424 : vector<16xf32>
    %swap3A_1426 = arith.constant 9 : i32
    %swap3A_1427 = arith.index_cast %swap3A_1426 : i32 to index
    %swap3A_1428 = arith.constant 112 : index
    %swap3A_1429 = tpu.vector_load %arg11[%swap3A_1427, %swap3A_1428] {strides = array<i32>} : memref<16x128xf32, #tpu.memory_space<vmem>>, vector<1x16xf32>,
    %swap3A_1430 = vector.shape_cast %swap3A_1429 : vector<1x16xf32> to vector<16xf32>
    %swap3A_1431 = vector.shape_cast %mul3A_1425 : vector<16xf32> to vector<1x16xf32>
    tpu.vector_store %arg11[%swap3A_1427, %swap3A_1428], %swap3A_1431 {strides = array<i32>} : memref<16x128xf32, #tpu.memory_space<vmem>>, vector<1x16xf32>,
    %get3A_1432 = arith.constant 10 : i32
    %get3A_1433 = arith.index_cast %get3A_1432 : i32 to index
    %get3A_1434 = arith.constant 0 : index
    %get3A_1435 = tpu.vector_load %arg11[%get3A_1433, %get3A_1434] {strides = array<i32>} : memref<16x128xf32, #tpu.memory_space<vmem>>, vector<1x16xf32>,
    %get3A_1436 = vector.shape_cast %get3A_1435 : vector<1x16xf32> to vector<16xf32>
    %get3A_1437 = arith.constant 10 : i32
    %get3A_1438 = arith.index_cast %get3A_1437 : i32 to index
    %get3A_1439 = arith.constant 0 : index
    %get3A_1440 = tpu.vector_load %arg12[%get3A_1438, %get3A_1439] {strides = array<i32>} : memref<16x128xf32, #tpu.memory_space<vmem>>, vector<1x16xf32>,
    %get3A_1441 = vector.shape_cast %get3A_1440 : vector<1x16xf32> to vector<16xf32>
    %mul3A_1442 = arith.mulf %get3A_1436, %get3A_1441 : vector<16xf32>
    %swap3A_1443 = arith.constant 10 : i32
    %swap3A_1444 = arith.index_cast %swap3A_1443 : i32 to index
    %swap3A_1445 = arith.constant 0 : index
    %swap3A_1446 = tpu.vector_load %arg11[%swap3A_1444, %swap3A_1445] {strides = array<i32>} : memref<16x128xf32, #tpu.memory_space<vmem>>, vector<1x16xf32>,
    %swap3A_1447 = vector.shape_cast %swap3A_1446 : vector<1x16xf32> to vector<16xf32>
    %swap3A_1448 = vector.shape_cast %mul3A_1442 : vector<16xf32> to vector<1x16xf32>
    tpu.vector_store %arg11[%swap3A_1444, %swap3A_1445], %swap3A_1448 {strides = array<i32>} : memref<16x128xf32, #tpu.memory_space<vmem>>, vector<1x16xf32>,
    %get3A_1449 = arith.constant 10 : i32
    %get3A_1450 = arith.index_cast %get3A_1449 : i32 to index
    %get3A_1451 = arith.constant 16 : index
    %get3A_1452 = tpu.vector_load %arg11[%get3A_1450, %get3A_1451] {strides = array<i32>} : memref<16x128xf32, #tpu.memory_space<vmem>>, vector<1x16xf32>,
    %get3A_1453 = vector.shape_cast %get3A_1452 : vector<1x16xf32> to vector<16xf32>
    %get3A_1454 = arith.constant 10 : i32
    %get3A_1455 = arith.index_cast %get3A_1454 : i32 to index
    %get3A_1456 = arith.constant 16 : index
    %get3A_1457 = tpu.vector_load %arg12[%get3A_1455, %get3A_1456] {strides = array<i32>} : memref<16x128xf32, #tpu.memory_space<vmem>>, vector<1x16xf32>,
    %get3A_1458 = vector.shape_cast %get3A_1457 : vector<1x16xf32> to vector<16xf32>
    %mul3A_1459 = arith.mulf %get3A_1453, %get3A_1458 : vector<16xf32>
    %swap3A_1460 = arith.constant 10 : i32
    %swap3A_1461 = arith.index_cast %swap3A_1460 : i32 to index
    %swap3A_1462 = arith.constant 16 : index
    %swap3A_1463 = tpu.vector_load %arg11[%swap3A_1461, %swap3A_1462] {strides = array<i32>} : memref<16x128xf32, #tpu.memory_space<vmem>>, vector<1x16xf32>,
    %swap3A_1464 = vector.shape_cast %swap3A_1463 : vector<1x16xf32> to vector<16xf32>
    %swap3A_1465 = vector.shape_cast %mul3A_1459 : vector<16xf32> to vector<1x16xf32>
    tpu.vector_store %arg11[%swap3A_1461, %swap3A_1462], %swap3A_1465 {strides = array<i32>} : memref<16x128xf32, #tpu.memory_space<vmem>>, vector<1x16xf32>,
    %get3A_1466 = arith.constant 10 : i32
    %get3A_1467 = arith.index_cast %get3A_1466 : i32 to index
    %get3A_1468 = arith.constant 32 : index
    %get3A_1469 = tpu.vector_load %arg11[%get3A_1467, %get3A_1468] {strides = array<i32>} : memref<16x128xf32, #tpu.memory_space<vmem>>, vector<1x16xf32>,
    %get3A_1470 = vector.shape_cast %get3A_1469 : vector<1x16xf32> to vector<16xf32>
    %get3A_1471 = arith.constant 10 : i32
    %get3A_1472 = arith.index_cast %get3A_1471 : i32 to index
    %get3A_1473 = arith.constant 32 : index
    %get3A_1474 = tpu.vector_load %arg12[%get3A_1472, %get3A_1473] {strides = array<i32>} : memref<16x128xf32, #tpu.memory_space<vmem>>, vector<1x16xf32>,
    %get3A_1475 = vector.shape_cast %get3A_1474 : vector<1x16xf32> to vector<16xf32>
    %mul3A_1476 = arith.mulf %get3A_1470, %get3A_1475 : vector<16xf32>
    %swap3A_1477 = arith.constant 10 : i32
    %swap3A_1478 = arith.index_cast %swap3A_1477 : i32 to index
    %swap3A_1479 = arith.constant 32 : index
    %swap3A_1480 = tpu.vector_load %arg11[%swap3A_1478, %swap3A_1479] {strides = array<i32>} : memref<16x128xf32, #tpu.memory_space<vmem>>, vector<1x16xf32>,
    %swap3A_1481 = vector.shape_cast %swap3A_1480 : vector<1x16xf32> to vector<16xf32>
    %swap3A_1482 = vector.shape_cast %mul3A_1476 : vector<16xf32> to vector<1x16xf32>
    tpu.vector_store %arg11[%swap3A_1478, %swap3A_1479], %swap3A_1482 {strides = array<i32>} : memref<16x128xf32, #tpu.memory_space<vmem>>, vector<1x16xf32>,
    %get3A_1483 = arith.constant 10 : i32
    %get3A_1484 = arith.index_cast %get3A_1483 : i32 to index
    %get3A_1485 = arith.constant 48 : index
    %get3A_1486 = tpu.vector_load %arg11[%get3A_1484, %get3A_1485] {strides = array<i32>} : memref<16x128xf32, #tpu.memory_space<vmem>>, vector<1x16xf32>,
    %get3A_1487 = vector.shape_cast %get3A_1486 : vector<1x16xf32> to vector<16xf32>
    %get3A_1488 = arith.constant 10 : i32
    %get3A_1489 = arith.index_cast %get3A_1488 : i32 to index
    %get3A_1490 = arith.constant 48 : index
    %get3A_1491 = tpu.vector_load %arg12[%get3A_1489, %get3A_1490] {strides = array<i32>} : memref<16x128xf32, #tpu.memory_space<vmem>>, vector<1x16xf32>,
    %get3A_1492 = vector.shape_cast %get3A_1491 : vector<1x16xf32> to vector<16xf32>
    %mul3A_1493 = arith.mulf %get3A_1487, %get3A_1492 : vector<16xf32>
    %swap3A_1494 = arith.constant 10 : i32
    %swap3A_1495 = arith.index_cast %swap3A_1494 : i32 to index
    %swap3A_1496 = arith.constant 48 : index
    %swap3A_1497 = tpu.vector_load %arg11[%swap3A_1495, %swap3A_1496] {strides = array<i32>} : memref<16x128xf32, #tpu.memory_space<vmem>>, vector<1x16xf32>,
    %swap3A_1498 = vector.shape_cast %swap3A_1497 : vector<1x16xf32> to vector<16xf32>
    %swap3A_1499 = vector.shape_cast %mul3A_1493 : vector<16xf32> to vector<1x16xf32>
    tpu.vector_store %arg11[%swap3A_1495, %swap3A_1496], %swap3A_1499 {strides = array<i32>} : memref<16x128xf32, #tpu.memory_space<vmem>>, vector<1x16xf32>,
    %get3A_1500 = arith.constant 10 : i32
    %get3A_1501 = arith.index_cast %get3A_1500 : i32 to index
    %get3A_1502 = arith.constant 64 : index
    %get3A_1503 = tpu.vector_load %arg11[%get3A_1501, %get3A_1502] {strides = array<i32>} : memref<16x128xf32, #tpu.memory_space<vmem>>, vector<1x16xf32>,
    %get3A_1504 = vector.shape_cast %get3A_1503 : vector<1x16xf32> to vector<16xf32>
    %get3A_1505 = arith.constant 10 : i32
    %get3A_1506 = arith.index_cast %get3A_1505 : i32 to index
    %get3A_1507 = arith.constant 64 : index
    %get3A_1508 = tpu.vector_load %arg12[%get3A_1506, %get3A_1507] {strides = array<i32>} : memref<16x128xf32, #tpu.memory_space<vmem>>, vector<1x16xf32>,
    %get3A_1509 = vector.shape_cast %get3A_1508 : vector<1x16xf32> to vector<16xf32>
    %mul3A_1510 = arith.mulf %get3A_1504, %get3A_1509 : vector<16xf32>
    %swap3A_1511 = arith.constant 10 : i32
    %swap3A_1512 = arith.index_cast %swap3A_1511 : i32 to index
    %swap3A_1513 = arith.constant 64 : index
    %swap3A_1514 = tpu.vector_load %arg11[%swap3A_1512, %swap3A_1513] {strides = array<i32>} : memref<16x128xf32, #tpu.memory_space<vmem>>, vector<1x16xf32>,
    %swap3A_1515 = vector.shape_cast %swap3A_1514 : vector<1x16xf32> to vector<16xf32>
    %swap3A_1516 = vector.shape_cast %mul3A_1510 : vector<16xf32> to vector<1x16xf32>
    tpu.vector_store %arg11[%swap3A_1512, %swap3A_1513], %swap3A_1516 {strides = array<i32>} : memref<16x128xf32, #tpu.memory_space<vmem>>, vector<1x16xf32>,
    %get3A_1517 = arith.constant 10 : i32
    %get3A_1518 = arith.index_cast %get3A_1517 : i32 to index
    %get3A_1519 = arith.constant 80 : index
    %get3A_1520 = tpu.vector_load %arg11[%get3A_1518, %get3A_1519] {strides = array<i32>} : memref<16x128xf32, #tpu.memory_space<vmem>>, vector<1x16xf32>,
    %get3A_1521 = vector.shape_cast %get3A_1520 : vector<1x16xf32> to vector<16xf32>
    %get3A_1522 = arith.constant 10 : i32
    %get3A_1523 = arith.index_cast %get3A_1522 : i32 to index
    %get3A_1524 = arith.constant 80 : index
    %get3A_1525 = tpu.vector_load %arg12[%get3A_1523, %get3A_1524] {strides = array<i32>} : memref<16x128xf32, #tpu.memory_space<vmem>>, vector<1x16xf32>,
    %get3A_1526 = vector.shape_cast %get3A_1525 : vector<1x16xf32> to vector<16xf32>
    %mul3A_1527 = arith.mulf %get3A_1521, %get3A_1526 : vector<16xf32>
    %swap3A_1528 = arith.constant 10 : i32
    %swap3A_1529 = arith.index_cast %swap3A_1528 : i32 to index
    %swap3A_1530 = arith.constant 80 : index
    %swap3A_1531 = tpu.vector_load %arg11[%swap3A_1529, %swap3A_1530] {strides = array<i32>} : memref<16x128xf32, #tpu.memory_space<vmem>>, vector<1x16xf32>,
    %swap3A_1532 = vector.shape_cast %swap3A_1531 : vector<1x16xf32> to vector<16xf32>
    %swap3A_1533 = vector.shape_cast %mul3A_1527 : vector<16xf32> to vector<1x16xf32>
    tpu.vector_store %arg11[%swap3A_1529, %swap3A_1530], %swap3A_1533 {strides = array<i32>} : memref<16x128xf32, #tpu.memory_space<vmem>>, vector<1x16xf32>,
    %get3A_1534 = arith.constant 10 : i32
    %get3A_1535 = arith.index_cast %get3A_1534 : i32 to index
    %get3A_1536 = arith.constant 96 : index
    %get3A_1537 = tpu.vector_load %arg11[%get3A_1535, %get3A_1536] {strides = array<i32>} : memref<16x128xf32, #tpu.memory_space<vmem>>, vector<1x16xf32>,
    %get3A_1538 = vector.shape_cast %get3A_1537 : vector<1x16xf32> to vector<16xf32>
    %get3A_1539 = arith.constant 10 : i32
    %get3A_1540 = arith.index_cast %get3A_1539 : i32 to index
    %get3A_1541 = arith.constant 96 : index
    %get3A_1542 = tpu.vector_load %arg12[%get3A_1540, %get3A_1541] {strides = array<i32>} : memref<16x128xf32, #tpu.memory_space<vmem>>, vector<1x16xf32>,
    %get3A_1543 = vector.shape_cast %get3A_1542 : vector<1x16xf32> to vector<16xf32>
    %mul3A_1544 = arith.mulf %get3A_1538, %get3A_1543 : vector<16xf32>
    %swap3A_1545 = arith.constant 10 : i32
    %swap3A_1546 = arith.index_cast %swap3A_1545 : i32 to index
    %swap3A_1547 = arith.constant 96 : index
    %swap3A_1548 = tpu.vector_load %arg11[%swap3A_1546, %swap3A_1547] {strides = array<i32>} : memref<16x128xf32, #tpu.memory_space<vmem>>, vector<1x16xf32>,
    %swap3A_1549 = vector.shape_cast %swap3A_1548 : vector<1x16xf32> to vector<16xf32>
    %swap3A_1550 = vector.shape_cast %mul3A_1544 : vector<16xf32> to vector<1x16xf32>
    tpu.vector_store %arg11[%swap3A_1546, %swap3A_1547], %swap3A_1550 {strides = array<i32>} : memref<16x128xf32, #tpu.memory_space<vmem>>, vector<1x16xf32>,
    %get3A_1551 = arith.constant 10 : i32
    %get3A_1552 = arith.index_cast %get3A_1551 : i32 to index
    %get3A_1553 = arith.constant 112 : index
    %get3A_1554 = tpu.vector_load %arg11[%get3A_1552, %get3A_1553] {strides = array<i32>} : memref<16x128xf32, #tpu.memory_space<vmem>>, vector<1x16xf32>,
    %get3A_1555 = vector.shape_cast %get3A_1554 : vector<1x16xf32> to vector<16xf32>
    %get3A_1556 = arith.constant 10 : i32
    %get3A_1557 = arith.index_cast %get3A_1556 : i32 to index
    %get3A_1558 = arith.constant 112 : index
    %get3A_1559 = tpu.vector_load %arg12[%get3A_1557, %get3A_1558] {strides = array<i32>} : memref<16x128xf32, #tpu.memory_space<vmem>>, vector<1x16xf32>,
    %get3A_1560 = vector.shape_cast %get3A_1559 : vector<1x16xf32> to vector<16xf32>
    %mul3A_1561 = arith.mulf %get3A_1555, %get3A_1560 : vector<16xf32>
    %swap3A_1562 = arith.constant 10 : i32
    %swap3A_1563 = arith.index_cast %swap3A_1562 : i32 to index
    %swap3A_1564 = arith.constant 112 : index
    %swap3A_1565 = tpu.vector_load %arg11[%swap3A_1563, %swap3A_1564] {strides = array<i32>} : memref<16x128xf32, #tpu.memory_space<vmem>>, vector<1x16xf32>,
    %swap3A_1566 = vector.shape_cast %swap3A_1565 : vector<1x16xf32> to vector<16xf32>
    %swap3A_1567 = vector.shape_cast %mul3A_1561 : vector<16xf32> to vector<1x16xf32>
    tpu.vector_store %arg11[%swap3A_1563, %swap3A_1564], %swap3A_1567 {strides = array<i32>} : memref<16x128xf32, #tpu.memory_space<vmem>>, vector<1x16xf32>,
    %get3A_1568 = arith.constant 11 : i32
    %get3A_1569 = arith.index_cast %get3A_1568 : i32 to index
    %get3A_1570 = arith.constant 0 : index
    %get3A_1571 = tpu.vector_load %arg11[%get3A_1569, %get3A_1570] {strides = array<i32>} : memref<16x128xf32, #tpu.memory_space<vmem>>, vector<1x16xf32>,
    %get3A_1572 = vector.shape_cast %get3A_1571 : vector<1x16xf32> to vector<16xf32>
    %get3A_1573 = arith.constant 11 : i32
    %get3A_1574 = arith.index_cast %get3A_1573 : i32 to index
    %get3A_1575 = arith.constant 0 : index
    %get3A_1576 = tpu.vector_load %arg12[%get3A_1574, %get3A_1575] {strides = array<i32>} : memref<16x128xf32, #tpu.memory_space<vmem>>, vector<1x16xf32>,
    %get3A_1577 = vector.shape_cast %get3A_1576 : vector<1x16xf32> to vector<16xf32>
    %mul3A_1578 = arith.mulf %get3A_1572, %get3A_1577 : vector<16xf32>
    %swap3A_1579 = arith.constant 11 : i32
    %swap3A_1580 = arith.index_cast %swap3A_1579 : i32 to index
    %swap3A_1581 = arith.constant 0 : index
    %swap3A_1582 = tpu.vector_load %arg11[%swap3A_1580, %swap3A_1581] {strides = array<i32>} : memref<16x128xf32, #tpu.memory_space<vmem>>, vector<1x16xf32>,
    %swap3A_1583 = vector.shape_cast %swap3A_1582 : vector<1x16xf32> to vector<16xf32>
    %swap3A_1584 = vector.shape_cast %mul3A_1578 : vector<16xf32> to vector<1x16xf32>
    tpu.vector_store %arg11[%swap3A_1580, %swap3A_1581], %swap3A_1584 {strides = array<i32>} : memref<16x128xf32, #tpu.memory_space<vmem>>, vector<1x16xf32>,
    %get3A_1585 = arith.constant 11 : i32
    %get3A_1586 = arith.index_cast %get3A_1585 : i32 to index
    %get3A_1587 = arith.constant 16 : index
    %get3A_1588 = tpu.vector_load %arg11[%get3A_1586, %get3A_1587] {strides = array<i32>} : memref<16x128xf32, #tpu.memory_space<vmem>>, vector<1x16xf32>,
    %get3A_1589 = vector.shape_cast %get3A_1588 : vector<1x16xf32> to vector<16xf32>
    %get3A_1590 = arith.constant 11 : i32
    %get3A_1591 = arith.index_cast %get3A_1590 : i32 to index
    %get3A_1592 = arith.constant 16 : index
    %get3A_1593 = tpu.vector_load %arg12[%get3A_1591, %get3A_1592] {strides = array<i32>} : memref<16x128xf32, #tpu.memory_space<vmem>>, vector<1x16xf32>,
    %get3A_1594 = vector.shape_cast %get3A_1593 : vector<1x16xf32> to vector<16xf32>
    %mul3A_1595 = arith.mulf %get3A_1589, %get3A_1594 : vector<16xf32>
    %swap3A_1596 = arith.constant 11 : i32
    %swap3A_1597 = arith.index_cast %swap3A_1596 : i32 to index
    %swap3A_1598 = arith.constant 16 : index
    %swap3A_1599 = tpu.vector_load %arg11[%swap3A_1597, %swap3A_1598] {strides = array<i32>} : memref<16x128xf32, #tpu.memory_space<vmem>>, vector<1x16xf32>,
    %swap3A_1600 = vector.shape_cast %swap3A_1599 : vector<1x16xf32> to vector<16xf32>
    %swap3A_1601 = vector.shape_cast %mul3A_1595 : vector<16xf32> to vector<1x16xf32>
    tpu.vector_store %arg11[%swap3A_1597, %swap3A_1598], %swap3A_1601 {strides = array<i32>} : memref<16x128xf32, #tpu.memory_space<vmem>>, vector<1x16xf32>,
    %get3A_1602 = arith.constant 11 : i32
    %get3A_1603 = arith.index_cast %get3A_1602 : i32 to index
    %get3A_1604 = arith.constant 32 : index
    %get3A_1605 = tpu.vector_load %arg11[%get3A_1603, %get3A_1604] {strides = array<i32>} : memref<16x128xf32, #tpu.memory_space<vmem>>, vector<1x16xf32>,
    %get3A_1606 = vector.shape_cast %get3A_1605 : vector<1x16xf32> to vector<16xf32>
    %get3A_1607 = arith.constant 11 : i32
    %get3A_1608 = arith.index_cast %get3A_1607 : i32 to index
    %get3A_1609 = arith.constant 32 : index
    %get3A_1610 = tpu.vector_load %arg12[%get3A_1608, %get3A_1609] {strides = array<i32>} : memref<16x128xf32, #tpu.memory_space<vmem>>, vector<1x16xf32>,
    %get3A_1611 = vector.shape_cast %get3A_1610 : vector<1x16xf32> to vector<16xf32>
    %mul3A_1612 = arith.mulf %get3A_1606, %get3A_1611 : vector<16xf32>
    %swap3A_1613 = arith.constant 11 : i32
    %swap3A_1614 = arith.index_cast %swap3A_1613 : i32 to index
    %swap3A_1615 = arith.constant 32 : index
    %swap3A_1616 = tpu.vector_load %arg11[%swap3A_1614, %swap3A_1615] {strides = array<i32>} : memref<16x128xf32, #tpu.memory_space<vmem>>, vector<1x16xf32>,
    %swap3A_1617 = vector.shape_cast %swap3A_1616 : vector<1x16xf32> to vector<16xf32>
    %swap3A_1618 = vector.shape_cast %mul3A_1612 : vector<16xf32> to vector<1x16xf32>
    tpu.vector_store %arg11[%swap3A_1614, %swap3A_1615], %swap3A_1618 {strides = array<i32>} : memref<16x128xf32, #tpu.memory_space<vmem>>, vector<1x16xf32>,
    %get3A_1619 = arith.constant 11 : i32
    %get3A_1620 = arith.index_cast %get3A_1619 : i32 to index
    %get3A_1621 = arith.constant 48 : index
    %get3A_1622 = tpu.vector_load %arg11[%get3A_1620, %get3A_1621] {strides = array<i32>} : memref<16x128xf32, #tpu.memory_space<vmem>>, vector<1x16xf32>,
    %get3A_1623 = vector.shape_cast %get3A_1622 : vector<1x16xf32> to vector<16xf32>
    %get3A_1624 = arith.constant 11 : i32
    %get3A_1625 = arith.index_cast %get3A_1624 : i32 to index
    %get3A_1626 = arith.constant 48 : index
    %get3A_1627 = tpu.vector_load %arg12[%get3A_1625, %get3A_1626] {strides = array<i32>} : memref<16x128xf32, #tpu.memory_space<vmem>>, vector<1x16xf32>,
    %get3A_1628 = vector.shape_cast %get3A_1627 : vector<1x16xf32> to vector<16xf32>
    %mul3A_1629 = arith.mulf %get3A_1623, %get3A_1628 : vector<16xf32>
    %swap3A_1630 = arith.constant 11 : i32
    %swap3A_1631 = arith.index_cast %swap3A_1630 : i32 to index
    %swap3A_1632 = arith.constant 48 : index
    %swap3A_1633 = tpu.vector_load %arg11[%swap3A_1631, %swap3A_1632] {strides = array<i32>} : memref<16x128xf32, #tpu.memory_space<vmem>>, vector<1x16xf32>,
    %swap3A_1634 = vector.shape_cast %swap3A_1633 : vector<1x16xf32> to vector<16xf32>
    %swap3A_1635 = vector.shape_cast %mul3A_1629 : vector<16xf32> to vector<1x16xf32>
    tpu.vector_store %arg11[%swap3A_1631, %swap3A_1632], %swap3A_1635 {strides = array<i32>} : memref<16x128xf32, #tpu.memory_space<vmem>>, vector<1x16xf32>,
    %get3A_1636 = arith.constant 11 : i32
    %get3A_1637 = arith.index_cast %get3A_1636 : i32 to index
    %get3A_1638 = arith.constant 64 : index
    %get3A_1639 = tpu.vector_load %arg11[%get3A_1637, %get3A_1638] {strides = array<i32>} : memref<16x128xf32, #tpu.memory_space<vmem>>, vector<1x16xf32>,
    %get3A_1640 = vector.shape_cast %get3A_1639 : vector<1x16xf32> to vector<16xf32>
    %get3A_1641 = arith.constant 11 : i32
    %get3A_1642 = arith.index_cast %get3A_1641 : i32 to index
    %get3A_1643 = arith.constant 64 : index
    %get3A_1644 = tpu.vector_load %arg12[%get3A_1642, %get3A_1643] {strides = array<i32>} : memref<16x128xf32, #tpu.memory_space<vmem>>, vector<1x16xf32>,
    %get3A_1645 = vector.shape_cast %get3A_1644 : vector<1x16xf32> to vector<16xf32>
    %mul3A_1646 = arith.mulf %get3A_1640, %get3A_1645 : vector<16xf32>
    %swap3A_1647 = arith.constant 11 : i32
    %swap3A_1648 = arith.index_cast %swap3A_1647 : i32 to index
    %swap3A_1649 = arith.constant 64 : index
    %swap3A_1650 = tpu.vector_load %arg11[%swap3A_1648, %swap3A_1649] {strides = array<i32>} : memref<16x128xf32, #tpu.memory_space<vmem>>, vector<1x16xf32>,
    %swap3A_1651 = vector.shape_cast %swap3A_1650 : vector<1x16xf32> to vector<16xf32>
    %swap3A_1652 = vector.shape_cast %mul3A_1646 : vector<16xf32> to vector<1x16xf32>
    tpu.vector_store %arg11[%swap3A_1648, %swap3A_1649], %swap3A_1652 {strides = array<i32>} : memref<16x128xf32, #tpu.memory_space<vmem>>, vector<1x16xf32>,
    %get3A_1653 = arith.constant 11 : i32
    %get3A_1654 = arith.index_cast %get3A_1653 : i32 to index
    %get3A_1655 = arith.constant 80 : index
    %get3A_1656 = tpu.vector_load %arg11[%get3A_1654, %get3A_1655] {strides = array<i32>} : memref<16x128xf32, #tpu.memory_space<vmem>>, vector<1x16xf32>,
    %get3A_1657 = vector.shape_cast %get3A_1656 : vector<1x16xf32> to vector<16xf32>
    %get3A_1658 = arith.constant 11 : i32
    %get3A_1659 = arith.index_cast %get3A_1658 : i32 to index
    %get3A_1660 = arith.constant 80 : index
    %get3A_1661 = tpu.vector_load %arg12[%get3A_1659, %get3A_1660] {strides = array<i32>} : memref<16x128xf32, #tpu.memory_space<vmem>>, vector<1x16xf32>,
    %get3A_1662 = vector.shape_cast %get3A_1661 : vector<1x16xf32> to vector<16xf32>
    %mul3A_1663 = arith.mulf %get3A_1657, %get3A_1662 : vector<16xf32>
    %swap3A_1664 = arith.constant 11 : i32
    %swap3A_1665 = arith.index_cast %swap3A_1664 : i32 to index
    %swap3A_1666 = arith.constant 80 : index
    %swap3A_1667 = tpu.vector_load %arg11[%swap3A_1665, %swap3A_1666] {strides = array<i32>} : memref<16x128xf32, #tpu.memory_space<vmem>>, vector<1x16xf32>,
    %swap3A_1668 = vector.shape_cast %swap3A_1667 : vector<1x16xf32> to vector<16xf32>
    %swap3A_1669 = vector.shape_cast %mul3A_1663 : vector<16xf32> to vector<1x16xf32>
    tpu.vector_store %arg11[%swap3A_1665, %swap3A_1666], %swap3A_1669 {strides = array<i32>} : memref<16x128xf32, #tpu.memory_space<vmem>>, vector<1x16xf32>,
    %get3A_1670 = arith.constant 11 : i32
    %get3A_1671 = arith.index_cast %get3A_1670 : i32 to index
    %get3A_1672 = arith.constant 96 : index
    %get3A_1673 = tpu.vector_load %arg11[%get3A_1671, %get3A_1672] {strides = array<i32>} : memref<16x128xf32, #tpu.memory_space<vmem>>, vector<1x16xf32>,
    %get3A_1674 = vector.shape_cast %get3A_1673 : vector<1x16xf32> to vector<16xf32>
    %get3A_1675 = arith.constant 11 : i32
    %get3A_1676 = arith.index_cast %get3A_1675 : i32 to index
    %get3A_1677 = arith.constant 96 : index
    %get3A_1678 = tpu.vector_load %arg12[%get3A_1676, %get3A_1677] {strides = array<i32>} : memref<16x128xf32, #tpu.memory_space<vmem>>, vector<1x16xf32>,
    %get3A_1679 = vector.shape_cast %get3A_1678 : vector<1x16xf32> to vector<16xf32>
    %mul3A_1680 = arith.mulf %get3A_1674, %get3A_1679 : vector<16xf32>
    %swap3A_1681 = arith.constant 11 : i32
    %swap3A_1682 = arith.index_cast %swap3A_1681 : i32 to index
    %swap3A_1683 = arith.constant 96 : index
    %swap3A_1684 = tpu.vector_load %arg11[%swap3A_1682, %swap3A_1683] {strides = array<i32>} : memref<16x128xf32, #tpu.memory_space<vmem>>, vector<1x16xf32>,
    %swap3A_1685 = vector.shape_cast %swap3A_1684 : vector<1x16xf32> to vector<16xf32>
    %swap3A_1686 = vector.shape_cast %mul3A_1680 : vector<16xf32> to vector<1x16xf32>
    tpu.vector_store %arg11[%swap3A_1682, %swap3A_1683], %swap3A_1686 {strides = array<i32>} : memref<16x128xf32, #tpu.memory_space<vmem>>, vector<1x16xf32>,
    %get3A_1687 = arith.constant 11 : i32
    %get3A_1688 = arith.index_cast %get3A_1687 : i32 to index
    %get3A_1689 = arith.constant 112 : index
    %get3A_1690 = tpu.vector_load %arg11[%get3A_1688, %get3A_1689] {strides = array<i32>} : memref<16x128xf32, #tpu.memory_space<vmem>>, vector<1x16xf32>,
    %get3A_1691 = vector.shape_cast %get3A_1690 : vector<1x16xf32> to vector<16xf32>
    %get3A_1692 = arith.constant 11 : i32
    %get3A_1693 = arith.index_cast %get3A_1692 : i32 to index
    %get3A_1694 = arith.constant 112 : index
    %get3A_1695 = tpu.vector_load %arg12[%get3A_1693, %get3A_1694] {strides = array<i32>} : memref<16x128xf32, #tpu.memory_space<vmem>>, vector<1x16xf32>,
    %get3A_1696 = vector.shape_cast %get3A_1695 : vector<1x16xf32> to vector<16xf32>
    %mul3A_1697 = arith.mulf %get3A_1691, %get3A_1696 : vector<16xf32>
    %swap3A_1698 = arith.constant 11 : i32
    %swap3A_1699 = arith.index_cast %swap3A_1698 : i32 to index
    %swap3A_1700 = arith.constant 112 : index
    %swap3A_1701 = tpu.vector_load %arg11[%swap3A_1699, %swap3A_1700] {strides = array<i32>} : memref<16x128xf32, #tpu.memory_space<vmem>>, vector<1x16xf32>,
    %swap3A_1702 = vector.shape_cast %swap3A_1701 : vector<1x16xf32> to vector<16xf32>
    %swap3A_1703 = vector.shape_cast %mul3A_1697 : vector<16xf32> to vector<1x16xf32>
    tpu.vector_store %arg11[%swap3A_1699, %swap3A_1700], %swap3A_1703 {strides = array<i32>} : memref<16x128xf32, #tpu.memory_space<vmem>>, vector<1x16xf32>,
    %get3A_1704 = arith.constant 12 : i32
    %get3A_1705 = arith.index_cast %get3A_1704 : i32 to index
    %get3A_1706 = arith.constant 0 : index
    %get3A_1707 = tpu.vector_load %arg11[%get3A_1705, %get3A_1706] {strides = array<i32>} : memref<16x128xf32, #tpu.memory_space<vmem>>, vector<1x16xf32>,
    %get3A_1708 = vector.shape_cast %get3A_1707 : vector<1x16xf32> to vector<16xf32>
    %get3A_1709 = arith.constant 12 : i32
    %get3A_1710 = arith.index_cast %get3A_1709 : i32 to index
    %get3A_1711 = arith.constant 0 : index
    %get3A_1712 = tpu.vector_load %arg12[%get3A_1710, %get3A_1711] {strides = array<i32>} : memref<16x128xf32, #tpu.memory_space<vmem>>, vector<1x16xf32>,
    %get3A_1713 = vector.shape_cast %get3A_1712 : vector<1x16xf32> to vector<16xf32>
    %mul3A_1714 = arith.mulf %get3A_1708, %get3A_1713 : vector<16xf32>
    %swap3A_1715 = arith.constant 12 : i32
    %swap3A_1716 = arith.index_cast %swap3A_1715 : i32 to index
    %swap3A_1717 = arith.constant 0 : index
    %swap3A_1718 = tpu.vector_load %arg11[%swap3A_1716, %swap3A_1717] {strides = array<i32>} : memref<16x128xf32, #tpu.memory_space<vmem>>, vector<1x16xf32>,
    %swap3A_1719 = vector.shape_cast %swap3A_1718 : vector<1x16xf32> to vector<16xf32>
    %swap3A_1720 = vector.shape_cast %mul3A_1714 : vector<16xf32> to vector<1x16xf32>
    tpu.vector_store %arg11[%swap3A_1716, %swap3A_1717], %swap3A_1720 {strides = array<i32>} : memref<16x128xf32, #tpu.memory_space<vmem>>, vector<1x16xf32>,
    %get3A_1721 = arith.constant 12 : i32
    %get3A_1722 = arith.index_cast %get3A_1721 : i32 to index
    %get3A_1723 = arith.constant 16 : index
    %get3A_1724 = tpu.vector_load %arg11[%get3A_1722, %get3A_1723] {strides = array<i32>} : memref<16x128xf32, #tpu.memory_space<vmem>>, vector<1x16xf32>,
    %get3A_1725 = vector.shape_cast %get3A_1724 : vector<1x16xf32> to vector<16xf32>
    %get3A_1726 = arith.constant 12 : i32
    %get3A_1727 = arith.index_cast %get3A_1726 : i32 to index
    %get3A_1728 = arith.constant 16 : index
    %get3A_1729 = tpu.vector_load %arg12[%get3A_1727, %get3A_1728] {strides = array<i32>} : memref<16x128xf32, #tpu.memory_space<vmem>>, vector<1x16xf32>,
    %get3A_1730 = vector.shape_cast %get3A_1729 : vector<1x16xf32> to vector<16xf32>
    %mul3A_1731 = arith.mulf %get3A_1725, %get3A_1730 : vector<16xf32>
    %swap3A_1732 = arith.constant 12 : i32
    %swap3A_1733 = arith.index_cast %swap3A_1732 : i32 to index
    %swap3A_1734 = arith.constant 16 : index
    %swap3A_1735 = tpu.vector_load %arg11[%swap3A_1733, %swap3A_1734] {strides = array<i32>} : memref<16x128xf32, #tpu.memory_space<vmem>>, vector<1x16xf32>,
    %swap3A_1736 = vector.shape_cast %swap3A_1735 : vector<1x16xf32> to vector<16xf32>
    %swap3A_1737 = vector.shape_cast %mul3A_1731 : vector<16xf32> to vector<1x16xf32>
    tpu.vector_store %arg11[%swap3A_1733, %swap3A_1734], %swap3A_1737 {strides = array<i32>} : memref<16x128xf32, #tpu.memory_space<vmem>>, vector<1x16xf32>,
    %get3A_1738 = arith.constant 12 : i32
    %get3A_1739 = arith.index_cast %get3A_1738 : i32 to index
    %get3A_1740 = arith.constant 32 : index
    %get3A_1741 = tpu.vector_load %arg11[%get3A_1739, %get3A_1740] {strides = array<i32>} : memref<16x128xf32, #tpu.memory_space<vmem>>, vector<1x16xf32>,
    %get3A_1742 = vector.shape_cast %get3A_1741 : vector<1x16xf32> to vector<16xf32>
    %get3A_1743 = arith.constant 12 : i32
    %get3A_1744 = arith.index_cast %get3A_1743 : i32 to index
    %get3A_1745 = arith.constant 32 : index
    %get3A_1746 = tpu.vector_load %arg12[%get3A_1744, %get3A_1745] {strides = array<i32>} : memref<16x128xf32, #tpu.memory_space<vmem>>, vector<1x16xf32>,
    %get3A_1747 = vector.shape_cast %get3A_1746 : vector<1x16xf32> to vector<16xf32>
    %mul3A_1748 = arith.mulf %get3A_1742, %get3A_1747 : vector<16xf32>
    %swap3A_1749 = arith.constant 12 : i32
    %swap3A_1750 = arith.index_cast %swap3A_1749 : i32 to index
    %swap3A_1751 = arith.constant 32 : index
    %swap3A_1752 = tpu.vector_load %arg11[%swap3A_1750, %swap3A_1751] {strides = array<i32>} : memref<16x128xf32, #tpu.memory_space<vmem>>, vector<1x16xf32>,
    %swap3A_1753 = vector.shape_cast %swap3A_1752 : vector<1x16xf32> to vector<16xf32>
    %swap3A_1754 = vector.shape_cast %mul3A_1748 : vector<16xf32> to vector<1x16xf32>
    tpu.vector_store %arg11[%swap3A_1750, %swap3A_1751], %swap3A_1754 {strides = array<i32>} : memref<16x128xf32, #tpu.memory_space<vmem>>, vector<1x16xf32>,
    %get3A_1755 = arith.constant 12 : i32
    %get3A_1756 = arith.index_cast %get3A_1755 : i32 to index
    %get3A_1757 = arith.constant 48 : index
    %get3A_1758 = tpu.vector_load %arg11[%get3A_1756, %get3A_1757] {strides = array<i32>} : memref<16x128xf32, #tpu.memory_space<vmem>>, vector<1x16xf32>,
    %get3A_1759 = vector.shape_cast %get3A_1758 : vector<1x16xf32> to vector<16xf32>
    %get3A_1760 = arith.constant 12 : i32
    %get3A_1761 = arith.index_cast %get3A_1760 : i32 to index
    %get3A_1762 = arith.constant 48 : index
    %get3A_1763 = tpu.vector_load %arg12[%get3A_1761, %get3A_1762] {strides = array<i32>} : memref<16x128xf32, #tpu.memory_space<vmem>>, vector<1x16xf32>,
    %get3A_1764 = vector.shape_cast %get3A_1763 : vector<1x16xf32> to vector<16xf32>
    %mul3A_1765 = arith.mulf %get3A_1759, %get3A_1764 : vector<16xf32>
    %swap3A_1766 = arith.constant 12 : i32
    %swap3A_1767 = arith.index_cast %swap3A_1766 : i32 to index
    %swap3A_1768 = arith.constant 48 : index
    %swap3A_1769 = tpu.vector_load %arg11[%swap3A_1767, %swap3A_1768] {strides = array<i32>} : memref<16x128xf32, #tpu.memory_space<vmem>>, vector<1x16xf32>,
    %swap3A_1770 = vector.shape_cast %swap3A_1769 : vector<1x16xf32> to vector<16xf32>
    %swap3A_1771 = vector.shape_cast %mul3A_1765 : vector<16xf32> to vector<1x16xf32>
    tpu.vector_store %arg11[%swap3A_1767, %swap3A_1768], %swap3A_1771 {strides = array<i32>} : memref<16x128xf32, #tpu.memory_space<vmem>>, vector<1x16xf32>,
    %get3A_1772 = arith.constant 12 : i32
    %get3A_1773 = arith.index_cast %get3A_1772 : i32 to index
    %get3A_1774 = arith.constant 64 : index
    %get3A_1775 = tpu.vector_load %arg11[%get3A_1773, %get3A_1774] {strides = array<i32>} : memref<16x128xf32, #tpu.memory_space<vmem>>, vector<1x16xf32>,
    %get3A_1776 = vector.shape_cast %get3A_1775 : vector<1x16xf32> to vector<16xf32>
    %get3A_1777 = arith.constant 12 : i32
    %get3A_1778 = arith.index_cast %get3A_1777 : i32 to index
    %get3A_1779 = arith.constant 64 : index
    %get3A_1780 = tpu.vector_load %arg12[%get3A_1778, %get3A_1779] {strides = array<i32>} : memref<16x128xf32, #tpu.memory_space<vmem>>, vector<1x16xf32>,
    %get3A_1781 = vector.shape_cast %get3A_1780 : vector<1x16xf32> to vector<16xf32>
    %mul3A_1782 = arith.mulf %get3A_1776, %get3A_1781 : vector<16xf32>
    %swap3A_1783 = arith.constant 12 : i32
    %swap3A_1784 = arith.index_cast %swap3A_1783 : i32 to index
    %swap3A_1785 = arith.constant 64 : index
    %swap3A_1786 = tpu.vector_load %arg11[%swap3A_1784, %swap3A_1785] {strides = array<i32>} : memref<16x128xf32, #tpu.memory_space<vmem>>, vector<1x16xf32>,
    %swap3A_1787 = vector.shape_cast %swap3A_1786 : vector<1x16xf32> to vector<16xf32>
    %swap3A_1788 = vector.shape_cast %mul3A_1782 : vector<16xf32> to vector<1x16xf32>
    tpu.vector_store %arg11[%swap3A_1784, %swap3A_1785], %swap3A_1788 {strides = array<i32>} : memref<16x128xf32, #tpu.memory_space<vmem>>, vector<1x16xf32>,
    %get3A_1789 = arith.constant 12 : i32
    %get3A_1790 = arith.index_cast %get3A_1789 : i32 to index
    %get3A_1791 = arith.constant 80 : index
    %get3A_1792 = tpu.vector_load %arg11[%get3A_1790, %get3A_1791] {strides = array<i32>} : memref<16x128xf32, #tpu.memory_space<vmem>>, vector<1x16xf32>,
    %get3A_1793 = vector.shape_cast %get3A_1792 : vector<1x16xf32> to vector<16xf32>
    %get3A_1794 = arith.constant 12 : i32
    %get3A_1795 = arith.index_cast %get3A_1794 : i32 to index
    %get3A_1796 = arith.constant 80 : index
    %get3A_1797 = tpu.vector_load %arg12[%get3A_1795, %get3A_1796] {strides = array<i32>} : memref<16x128xf32, #tpu.memory_space<vmem>>, vector<1x16xf32>,
    %get3A_1798 = vector.shape_cast %get3A_1797 : vector<1x16xf32> to vector<16xf32>
    %mul3A_1799 = arith.mulf %get3A_1793, %get3A_1798 : vector<16xf32>
    %swap3A_1800 = arith.constant 12 : i32
    %swap3A_1801 = arith.index_cast %swap3A_1800 : i32 to index
    %swap3A_1802 = arith.constant 80 : index
    %swap3A_1803 = tpu.vector_load %arg11[%swap3A_1801, %swap3A_1802] {strides = array<i32>} : memref<16x128xf32, #tpu.memory_space<vmem>>, vector<1x16xf32>,
    %swap3A_1804 = vector.shape_cast %swap3A_1803 : vector<1x16xf32> to vector<16xf32>
    %swap3A_1805 = vector.shape_cast %mul3A_1799 : vector<16xf32> to vector<1x16xf32>
    tpu.vector_store %arg11[%swap3A_1801, %swap3A_1802], %swap3A_1805 {strides = array<i32>} : memref<16x128xf32, #tpu.memory_space<vmem>>, vector<1x16xf32>,
    %get3A_1806 = arith.constant 12 : i32
    %get3A_1807 = arith.index_cast %get3A_1806 : i32 to index
    %get3A_1808 = arith.constant 96 : index
    %get3A_1809 = tpu.vector_load %arg11[%get3A_1807, %get3A_1808] {strides = array<i32>} : memref<16x128xf32, #tpu.memory_space<vmem>>, vector<1x16xf32>,
    %get3A_1810 = vector.shape_cast %get3A_1809 : vector<1x16xf32> to vector<16xf32>
    %get3A_1811 = arith.constant 12 : i32
    %get3A_1812 = arith.index_cast %get3A_1811 : i32 to index
    %get3A_1813 = arith.constant 96 : index
    %get3A_1814 = tpu.vector_load %arg12[%get3A_1812, %get3A_1813] {strides = array<i32>} : memref<16x128xf32, #tpu.memory_space<vmem>>, vector<1x16xf32>,
    %get3A_1815 = vector.shape_cast %get3A_1814 : vector<1x16xf32> to vector<16xf32>
    %mul3A_1816 = arith.mulf %get3A_1810, %get3A_1815 : vector<16xf32>
    %swap3A_1817 = arith.constant 12 : i32
    %swap3A_1818 = arith.index_cast %swap3A_1817 : i32 to index
    %swap3A_1819 = arith.constant 96 : index
    %swap3A_1820 = tpu.vector_load %arg11[%swap3A_1818, %swap3A_1819] {strides = array<i32>} : memref<16x128xf32, #tpu.memory_space<vmem>>, vector<1x16xf32>,
    %swap3A_1821 = vector.shape_cast %swap3A_1820 : vector<1x16xf32> to vector<16xf32>
    %swap3A_1822 = vector.shape_cast %mul3A_1816 : vector<16xf32> to vector<1x16xf32>
    tpu.vector_store %arg11[%swap3A_1818, %swap3A_1819], %swap3A_1822 {strides = array<i32>} : memref<16x128xf32, #tpu.memory_space<vmem>>, vector<1x16xf32>,
    %get3A_1823 = arith.constant 12 : i32
    %get3A_1824 = arith.index_cast %get3A_1823 : i32 to index
    %get3A_1825 = arith.constant 112 : index
    %get3A_1826 = tpu.vector_load %arg11[%get3A_1824, %get3A_1825] {strides = array<i32>} : memref<16x128xf32, #tpu.memory_space<vmem>>, vector<1x16xf32>,
    %get3A_1827 = vector.shape_cast %get3A_1826 : vector<1x16xf32> to vector<16xf32>
    %get3A_1828 = arith.constant 12 : i32
    %get3A_1829 = arith.index_cast %get3A_1828 : i32 to index
    %get3A_1830 = arith.constant 112 : index
    %get3A_1831 = tpu.vector_load %arg12[%get3A_1829, %get3A_1830] {strides = array<i32>} : memref<16x128xf32, #tpu.memory_space<vmem>>, vector<1x16xf32>,
    %get3A_1832 = vector.shape_cast %get3A_1831 : vector<1x16xf32> to vector<16xf32>
    %mul3A_1833 = arith.mulf %get3A_1827, %get3A_1832 : vector<16xf32>
    %swap3A_1834 = arith.constant 12 : i32
    %swap3A_1835 = arith.index_cast %swap3A_1834 : i32 to index
    %swap3A_1836 = arith.constant 112 : index
    %swap3A_1837 = tpu.vector_load %arg11[%swap3A_1835, %swap3A_1836] {strides = array<i32>} : memref<16x128xf32, #tpu.memory_space<vmem>>, vector<1x16xf32>,
    %swap3A_1838 = vector.shape_cast %swap3A_1837 : vector<1x16xf32> to vector<16xf32>
    %swap3A_1839 = vector.shape_cast %mul3A_1833 : vector<16xf32> to vector<1x16xf32>
    tpu.vector_store %arg11[%swap3A_1835, %swap3A_1836], %swap3A_1839 {strides = array<i32>} : memref<16x128xf32, #tpu.memory_space<vmem>>, vector<1x16xf32>,
    %get3A_1840 = arith.constant 13 : i32
    %get3A_1841 = arith.index_cast %get3A_1840 : i32 to index
    %get3A_1842 = arith.constant 0 : index
    %get3A_1843 = tpu.vector_load %arg11[%get3A_1841, %get3A_1842] {strides = array<i32>} : memref<16x128xf32, #tpu.memory_space<vmem>>, vector<1x16xf32>,
    %get3A_1844 = vector.shape_cast %get3A_1843 : vector<1x16xf32> to vector<16xf32>
    %get3A_1845 = arith.constant 13 : i32
    %get3A_1846 = arith.index_cast %get3A_1845 : i32 to index
    %get3A_1847 = arith.constant 0 : index
    %get3A_1848 = tpu.vector_load %arg12[%get3A_1846, %get3A_1847] {strides = array<i32>} : memref<16x128xf32, #tpu.memory_space<vmem>>, vector<1x16xf32>,
    %get3A_1849 = vector.shape_cast %get3A_1848 : vector<1x16xf32> to vector<16xf32>
    %mul3A_1850 = arith.mulf %get3A_1844, %get3A_1849 : vector<16xf32>
    %swap3A_1851 = arith.constant 13 : i32
    %swap3A_1852 = arith.index_cast %swap3A_1851 : i32 to index
    %swap3A_1853 = arith.constant 0 : index
    %swap3A_1854 = tpu.vector_load %arg11[%swap3A_1852, %swap3A_1853] {strides = array<i32>} : memref<16x128xf32, #tpu.memory_space<vmem>>, vector<1x16xf32>,
    %swap3A_1855 = vector.shape_cast %swap3A_1854 : vector<1x16xf32> to vector<16xf32>
    %swap3A_1856 = vector.shape_cast %mul3A_1850 : vector<16xf32> to vector<1x16xf32>
    tpu.vector_store %arg11[%swap3A_1852, %swap3A_1853], %swap3A_1856 {strides = array<i32>} : memref<16x128xf32, #tpu.memory_space<vmem>>, vector<1x16xf32>,
    %get3A_1857 = arith.constant 13 : i32
    %get3A_1858 = arith.index_cast %get3A_1857 : i32 to index
    %get3A_1859 = arith.constant 16 : index
    %get3A_1860 = tpu.vector_load %arg11[%get3A_1858, %get3A_1859] {strides = array<i32>} : memref<16x128xf32, #tpu.memory_space<vmem>>, vector<1x16xf32>,
    %get3A_1861 = vector.shape_cast %get3A_1860 : vector<1x16xf32> to vector<16xf32>
    %get3A_1862 = arith.constant 13 : i32
    %get3A_1863 = arith.index_cast %get3A_1862 : i32 to index
    %get3A_1864 = arith.constant 16 : index
    %get3A_1865 = tpu.vector_load %arg12[%get3A_1863, %get3A_1864] {strides = array<i32>} : memref<16x128xf32, #tpu.memory_space<vmem>>, vector<1x16xf32>,
    %get3A_1866 = vector.shape_cast %get3A_1865 : vector<1x16xf32> to vector<16xf32>
    %mul3A_1867 = arith.mulf %get3A_1861, %get3A_1866 : vector<16xf32>
    %swap3A_1868 = arith.constant 13 : i32
    %swap3A_1869 = arith.index_cast %swap3A_1868 : i32 to index
    %swap3A_1870 = arith.constant 16 : index
    %swap3A_1871 = tpu.vector_load %arg11[%swap3A_1869, %swap3A_1870] {strides = array<i32>} : memref<16x128xf32, #tpu.memory_space<vmem>>, vector<1x16xf32>,
    %swap3A_1872 = vector.shape_cast %swap3A_1871 : vector<1x16xf32> to vector<16xf32>
    %swap3A_1873 = vector.shape_cast %mul3A_1867 : vector<16xf32> to vector<1x16xf32>
    tpu.vector_store %arg11[%swap3A_1869, %swap3A_1870], %swap3A_1873 {strides = array<i32>} : memref<16x128xf32, #tpu.memory_space<vmem>>, vector<1x16xf32>,
    %get3A_1874 = arith.constant 13 : i32
    %get3A_1875 = arith.index_cast %get3A_1874 : i32 to index
    %get3A_1876 = arith.constant 32 : index
    %get3A_1877 = tpu.vector_load %arg11[%get3A_1875, %get3A_1876] {strides = array<i32>} : memref<16x128xf32, #tpu.memory_space<vmem>>, vector<1x16xf32>,
    %get3A_1878 = vector.shape_cast %get3A_1877 : vector<1x16xf32> to vector<16xf32>
    %get3A_1879 = arith.constant 13 : i32
    %get3A_1880 = arith.index_cast %get3A_1879 : i32 to index
    %get3A_1881 = arith.constant 32 : index
    %get3A_1882 = tpu.vector_load %arg12[%get3A_1880, %get3A_1881] {strides = array<i32>} : memref<16x128xf32, #tpu.memory_space<vmem>>, vector<1x16xf32>,
    %get3A_1883 = vector.shape_cast %get3A_1882 : vector<1x16xf32> to vector<16xf32>
    %mul3A_1884 = arith.mulf %get3A_1878, %get3A_1883 : vector<16xf32>
    %swap3A_1885 = arith.constant 13 : i32
    %swap3A_1886 = arith.index_cast %swap3A_1885 : i32 to index
    %swap3A_1887 = arith.constant 32 : index
    %swap3A_1888 = tpu.vector_load %arg11[%swap3A_1886, %swap3A_1887] {strides = array<i32>} : memref<16x128xf32, #tpu.memory_space<vmem>>, vector<1x16xf32>,
    %swap3A_1889 = vector.shape_cast %swap3A_1888 : vector<1x16xf32> to vector<16xf32>
    %swap3A_1890 = vector.shape_cast %mul3A_1884 : vector<16xf32> to vector<1x16xf32>
    tpu.vector_store %arg11[%swap3A_1886, %swap3A_1887], %swap3A_1890 {strides = array<i32>} : memref<16x128xf32, #tpu.memory_space<vmem>>, vector<1x16xf32>,
    %get3A_1891 = arith.constant 13 : i32
    %get3A_1892 = arith.index_cast %get3A_1891 : i32 to index
    %get3A_1893 = arith.constant 48 : index
    %get3A_1894 = tpu.vector_load %arg11[%get3A_1892, %get3A_1893] {strides = array<i32>} : memref<16x128xf32, #tpu.memory_space<vmem>>, vector<1x16xf32>,
    %get3A_1895 = vector.shape_cast %get3A_1894 : vector<1x16xf32> to vector<16xf32>
    %get3A_1896 = arith.constant 13 : i32
    %get3A_1897 = arith.index_cast %get3A_1896 : i32 to index
    %get3A_1898 = arith.constant 48 : index
    %get3A_1899 = tpu.vector_load %arg12[%get3A_1897, %get3A_1898] {strides = array<i32>} : memref<16x128xf32, #tpu.memory_space<vmem>>, vector<1x16xf32>,
    %get3A_1900 = vector.shape_cast %get3A_1899 : vector<1x16xf32> to vector<16xf32>
    %mul3A_1901 = arith.mulf %get3A_1895, %get3A_1900 : vector<16xf32>
    %swap3A_1902 = arith.constant 13 : i32
    %swap3A_1903 = arith.index_cast %swap3A_1902 : i32 to index
    %swap3A_1904 = arith.constant 48 : index
    %swap3A_1905 = tpu.vector_load %arg11[%swap3A_1903, %swap3A_1904] {strides = array<i32>} : memref<16x128xf32, #tpu.memory_space<vmem>>, vector<1x16xf32>,
    %swap3A_1906 = vector.shape_cast %swap3A_1905 : vector<1x16xf32> to vector<16xf32>
    %swap3A_1907 = vector.shape_cast %mul3A_1901 : vector<16xf32> to vector<1x16xf32>
    tpu.vector_store %arg11[%swap3A_1903, %swap3A_1904], %swap3A_1907 {strides = array<i32>} : memref<16x128xf32, #tpu.memory_space<vmem>>, vector<1x16xf32>,
    %get3A_1908 = arith.constant 13 : i32
    %get3A_1909 = arith.index_cast %get3A_1908 : i32 to index
    %get3A_1910 = arith.constant 64 : index
    %get3A_1911 = tpu.vector_load %arg11[%get3A_1909, %get3A_1910] {strides = array<i32>} : memref<16x128xf32, #tpu.memory_space<vmem>>, vector<1x16xf32>,
    %get3A_1912 = vector.shape_cast %get3A_1911 : vector<1x16xf32> to vector<16xf32>
    %get3A_1913 = arith.constant 13 : i32
    %get3A_1914 = arith.index_cast %get3A_1913 : i32 to index
    %get3A_1915 = arith.constant 64 : index
    %get3A_1916 = tpu.vector_load %arg12[%get3A_1914, %get3A_1915] {strides = array<i32>} : memref<16x128xf32, #tpu.memory_space<vmem>>, vector<1x16xf32>,
    %get3A_1917 = vector.shape_cast %get3A_1916 : vector<1x16xf32> to vector<16xf32>
    %mul3A_1918 = arith.mulf %get3A_1912, %get3A_1917 : vector<16xf32>
    %swap3A_1919 = arith.constant 13 : i32
    %swap3A_1920 = arith.index_cast %swap3A_1919 : i32 to index
    %swap3A_1921 = arith.constant 64 : index
    %swap3A_1922 = tpu.vector_load %arg11[%swap3A_1920, %swap3A_1921] {strides = array<i32>} : memref<16x128xf32, #tpu.memory_space<vmem>>, vector<1x16xf32>,
    %swap3A_1923 = vector.shape_cast %swap3A_1922 : vector<1x16xf32> to vector<16xf32>
    %swap3A_1924 = vector.shape_cast %mul3A_1918 : vector<16xf32> to vector<1x16xf32>
    tpu.vector_store %arg11[%swap3A_1920, %swap3A_1921], %swap3A_1924 {strides = array<i32>} : memref<16x128xf32, #tpu.memory_space<vmem>>, vector<1x16xf32>,
    %get3A_1925 = arith.constant 13 : i32
    %get3A_1926 = arith.index_cast %get3A_1925 : i32 to index
    %get3A_1927 = arith.constant 80 : index
    %get3A_1928 = tpu.vector_load %arg11[%get3A_1926, %get3A_1927] {strides = array<i32>} : memref<16x128xf32, #tpu.memory_space<vmem>>, vector<1x16xf32>,
    %get3A_1929 = vector.shape_cast %get3A_1928 : vector<1x16xf32> to vector<16xf32>
    %get3A_1930 = arith.constant 13 : i32
    %get3A_1931 = arith.index_cast %get3A_1930 : i32 to index
    %get3A_1932 = arith.constant 80 : index
    %get3A_1933 = tpu.vector_load %arg12[%get3A_1931, %get3A_1932] {strides = array<i32>} : memref<16x128xf32, #tpu.memory_space<vmem>>, vector<1x16xf32>,
    %get3A_1934 = vector.shape_cast %get3A_1933 : vector<1x16xf32> to vector<16xf32>
    %mul3A_1935 = arith.mulf %get3A_1929, %get3A_1934 : vector<16xf32>
    %swap3A_1936 = arith.constant 13 : i32
    %swap3A_1937 = arith.index_cast %swap3A_1936 : i32 to index
    %swap3A_1938 = arith.constant 80 : index
    %swap3A_1939 = tpu.vector_load %arg11[%swap3A_1937, %swap3A_1938] {strides = array<i32>} : memref<16x128xf32, #tpu.memory_space<vmem>>, vector<1x16xf32>,
    %swap3A_1940 = vector.shape_cast %swap3A_1939 : vector<1x16xf32> to vector<16xf32>
    %swap3A_1941 = vector.shape_cast %mul3A_1935 : vector<16xf32> to vector<1x16xf32>
    tpu.vector_store %arg11[%swap3A_1937, %swap3A_1938], %swap3A_1941 {strides = array<i32>} : memref<16x128xf32, #tpu.memory_space<vmem>>, vector<1x16xf32>,
    %get3A_1942 = arith.constant 13 : i32
    %get3A_1943 = arith.index_cast %get3A_1942 : i32 to index
    %get3A_1944 = arith.constant 96 : index
    %get3A_1945 = tpu.vector_load %arg11[%get3A_1943, %get3A_1944] {strides = array<i32>} : memref<16x128xf32, #tpu.memory_space<vmem>>, vector<1x16xf32>,
    %get3A_1946 = vector.shape_cast %get3A_1945 : vector<1x16xf32> to vector<16xf32>
    %get3A_1947 = arith.constant 13 : i32
    %get3A_1948 = arith.index_cast %get3A_1947 : i32 to index
    %get3A_1949 = arith.constant 96 : index
    %get3A_1950 = tpu.vector_load %arg12[%get3A_1948, %get3A_1949] {strides = array<i32>} : memref<16x128xf32, #tpu.memory_space<vmem>>, vector<1x16xf32>,
    %get3A_1951 = vector.shape_cast %get3A_1950 : vector<1x16xf32> to vector<16xf32>
    %mul3A_1952 = arith.mulf %get3A_1946, %get3A_1951 : vector<16xf32>
    %swap3A_1953 = arith.constant 13 : i32
    %swap3A_1954 = arith.index_cast %swap3A_1953 : i32 to index
    %swap3A_1955 = arith.constant 96 : index
    %swap3A_1956 = tpu.vector_load %arg11[%swap3A_1954, %swap3A_1955] {strides = array<i32>} : memref<16x128xf32, #tpu.memory_space<vmem>>, vector<1x16xf32>,
    %swap3A_1957 = vector.shape_cast %swap3A_1956 : vector<1x16xf32> to vector<16xf32>
    %swap3A_1958 = vector.shape_cast %mul3A_1952 : vector<16xf32> to vector<1x16xf32>
    tpu.vector_store %arg11[%swap3A_1954, %swap3A_1955], %swap3A_1958 {strides = array<i32>} : memref<16x128xf32, #tpu.memory_space<vmem>>, vector<1x16xf32>,
    %get3A_1959 = arith.constant 13 : i32
    %get3A_1960 = arith.index_cast %get3A_1959 : i32 to index
    %get3A_1961 = arith.constant 112 : index
    %get3A_1962 = tpu.vector_load %arg11[%get3A_1960, %get3A_1961] {strides = array<i32>} : memref<16x128xf32, #tpu.memory_space<vmem>>, vector<1x16xf32>,
    %get3A_1963 = vector.shape_cast %get3A_1962 : vector<1x16xf32> to vector<16xf32>
    %get3A_1964 = arith.constant 13 : i32
    %get3A_1965 = arith.index_cast %get3A_1964 : i32 to index
    %get3A_1966 = arith.constant 112 : index
    %get3A_1967 = tpu.vector_load %arg12[%get3A_1965, %get3A_1966] {strides = array<i32>} : memref<16x128xf32, #tpu.memory_space<vmem>>, vector<1x16xf32>,
    %get3A_1968 = vector.shape_cast %get3A_1967 : vector<1x16xf32> to vector<16xf32>
    %mul3A_1969 = arith.mulf %get3A_1963, %get3A_1968 : vector<16xf32>
    %swap3A_1970 = arith.constant 13 : i32
    %swap3A_1971 = arith.index_cast %swap3A_1970 : i32 to index
    %swap3A_1972 = arith.constant 112 : index
    %swap3A_1973 = tpu.vector_load %arg11[%swap3A_1971, %swap3A_1972] {strides = array<i32>} : memref<16x128xf32, #tpu.memory_space<vmem>>, vector<1x16xf32>,
    %swap3A_1974 = vector.shape_cast %swap3A_1973 : vector<1x16xf32> to vector<16xf32>
    %swap3A_1975 = vector.shape_cast %mul3A_1969 : vector<16xf32> to vector<1x16xf32>
    tpu.vector_store %arg11[%swap3A_1971, %swap3A_1972], %swap3A_1975 {strides = array<i32>} : memref<16x128xf32, #tpu.memory_space<vmem>>, vector<1x16xf32>,
    %get3A_1976 = arith.constant 14 : i32
    %get3A_1977 = arith.index_cast %get3A_1976 : i32 to index
    %get3A_1978 = arith.constant 0 : index
    %get3A_1979 = tpu.vector_load %arg11[%get3A_1977, %get3A_1978] {strides = array<i32>} : memref<16x128xf32, #tpu.memory_space<vmem>>, vector<1x16xf32>,
    %get3A_1980 = vector.shape_cast %get3A_1979 : vector<1x16xf32> to vector<16xf32>
    %get3A_1981 = arith.constant 14 : i32
    %get3A_1982 = arith.index_cast %get3A_1981 : i32 to index
    %get3A_1983 = arith.constant 0 : index
    %get3A_1984 = tpu.vector_load %arg12[%get3A_1982, %get3A_1983] {strides = array<i32>} : memref<16x128xf32, #tpu.memory_space<vmem>>, vector<1x16xf32>,
    %get3A_1985 = vector.shape_cast %get3A_1984 : vector<1x16xf32> to vector<16xf32>
    %mul3A_1986 = arith.mulf %get3A_1980, %get3A_1985 : vector<16xf32>
    %swap3A_1987 = arith.constant 14 : i32
    %swap3A_1988 = arith.index_cast %swap3A_1987 : i32 to index
    %swap3A_1989 = arith.constant 0 : index
    %swap3A_1990 = tpu.vector_load %arg11[%swap3A_1988, %swap3A_1989] {strides = array<i32>} : memref<16x128xf32, #tpu.memory_space<vmem>>, vector<1x16xf32>,
    %swap3A_1991 = vector.shape_cast %swap3A_1990 : vector<1x16xf32> to vector<16xf32>
    %swap3A_1992 = vector.shape_cast %mul3A_1986 : vector<16xf32> to vector<1x16xf32>
    tpu.vector_store %arg11[%swap3A_1988, %swap3A_1989], %swap3A_1992 {strides = array<i32>} : memref<16x128xf32, #tpu.memory_space<vmem>>, vector<1x16xf32>,
    %get3A_1993 = arith.constant 14 : i32
    %get3A_1994 = arith.index_cast %get3A_1993 : i32 to index
    %get3A_1995 = arith.constant 16 : index
    %get3A_1996 = tpu.vector_load %arg11[%get3A_1994, %get3A_1995] {strides = array<i32>} : memref<16x128xf32, #tpu.memory_space<vmem>>, vector<1x16xf32>,
    %get3A_1997 = vector.shape_cast %get3A_1996 : vector<1x16xf32> to vector<16xf32>
    %get3A_1998 = arith.constant 14 : i32
    %get3A_1999 = arith.index_cast %get3A_1998 : i32 to index
    %get3A_2000 = arith.constant 16 : index
    %get3A_2001 = tpu.vector_load %arg12[%get3A_1999, %get3A_2000] {strides = array<i32>} : memref<16x128xf32, #tpu.memory_space<vmem>>, vector<1x16xf32>,
    %get3A_2002 = vector.shape_cast %get3A_2001 : vector<1x16xf32> to vector<16xf32>
    %mul3A_2003 = arith.mulf %get3A_1997, %get3A_2002 : vector<16xf32>
    %swap3A_2004 = arith.constant 14 : i32
    %swap3A_2005 = arith.index_cast %swap3A_2004 : i32 to index
    %swap3A_2006 = arith.constant 16 : index
    %swap3A_2007 = tpu.vector_load %arg11[%swap3A_2005, %swap3A_2006] {strides = array<i32>} : memref<16x128xf32, #tpu.memory_space<vmem>>, vector<1x16xf32>,
    %swap3A_2008 = vector.shape_cast %swap3A_2007 : vector<1x16xf32> to vector<16xf32>
    %swap3A_2009 = vector.shape_cast %mul3A_2003 : vector<16xf32> to vector<1x16xf32>
    tpu.vector_store %arg11[%swap3A_2005, %swap3A_2006], %swap3A_2009 {strides = array<i32>} : memref<16x128xf32, #tpu.memory_space<vmem>>, vector<1x16xf32>,
    %get3A_2010 = arith.constant 14 : i32
    %get3A_2011 = arith.index_cast %get3A_2010 : i32 to index
    %get3A_2012 = arith.constant 32 : index
    %get3A_2013 = tpu.vector_load %arg11[%get3A_2011, %get3A_2012] {strides = array<i32>} : memref<16x128xf32, #tpu.memory_space<vmem>>, vector<1x16xf32>,
    %get3A_2014 = vector.shape_cast %get3A_2013 : vector<1x16xf32> to vector<16xf32>
    %get3A_2015 = arith.constant 14 : i32
    %get3A_2016 = arith.index_cast %get3A_2015 : i32 to index
    %get3A_2017 = arith.constant 32 : index
    %get3A_2018 = tpu.vector_load %arg12[%get3A_2016, %get3A_2017] {strides = array<i32>} : memref<16x128xf32, #tpu.memory_space<vmem>>, vector<1x16xf32>,
    %get3A_2019 = vector.shape_cast %get3A_2018 : vector<1x16xf32> to vector<16xf32>
    %mul3A_2020 = arith.mulf %get3A_2014, %get3A_2019 : vector<16xf32>
    %swap3A_2021 = arith.constant 14 : i32
    %swap3A_2022 = arith.index_cast %swap3A_2021 : i32 to index
    %swap3A_2023 = arith.constant 32 : index
    %swap3A_2024 = tpu.vector_load %arg11[%swap3A_2022, %swap3A_2023] {strides = array<i32>} : memref<16x128xf32, #tpu.memory_space<vmem>>, vector<1x16xf32>,
    %swap3A_2025 = vector.shape_cast %swap3A_2024 : vector<1x16xf32> to vector<16xf32>
    %swap3A_2026 = vector.shape_cast %mul3A_2020 : vector<16xf32> to vector<1x16xf32>
    tpu.vector_store %arg11[%swap3A_2022, %swap3A_2023], %swap3A_2026 {strides = array<i32>} : memref<16x128xf32, #tpu.memory_space<vmem>>, vector<1x16xf32>,
    %get3A_2027 = arith.constant 14 : i32
    %get3A_2028 = arith.index_cast %get3A_2027 : i32 to index
    %get3A_2029 = arith.constant 48 : index
    %get3A_2030 = tpu.vector_load %arg11[%get3A_2028, %get3A_2029] {strides = array<i32>} : memref<16x128xf32, #tpu.memory_space<vmem>>, vector<1x16xf32>,
    %get3A_2031 = vector.shape_cast %get3A_2030 : vector<1x16xf32> to vector<16xf32>
    %get3A_2032 = arith.constant 14 : i32
    %get3A_2033 = arith.index_cast %get3A_2032 : i32 to index
    %get3A_2034 = arith.constant 48 : index
    %get3A_2035 = tpu.vector_load %arg12[%get3A_2033, %get3A_2034] {strides = array<i32>} : memref<16x128xf32, #tpu.memory_space<vmem>>, vector<1x16xf32>,
    %get3A_2036 = vector.shape_cast %get3A_2035 : vector<1x16xf32> to vector<16xf32>
    %mul3A_2037 = arith.mulf %get3A_2031, %get3A_2036 : vector<16xf32>
    %swap3A_2038 = arith.constant 14 : i32
    %swap3A_2039 = arith.index_cast %swap3A_2038 : i32 to index
    %swap3A_2040 = arith.constant 48 : index
    %swap3A_2041 = tpu.vector_load %arg11[%swap3A_2039, %swap3A_2040] {strides = array<i32>} : memref<16x128xf32, #tpu.memory_space<vmem>>, vector<1x16xf32>,
    %swap3A_2042 = vector.shape_cast %swap3A_2041 : vector<1x16xf32> to vector<16xf32>
    %swap3A_2043 = vector.shape_cast %mul3A_2037 : vector<16xf32> to vector<1x16xf32>
    tpu.vector_store %arg11[%swap3A_2039, %swap3A_2040], %swap3A_2043 {strides = array<i32>} : memref<16x128xf32, #tpu.memory_space<vmem>>, vector<1x16xf32>,
    %get3A_2044 = arith.constant 14 : i32
    %get3A_2045 = arith.index_cast %get3A_2044 : i32 to index
    %get3A_2046 = arith.constant 64 : index
    %get3A_2047 = tpu.vector_load %arg11[%get3A_2045, %get3A_2046] {strides = array<i32>} : memref<16x128xf32, #tpu.memory_space<vmem>>, vector<1x16xf32>,
    %get3A_2048 = vector.shape_cast %get3A_2047 : vector<1x16xf32> to vector<16xf32>
    %get3A_2049 = arith.constant 14 : i32
    %get3A_2050 = arith.index_cast %get3A_2049 : i32 to index
    %get3A_2051 = arith.constant 64 : index
    %get3A_2052 = tpu.vector_load %arg12[%get3A_2050, %get3A_2051] {strides = array<i32>} : memref<16x128xf32, #tpu.memory_space<vmem>>, vector<1x16xf32>,
    %get3A_2053 = vector.shape_cast %get3A_2052 : vector<1x16xf32> to vector<16xf32>
    %mul3A_2054 = arith.mulf %get3A_2048, %get3A_2053 : vector<16xf32>
    %swap3A_2055 = arith.constant 14 : i32
    %swap3A_2056 = arith.index_cast %swap3A_2055 : i32 to index
    %swap3A_2057 = arith.constant 64 : index
    %swap3A_2058 = tpu.vector_load %arg11[%swap3A_2056, %swap3A_2057] {strides = array<i32>} : memref<16x128xf32, #tpu.memory_space<vmem>>, vector<1x16xf32>,
    %swap3A_2059 = vector.shape_cast %swap3A_2058 : vector<1x16xf32> to vector<16xf32>
    %swap3A_2060 = vector.shape_cast %mul3A_2054 : vector<16xf32> to vector<1x16xf32>
    tpu.vector_store %arg11[%swap3A_2056, %swap3A_2057], %swap3A_2060 {strides = array<i32>} : memref<16x128xf32, #tpu.memory_space<vmem>>, vector<1x16xf32>,
    %get3A_2061 = arith.constant 14 : i32
    %get3A_2062 = arith.index_cast %get3A_2061 : i32 to index
    %get3A_2063 = arith.constant 80 : index
    %get3A_2064 = tpu.vector_load %arg11[%get3A_2062, %get3A_2063] {strides = array<i32>} : memref<16x128xf32, #tpu.memory_space<vmem>>, vector<1x16xf32>,
    %get3A_2065 = vector.shape_cast %get3A_2064 : vector<1x16xf32> to vector<16xf32>
    %get3A_2066 = arith.constant 14 : i32
    %get3A_2067 = arith.index_cast %get3A_2066 : i32 to index
    %get3A_2068 = arith.constant 80 : index
    %get3A_2069 = tpu.vector_load %arg12[%get3A_2067, %get3A_2068] {strides = array<i32>} : memref<16x128xf32, #tpu.memory_space<vmem>>, vector<1x16xf32>,
    %get3A_2070 = vector.shape_cast %get3A_2069 : vector<1x16xf32> to vector<16xf32>
    %mul3A_2071 = arith.mulf %get3A_2065, %get3A_2070 : vector<16xf32>
    %swap3A_2072 = arith.constant 14 : i32
    %swap3A_2073 = arith.index_cast %swap3A_2072 : i32 to index
    %swap3A_2074 = arith.constant 80 : index
    %swap3A_2075 = tpu.vector_load %arg11[%swap3A_2073, %swap3A_2074] {strides = array<i32>} : memref<16x128xf32, #tpu.memory_space<vmem>>, vector<1x16xf32>,
    %swap3A_2076 = vector.shape_cast %swap3A_2075 : vector<1x16xf32> to vector<16xf32>
    %swap3A_2077 = vector.shape_cast %mul3A_2071 : vector<16xf32> to vector<1x16xf32>
    tpu.vector_store %arg11[%swap3A_2073, %swap3A_2074], %swap3A_2077 {strides = array<i32>} : memref<16x128xf32, #tpu.memory_space<vmem>>, vector<1x16xf32>,
    %get3A_2078 = arith.constant 14 : i32
    %get3A_2079 = arith.index_cast %get3A_2078 : i32 to index
    %get3A_2080 = arith.constant 96 : index
    %get3A_2081 = tpu.vector_load %arg11[%get3A_2079, %get3A_2080] {strides = array<i32>} : memref<16x128xf32, #tpu.memory_space<vmem>>, vector<1x16xf32>,
    %get3A_2082 = vector.shape_cast %get3A_2081 : vector<1x16xf32> to vector<16xf32>
    %get3A_2083 = arith.constant 14 : i32
    %get3A_2084 = arith.index_cast %get3A_2083 : i32 to index
    %get3A_2085 = arith.constant 96 : index
    %get3A_2086 = tpu.vector_load %arg12[%get3A_2084, %get3A_2085] {strides = array<i32>} : memref<16x128xf32, #tpu.memory_space<vmem>>, vector<1x16xf32>,
    %get3A_2087 = vector.shape_cast %get3A_2086 : vector<1x16xf32> to vector<16xf32>
    %mul3A_2088 = arith.mulf %get3A_2082, %get3A_2087 : vector<16xf32>
    %swap3A_2089 = arith.constant 14 : i32
    %swap3A_2090 = arith.index_cast %swap3A_2089 : i32 to index
    %swap3A_2091 = arith.constant 96 : index
    %swap3A_2092 = tpu.vector_load %arg11[%swap3A_2090, %swap3A_2091] {strides = array<i32>} : memref<16x128xf32, #tpu.memory_space<vmem>>, vector<1x16xf32>,
    %swap3A_2093 = vector.shape_cast %swap3A_2092 : vector<1x16xf32> to vector<16xf32>
    %swap3A_2094 = vector.shape_cast %mul3A_2088 : vector<16xf32> to vector<1x16xf32>
    tpu.vector_store %arg11[%swap3A_2090, %swap3A_2091], %swap3A_2094 {strides = array<i32>} : memref<16x128xf32, #tpu.memory_space<vmem>>, vector<1x16xf32>,
    %get3A_2095 = arith.constant 14 : i32
    %get3A_2096 = arith.index_cast %get3A_2095 : i32 to index
    %get3A_2097 = arith.constant 112 : index
    %get3A_2098 = tpu.vector_load %arg11[%get3A_2096, %get3A_2097] {strides = array<i32>} : memref<16x128xf32, #tpu.memory_space<vmem>>, vector<1x16xf32>,
    %get3A_2099 = vector.shape_cast %get3A_2098 : vector<1x16xf32> to vector<16xf32>
    %get3A_2100 = arith.constant 14 : i32
    %get3A_2101 = arith.index_cast %get3A_2100 : i32 to index
    %get3A_2102 = arith.constant 112 : index
    %get3A_2103 = tpu.vector_load %arg12[%get3A_2101, %get3A_2102] {strides = array<i32>} : memref<16x128xf32, #tpu.memory_space<vmem>>, vector<1x16xf32>,
    %get3A_2104 = vector.shape_cast %get3A_2103 : vector<1x16xf32> to vector<16xf32>
    %mul3A_2105 = arith.mulf %get3A_2099, %get3A_2104 : vector<16xf32>
    %swap3A_2106 = arith.constant 14 : i32
    %swap3A_2107 = arith.index_cast %swap3A_2106 : i32 to index
    %swap3A_2108 = arith.constant 112 : index
    %swap3A_2109 = tpu.vector_load %arg11[%swap3A_2107, %swap3A_2108] {strides = array<i32>} : memref<16x128xf32, #tpu.memory_space<vmem>>, vector<1x16xf32>,
    %swap3A_2110 = vector.shape_cast %swap3A_2109 : vector<1x16xf32> to vector<16xf32>
    %swap3A_2111 = vector.shape_cast %mul3A_2105 : vector<16xf32> to vector<1x16xf32>
    tpu.vector_store %arg11[%swap3A_2107, %swap3A_2108], %swap3A_2111 {strides = array<i32>} : memref<16x128xf32, #tpu.memory_space<vmem>>, vector<1x16xf32>,
    %get3A_2112 = arith.constant 15 : i32
    %get3A_2113 = arith.index_cast %get3A_2112 : i32 to index
    %get3A_2114 = arith.constant 0 : index
    %get3A_2115 = tpu.vector_load %arg11[%get3A_2113, %get3A_2114] {strides = array<i32>} : memref<16x128xf32, #tpu.memory_space<vmem>>, vector<1x16xf32>,
    %get3A_2116 = vector.shape_cast %get3A_2115 : vector<1x16xf32> to vector<16xf32>
    %get3A_2117 = arith.constant 15 : i32
    %get3A_2118 = arith.index_cast %get3A_2117 : i32 to index
    %get3A_2119 = arith.constant 0 : index
    %get3A_2120 = tpu.vector_load %arg12[%get3A_2118, %get3A_2119] {strides = array<i32>} : memref<16x128xf32, #tpu.memory_space<vmem>>, vector<1x16xf32>,
    %get3A_2121 = vector.shape_cast %get3A_2120 : vector<1x16xf32> to vector<16xf32>
    %mul3A_2122 = arith.mulf %get3A_2116, %get3A_2121 : vector<16xf32>
    %swap3A_2123 = arith.constant 15 : i32
    %swap3A_2124 = arith.index_cast %swap3A_2123 : i32 to index
    %swap3A_2125 = arith.constant 0 : index
    %swap3A_2126 = tpu.vector_load %arg11[%swap3A_2124, %swap3A_2125] {strides = array<i32>} : memref<16x128xf32, #tpu.memory_space<vmem>>, vector<1x16xf32>,
    %swap3A_2127 = vector.shape_cast %swap3A_2126 : vector<1x16xf32> to vector<16xf32>
    %swap3A_2128 = vector.shape_cast %mul3A_2122 : vector<16xf32> to vector<1x16xf32>
    tpu.vector_store %arg11[%swap3A_2124, %swap3A_2125], %swap3A_2128 {strides = array<i32>} : memref<16x128xf32, #tpu.memory_space<vmem>>, vector<1x16xf32>,
    %get3A_2129 = arith.constant 15 : i32
    %get3A_2130 = arith.index_cast %get3A_2129 : i32 to index
    %get3A_2131 = arith.constant 16 : index
    %get3A_2132 = tpu.vector_load %arg11[%get3A_2130, %get3A_2131] {strides = array<i32>} : memref<16x128xf32, #tpu.memory_space<vmem>>, vector<1x16xf32>,
    %get3A_2133 = vector.shape_cast %get3A_2132 : vector<1x16xf32> to vector<16xf32>
    %get3A_2134 = arith.constant 15 : i32
    %get3A_2135 = arith.index_cast %get3A_2134 : i32 to index
    %get3A_2136 = arith.constant 16 : index
    %get3A_2137 = tpu.vector_load %arg12[%get3A_2135, %get3A_2136] {strides = array<i32>} : memref<16x128xf32, #tpu.memory_space<vmem>>, vector<1x16xf32>,
    %get3A_2138 = vector.shape_cast %get3A_2137 : vector<1x16xf32> to vector<16xf32>
    %mul3A_2139 = arith.mulf %get3A_2133, %get3A_2138 : vector<16xf32>
    %swap3A_2140 = arith.constant 15 : i32
    %swap3A_2141 = arith.index_cast %swap3A_2140 : i32 to index
    %swap3A_2142 = arith.constant 16 : index
    %swap3A_2143 = tpu.vector_load %arg11[%swap3A_2141, %swap3A_2142] {strides = array<i32>} : memref<16x128xf32, #tpu.memory_space<vmem>>, vector<1x16xf32>,
    %swap3A_2144 = vector.shape_cast %swap3A_2143 : vector<1x16xf32> to vector<16xf32>
    %swap3A_2145 = vector.shape_cast %mul3A_2139 : vector<16xf32> to vector<1x16xf32>
    tpu.vector_store %arg11[%swap3A_2141, %swap3A_2142], %swap3A_2145 {strides = array<i32>} : memref<16x128xf32, #tpu.memory_space<vmem>>, vector<1x16xf32>,
    %get3A_2146 = arith.constant 15 : i32
    %get3A_2147 = arith.index_cast %get3A_2146 : i32 to index
    %get3A_2148 = arith.constant 32 : index
    %get3A_2149 = tpu.vector_load %arg11[%get3A_2147, %get3A_2148] {strides = array<i32>} : memref<16x128xf32, #tpu.memory_space<vmem>>, vector<1x16xf32>,
    %get3A_2150 = vector.shape_cast %get3A_2149 : vector<1x16xf32> to vector<16xf32>
    %get3A_2151 = arith.constant 15 : i32
    %get3A_2152 = arith.index_cast %get3A_2151 : i32 to index
    %get3A_2153 = arith.constant 32 : index
    %get3A_2154 = tpu.vector_load %arg12[%get3A_2152, %get3A_2153] {strides = array<i32>} : memref<16x128xf32, #tpu.memory_space<vmem>>, vector<1x16xf32>,
    %get3A_2155 = vector.shape_cast %get3A_2154 : vector<1x16xf32> to vector<16xf32>
    %mul3A_2156 = arith.mulf %get3A_2150, %get3A_2155 : vector<16xf32>
    %swap3A_2157 = arith.constant 15 : i32
    %swap3A_2158 = arith.index_cast %swap3A_2157 : i32 to index
    %swap3A_2159 = arith.constant 32 : index
    %swap3A_2160 = tpu.vector_load %arg11[%swap3A_2158, %swap3A_2159] {strides = array<i32>} : memref<16x128xf32, #tpu.memory_space<vmem>>, vector<1x16xf32>,
    %swap3A_2161 = vector.shape_cast %swap3A_2160 : vector<1x16xf32> to vector<16xf32>
    %swap3A_2162 = vector.shape_cast %mul3A_2156 : vector<16xf32> to vector<1x16xf32>
    tpu.vector_store %arg11[%swap3A_2158, %swap3A_2159], %swap3A_2162 {strides = array<i32>} : memref<16x128xf32, #tpu.memory_space<vmem>>, vector<1x16xf32>,
    %get3A_2163 = arith.constant 15 : i32
    %get3A_2164 = arith.index_cast %get3A_2163 : i32 to index
    %get3A_2165 = arith.constant 48 : index
    %get3A_2166 = tpu.vector_load %arg11[%get3A_2164, %get3A_2165] {strides = array<i32>} : memref<16x128xf32, #tpu.memory_space<vmem>>, vector<1x16xf32>,
    %get3A_2167 = vector.shape_cast %get3A_2166 : vector<1x16xf32> to vector<16xf32>
    %get3A_2168 = arith.constant 15 : i32
    %get3A_2169 = arith.index_cast %get3A_2168 : i32 to index
    %get3A_2170 = arith.constant 48 : index
    %get3A_2171 = tpu.vector_load %arg12[%get3A_2169, %get3A_2170] {strides = array<i32>} : memref<16x128xf32, #tpu.memory_space<vmem>>, vector<1x16xf32>,
    %get3A_2172 = vector.shape_cast %get3A_2171 : vector<1x16xf32> to vector<16xf32>
    %mul3A_2173 = arith.mulf %get3A_2167, %get3A_2172 : vector<16xf32>
    %swap3A_2174 = arith.constant 15 : i32
    %swap3A_2175 = arith.index_cast %swap3A_2174 : i32 to index
    %swap3A_2176 = arith.constant 48 : index
    %swap3A_2177 = tpu.vector_load %arg11[%swap3A_2175, %swap3A_2176] {strides = array<i32>} : memref<16x128xf32, #tpu.memory_space<vmem>>, vector<1x16xf32>,
    %swap3A_2178 = vector.shape_cast %swap3A_2177 : vector<1x16xf32> to vector<16xf32>
    %swap3A_2179 = vector.shape_cast %mul3A_2173 : vector<16xf32> to vector<1x16xf32>
    tpu.vector_store %arg11[%swap3A_2175, %swap3A_2176], %swap3A_2179 {strides = array<i32>} : memref<16x128xf32, #tpu.memory_space<vmem>>, vector<1x16xf32>,
    %get3A_2180 = arith.constant 15 : i32
    %get3A_2181 = arith.index_cast %get3A_2180 : i32 to index
    %get3A_2182 = arith.constant 64 : index
    %get3A_2183 = tpu.vector_load %arg11[%get3A_2181, %get3A_2182] {strides = array<i32>} : memref<16x128xf32, #tpu.memory_space<vmem>>, vector<1x16xf32>,
    %get3A_2184 = vector.shape_cast %get3A_2183 : vector<1x16xf32> to vector<16xf32>
    %get3A_2185 = arith.constant 15 : i32
    %get3A_2186 = arith.index_cast %get3A_2185 : i32 to index
    %get3A_2187 = arith.constant 64 : index
    %get3A_2188 = tpu.vector_load %arg12[%get3A_2186, %get3A_2187] {strides = array<i32>} : memref<16x128xf32, #tpu.memory_space<vmem>>, vector<1x16xf32>,
    %get3A_2189 = vector.shape_cast %get3A_2188 : vector<1x16xf32> to vector<16xf32>
    %mul3A_2190 = arith.mulf %get3A_2184, %get3A_2189 : vector<16xf32>
    %swap3A_2191 = arith.constant 15 : i32
    %swap3A_2192 = arith.index_cast %swap3A_2191 : i32 to index
    %swap3A_2193 = arith.constant 64 : index
    %swap3A_2194 = tpu.vector_load %arg11[%swap3A_2192, %swap3A_2193] {strides = array<i32>} : memref<16x128xf32, #tpu.memory_space<vmem>>, vector<1x16xf32>,
    %swap3A_2195 = vector.shape_cast %swap3A_2194 : vector<1x16xf32> to vector<16xf32>
    %swap3A_2196 = vector.shape_cast %mul3A_2190 : vector<16xf32> to vector<1x16xf32>
    tpu.vector_store %arg11[%swap3A_2192, %swap3A_2193], %swap3A_2196 {strides = array<i32>} : memref<16x128xf32, #tpu.memory_space<vmem>>, vector<1x16xf32>,
    %get3A_2197 = arith.constant 15 : i32
    %get3A_2198 = arith.index_cast %get3A_2197 : i32 to index
    %get3A_2199 = arith.constant 80 : index
    %get3A_2200 = tpu.vector_load %arg11[%get3A_2198, %get3A_2199] {strides = array<i32>} : memref<16x128xf32, #tpu.memory_space<vmem>>, vector<1x16xf32>,
    %get3A_2201 = vector.shape_cast %get3A_2200 : vector<1x16xf32> to vector<16xf32>
    %get3A_2202 = arith.constant 15 : i32
    %get3A_2203 = arith.index_cast %get3A_2202 : i32 to index
    %get3A_2204 = arith.constant 80 : index
    %get3A_2205 = tpu.vector_load %arg12[%get3A_2203, %get3A_2204] {strides = array<i32>} : memref<16x128xf32, #tpu.memory_space<vmem>>, vector<1x16xf32>,
    %get3A_2206 = vector.shape_cast %get3A_2205 : vector<1x16xf32> to vector<16xf32>
    %mul3A_2207 = arith.mulf %get3A_2201, %get3A_2206 : vector<16xf32>
    %swap3A_2208 = arith.constant 15 : i32
    %swap3A_2209 = arith.index_cast %swap3A_2208 : i32 to index
    %swap3A_2210 = arith.constant 80 : index
    %swap3A_2211 = tpu.vector_load %arg11[%swap3A_2209, %swap3A_2210] {strides = array<i32>} : memref<16x128xf32, #tpu.memory_space<vmem>>, vector<1x16xf32>,
    %swap3A_2212 = vector.shape_cast %swap3A_2211 : vector<1x16xf32> to vector<16xf32>
    %swap3A_2213 = vector.shape_cast %mul3A_2207 : vector<16xf32> to vector<1x16xf32>
    tpu.vector_store %arg11[%swap3A_2209, %swap3A_2210], %swap3A_2213 {strides = array<i32>} : memref<16x128xf32, #tpu.memory_space<vmem>>, vector<1x16xf32>,
    %get3A_2214 = arith.constant 15 : i32
    %get3A_2215 = arith.index_cast %get3A_2214 : i32 to index
    %get3A_2216 = arith.constant 96 : index
    %get3A_2217 = tpu.vector_load %arg11[%get3A_2215, %get3A_2216] {strides = array<i32>} : memref<16x128xf32, #tpu.memory_space<vmem>>, vector<1x16xf32>,
    %get3A_2218 = vector.shape_cast %get3A_2217 : vector<1x16xf32> to vector<16xf32>
    %get3A_2219 = arith.constant 15 : i32
    %get3A_2220 = arith.index_cast %get3A_2219 : i32 to index
    %get3A_2221 = arith.constant 96 : index
    %get3A_2222 = tpu.vector_load %arg12[%get3A_2220, %get3A_2221] {strides = array<i32>} : memref<16x128xf32, #tpu.memory_space<vmem>>, vector<1x16xf32>,
    %get3A_2223 = vector.shape_cast %get3A_2222 : vector<1x16xf32> to vector<16xf32>
    %mul3A_2224 = arith.mulf %get3A_2218, %get3A_2223 : vector<16xf32>
    %swap3A_2225 = arith.constant 15 : i32
    %swap3A_2226 = arith.index_cast %swap3A_2225 : i32 to index
    %swap3A_2227 = arith.constant 96 : index
    %swap3A_2228 = tpu.vector_load %arg11[%swap3A_2226, %swap3A_2227] {strides = array<i32>} : memref<16x128xf32, #tpu.memory_space<vmem>>, vector<1x16xf32>,
    %swap3A_2229 = vector.shape_cast %swap3A_2228 : vector<1x16xf32> to vector<16xf32>
    %swap3A_2230 = vector.shape_cast %mul3A_2224 : vector<16xf32> to vector<1x16xf32>
    tpu.vector_store %arg11[%swap3A_2226, %swap3A_2227], %swap3A_2230 {strides = array<i32>} : memref<16x128xf32, #tpu.memory_space<vmem>>, vector<1x16xf32>,
    %get3A_2231 = arith.constant 15 : i32
    %get3A_2232 = arith.index_cast %get3A_2231 : i32 to index
    %get3A_2233 = arith.constant 112 : index
    %get3A_2234 = tpu.vector_load %arg11[%get3A_2232, %get3A_2233] {strides = array<i32>} : memref<16x128xf32, #tpu.memory_space<vmem>>, vector<1x16xf32>,
    %get3A_2235 = vector.shape_cast %get3A_2234 : vector<1x16xf32> to vector<16xf32>
    %get3A_2236 = arith.constant 15 : i32
    %get3A_2237 = arith.index_cast %get3A_2236 : i32 to index
    %get3A_2238 = arith.constant 112 : index
    %get3A_2239 = tpu.vector_load %arg12[%get3A_2237, %get3A_2238] {strides = array<i32>} : memref<16x128xf32, #tpu.memory_space<vmem>>, vector<1x16xf32>,
    %get3A_2240 = vector.shape_cast %get3A_2239 : vector<1x16xf32> to vector<16xf32>
    %mul3A_2241 = arith.mulf %get3A_2235, %get3A_2240 : vector<16xf32>
    %swap3A_2242 = arith.constant 15 : i32
    %swap3A_2243 = arith.index_cast %swap3A_2242 : i32 to index
    %swap3A_2244 = arith.constant 112 : index
    %swap3A_2245 = tpu.vector_load %arg11[%swap3A_2243, %swap3A_2244] {strides = array<i32>} : memref<16x128xf32, #tpu.memory_space<vmem>>, vector<1x16xf32>,
    %swap3A_2246 = vector.shape_cast %swap3A_2245 : vector<1x16xf32> to vector<16xf32>
    %swap3A_2247 = vector.shape_cast %mul3A_2241 : vector<16xf32> to vector<1x16xf32>
    tpu.vector_store %arg11[%swap3A_2243, %swap3A_2244], %swap3A_2247 {strides = array<i32>} : memref<16x128xf32, #tpu.memory_space<vmem>>, vector<1x16xf32>,
    "tpu.region"() ({
      %run_scoped3A = tpu.sem_alloc : memref<!tpu.dma_semaphore, #tpu.memory_space<semaphore_mem>>
      %dma_start3A_2248 = arith.constant 0 : i32
      %dma_start3A_2249 = tpu.memref_slice %arg5[%add3A_61, %dma_start3A_2248] : memref<320000x128xf32, #tpu.memory_space<hbm>> -> memref<16x128xf32, #tpu.memory_space<hbm>>
      %dma_start3A_2250 = arith.constant 0 : i32
      %dma_start3A_2251 = tpu.memref_slice %arg5[%add3A_61, %dma_start3A_2250] : memref<320000x128xf32, #tpu.memory_space<hbm>> -> memref<16x128xf32, #tpu.memory_space<hbm>>
      tpu.enqueue_dma source(%arg11 : memref<16x128xf32, #tpu.memory_space<vmem>>) target(%dma_start3A_2251 : memref<16x128xf32, #tpu.memory_space<hbm>>) target_semaphore(%run_scoped3A : memref<!tpu.dma_semaphore, #tpu.memory_space<semaphore_mem>>)
      %dma_wait3A_2252 = arith.constant 0 : i32
      %dma_wait3A_2253 = tpu.memref_slice %arg5[%add3A_61, %dma_wait3A_2252] : memref<320000x128xf32, #tpu.memory_space<hbm>> -> memref<16x128xf32, #tpu.memory_space<hbm>>
      %dma_wait3A_2254 = arith.constant 0 : i32
      %dma_wait3A_2255 = tpu.memref_slice %arg5[%add3A_61, %dma_wait3A_2254] : memref<320000x128xf32, #tpu.memory_space<hbm>> -> memref<16x128xf32, #tpu.memory_space<hbm>>
      tpu.wait_dma2 semaphore(%run_scoped3A : memref<!tpu.dma_semaphore, #tpu.memory_space<semaphore_mem>>) src(%arg11 : memref<16x128xf32, #tpu.memory_space<vmem>>) dst(%dma_wait3A_2255 : memref<16x128xf32, #tpu.memory_space<hbm>>)
      tpu.yield
    }) : () -> ()
    return
  }
}

#map = affine_map<(d0, d1) -> (0, 0)>
#map1 = affine_map<(d0, d1) -> (0)>
module attributes {stable_mosaic.version = 14 : i64} {
  func.func @k(%arg0: i32, %arg1: i32, %arg2: memref<10000x128xf32, #tpu.memory_space<hbm>>, %arg3: memref<320000xi32, #tpu.memory_space<hbm>>, %arg4: memref<320000x128xf32, #tpu.memory_space<hbm>>, %arg5: memref<10000xi32, #tpu.memory_space<vmem>>, %arg6: memref<2x128x128xf32, #tpu.memory_space<vmem>>, %arg7: memref<16xi32, #tpu.memory_space<vmem>>, %arg8: memref<16x128xf32, #tpu.memory_space<vmem>>, %arg9: memref<10000x128xf32, #tpu.memory_space<vmem_shared>>, %arg10: memref<!tpu.dma_semaphore, #tpu.memory_space<semaphore_mem>>, %arg11: memref<!tpu.dma_semaphore, #tpu.memory_space<semaphore_mem>>, %arg12: memref<!tpu.dma_semaphore, #tpu.memory_space<semaphore_mem>>, %arg13: memref<!tpu.dma_semaphore, #tpu.memory_space<semaphore_mem>>) attributes {dimension_semantics = [#tpu.dimension_semantics<core_parallel>, #tpu.dimension_semantics<subcore_parallel>], iteration_bounds = array<i64: 2, 16>, scalar_prefetch = 0 : i64, scratch_operands = 9 : i64, tpu.core_type = #tpu.core_type<sc_vector_subcore>, window_params = [{transform_indices = #map}, {transform_indices = #map1}, {transform_indices = #map}]} {
    %mul3A = arith.constant 2 : i32
    %mul3A_0 = arith.muli %arg1, %mul3A : i32
    %add3A = arith.addi %mul3A_0, %arg0 : i32
    %mul3A_1 = arith.constant 10000 : i32
    %mul3A_2 = arith.muli %add3A, %mul3A_1 : i32
    %lt3A = arith.constant 15 : i32
    %lt3A_3 = arith.cmpi slt, %arg1, %lt3A : i32
    %convert_element_type3A = arith.extui %lt3A_3 : i1 to i32
    %cond3A = arith.constant 0 : i32
    %cond3A_4 = arith.cmpi ne, %convert_element_type3A, %cond3A : i32
    scf.if %cond3A_4 {
      %mul3A_44 = arith.constant 640 : i32
      %mul3A_45 = arith.muli %arg1, %mul3A_44 : i32
      %mul3A_46 = arith.constant 640 : i32
      %mul3A_47 = arith.muli %arg1, %mul3A_46 : i32
      "tpu.region"() ({
        %run_scoped3A = tpu.sem_alloc : memref<!tpu.dma_semaphore, #tpu.memory_space<semaphore_mem>>
        %dma_start3A_48 = arith.constant 0 : i32
        %dma_start3A_49 = tpu.memref_slice %arg9[%mul3A_47, %dma_start3A_48] : memref<10000x128xf32, #tpu.memory_space<vmem_shared>> -> memref<640x128xf32, #tpu.memory_space<vmem_shared>>
        %dma_start3A_50 = arith.constant 0 : i32
        %dma_start3A_51 = tpu.memref_slice %arg2[%mul3A_45, %dma_start3A_50] : memref<10000x128xf32, #tpu.memory_space<hbm>> -> memref<640x128xf32, #tpu.memory_space<hbm>>
        tpu.enqueue_dma source(%dma_start3A_51 : memref<640x128xf32, #tpu.memory_space<hbm>>) target(%dma_start3A_49 : memref<640x128xf32, #tpu.memory_space<vmem_shared>>) target_semaphore(%run_scoped3A : memref<!tpu.dma_semaphore, #tpu.memory_space<semaphore_mem>>)
        %dma_wait3A_52 = arith.constant 0 : i32
        %dma_wait3A_53 = tpu.memref_slice %arg9[%mul3A_47, %dma_wait3A_52] : memref<10000x128xf32, #tpu.memory_space<vmem_shared>> -> memref<640x128xf32, #tpu.memory_space<vmem_shared>>
        %dma_wait3A_54 = arith.constant 0 : i32
        %dma_wait3A_55 = tpu.memref_slice %arg2[%mul3A_45, %dma_wait3A_54] : memref<10000x128xf32, #tpu.memory_space<hbm>> -> memref<640x128xf32, #tpu.memory_space<hbm>>
        tpu.wait_dma2 semaphore(%run_scoped3A : memref<!tpu.dma_semaphore, #tpu.memory_space<semaphore_mem>>) src(%dma_wait3A_55 : memref<640x128xf32, #tpu.memory_space<hbm>>) dst(%dma_wait3A_53 : memref<640x128xf32, #tpu.memory_space<vmem_shared>>)
        tpu.yield
      }) : () -> ()
    } else {
    }
    %eq3A = arith.constant 15 : i32
    %eq3A_5 = arith.cmpi eq, %arg1, %eq3A : i32
    %convert_element_type3A_6 = arith.extui %eq3A_5 : i1 to i32
    %cond3A_7 = arith.constant 0 : i32
    %cond3A_8 = arith.cmpi ne, %convert_element_type3A_6, %cond3A_7 : i32
    scf.if %cond3A_8 {
      "tpu.region"() ({
        %run_scoped3A = tpu.sem_alloc : memref<!tpu.dma_semaphore, #tpu.memory_space<semaphore_mem>>
        %dma_start3A_44 = arith.constant 9600 : i32
        %dma_start3A_45 = arith.constant 0 : i32
        %dma_start3A_46 = tpu.memref_slice %arg9[%dma_start3A_44, %dma_start3A_45] : memref<10000x128xf32, #tpu.memory_space<vmem_shared>> -> memref<400x128xf32, #tpu.memory_space<vmem_shared>>
        %dma_start3A_47 = arith.constant 9600 : i32
        %dma_start3A_48 = arith.constant 0 : i32
        %dma_start3A_49 = tpu.memref_slice %arg2[%dma_start3A_47, %dma_start3A_48] : memref<10000x128xf32, #tpu.memory_space<hbm>> -> memref<400x128xf32, #tpu.memory_space<hbm>>
        tpu.enqueue_dma source(%dma_start3A_49 : memref<400x128xf32, #tpu.memory_space<hbm>>) target(%dma_start3A_46 : memref<400x128xf32, #tpu.memory_space<vmem_shared>>) target_semaphore(%run_scoped3A : memref<!tpu.dma_semaphore, #tpu.memory_space<semaphore_mem>>)
        %dma_wait3A_50 = arith.constant 9600 : i32
        %dma_wait3A_51 = arith.constant 0 : i32
        %dma_wait3A_52 = tpu.memref_slice %arg9[%dma_wait3A_50, %dma_wait3A_51] : memref<10000x128xf32, #tpu.memory_space<vmem_shared>> -> memref<400x128xf32, #tpu.memory_space<vmem_shared>>
        %dma_wait3A_53 = arith.constant 9600 : i32
        %dma_wait3A_54 = arith.constant 0 : i32
        %dma_wait3A_55 = tpu.memref_slice %arg2[%dma_wait3A_53, %dma_wait3A_54] : memref<10000x128xf32, #tpu.memory_space<hbm>> -> memref<400x128xf32, #tpu.memory_space<hbm>>
        tpu.wait_dma2 semaphore(%run_scoped3A : memref<!tpu.dma_semaphore, #tpu.memory_space<semaphore_mem>>) src(%dma_wait3A_55 : memref<400x128xf32, #tpu.memory_space<hbm>>) dst(%dma_wait3A_52 : memref<400x128xf32, #tpu.memory_space<vmem_shared>>)
        tpu.yield
      }) : () -> ()
    } else {
    }
    "tpu.region"() ({
      %run_scoped3A = tpu.sem_alloc : memref<!tpu.dma_semaphore, #tpu.memory_space<semaphore_mem>>
      %dma_start3A_44 = tpu.memref_slice %arg3[%mul3A_2] : memref<320000xi32, #tpu.memory_space<hbm>> -> memref<10000xi32, #tpu.memory_space<hbm>>
      %dma_start3A_45 = tpu.memref_slice %arg3[%mul3A_2] : memref<320000xi32, #tpu.memory_space<hbm>> -> memref<10000xi32, #tpu.memory_space<hbm>>
      tpu.enqueue_dma source(%dma_start3A_45 : memref<10000xi32, #tpu.memory_space<hbm>>) target(%arg5 : memref<10000xi32, #tpu.memory_space<vmem>>) target_semaphore(%run_scoped3A : memref<!tpu.dma_semaphore, #tpu.memory_space<semaphore_mem>>)
      %dma_wait3A_46 = tpu.memref_slice %arg3[%mul3A_2] : memref<320000xi32, #tpu.memory_space<hbm>> -> memref<10000xi32, #tpu.memory_space<hbm>>
      %dma_wait3A_47 = tpu.memref_slice %arg3[%mul3A_2] : memref<320000xi32, #tpu.memory_space<hbm>> -> memref<10000xi32, #tpu.memory_space<hbm>>
      tpu.wait_dma2 semaphore(%run_scoped3A : memref<!tpu.dma_semaphore, #tpu.memory_space<semaphore_mem>>) src(%dma_wait3A_47 : memref<10000xi32, #tpu.memory_space<hbm>>) dst(%arg5 : memref<10000xi32, #tpu.memory_space<vmem>>)
      tpu.yield
    }) : () -> ()
    %barrier3A = arith.constant 0 : index
    tpu.barrier barrier_id(%barrier3A)
    %dma_start3A = arith.constant 0 : i32
    %dma_start3A_9 = arith.constant 0 : i32
    %dma_start3A_10 = arith.constant 0 : i32
    %dma_start3A_11 = tpu.memref_slice %arg6[%dma_start3A, %dma_start3A_9, %dma_start3A_10] : memref<2x128x128xf32, #tpu.memory_space<vmem>> -> memref<1x128x128xf32, #tpu.memory_space<vmem>>
    %dma_start3A_12 = tpu.memref_squeeze %dma_start3A_11 : memref<1x128x128xf32, #tpu.memory_space<vmem>> -> memref<128x128xf32, #tpu.memory_space<vmem>>
    %dma_start3A_13 = arith.constant 0 : i32
    %dma_start3A_14 = tpu.memref_slice %arg5[%dma_start3A_13] : memref<10000xi32, #tpu.memory_space<vmem>> -> memref<128xi32, #tpu.memory_space<vmem>>
    %dma_start3A_15 = arith.constant 0 : i32
    %dma_start3A_16 = arith.constant 0 : i32
    %dma_start3A_17 = tpu.memref_slice %arg9[%dma_start3A_15, %dma_start3A_16] : memref<10000x128xf32, #tpu.memory_space<vmem_shared>> -> memref<10000x128xf32, #tpu.memory_space<vmem_shared>>
    tpu.enqueue_indirect_dma source(%dma_start3A_17 : memref<10000x128xf32, #tpu.memory_space<vmem_shared>>) target(%dma_start3A_12 : memref<128x128xf32, #tpu.memory_space<vmem>>) offsets(%dma_start3A_14 : memref<128xi32, #tpu.memory_space<vmem>>) semaphore(%arg10 : memref<!tpu.dma_semaphore, #tpu.memory_space<semaphore_mem>>)
    %scan3A = arith.constant 0 : i32
    %scan3A_18 = arith.constant 39 : i32
    %scan3A_19 = arith.addi %scan3A, %scan3A_18 : i32
    %scan3A_20 = arith.constant 1 : i32
    scf.for %scan3A_44 = %scan3A to %scan3A_19 step %scan3A_20  : i32 {
      %mul3A_45 = arith.constant 2 : i32
      %mul3A_46 = arith.muli %scan3A_44, %mul3A_45 : i32
      %add3A_47 = arith.constant 0 : i32
      %add3A_48 = arith.addi %mul3A_46, %add3A_47 : i32
      %add3A_49 = arith.constant 1 : i32
      %add3A_50 = arith.addi %add3A_48, %add3A_49 : i32
      %sub3A = arith.constant 2 : i32
      %sub3A_51 = arith.subi %add3A_50, %sub3A : i32
      %ge3A = arith.constant 0 : i32
      %ge3A_52 = arith.cmpi sge, %sub3A_51, %ge3A : i32
      %convert_element_type3A_53 = arith.extui %ge3A_52 : i1 to i32
      %cond3A_54 = arith.constant 0 : i32
      %cond3A_55 = arith.cmpi ne, %convert_element_type3A_53, %cond3A_54 : i32
      scf.if %cond3A_55 {
        %dma_wait3A_145 = arith.constant 1 : i32
        %dma_wait3A_146 = arith.constant 0 : i32
        %dma_wait3A_147 = arith.constant 0 : i32
        %dma_wait3A_148 = tpu.memref_slice %arg6[%dma_wait3A_145, %dma_wait3A_146, %dma_wait3A_147] : memref<2x128x128xf32, #tpu.memory_space<vmem>> -> memref<1x128x128xf32, #tpu.memory_space<vmem>>
        %dma_wait3A_149 = tpu.memref_squeeze %dma_wait3A_148 : memref<1x128x128xf32, #tpu.memory_space<vmem>> -> memref<128x128xf32, #tpu.memory_space<vmem>>
        %dma_wait3A_150 = arith.constant 0 : i32
        %dma_wait3A_151 = arith.constant 0 : i32
        %dma_wait3A_152 = tpu.memref_slice %arg4[%dma_wait3A_150, %dma_wait3A_151] : memref<320000x128xf32, #tpu.memory_space<hbm>> -> memref<128x128xf32, #tpu.memory_space<hbm>>
        %dma_wait3A_153 = arith.constant 0 : i32
        %dma_wait3A_154 = arith.constant 0 : i32
        %dma_wait3A_155 = tpu.memref_slice %arg4[%dma_wait3A_153, %dma_wait3A_154] : memref<320000x128xf32, #tpu.memory_space<hbm>> -> memref<128x128xf32, #tpu.memory_space<hbm>>
        %dma_wait3A_156 = arith.constant 0 : i32
        %dma_wait3A_157 = arith.constant 0 : i32
        %dma_wait3A_158 = tpu.memref_slice %arg6[%dma_wait3A_145, %dma_wait3A_156, %dma_wait3A_157] : memref<2x128x128xf32, #tpu.memory_space<vmem>> -> memref<1x128x128xf32, #tpu.memory_space<vmem>>
        %dma_wait3A_159 = tpu.memref_squeeze %dma_wait3A_158 : memref<1x128x128xf32, #tpu.memory_space<vmem>> -> memref<128x128xf32, #tpu.memory_space<vmem>>
        tpu.wait_dma2 semaphore(%arg13 : memref<!tpu.dma_semaphore, #tpu.memory_space<semaphore_mem>>) src(%dma_wait3A_159 : memref<128x128xf32, #tpu.memory_space<vmem>>) dst(%dma_wait3A_155 : memref<128x128xf32, #tpu.memory_space<hbm>>)
      } else {
      }
      %add3A_56 = arith.constant 1 : i32
      %add3A_57 = arith.addi %add3A_48, %add3A_56 : i32
      %lt3A_58 = arith.constant 78 : i32
      %lt3A_59 = arith.cmpi slt, %add3A_57, %lt3A_58 : i32
      %convert_element_type3A_60 = arith.extui %lt3A_59 : i1 to i32
      %cond3A_61 = arith.constant 0 : i32
      %cond3A_62 = arith.cmpi ne, %convert_element_type3A_60, %cond3A_61 : i32
      scf.if %cond3A_62 {
        %add3A_145 = arith.constant 1 : i32
        %add3A_146 = arith.addi %add3A_48, %add3A_145 : i32
        %mul3A_147 = arith.constant 128 : i32
        %mul3A_148 = arith.muli %add3A_146, %mul3A_147 : i32
        %dma_start3A_149 = arith.constant 1 : i32
        %dma_start3A_150 = arith.constant 0 : i32
        %dma_start3A_151 = arith.constant 0 : i32
        %dma_start3A_152 = tpu.memref_slice %arg6[%dma_start3A_149, %dma_start3A_150, %dma_start3A_151] : memref<2x128x128xf32, #tpu.memory_space<vmem>> -> memref<1x128x128xf32, #tpu.memory_space<vmem>>
        %dma_start3A_153 = tpu.memref_squeeze %dma_start3A_152 : memref<1x128x128xf32, #tpu.memory_space<vmem>> -> memref<128x128xf32, #tpu.memory_space<vmem>>
        %dma_start3A_154 = tpu.memref_slice %arg5[%mul3A_148] : memref<10000xi32, #tpu.memory_space<vmem>> -> memref<128xi32, #tpu.memory_space<vmem>>
        %dma_start3A_155 = arith.constant 0 : i32
        %dma_start3A_156 = arith.constant 0 : i32
        %dma_start3A_157 = tpu.memref_slice %arg9[%dma_start3A_155, %dma_start3A_156] : memref<10000x128xf32, #tpu.memory_space<vmem_shared>> -> memref<10000x128xf32, #tpu.memory_space<vmem_shared>>
        tpu.enqueue_indirect_dma source(%dma_start3A_157 : memref<10000x128xf32, #tpu.memory_space<vmem_shared>>) target(%dma_start3A_153 : memref<128x128xf32, #tpu.memory_space<vmem>>) offsets(%dma_start3A_154 : memref<128xi32, #tpu.memory_space<vmem>>) semaphore(%arg11 : memref<!tpu.dma_semaphore, #tpu.memory_space<semaphore_mem>>)
      } else {
      }
      %dma_wait3A_63 = arith.constant 0 : i32
      %dma_wait3A_64 = arith.constant 0 : i32
      %dma_wait3A_65 = arith.constant 0 : i32
      %dma_wait3A_66 = tpu.memref_slice %arg6[%dma_wait3A_63, %dma_wait3A_64, %dma_wait3A_65] : memref<2x128x128xf32, #tpu.memory_space<vmem>> -> memref<1x128x128xf32, #tpu.memory_space<vmem>>
      %dma_wait3A_67 = tpu.memref_squeeze %dma_wait3A_66 : memref<1x128x128xf32, #tpu.memory_space<vmem>> -> memref<128x128xf32, #tpu.memory_space<vmem>>
      %dma_wait3A_68 = arith.constant 0 : i32
      %dma_wait3A_69 = arith.constant 0 : i32
      %dma_wait3A_70 = tpu.memref_slice %arg2[%dma_wait3A_68, %dma_wait3A_69] : memref<10000x128xf32, #tpu.memory_space<hbm>> -> memref<128x128xf32, #tpu.memory_space<hbm>>
      %dma_wait3A_71 = arith.constant 0 : i32
      %dma_wait3A_72 = arith.constant 0 : i32
      %dma_wait3A_73 = tpu.memref_slice %arg6[%dma_wait3A_63, %dma_wait3A_71, %dma_wait3A_72] : memref<2x128x128xf32, #tpu.memory_space<vmem>> -> memref<1x128x128xf32, #tpu.memory_space<vmem>>
      %dma_wait3A_74 = tpu.memref_squeeze %dma_wait3A_73 : memref<1x128x128xf32, #tpu.memory_space<vmem>> -> memref<128x128xf32, #tpu.memory_space<vmem>>
      %dma_wait3A_75 = arith.constant 0 : i32
      %dma_wait3A_76 = arith.constant 0 : i32
      %dma_wait3A_77 = tpu.memref_slice %arg2[%dma_wait3A_75, %dma_wait3A_76] : memref<10000x128xf32, #tpu.memory_space<hbm>> -> memref<128x128xf32, #tpu.memory_space<hbm>>
      tpu.wait_dma2 semaphore(%arg10 : memref<!tpu.dma_semaphore, #tpu.memory_space<semaphore_mem>>) src(%dma_wait3A_77 : memref<128x128xf32, #tpu.memory_space<hbm>>) dst(%dma_wait3A_74 : memref<128x128xf32, #tpu.memory_space<vmem>>)
      %mul3A_78 = arith.constant 128 : i32
      %mul3A_79 = arith.muli %add3A_48, %mul3A_78 : i32
      %add3A_80 = arith.addi %mul3A_2, %mul3A_79 : i32
      %dma_start3A_81 = arith.constant 0 : i32
      %dma_start3A_82 = arith.constant 0 : i32
      %dma_start3A_83 = arith.constant 0 : i32
      %dma_start3A_84 = tpu.memref_slice %arg6[%dma_start3A_81, %dma_start3A_82, %dma_start3A_83] : memref<2x128x128xf32, #tpu.memory_space<vmem>> -> memref<1x128x128xf32, #tpu.memory_space<vmem>>
      %dma_start3A_85 = tpu.memref_squeeze %dma_start3A_84 : memref<1x128x128xf32, #tpu.memory_space<vmem>> -> memref<128x128xf32, #tpu.memory_space<vmem>>
      %dma_start3A_86 = arith.constant 0 : i32
      %dma_start3A_87 = tpu.memref_slice %arg4[%add3A_80, %dma_start3A_86] : memref<320000x128xf32, #tpu.memory_space<hbm>> -> memref<128x128xf32, #tpu.memory_space<hbm>>
      %dma_start3A_88 = arith.constant 0 : i32
      %dma_start3A_89 = tpu.memref_slice %arg4[%add3A_80, %dma_start3A_88] : memref<320000x128xf32, #tpu.memory_space<hbm>> -> memref<128x128xf32, #tpu.memory_space<hbm>>
      %dma_start3A_90 = arith.constant 0 : i32
      %dma_start3A_91 = arith.constant 0 : i32
      %dma_start3A_92 = tpu.memref_slice %arg6[%dma_start3A_81, %dma_start3A_90, %dma_start3A_91] : memref<2x128x128xf32, #tpu.memory_space<vmem>> -> memref<1x128x128xf32, #tpu.memory_space<vmem>>
      %dma_start3A_93 = tpu.memref_squeeze %dma_start3A_92 : memref<1x128x128xf32, #tpu.memory_space<vmem>> -> memref<128x128xf32, #tpu.memory_space<vmem>>
      tpu.enqueue_dma source(%dma_start3A_93 : memref<128x128xf32, #tpu.memory_space<vmem>>) target(%dma_start3A_89 : memref<128x128xf32, #tpu.memory_space<hbm>>) target_semaphore(%arg12 : memref<!tpu.dma_semaphore, #tpu.memory_space<semaphore_mem>>)
      %mul3A_94 = arith.constant 2 : i32
      %mul3A_95 = arith.muli %scan3A_44, %mul3A_94 : i32
      %add3A_96 = arith.constant 1 : i32
      %add3A_97 = arith.addi %mul3A_95, %add3A_96 : i32
      %add3A_98 = arith.constant 1 : i32
      %add3A_99 = arith.addi %add3A_97, %add3A_98 : i32
      %sub3A_100 = arith.constant 2 : i32
      %sub3A_101 = arith.subi %add3A_99, %sub3A_100 : i32
      %ge3A_102 = arith.constant 0 : i32
      %ge3A_103 = arith.cmpi sge, %sub3A_101, %ge3A_102 : i32
      %convert_element_type3A_104 = arith.extui %ge3A_103 : i1 to i32
      %cond3A_105 = arith.constant 0 : i32
      %cond3A_106 = arith.cmpi ne, %convert_element_type3A_104, %cond3A_105 : i32
      scf.if %cond3A_106 {
        %dma_wait3A_145 = arith.constant 0 : i32
        %dma_wait3A_146 = arith.constant 0 : i32
        %dma_wait3A_147 = arith.constant 0 : i32
        %dma_wait3A_148 = tpu.memref_slice %arg6[%dma_wait3A_145, %dma_wait3A_146, %dma_wait3A_147] : memref<2x128x128xf32, #tpu.memory_space<vmem>> -> memref<1x128x128xf32, #tpu.memory_space<vmem>>
        %dma_wait3A_149 = tpu.memref_squeeze %dma_wait3A_148 : memref<1x128x128xf32, #tpu.memory_space<vmem>> -> memref<128x128xf32, #tpu.memory_space<vmem>>
        %dma_wait3A_150 = arith.constant 0 : i32
        %dma_wait3A_151 = arith.constant 0 : i32
        %dma_wait3A_152 = tpu.memref_slice %arg4[%dma_wait3A_150, %dma_wait3A_151] : memref<320000x128xf32, #tpu.memory_space<hbm>> -> memref<128x128xf32, #tpu.memory_space<hbm>>
        %dma_wait3A_153 = arith.constant 0 : i32
        %dma_wait3A_154 = arith.constant 0 : i32
        %dma_wait3A_155 = tpu.memref_slice %arg4[%dma_wait3A_153, %dma_wait3A_154] : memref<320000x128xf32, #tpu.memory_space<hbm>> -> memref<128x128xf32, #tpu.memory_space<hbm>>
        %dma_wait3A_156 = arith.constant 0 : i32
        %dma_wait3A_157 = arith.constant 0 : i32
        %dma_wait3A_158 = tpu.memref_slice %arg6[%dma_wait3A_145, %dma_wait3A_156, %dma_wait3A_157] : memref<2x128x128xf32, #tpu.memory_space<vmem>> -> memref<1x128x128xf32, #tpu.memory_space<vmem>>
        %dma_wait3A_159 = tpu.memref_squeeze %dma_wait3A_158 : memref<1x128x128xf32, #tpu.memory_space<vmem>> -> memref<128x128xf32, #tpu.memory_space<vmem>>
        tpu.wait_dma2 semaphore(%arg12 : memref<!tpu.dma_semaphore, #tpu.memory_space<semaphore_mem>>) src(%dma_wait3A_159 : memref<128x128xf32, #tpu.memory_space<vmem>>) dst(%dma_wait3A_155 : memref<128x128xf32, #tpu.memory_space<hbm>>)
      } else {
      }
      %add3A_107 = arith.constant 1 : i32
      %add3A_108 = arith.addi %add3A_97, %add3A_107 : i32
      %lt3A_109 = arith.constant 78 : i32
      %lt3A_110 = arith.cmpi slt, %add3A_108, %lt3A_109 : i32
      %convert_element_type3A_111 = arith.extui %lt3A_110 : i1 to i32
      %cond3A_112 = arith.constant 0 : i32
      %cond3A_113 = arith.cmpi ne, %convert_element_type3A_111, %cond3A_112 : i32
      scf.if %cond3A_113 {
        %add3A_145 = arith.constant 1 : i32
        %add3A_146 = arith.addi %add3A_97, %add3A_145 : i32
        %mul3A_147 = arith.constant 128 : i32
        %mul3A_148 = arith.muli %add3A_146, %mul3A_147 : i32
        %dma_start3A_149 = arith.constant 0 : i32
        %dma_start3A_150 = arith.constant 0 : i32
        %dma_start3A_151 = arith.constant 0 : i32
        %dma_start3A_152 = tpu.memref_slice %arg6[%dma_start3A_149, %dma_start3A_150, %dma_start3A_151] : memref<2x128x128xf32, #tpu.memory_space<vmem>> -> memref<1x128x128xf32, #tpu.memory_space<vmem>>
        %dma_start3A_153 = tpu.memref_squeeze %dma_start3A_152 : memref<1x128x128xf32, #tpu.memory_space<vmem>> -> memref<128x128xf32, #tpu.memory_space<vmem>>
        %dma_start3A_154 = tpu.memref_slice %arg5[%mul3A_148] : memref<10000xi32, #tpu.memory_space<vmem>> -> memref<128xi32, #tpu.memory_space<vmem>>
        %dma_start3A_155 = arith.constant 0 : i32
        %dma_start3A_156 = arith.constant 0 : i32
        %dma_start3A_157 = tpu.memref_slice %arg9[%dma_start3A_155, %dma_start3A_156] : memref<10000x128xf32, #tpu.memory_space<vmem_shared>> -> memref<10000x128xf32, #tpu.memory_space<vmem_shared>>
        tpu.enqueue_indirect_dma source(%dma_start3A_157 : memref<10000x128xf32, #tpu.memory_space<vmem_shared>>) target(%dma_start3A_153 : memref<128x128xf32, #tpu.memory_space<vmem>>) offsets(%dma_start3A_154 : memref<128xi32, #tpu.memory_space<vmem>>) semaphore(%arg10 : memref<!tpu.dma_semaphore, #tpu.memory_space<semaphore_mem>>)
      } else {
      }
      %dma_wait3A_114 = arith.constant 1 : i32
      %dma_wait3A_115 = arith.constant 0 : i32
      %dma_wait3A_116 = arith.constant 0 : i32
      %dma_wait3A_117 = tpu.memref_slice %arg6[%dma_wait3A_114, %dma_wait3A_115, %dma_wait3A_116] : memref<2x128x128xf32, #tpu.memory_space<vmem>> -> memref<1x128x128xf32, #tpu.memory_space<vmem>>
      %dma_wait3A_118 = tpu.memref_squeeze %dma_wait3A_117 : memref<1x128x128xf32, #tpu.memory_space<vmem>> -> memref<128x128xf32, #tpu.memory_space<vmem>>
      %dma_wait3A_119 = arith.constant 0 : i32
      %dma_wait3A_120 = arith.constant 0 : i32
      %dma_wait3A_121 = tpu.memref_slice %arg2[%dma_wait3A_119, %dma_wait3A_120] : memref<10000x128xf32, #tpu.memory_space<hbm>> -> memref<128x128xf32, #tpu.memory_space<hbm>>
      %dma_wait3A_122 = arith.constant 0 : i32
      %dma_wait3A_123 = arith.constant 0 : i32
      %dma_wait3A_124 = tpu.memref_slice %arg6[%dma_wait3A_114, %dma_wait3A_122, %dma_wait3A_123] : memref<2x128x128xf32, #tpu.memory_space<vmem>> -> memref<1x128x128xf32, #tpu.memory_space<vmem>>
      %dma_wait3A_125 = tpu.memref_squeeze %dma_wait3A_124 : memref<1x128x128xf32, #tpu.memory_space<vmem>> -> memref<128x128xf32, #tpu.memory_space<vmem>>
      %dma_wait3A_126 = arith.constant 0 : i32
      %dma_wait3A_127 = arith.constant 0 : i32
      %dma_wait3A_128 = tpu.memref_slice %arg2[%dma_wait3A_126, %dma_wait3A_127] : memref<10000x128xf32, #tpu.memory_space<hbm>> -> memref<128x128xf32, #tpu.memory_space<hbm>>
      tpu.wait_dma2 semaphore(%arg11 : memref<!tpu.dma_semaphore, #tpu.memory_space<semaphore_mem>>) src(%dma_wait3A_128 : memref<128x128xf32, #tpu.memory_space<hbm>>) dst(%dma_wait3A_125 : memref<128x128xf32, #tpu.memory_space<vmem>>)
      %mul3A_129 = arith.constant 128 : i32
      %mul3A_130 = arith.muli %add3A_97, %mul3A_129 : i32
      %add3A_131 = arith.addi %mul3A_2, %mul3A_130 : i32
      %dma_start3A_132 = arith.constant 1 : i32
      %dma_start3A_133 = arith.constant 0 : i32
      %dma_start3A_134 = arith.constant 0 : i32
      %dma_start3A_135 = tpu.memref_slice %arg6[%dma_start3A_132, %dma_start3A_133, %dma_start3A_134] : memref<2x128x128xf32, #tpu.memory_space<vmem>> -> memref<1x128x128xf32, #tpu.memory_space<vmem>>
      %dma_start3A_136 = tpu.memref_squeeze %dma_start3A_135 : memref<1x128x128xf32, #tpu.memory_space<vmem>> -> memref<128x128xf32, #tpu.memory_space<vmem>>
      %dma_start3A_137 = arith.constant 0 : i32
      %dma_start3A_138 = tpu.memref_slice %arg4[%add3A_131, %dma_start3A_137] : memref<320000x128xf32, #tpu.memory_space<hbm>> -> memref<128x128xf32, #tpu.memory_space<hbm>>
      %dma_start3A_139 = arith.constant 0 : i32
      %dma_start3A_140 = tpu.memref_slice %arg4[%add3A_131, %dma_start3A_139] : memref<320000x128xf32, #tpu.memory_space<hbm>> -> memref<128x128xf32, #tpu.memory_space<hbm>>
      %dma_start3A_141 = arith.constant 0 : i32
      %dma_start3A_142 = arith.constant 0 : i32
      %dma_start3A_143 = tpu.memref_slice %arg6[%dma_start3A_132, %dma_start3A_141, %dma_start3A_142] : memref<2x128x128xf32, #tpu.memory_space<vmem>> -> memref<1x128x128xf32, #tpu.memory_space<vmem>>
      %dma_start3A_144 = tpu.memref_squeeze %dma_start3A_143 : memref<1x128x128xf32, #tpu.memory_space<vmem>> -> memref<128x128xf32, #tpu.memory_space<vmem>>
      tpu.enqueue_dma source(%dma_start3A_144 : memref<128x128xf32, #tpu.memory_space<vmem>>) target(%dma_start3A_140 : memref<128x128xf32, #tpu.memory_space<hbm>>) target_semaphore(%arg13 : memref<!tpu.dma_semaphore, #tpu.memory_space<semaphore_mem>>)
    }
    %scan3A_21 = arith.constant 39 : i32
    %dma_wait3A = arith.constant 1 : i32
    %dma_wait3A_22 = arith.constant 0 : i32
    %dma_wait3A_23 = arith.constant 0 : i32
    %dma_wait3A_24 = tpu.memref_slice %arg6[%dma_wait3A, %dma_wait3A_22, %dma_wait3A_23] : memref<2x128x128xf32, #tpu.memory_space<vmem>> -> memref<1x128x128xf32, #tpu.memory_space<vmem>>
    %dma_wait3A_25 = tpu.memref_squeeze %dma_wait3A_24 : memref<1x128x128xf32, #tpu.memory_space<vmem>> -> memref<128x128xf32, #tpu.memory_space<vmem>>
    %dma_wait3A_26 = arith.constant 0 : i32
    %dma_wait3A_27 = arith.constant 0 : i32
    %dma_wait3A_28 = tpu.memref_slice %arg4[%dma_wait3A_26, %dma_wait3A_27] : memref<320000x128xf32, #tpu.memory_space<hbm>> -> memref<128x128xf32, #tpu.memory_space<hbm>>
    %dma_wait3A_29 = arith.constant 0 : i32
    %dma_wait3A_30 = arith.constant 0 : i32
    %dma_wait3A_31 = tpu.memref_slice %arg4[%dma_wait3A_29, %dma_wait3A_30] : memref<320000x128xf32, #tpu.memory_space<hbm>> -> memref<128x128xf32, #tpu.memory_space<hbm>>
    %dma_wait3A_32 = arith.constant 0 : i32
    %dma_wait3A_33 = arith.constant 0 : i32
    %dma_wait3A_34 = tpu.memref_slice %arg6[%dma_wait3A, %dma_wait3A_32, %dma_wait3A_33] : memref<2x128x128xf32, #tpu.memory_space<vmem>> -> memref<1x128x128xf32, #tpu.memory_space<vmem>>
    %dma_wait3A_35 = tpu.memref_squeeze %dma_wait3A_34 : memref<1x128x128xf32, #tpu.memory_space<vmem>> -> memref<128x128xf32, #tpu.memory_space<vmem>>
    tpu.wait_dma2 semaphore(%arg13 : memref<!tpu.dma_semaphore, #tpu.memory_space<semaphore_mem>>) src(%dma_wait3A_35 : memref<128x128xf32, #tpu.memory_space<vmem>>) dst(%dma_wait3A_31 : memref<128x128xf32, #tpu.memory_space<hbm>>)
    %add3A_36 = arith.constant 9984 : i32
    %add3A_37 = arith.addi %mul3A_2, %add3A_36 : i32
    "tpu.region"() ({
      %run_scoped3A = tpu.sem_alloc : memref<!tpu.dma_semaphore, #tpu.memory_space<semaphore_mem>>
      %dma_start3A_44 = tpu.memref_slice %arg3[%add3A_37] : memref<320000xi32, #tpu.memory_space<hbm>> -> memref<16xi32, #tpu.memory_space<hbm>>
      %dma_start3A_45 = tpu.memref_slice %arg3[%add3A_37] : memref<320000xi32, #tpu.memory_space<hbm>> -> memref<16xi32, #tpu.memory_space<hbm>>
      tpu.enqueue_dma source(%dma_start3A_45 : memref<16xi32, #tpu.memory_space<hbm>>) target(%arg7 : memref<16xi32, #tpu.memory_space<vmem>>) target_semaphore(%run_scoped3A : memref<!tpu.dma_semaphore, #tpu.memory_space<semaphore_mem>>)
      %dma_wait3A_46 = tpu.memref_slice %arg3[%add3A_37] : memref<320000xi32, #tpu.memory_space<hbm>> -> memref<16xi32, #tpu.memory_space<hbm>>
      %dma_wait3A_47 = tpu.memref_slice %arg3[%add3A_37] : memref<320000xi32, #tpu.memory_space<hbm>> -> memref<16xi32, #tpu.memory_space<hbm>>
      tpu.wait_dma2 semaphore(%run_scoped3A : memref<!tpu.dma_semaphore, #tpu.memory_space<semaphore_mem>>) src(%dma_wait3A_47 : memref<16xi32, #tpu.memory_space<hbm>>) dst(%arg7 : memref<16xi32, #tpu.memory_space<vmem>>)
      tpu.yield
    }) : () -> ()
    %dma_start3A_38 = arith.constant 0 : i32
    %dma_start3A_39 = arith.constant 0 : i32
    %dma_start3A_40 = tpu.memref_slice %arg9[%dma_start3A_38, %dma_start3A_39] : memref<10000x128xf32, #tpu.memory_space<vmem_shared>> -> memref<10000x128xf32, #tpu.memory_space<vmem_shared>>
    tpu.enqueue_indirect_dma source(%dma_start3A_40 : memref<10000x128xf32, #tpu.memory_space<vmem_shared>>) target(%arg8 : memref<16x128xf32, #tpu.memory_space<vmem>>) offsets(%arg7 : memref<16xi32, #tpu.memory_space<vmem>>) semaphore(%arg10 : memref<!tpu.dma_semaphore, #tpu.memory_space<semaphore_mem>>)
    %dma_wait3A_41 = arith.constant 0 : i32
    %dma_wait3A_42 = arith.constant 0 : i32
    %dma_wait3A_43 = tpu.memref_slice %arg9[%dma_wait3A_41, %dma_wait3A_42] : memref<10000x128xf32, #tpu.memory_space<vmem_shared>> -> memref<10000x128xf32, #tpu.memory_space<vmem_shared>>
    tpu.wait_indirect_dma semaphore(%arg10 : memref<!tpu.dma_semaphore, #tpu.memory_space<semaphore_mem>>) src(%dma_wait3A_43 : memref<10000x128xf32, #tpu.memory_space<vmem_shared>>) dst(%arg8 : memref<16x128xf32, #tpu.memory_space<vmem>>)
    "tpu.region"() ({
      %run_scoped3A = tpu.sem_alloc : memref<!tpu.dma_semaphore, #tpu.memory_space<semaphore_mem>>
      %dma_start3A_44 = arith.constant 0 : i32
      %dma_start3A_45 = tpu.memref_slice %arg4[%add3A_37, %dma_start3A_44] : memref<320000x128xf32, #tpu.memory_space<hbm>> -> memref<16x128xf32, #tpu.memory_space<hbm>>
      %dma_start3A_46 = arith.constant 0 : i32
      %dma_start3A_47 = tpu.memref_slice %arg4[%add3A_37, %dma_start3A_46] : memref<320000x128xf32, #tpu.memory_space<hbm>> -> memref<16x128xf32, #tpu.memory_space<hbm>>
      tpu.enqueue_dma source(%arg8 : memref<16x128xf32, #tpu.memory_space<vmem>>) target(%dma_start3A_47 : memref<16x128xf32, #tpu.memory_space<hbm>>) target_semaphore(%run_scoped3A : memref<!tpu.dma_semaphore, #tpu.memory_space<semaphore_mem>>)
      %dma_wait3A_48 = arith.constant 0 : i32
      %dma_wait3A_49 = tpu.memref_slice %arg4[%add3A_37, %dma_wait3A_48] : memref<320000x128xf32, #tpu.memory_space<hbm>> -> memref<16x128xf32, #tpu.memory_space<hbm>>
      %dma_wait3A_50 = arith.constant 0 : i32
      %dma_wait3A_51 = tpu.memref_slice %arg4[%add3A_37, %dma_wait3A_50] : memref<320000x128xf32, #tpu.memory_space<hbm>> -> memref<16x128xf32, #tpu.memory_space<hbm>>
      tpu.wait_dma2 semaphore(%run_scoped3A : memref<!tpu.dma_semaphore, #tpu.memory_space<semaphore_mem>>) src(%arg8 : memref<16x128xf32, #tpu.memory_space<vmem>>) dst(%dma_wait3A_51 : memref<16x128xf32, #tpu.memory_space<hbm>>)
      tpu.yield
    }) : () -> ()
    return
  }
}

module attributes {stable_mosaic.version = 14 : i64} {
  func.func @body(%arg0: i32, %arg1: memref<1000x128xf32, #tpu.memory_space<vmem>>, %arg2: memref<128x128xf32, #tpu.memory_space<vmem>>, %arg3: memref<1x128xf32, #tpu.memory_space<vmem>>, %arg4: memref<128x128xf32, #tpu.memory_space<vmem>>, %arg5: memref<1x128xf32, #tpu.memory_space<vmem>>, %arg6: memref<1000x128xf32, #tpu.memory_space<vmem>>) attributes {dimension_semantics = [#tpu.dimension_semantics<arbitrary>], iteration_bounds = array<i64: 10>, scalar_prefetch = 0 : i64, scratch_operands = 0 : i64, tpu.core_type = #tpu.core_type<tc>, window_params = [{transform_indices = @transform_0, window_bounds = array<i64: 1000, 128>}, {pipeline_mode = #tpu.pipeline_mode<synchronous>, transform_indices = @transform_1, window_bounds = array<i64: 128, 128>}, {pipeline_mode = #tpu.pipeline_mode<synchronous>, transform_indices = @transform_2, window_bounds = array<i64: 1, 128>}, {pipeline_mode = #tpu.pipeline_mode<synchronous>, transform_indices = @transform_3, window_bounds = array<i64: 128, 128>}, {pipeline_mode = #tpu.pipeline_mode<synchronous>, transform_indices = @transform_4, window_bounds = array<i64: 1, 128>}, {transform_indices = @transform_5, window_bounds = array<i64: 1000, 128>}]} {
    %get3A = arith.constant 0 : index
    %get3A_0 = arith.constant 0 : index
    %get3A_1 = vector.load %arg1[%get3A, %get3A_0] : memref<1000x128xf32, #tpu.memory_space<vmem>>, vector<1000x128xf32>
    %get3A_2 = arith.constant 0 : index
    %get3A_3 = arith.constant 0 : index
    %get3A_4 = vector.load %arg2[%get3A_2, %get3A_3] : memref<128x128xf32, #tpu.memory_space<vmem>>, vector<128x128xf32>
    %dot_general3A = arith.constant dense<0.000000e+00> : vector<1000x128xf32>
    %dot_general3A_5 = tpu.matmul %get3A_1, %get3A_4, %dot_general3A {dimension_numbers = #tpu.dot_dimension_numbers<[1], [0], [0], [1], [0, 0, 1, 1], [], []>, transpose_lhs_hint = false} : vector<1000x128xf32>, vector<128x128xf32>, vector<1000x128xf32> -> vector<1000x128xf32>
    %get3A_6 = arith.constant 0 : index
    %get3A_7 = arith.constant 0 : index
    %get3A_8 = vector.load %arg3[%get3A_6, %get3A_7] : memref<1x128xf32, #tpu.memory_space<vmem>>, vector<1x128xf32>
    %add3A = vector.broadcast %get3A_8 : vector<1x128xf32> to vector<1000x128xf32>
    %add3A_9 = arith.addf %dot_general3A_5, %add3A : vector<1000x128xf32>
    %max3A = arith.constant 0.000000e+00 : f32
    %max3A_10 = vector.broadcast %max3A : f32 to vector<1000x128xf32>
    %max3A_11 = arith.maximumf %add3A_9, %max3A_10 : vector<1000x128xf32>
    %get3A_12 = arith.constant 0 : index
    %get3A_13 = arith.constant 0 : index
    %get3A_14 = vector.load %arg4[%get3A_12, %get3A_13] : memref<128x128xf32, #tpu.memory_space<vmem>>, vector<128x128xf32>
    %dot_general3A_15 = arith.constant dense<0.000000e+00> : vector<1000x128xf32>
    %dot_general3A_16 = tpu.matmul %max3A_11, %get3A_14, %dot_general3A_15 {dimension_numbers = #tpu.dot_dimension_numbers<[1], [0], [0], [1], [0, 0, 1, 1], [], []>, transpose_lhs_hint = false} : vector<1000x128xf32>, vector<128x128xf32>, vector<1000x128xf32> -> vector<1000x128xf32>
    %get3A_17 = arith.constant 0 : index
    %get3A_18 = arith.constant 0 : index
    %get3A_19 = vector.load %arg5[%get3A_17, %get3A_18] : memref<1x128xf32, #tpu.memory_space<vmem>>, vector<1x128xf32>
    %add3A_20 = vector.broadcast %get3A_19 : vector<1x128xf32> to vector<1000x128xf32>
    %add3A_21 = arith.addf %dot_general3A_16, %add3A_20 : vector<1000x128xf32>
    %swap3A = arith.constant 0 : index
    %swap3A_22 = arith.constant 0 : index
    %swap3A_23 = vector.load %arg6[%swap3A, %swap3A_22] : memref<1000x128xf32, #tpu.memory_space<vmem>>, vector<1000x128xf32>
    tpu.vector_store %arg6[%swap3A, %swap3A_22], %add3A_21 {strides = array<i32>} : memref<1000x128xf32, #tpu.memory_space<vmem>>, vector<1000x128xf32>,
    return
  }
  func.func @transform_0(%arg0: i32) -> (i32, i32) {
    %c0_i32 = arith.constant 0 : i32
    %c0_i32_0 = arith.constant 0 : i32
    return %arg0, %c0_i32 : i32, i32
  }
  func.func @transform_1(%arg0: i32) -> (i32, i32) {
    %c0_i32 = arith.constant 0 : i32
    %c0_i32_0 = arith.constant 0 : i32
    %c0_i32_1 = arith.constant 0 : i32
    return %c0_i32, %c0_i32_0 : i32, i32
  }
  func.func @transform_2(%arg0: i32) -> (i32, i32) {
    %c0_i32 = arith.constant 0 : i32
    %c0_i32_0 = arith.constant 0 : i32
    %c0_i32_1 = arith.constant 0 : i32
    return %c0_i32, %c0_i32_0 : i32, i32
  }
  func.func @transform_3(%arg0: i32) -> (i32, i32) {
    %c0_i32 = arith.constant 0 : i32
    %c0_i32_0 = arith.constant 0 : i32
    %c0_i32_1 = arith.constant 0 : i32
    return %c0_i32, %c0_i32_0 : i32, i32
  }
  func.func @transform_4(%arg0: i32) -> (i32, i32) {
    %c0_i32 = arith.constant 0 : i32
    %c0_i32_0 = arith.constant 0 : i32
    %c0_i32_1 = arith.constant 0 : i32
    return %c0_i32, %c0_i32_0 : i32, i32
  }
  func.func @transform_5(%arg0: i32) -> (i32, i32) {
    %c0_i32 = arith.constant 0 : i32
    %c0_i32_0 = arith.constant 0 : i32
    return %arg0, %c0_i32 : i32, i32
  }
}

module attributes {stable_mosaic.version = 14 : i64} {
  func.func @body(%arg0: i32, %arg1: memref<4000x128xf32, #tpu.memory_space<vmem>>, %arg2: memref<4000x16xf32, #tpu.memory_space<vmem>>, %arg3: memref<16x128xf32, #tpu.memory_space<vmem>>, %arg4: memref<1x128xf32, #tpu.memory_space<vmem>>, %arg5: memref<128x128xf32, #tpu.memory_space<vmem>>, %arg6: memref<1x128xf32, #tpu.memory_space<vmem>>, %arg7: memref<128x128xf32, #tpu.memory_space<vmem>>, %arg8: memref<1x128xf32, #tpu.memory_space<vmem>>, %arg9: memref<4000x128xf32, #tpu.memory_space<vmem>>) attributes {dimension_semantics = [#tpu.dimension_semantics<arbitrary>], iteration_bounds = array<i64: 80>, scalar_prefetch = 0 : i64, scratch_operands = 0 : i64, tpu.core_type = #tpu.core_type<tc>, window_params = [{transform_indices = @transform_0, window_bounds = array<i64: 4000, 128>}, {transform_indices = @transform_1, window_bounds = array<i64: 4000, 16>}, {pipeline_mode = #tpu.pipeline_mode<synchronous>, transform_indices = @transform_2, window_bounds = array<i64: 16, 128>}, {pipeline_mode = #tpu.pipeline_mode<synchronous>, transform_indices = @transform_3, window_bounds = array<i64: 1, 128>}, {pipeline_mode = #tpu.pipeline_mode<synchronous>, transform_indices = @transform_4, window_bounds = array<i64: 128, 128>}, {pipeline_mode = #tpu.pipeline_mode<synchronous>, transform_indices = @transform_5, window_bounds = array<i64: 1, 128>}, {pipeline_mode = #tpu.pipeline_mode<synchronous>, transform_indices = @transform_6, window_bounds = array<i64: 128, 128>}, {pipeline_mode = #tpu.pipeline_mode<synchronous>, transform_indices = @transform_7, window_bounds = array<i64: 1, 128>}, {transform_indices = @transform_8, window_bounds = array<i64: 4000, 128>}]} {
    %get3A = arith.constant 0 : index
    %get3A_0 = arith.constant 0 : index
    %get3A_1 = vector.load %arg2[%get3A, %get3A_0] : memref<4000x16xf32, #tpu.memory_space<vmem>>, vector<4000x16xf32>
    %get3A_2 = arith.constant 0 : index
    %get3A_3 = arith.constant 0 : index
    %get3A_4 = vector.load %arg3[%get3A_2, %get3A_3] : memref<16x128xf32, #tpu.memory_space<vmem>>, vector<16x128xf32>
    %dot_general3A = arith.constant dense<0.000000e+00> : vector<4000x128xf32>
    %dot_general3A_5 = tpu.matmul %get3A_1, %get3A_4, %dot_general3A {dimension_numbers = #tpu.dot_dimension_numbers<[1], [0], [0], [1], [0, 0, 1, 1], [], []>, transpose_lhs_hint = false} : vector<4000x16xf32>, vector<16x128xf32>, vector<4000x128xf32> -> vector<4000x128xf32>
    %get3A_6 = arith.constant 0 : index
    %get3A_7 = arith.constant 0 : index
    %get3A_8 = vector.load %arg4[%get3A_6, %get3A_7] : memref<1x128xf32, #tpu.memory_space<vmem>>, vector<1x128xf32>
    %add3A = vector.broadcast %get3A_8 : vector<1x128xf32> to vector<4000x128xf32>
    %add3A_9 = arith.addf %dot_general3A_5, %add3A : vector<4000x128xf32>
    %max3A = arith.constant 0.000000e+00 : f32
    %max3A_10 = vector.broadcast %max3A : f32 to vector<4000x128xf32>
    %max3A_11 = arith.maximumf %add3A_9, %max3A_10 : vector<4000x128xf32>
    %get3A_12 = arith.constant 0 : index
    %get3A_13 = arith.constant 0 : index
    %get3A_14 = vector.load %arg5[%get3A_12, %get3A_13] : memref<128x128xf32, #tpu.memory_space<vmem>>, vector<128x128xf32>
    %dot_general3A_15 = arith.constant dense<0.000000e+00> : vector<4000x128xf32>
    %dot_general3A_16 = tpu.matmul %max3A_11, %get3A_14, %dot_general3A_15 {dimension_numbers = #tpu.dot_dimension_numbers<[1], [0], [0], [1], [0, 0, 1, 1], [], []>, transpose_lhs_hint = false} : vector<4000x128xf32>, vector<128x128xf32>, vector<4000x128xf32> -> vector<4000x128xf32>
    %get3A_17 = arith.constant 0 : index
    %get3A_18 = arith.constant 0 : index
    %get3A_19 = vector.load %arg6[%get3A_17, %get3A_18] : memref<1x128xf32, #tpu.memory_space<vmem>>, vector<1x128xf32>
    %add3A_20 = vector.broadcast %get3A_19 : vector<1x128xf32> to vector<4000x128xf32>
    %add3A_21 = arith.addf %dot_general3A_16, %add3A_20 : vector<4000x128xf32>
    %get3A_22 = arith.constant 0 : index
    %get3A_23 = arith.constant 0 : index
    %get3A_24 = vector.load %arg1[%get3A_22, %get3A_23] : memref<4000x128xf32, #tpu.memory_space<vmem>>, vector<4000x128xf32>
    %mul3A = arith.mulf %get3A_24, %add3A_21 : vector<4000x128xf32>
    %get3A_25 = arith.constant 0 : index
    %get3A_26 = arith.constant 0 : index
    %get3A_27 = vector.load %arg7[%get3A_25, %get3A_26] : memref<128x128xf32, #tpu.memory_space<vmem>>, vector<128x128xf32>
    %dot_general3A_28 = arith.constant dense<0.000000e+00> : vector<4000x128xf32>
    %dot_general3A_29 = tpu.matmul %mul3A, %get3A_27, %dot_general3A_28 {dimension_numbers = #tpu.dot_dimension_numbers<[1], [0], [0], [1], [0, 0, 1, 1], [], []>, transpose_lhs_hint = false} : vector<4000x128xf32>, vector<128x128xf32>, vector<4000x128xf32> -> vector<4000x128xf32>
    %get3A_30 = arith.constant 0 : index
    %get3A_31 = arith.constant 0 : index
    %get3A_32 = vector.load %arg8[%get3A_30, %get3A_31] : memref<1x128xf32, #tpu.memory_space<vmem>>, vector<1x128xf32>
    %add3A_33 = vector.broadcast %get3A_32 : vector<1x128xf32> to vector<4000x128xf32>
    %add3A_34 = arith.addf %dot_general3A_29, %add3A_33 : vector<4000x128xf32>
    %tanh3A = math.tanh %add3A_34 : vector<4000x128xf32>
    %swap3A = arith.constant 0 : index
    %swap3A_35 = arith.constant 0 : index
    %swap3A_36 = vector.load %arg9[%swap3A, %swap3A_35] : memref<4000x128xf32, #tpu.memory_space<vmem>>, vector<4000x128xf32>
    tpu.vector_store %arg9[%swap3A, %swap3A_35], %tanh3A {strides = array<i32>} : memref<4000x128xf32, #tpu.memory_space<vmem>>, vector<4000x128xf32>,
    return
  }
  func.func @transform_0(%arg0: i32) -> (i32, i32) {
    %c0_i32 = arith.constant 0 : i32
    %c0_i32_0 = arith.constant 0 : i32
    return %arg0, %c0_i32 : i32, i32
  }
  func.func @transform_1(%arg0: i32) -> (i32, i32) {
    %c0_i32 = arith.constant 0 : i32
    %c0_i32_0 = arith.constant 0 : i32
    return %arg0, %c0_i32 : i32, i32
  }
  func.func @transform_2(%arg0: i32) -> (i32, i32) {
    %c0_i32 = arith.constant 0 : i32
    %c0_i32_0 = arith.constant 0 : i32
    %c0_i32_1 = arith.constant 0 : i32
    return %c0_i32, %c0_i32_0 : i32, i32
  }
  func.func @transform_3(%arg0: i32) -> (i32, i32) {
    %c0_i32 = arith.constant 0 : i32
    %c0_i32_0 = arith.constant 0 : i32
    %c0_i32_1 = arith.constant 0 : i32
    return %c0_i32, %c0_i32_0 : i32, i32
  }
  func.func @transform_4(%arg0: i32) -> (i32, i32) {
    %c0_i32 = arith.constant 0 : i32
    %c0_i32_0 = arith.constant 0 : i32
    %c0_i32_1 = arith.constant 0 : i32
    return %c0_i32, %c0_i32_0 : i32, i32
  }
  func.func @transform_5(%arg0: i32) -> (i32, i32) {
    %c0_i32 = arith.constant 0 : i32
    %c0_i32_0 = arith.constant 0 : i32
    %c0_i32_1 = arith.constant 0 : i32
    return %c0_i32, %c0_i32_0 : i32, i32
  }
  func.func @transform_6(%arg0: i32) -> (i32, i32) {
    %c0_i32 = arith.constant 0 : i32
    %c0_i32_0 = arith.constant 0 : i32
    %c0_i32_1 = arith.constant 0 : i32
    return %c0_i32, %c0_i32_0 : i32, i32
  }
  func.func @transform_7(%arg0: i32) -> (i32, i32) {
    %c0_i32 = arith.constant 0 : i32
    %c0_i32_0 = arith.constant 0 : i32
    %c0_i32_1 = arith.constant 0 : i32
    return %c0_i32, %c0_i32_0 : i32, i32
  }
  func.func @transform_8(%arg0: i32) -> (i32, i32) {
    %c0_i32 = arith.constant 0 : i32
    %c0_i32_0 = arith.constant 0 : i32
    return %arg0, %c0_i32 : i32, i32
  }
}

module attributes {stable_mosaic.version = 14 : i64} {
  func.func @body(%arg0: i32, %arg1: memref<1000x128xf32, #tpu.memory_space<vmem>>, %arg2: memref<1000x128xf32, #tpu.memory_space<vmem>>, %arg3: memref<1000x128xf32, #tpu.memory_space<vmem>>, %arg4: memref<1000x128xf32, #tpu.memory_space<vmem>>) attributes {dimension_semantics = [#tpu.dimension_semantics<arbitrary>], iteration_bounds = array<i64: 10>, scalar_prefetch = 0 : i64, scratch_operands = 0 : i64, tpu.core_type = #tpu.core_type<tc>, window_params = [{transform_indices = @transform_0, window_bounds = array<i64: 1000, 128>}, {transform_indices = @transform_1, window_bounds = array<i64: 1000, 128>}, {transform_indices = @transform_2, window_bounds = array<i64: 1000, 128>}, {transform_indices = @transform_3, window_bounds = array<i64: 1000, 128>}]} {
    %get3A = arith.constant 0 : index
    %get3A_0 = arith.constant 0 : index
    %get3A_1 = vector.load %arg1[%get3A, %get3A_0] : memref<1000x128xf32, #tpu.memory_space<vmem>>, vector<1000x128xf32>
    %get3A_2 = arith.constant 0 : index
    %get3A_3 = arith.constant 0 : index
    %get3A_4 = vector.load %arg2[%get3A_2, %get3A_3] : memref<1000x128xf32, #tpu.memory_space<vmem>>, vector<1000x128xf32>
    %add3A = arith.addf %get3A_1, %get3A_4 : vector<1000x128xf32>
    %get3A_5 = arith.constant 0 : index
    %get3A_6 = arith.constant 0 : index
    %get3A_7 = vector.load %arg3[%get3A_5, %get3A_6] : memref<1000x128xf32, #tpu.memory_space<vmem>>, vector<1000x128xf32>
    %add3A_8 = arith.addf %add3A, %get3A_7 : vector<1000x128xf32>
    %swap3A = arith.constant 0 : index
    %swap3A_9 = arith.constant 0 : index
    %swap3A_10 = vector.load %arg4[%swap3A, %swap3A_9] : memref<1000x128xf32, #tpu.memory_space<vmem>>, vector<1000x128xf32>
    tpu.vector_store %arg4[%swap3A, %swap3A_9], %add3A_8 {strides = array<i32>} : memref<1000x128xf32, #tpu.memory_space<vmem>>, vector<1000x128xf32>,
    return
  }
  func.func @transform_0(%arg0: i32) -> (i32, i32) {
    %c0_i32 = arith.constant 0 : i32
    %c0_i32_0 = arith.constant 0 : i32
    return %arg0, %c0_i32 : i32, i32
  }
  func.func @transform_1(%arg0: i32) -> (i32, i32) {
    %c0_i32 = arith.constant 0 : i32
    %c0_i32_0 = arith.constant 0 : i32
    return %arg0, %c0_i32 : i32, i32
  }
  func.func @transform_2(%arg0: i32) -> (i32, i32) {
    %c0_i32 = arith.constant 0 : i32
    %c0_i32_0 = arith.constant 0 : i32
    return %arg0, %c0_i32 : i32, i32
  }
  func.func @transform_3(%arg0: i32) -> (i32, i32) {
    %c0_i32 = arith.constant 0 : i32
    %c0_i32_0 = arith.constant 0 : i32
    return %arg0, %c0_i32 : i32, i32
  }
}

module attributes {stable_mosaic.version = 14 : i64} {
  func.func @body(%arg0: i32, %arg1: memref<4000x128xf32, #tpu.memory_space<vmem>>, %arg2: memref<4000x16xf32, #tpu.memory_space<vmem>>, %arg3: memref<128x16xf32, #tpu.memory_space<vmem>>, %arg4: memref<4000x16xf32, #tpu.memory_space<vmem>>) attributes {dimension_semantics = [#tpu.dimension_semantics<arbitrary>], iteration_bounds = array<i64: 80>, scalar_prefetch = 0 : i64, scratch_operands = 0 : i64, tpu.core_type = #tpu.core_type<tc>, window_params = [{transform_indices = @transform_0, window_bounds = array<i64: 4000, 128>}, {transform_indices = @transform_1, window_bounds = array<i64: 4000, 16>}, {pipeline_mode = #tpu.pipeline_mode<synchronous>, transform_indices = @transform_2, window_bounds = array<i64: 128, 16>}, {transform_indices = @transform_3, window_bounds = array<i64: 4000, 16>}]} {
    %get3A = arith.constant 0 : index
    %get3A_0 = arith.constant 0 : index
    %get3A_1 = vector.load %arg2[%get3A, %get3A_0] : memref<4000x16xf32, #tpu.memory_space<vmem>>, vector<4000x16xf32>
    %mul3A = arith.constant 8.000000e-01 : f32
    %mul3A_2 = vector.broadcast %mul3A : f32 to vector<4000x16xf32>
    %mul3A_3 = arith.mulf %mul3A_2, %get3A_1 : vector<4000x16xf32>
    %get3A_4 = arith.constant 0 : index
    %get3A_5 = arith.constant 0 : index
    %get3A_6 = vector.load %arg1[%get3A_4, %get3A_5] : memref<4000x128xf32, #tpu.memory_space<vmem>>, vector<4000x128xf32>
    %get3A_7 = arith.constant 0 : index
    %get3A_8 = arith.constant 0 : index
    %get3A_9 = vector.load %arg3[%get3A_7, %get3A_8] : memref<128x16xf32, #tpu.memory_space<vmem>>, vector<128x16xf32>
    %dot_general3A = arith.constant dense<0.000000e+00> : vector<4000x16xf32>
    %dot_general3A_10 = tpu.matmul %get3A_6, %get3A_9, %dot_general3A {dimension_numbers = #tpu.dot_dimension_numbers<[1], [0], [0], [1], [0, 0, 1, 1], [], []>, transpose_lhs_hint = false} : vector<4000x128xf32>, vector<128x16xf32>, vector<4000x16xf32> -> vector<4000x16xf32>
    %mul3A_11 = arith.constant 2.000000e-01 : f32
    %mul3A_12 = vector.broadcast %mul3A_11 : f32 to vector<4000x16xf32>
    %mul3A_13 = arith.mulf %mul3A_12, %dot_general3A_10 : vector<4000x16xf32>
    %add3A = arith.addf %mul3A_3, %mul3A_13 : vector<4000x16xf32>
    %swap3A = arith.constant 0 : index
    %swap3A_14 = arith.constant 0 : index
    %swap3A_15 = vector.load %arg4[%swap3A, %swap3A_14] : memref<4000x16xf32, #tpu.memory_space<vmem>>, vector<4000x16xf32>
    tpu.vector_store %arg4[%swap3A, %swap3A_14], %add3A {strides = array<i32>} : memref<4000x16xf32, #tpu.memory_space<vmem>>, vector<4000x16xf32>,
    return
  }
  func.func @transform_0(%arg0: i32) -> (i32, i32) {
    %c0_i32 = arith.constant 0 : i32
    %c0_i32_0 = arith.constant 0 : i32
    return %arg0, %c0_i32 : i32, i32
  }
  func.func @transform_1(%arg0: i32) -> (i32, i32) {
    %c0_i32 = arith.constant 0 : i32
    %c0_i32_0 = arith.constant 0 : i32
    return %arg0, %c0_i32 : i32, i32
  }
  func.func @transform_2(%arg0: i32) -> (i32, i32) {
    %c0_i32 = arith.constant 0 : i32
    %c0_i32_0 = arith.constant 0 : i32
    %c0_i32_1 = arith.constant 0 : i32
    return %c0_i32, %c0_i32_0 : i32, i32
  }
  func.func @transform_3(%arg0: i32) -> (i32, i32) {
    %c0_i32 = arith.constant 0 : i32
    %c0_i32_0 = arith.constant 0 : i32
    return %arg0, %c0_i32 : i32, i32
  }
}

</mosaic_0001>

<sc_bundles>
// kernel: kernel.12.cloned.1.call-start
scs
__scs_entry_jumppad:
0x0: {  	(pc) =	sbr.rel $0x88, $3  }
0x1: {  	(tag) =	ssettag $0x0;
	lr =	simm.s32 $0x1  }
0x2: {  	[smem:$0x3F93] =	sst lr;
	_ =	strace $0xD0000000  }
0x3: {  	_ = 	snop  }
0x4: {  	_ = 	snop  }
0x5: {  	_ = 	snop  }
0x6: {  	_ = 	snop  }
0x7: {  	_ = 	snop  }
__scs_overlays_trampoline_lowered:
0x8: {  	[smem:$0x3FA2] =	sst s0  }
0x9: {  	[smem:$0x3FA3] =	sst s1  }
0xa: {  	[smem:$0x3FA4] =	sst s2  }
0xb: {  	[smem:$0x3FA5] =	sst s3  }
0xc: {  	[smem:$0x3FA6] =	sst s4  }
0xd: {  	[smem:$0x3FA7] =	sst s5  }
0xe: {  	[smem:$0x3FA8] =	sst s6  }
0xf: {  	[smem:$0x3FA9] =	sst s7  }
0x10: {  	[smem:$0x3FAA] =	sst s8  }
0x11: {  	[smem:$0x3FAB] =	sst s9;
	s0 =	simm.s32 @!p0 $0x0  }
0x12: {  	s1 =	sld [smem:$0x3F91];
	s0 =	simm.s32 @p0 $0x1  }
0x13: {  	[smem:$0x3FAC] =	sst s0;
	s0 =	simm.s32 @!p1 $0x0  }
0x14: {  	s2 =	sld [smem:$0x3F90];
	s0 =	simm.s32 @p1 $0x1  }
0x15: {  	[smem:$0x3FAD] =	sst s0;
	s0 =	simm.s32 @!p2 $0x0  }
0x16: {  	s3 =	sld [smem:$0x3FDB];
	s0 =	simm.s32 @p2 $0x1  }
0x17: {  	s4 =	simm.s32 $0x1BF5;
	[smem:$0x3FAF] =	sst s0  }
0x18: {  	s0 =	sld [smem:$0x3F92];
	_ =	swait.ge [sflag:s4], $0x0  }
0x19: {  	s7 =	sld [smem:$0x3F93]  }
0x1a: {  	s8 =	sadd.s32 $0xFFFFE003, lr  }
0x1b: {  	s9 =	sadd.s32 $0xFFFFFEF7, lr;
	s5 =	simm.s32 $0xFFFFFFFF;
	p2 =	slt.u32 s8, $0xFFFFF086  }
0x1c: {  	p1 =	slt.u32 s9, $0xF7A;
	s5 =	simm.s32 @!p2 $0x0  }
0x1d: {  	s5 =	simm.s32 @p1 $0x1;
	p0 =	seq.s32 s7, s2  }
0x1e: {  	s7 =	smul.u32 @!p0 $0xF7A, s2;
	p2 =	seq.s32 @!p0 s5, $0x0  }
0x1f: {  	s9 =	smul.u32 $0xF7A, s1;
	s8 =	simm.s32 @!p0 $0x1BF5;
	p2 =	por !p2, p0  }
0x20: {  	[sflag:s8] =	ssyncset.s32 @!p0 $0xFFFFF086;
	s6 =	sadd.s32 @!p0 s3, s7;
	s7 =	simm.s32 @!p0 $0x108  }
0x21: {  	s3 =	sadd.s32 s3, s9;
	s6 =	sadd.s32 @!p0 $0x88, s6;
	s7 =	simm.s32 @p2 $0x1082  }
0x22: {  	[simem:s7], [sflag:s8] =	dma.local @!p0 [hbm:s6], $0xF7A  }
0x23: {  	s9 =	sor.u32 $0xD0000000, s2;
	s6 =	simm.s32 $0x108;
	_ =	swait.ge @!p0 [sflag:s8], $0x0  }
0x24: {  	s3 =	sadd.s32 $0x88, s3;
	s6 =	simm.s32 @!p1 $0x1082;
	[sflag:s4] =	ssyncset.s32 $0xFFFFF086  }
0x25: {  	[simem:s6], [sflag:s4] =	dma.local [hbm:s3], $0xF7A  }
0x26: {  	[smem:$0x3F93] =	sst s1;
	(tag) =	ssettag s2;
	_ =	strace s9  }
0x27: {  	s1 =	sld [smem:$0x3FA3]  }
0x28: {  	s2 =	sld [smem:$0x3FA4]  }
0x29: {  	s4 =	sld [smem:$0x3FA6]  }
0x2a: {  	p0 =	seq.s32 s5, $0x0;
	s5 =	sld [smem:$0x3FA7]  }
0x2b: {  	s6 =	sld [smem:$0x3FA8]  }
0x2c: {  	s7 =	sld [smem:$0x3FA9]  }
0x2d: {  	s3 =	simm.s32 $0x108;
	s8 =	sld [smem:$0x3FAA]  }
0x2e: {  	s3 =	simm.s32 @!p0 $0x1082;
	s9 =	sld [smem:$0x3FAB]  }
0x2f: {  	lr =	sadd.s32 s0, s3;
	s0 =	sld [smem:$0x3FA2]  }
0x30: {  	s3 =	sld [smem:$0x3FA5]  }
0x31: {  	[smem:$0x3FAE] =	sst s10  }
0x32: {  	s10 =	sld [smem:$0x3FAC];
	_ =	sdelay $0x3  }
0x33: {  	p0 =	seq.s32 s10, $0x1;
	s10 =	sld [smem:$0x3FAE];
	_ =	sdelay $0x3  }
0x34: {  	[smem:$0x3FAE] =	sst s10  }
0x35: {  	s10 =	sld [smem:$0x3FAD];
	_ =	sdelay $0x3  }
0x36: {  	p1 =	seq.s32 s10, $0x1;
	s10 =	sld [smem:$0x3FAE];
	_ =	sdelay $0x3  }
0x37: {  	[smem:$0x3FAE] =	sst s10  }
0x38: {  	s10 =	sld [smem:$0x3FAF]  }
0x39: {  	_ = 	snop;
	(pc) =	sbr.ind lr, $3  }
0x3a: {  	_ = 	snop  }
0x3b: {  	_ = 	snop  }
0x3c: {  	p2 =	seq.s32 s10, $0x1;
	s10 =	sld [smem:$0x3FAE]  }
0x3d: {  	_ =	shalt  }
0x3e: {  	_ =	shalt  }
0x3f: {  	_ =	shalt  }
0x40: {  	_ =	shalt  }
0x41: {  	_ =	shalt  }
0x42: {  	_ =	shalt  }
0x43: {  	_ =	shalt  }
0x44: {  	_ =	shalt  }
0x45: {  	_ =	shalt  }
0x46: {  	_ =	shalt  }
0x47: {  	_ =	shalt  }
0x48: {  	_ =	shalt  }
0x49: {  	_ =	shalt  }
0x4a: {  	_ =	shalt  }
0x4b: {  	_ =	shalt  }
0x4c: {  	_ =	shalt  }
0x4d: {  	_ =	shalt  }
0x4e: {  	_ =	shalt  }
0x4f: {  	_ =	shalt  }
0x50: {  	_ =	shalt  }
0x51: {  	_ =	shalt  }
0x52: {  	_ =	shalt  }
0x53: {  	_ =	shalt  }
0x54: {  	_ =	shalt  }
0x55: {  	_ =	shalt  }
0x56: {  	_ =	shalt  }
0x57: {  	_ =	shalt  }
0x58: {  	_ =	shalt  }
0x59: {  	_ =	shalt  }
0x5a: {  	_ =	shalt  }
0x5b: {  	_ =	shalt  }
0x5c: {  	_ =	shalt  }
0x5d: {  	_ =	shalt  }
0x5e: {  	_ =	shalt  }
0x5f: {  	_ =	shalt  }
0x60: {  	_ =	shalt  }
0x61: {  	_ =	shalt  }
0x62: {  	_ =	shalt  }
0x63: {  	_ =	shalt  }
0x64: {  	_ =	shalt  }
0x65: {  	_ =	shalt  }
0x66: {  	_ =	shalt  }
0x67: {  	_ =	shalt  }
0x68: {  	_ =	shalt  }
0x69: {  	_ =	shalt  }
0x6a: {  	_ =	shalt  }
0x6b: {  	_ =	shalt  }
0x6c: {  	_ =	shalt  }
0x6d: {  	_ =	shalt  }
0x6e: {  	_ =	shalt  }
0x6f: {  	_ =	shalt  }
0x70: {  	_ =	shalt  }
0x71: {  	_ =	shalt  }
0x72: {  	_ =	shalt  }
0x73: {  	_ =	shalt  }
0x74: {  	_ =	shalt  }
0x75: {  	_ =	shalt  }
0x76: {  	_ =	shalt  }
0x77: {  	_ =	shalt  }
0x78: {  	_ =	shalt  }
0x79: {  	_ =	shalt  }
0x7a: {  	_ =	shalt  }
0x7b: {  	_ =	shalt  }
0x7c: {  	_ =	shalt  }
0x7d: {  	_ =	shalt  }
0x7e: {  	_ =	shalt  }
0x7f: {  	_ =	shalt  }
0x80: {  	_ =	shalt  }
0x81: {  	_ =	shalt  }
0x82: {  	_ =	shalt  }
0x83: {  	_ =	shalt  }
0x84: {  	_ =	shalt  }
0x85: {  	_ =	shalt  }
0x86: {  	_ =	shalt  }
0x87: {  	_ =	shalt  }
.Lfunc_end0:
.L_simem_size_0:
called_computation.1_lowered:
.L_overlay_start_0:
0x88: {  	s2 =	sld [smem:$0x3FD9]  }
0x89: {  	s3 =	sld [smem:$0x3FFE];
	_ =	sdelay $0x1  }
0x8a: {  	s1 =	srdreg.scid  }
0x8b: {  	s0 =	sand.u32 $0x1, s1  }
0x8c: {  	s14 =	sshll.u32 s0, $0xA;
	s2 =	sadd.s32 s3, s2  }
0x8d: {  	s2 =	sadd.s32 s2, s14  }
0x8e: {  	[smem:$0x3FBA] =	sst s2  }
0x8f: {  	_ = 	snop  }
0x90: {  	s2 =	sld [smem:$0x3FD0];
	_ =	sdelay $0x2  }
0x91: {  	s15 =	simm.s32 $0xA;
	s4 =	simm.s32 $0x10  }
0x92: {  	[smem:s4], [sflag:s15] =	dma.local [hbm:s2], $0x1  }
0x93: {  	_ =	swait.eq [sflag:s15], $0x1  }
0x94: {  	[sflag:s15] =	ssyncset.done $0x0  }
0x95: {  	s16 =	sld [smem:$0x10];
	[sflag:s15] =	ssyncadd.s32 $0xFFFFFFFF  }
0x96: {  	s17 =	sld [smem:$0x11];
	(tm) =	ssettm $0x1  }
0x97: {  	s18 =	sld [smem:$0x3FFB];
	_ =	sdelay $0x3  }
0x98: {  	_ =	strace s18  }
0x99: {  	s4 =	sld [smem:$0x3FFC];
	_ =	sdelay $0x3  }
0x9a: {  	_ =	strace s4  }
0x9b: {  	s4 =	sld [smem:$0x3FFD];
	_ =	sdelay $0x3  }
0x9c: {  	_ =	strace s4  }
0x9d: {  	_ =	strace $0x8FFFFFFF  }
0x9e: {  	s19 =	sld [smem:$0x3FDB];
	_ =	sdelay $0x1  }
0x9f: {  	s5 =	simm.s32 $_scs_section_size  }
0xa0: {  	s6 =	simm.s32 $_size__tile_overlayer_lowered;
	s7 =	simm.s32 $_tile_overlayer_lowered  }
0xa1: {  	s22 =	simm.s32 $0x1BFF;
	s21 =	sshll.u32 s7, $0x1;
	s4 =	sadd.s32 s5, s19  }
0xa2: {  	s8 =	simm.s32 $0x0;
	s20 =	sshll.u32 s6, $0x1;
	s6 =	sadd.s32 s21, s4  }
0xa3: {  	[timem:s8], [sflag:s22] =	dma.local [hbm:s6], s20  }
0xa4: {  	_ =	swait.ge [sflag:s22], s20  }
0xa5: {  	s5 =	ssub.s32 $0x0, s20;
	[sflag:s22] =	ssyncset.done $0x0  }
0xa6: {  	[sflag:s22] =	ssyncadd.s32 s5;
	_ =	sdelay $0x1  }
0xa7: {  	s23 =	simm.s32 $0x1B8B  }
0xa8: {  	_ =	swait.ge [sflag:s23], $0x1  }
0xa9: {  	[sflag:s23] =	ssyncset.done $0x0  }
0xaa: {  	s25 =	simm.s32 $0x1B8E;
	s24 =	sld [smem:$0x3FFE];
	[sflag:s23] =	ssyncadd.s32 $0xFFFFFFFF  }
0xab: {  	s26 =	simm.s32 $execute0_lowered;
	[smem:$0x3FD2] =	sst s25  }
0xac: {  	s6 =	sshll.u32 s26, $0x1;
	_ =	strace $0x80000049;
	[dreg:$0x1] =	wrdreg $0xFFFFFFFF  }
0xad: {  	s28 =	simm.s32 $_size_execute0_lowered;
	s4 =	sadd.s32 s4, s6;
	[dreg:$0x0] =	wrdreg $0x0  }
0xae: {  	s6 =	sshll.u32 s28, $0x1;
	[dreg:$0x2] =	wrdreg s4  }
0xaf: {  	[dreg:$0x3] =	wrdreg s6  }
0xb0: {  	[dreg:$0x4] =	wrdreg $0xC0  }
0xb1: {  	_ =	task [dreg:s8], $0x5FFFF  }
0xb2: {  	[dreg:$0x1] =	wrdreg $0xFFFFFFFF  }
0xb3: {  	[dreg:$0x0] =	wrdreg $0x60  }
0xb4: {  	[dreg:$0x2] =	wrdreg s24  }
0xb5: {  	[dreg:$0x3] =	wrdreg s16  }
0xb6: {  	[dreg:$0x4] =	wrdreg s17  }
0xb7: {  	[dreg:$0x5] =	wrdreg $0x89800  }
0xb8: {  	[dreg:$0x6] =	wrdreg $0x9  }
0xb9: {  	_ =	task.clear_ibuf [dreg:s8], $0x7FFFF;
	_ =	strace $0x90000049  }
0xba: {  	s29 =	simm.s32 $0x9;
	_ =	strace $0x8000004B  }
0xbb: {  	_ =	swait.ge [sflag:s29], $0x1  }
0xbc: {  	[sflag:s29] =	ssyncadd.s32 $0xFFFFFFFF  }
0xbd: {  	_ =	strace $0x9000004B  }
0xbe: {  	_ =	sfence  }
0xbf: {  	s30 =	sld [smem:$0x0];
	_ =	sdelay $0x2  }
0xc0: {  	s31 =	sshll.u32 s1, $0xD;
	s1 =	sshrl.u32 s1, $0x2  }
0xc1: {  	s3 =	sand.u32 $0x4000, s31;
	s1 =	sadd.s32 s1, s30  }
0xc2: {  	s0 =	sor.u32 s3, s0;
	s1 =	sshll.u32 s1, $0x11  }
0xc3: {  	s0 =	sor.u32 s1, s0  }
0xc4: {  	s0 =	sadd.s32 $0x8F2B, s0  }
0xc5: {  	[sflag:s0] =	ssyncadd.remote.s32 $0x1  }
0xc6: {  	_ =	sfence.sel $0xFFFF  }
0xc7: {  	[dreg:$0x0] =	wrdreg $0xFFFFFFFF;
	(pc) =	sbr.abs _section_cstart, $3  }
0xc8: {  	[dreg:$0x1] =	wrdreg $0xFFFFFFFF  }
0xc9: {  	_ =	task.clear_ibuf [dreg:s8], $0x2FFFF;
	_ =	strace $0x9FFFFFFF  }
0xca: {  	(tm) =	ssettm $0x7FFFFFFF  }
0xcb: {  	_ =	shalt  }
tec
execute0_lowered:
.L_overlay_start_1:
0x0: {  	(tag) =	ssettag $0x1  }
0x1: {  	s0 =	rddreg [dreg:$0x0]  }
0x2: {  	s1 =	rddreg [dreg:$0x2]  }
0x3: {  	s2 =	rddreg [dreg:$0x3]  }
0x4: {  	s3 =	simm.s32 $0x0;
	s5 =	srdreg.scid;
	s17 =	stileid.u32  }
0x5: {  	s28 =	simm.s32 $0x4;
	s29 =	simm.s32 $0x6;
	s30 =	simm.s32 $0x8100  }
0x6: {  	s31 =	simm.s32 $0x8180;
	[smem:$0x7FF] =	sst s3;
	s4 =	sadd.s32 $0x9DA400, s0  }
0x7: {  	s7 =	sand.u32 $0x1, s5;
	s6 =	sshll.u32 s17, $0x1;
	s8 =	smul.u32 $0x50000, s17  }
0x8: {  	s5 =	sadd.s32 $0x2800, s0;
	s25 =	sshll.u32 s17, $0x6;
	_ =	strace $0x8000004A  }
0x9: {  	s24 =	ssub.s32 $0x2, s7;
	s6 =	sor.u32 s7, s6;
	s18 =	smul.u32 $0x140000, s7  }
0xa: {  	s9 =	sshrl.u32 s24, $0x1;
	s10 =	smul.u32 $0x2710, s6;
	s8 =	sshrl.u32 s8, $0x2  }
0xb: {  	s11 =	smul.u32 $0x27100, s6;
	s6 =	sor.u32 $0x1C07, s25;
	s0 =	ssub.s32 s24, s9  }
0xc: {  	s15 =	sadd.s32 s8, s2;
	s26 =	sshrl.u32 s10, $0x3;
	s12 =	sadd.s32 $0x80, s10  }
0xd: {  	s16 =	sadd.s32 s4, s11;
	s20 =	sadd.s32 $0x2700, s10;
	s13 =	sadd.s32 s5, s26  }
0xe: {  	s14 =	sshrl.u32 s12, $0x3;
	[dreg:$0x6] =	wrdreg s16;
	s19 =	sshll.u32 s12, $0x4  }
0xf: {  	s22 =	sshrl.u32 s20, $0x3;
	s12 =	sshll.u32 s20, $0x4;
	s16 =	smul.u32 $0x2710, s7  }
0x10: {  	s7 =	smul.u32 $0x27100, s7;
	s20 =	simm.s32 $0x100;
	[dreg:$0x5] =	wrdreg s13  }
0x11: {  	s8 =	sadd.s32 s5, s14;
	s13 =	smul.u32 $0x14000, s17;
	s21 =	sadd.s32 s4, s19  }
0x12: {  	s14 =	smul.u32 $0x4E20, s17;
	s11 =	sadd.s32 s5, s22;
	s12 =	sadd.s32 s4, s12  }
0x13: {  	s17 =	smul.u32 $0x4E200, s17;
	s19 =	simm.s32 $0x7;
	[dreg:$0x7] =	wrdreg s8  }
0x14: {  	s22 =	simm.s32 $0x4100;
	[dreg:$0x8] =	wrdreg s21;
	s21 =	simm.s32 $0x80  }
0x15: {  	s8 =	sadd.s32 s13, s18;
	s18 =	sadd.s32 s16, s14;
	s23 =	sadd.s32 s17, s4  }
0x16: {  	s14 =	smax.u32 s0, $0x1;
	s4 =	simm.s32 $0x0;
	s8 =	sshrl.u32 s8, $0x3  }
0x17: {  	s24 =	sadd.s32 $0x180, s18;
	s25 =	sadd.s32 s7, s23;
	s17 =	sadd.s32 $0x100, s18  }
0x18: {  	s18 =	sshrl.u32 s15, $0x3;
	s23 =	simm.s32 $0x1;
	s13 =	sadd.s32 s1, s8  }
0x19: {  	s26 =	sshrl.u32 s24, $0x3;
	s8 =	sadd.s32 $0x1800, s25;
	s24 =	simm.s32 $0x3  }
0x1a: {  	s25 =	simm.s32 $0x5;
	s16 =	sadd.s32 s26, s5;
	s26 =	simm.s32 $0x2  }
.LBB2_1:
0x1b: {  	s0 =	rddreg [dreg:$0x1]  }
0x1c: {  	[spmem:s18], [sflag:s6] =	dma.local [hbm:s0], $0x2800  }
0x1d: {  	_ =	swait.ge [sflag:s19], $0x2800  }
0x1e: {  	[sflag:s19] =	ssyncset.done $0x0  }
0x1f: {  	[sflag:s19] =	ssyncadd.s32 $0xFFFFD800  }
0x20: {  	[bflag:$0x0] =	sbarrier.arrive $0xFFFF  }
0x21: {  	s10 =	rddreg [dreg:$0x5]  }
0x22: {  	[tilespmem:s3], [sflag:$0x1] =	stream.linear.gather [hbm4b:s10+s3], $0x80, $0x38;
	[tilespmem:$0x1C980] =	vst v63  }
0x23: {  	s15 =	rddreg [dreg:$0x6]  }
0x24: {  	[tilespmem:s20], [sflag:$0x3] =	stream.linear.gather [hbm4b:s15+s3], $0x4000, $0x38;
	[tilespmem:$0x1C980] =	vst v63  }
0x25: {  	s1 =	rddreg [dreg:$0x7]  }
0x26: {  	[tilespmem:s21], [sflag:$0x2] =	stream.linear.gather [hbm4b:s1+s3], $0x80, $0x38;
	[tilespmem:$0x1C980] =	vst v63  }
0x27: {  	s7 =	rddreg [dreg:$0x8]  }
0x28: {  	[tilespmem:s22], [sflag:$0x4] =	stream.linear.gather [hbm4b:s7+s3], $0x4000, $0x38;
	[tilespmem:$0x1C980] =	vst v63  }
0x29: {  	_ =	swait.ge [sflag:s23], $0x80  }
0x2a: {  	[sflag:s23] =	ssyncset.done $0x0  }
0x2b: {  	[sflag:s23] =	ssyncadd.s32 $0xFFFFFF80  }
0x2c: {  	_ =	swait.ge [sflag:s24], $0x4000  }
0x2d: {  	[sflag:s24] =	ssyncset.done $0x0  }
0x2e: {  	[sflag:s24] =	ssyncadd.s32 $0xFFFFC000  }
0x2f: {  	[spmem:s2] =	stream.indirect.scatter.add.f32 [tilespmem:s20], [sflag:$0x5], $0x80, s3, s21, $0xb8;
	[tilespmem:$0x1C980] =	vst v63  }
0x30: {  	_ =	swait.ge [sflag:s25], $0x4000  }
0x31: {  	s9 =	sshrl.u32 s17, $0x3;
	[sflag:s25] =	ssyncset.done $0x0  }
0x32: {  	s0 =	sadd.s32 s5, s9;
	[sflag:s25] =	ssyncadd.s32 $0xFFFFC000  }
0x33: {  	[tilespmem:s3], [sflag:$0x1] =	stream.linear.gather [hbm4b:s0+s3], $0x80, $0x38;
	[tilespmem:$0x1C980] =	vst v63  }
0x34: {  	s10 =	sadd.s32 $0xFFFFF800, s8  }
0x35: {  	[tilespmem:s20], [sflag:$0x3] =	stream.linear.gather [hbm4b:s10+s3], $0x4000, $0x38;
	[tilespmem:$0x1C980] =	vst v63  }
0x36: {  	_ =	swait.ge [sflag:s26], $0x80  }
0x37: {  	[sflag:s26] =	ssyncset.done $0x0  }
0x38: {  	[sflag:s26] =	ssyncadd.s32 $0xFFFFFF80  }
0x39: {  	_ =	swait.ge [sflag:s28], $0x4000  }
0x3a: {  	[sflag:s28] =	ssyncset.done $0x0  }
0x3b: {  	[sflag:s28] =	ssyncadd.s32 $0xFFFFC000  }
0x3c: {  	[spmem:s2] =	stream.indirect.scatter.add.f32 [tilespmem:s22], [sflag:$0x6], $0x80, s21, s21, $0xb8;
	[tilespmem:$0x1C980] =	vst v63  }
0x3d: {  	_ =	swait.ge [sflag:s29], $0x4000  }
0x3e: {  	[sflag:s29] =	ssyncset.done $0x0  }
0x3f: {  	s15 =	sadd.s32 $0x0, s16;
	s1 =	simm.s32 $0x20;
	[sflag:s29] =	ssyncadd.s32 $0xFFFFC000  }
0x40: {  	[tilespmem:s21], [sflag:$0x2] =	stream.linear.gather [hbm4b:s15+s3], $0x80, $0x38;
	[tilespmem:$0x1C980] =	vst v63  }
0x41: {  	s7 =	sadd.s32 $0x100, s17;
	s0 =	sadd.s32 $0x1000, s8;
	s15 =	smov.u32 s8  }
.LBB2_2:
0x42: {  	[tilespmem:s22], [sflag:$0x4] =	stream.linear.gather [hbm4b:s15+s3], $0x4000, $0x38;
	[tilespmem:$0x1C980] =	vst v63  }
0x43: {  	s9 =	smov.u32 s1;
	s15 =	smov.u32 s0  }
0x44: {  	p0 =	sne.s32 s1, $0x4A0;
	s1 =	sadd.s32 $0x20, s1;
	_ =	swait.ge [sflag:s23], $0x80  }
0x45: {  	[sflag:s23] =	ssyncset.done $0x0  }
0x46: {  	[sflag:s23] =	ssyncadd.s32 $0xFFFFFF80  }
0x47: {  	_ =	swait.ge [sflag:s24], $0x4000  }
0x48: {  	[sflag:s24] =	ssyncset.done $0x0  }
0x49: {  	[sflag:s24] =	ssyncadd.s32 $0xFFFFC000  }
0x4a: {  	[spmem:s2] =	stream.indirect.scatter.add.f32 [tilespmem:s20], [sflag:$0x5], $0x80, s3, s21, $0xb8;
	[tilespmem:$0x1C980] =	vst v63  }
0x4b: {  	_ =	swait.ge [sflag:s25], $0x4000  }
0x4c: {  	s10 =	sshrl.u32 s7, $0x3;
	[sflag:s25] =	ssyncset.done $0x0  }
0x4d: {  	s10 =	sadd.s32 s5, s10;
	[sflag:s25] =	ssyncadd.s32 $0xFFFFC000  }
0x4e: {  	[tilespmem:s3], [sflag:$0x1] =	stream.linear.gather [hbm4b:s10+s3], $0x80, $0x38;
	[tilespmem:$0x1C980] =	vst v63  }
0x4f: {  	s10 =	sadd.s32 $0xFFFFF800, s0  }
0x50: {  	[tilespmem:s20], [sflag:$0x3] =	stream.linear.gather [hbm4b:s10+s3], $0x4000, $0x38;
	[tilespmem:$0x1C980] =	vst v63  }
0x51: {  	_ =	swait.ge [sflag:s26], $0x80  }
0x52: {  	[sflag:s26] =	ssyncset.done $0x0  }
0x53: {  	[sflag:s26] =	ssyncadd.s32 $0xFFFFFF80  }
0x54: {  	_ =	swait.ge [sflag:s28], $0x4000  }
0x55: {  	[sflag:s28] =	ssyncset.done $0x0  }
0x56: {  	[sflag:s28] =	ssyncadd.s32 $0xFFFFC000  }
0x57: {  	[spmem:s2] =	stream.indirect.scatter.add.f32 [tilespmem:s22], [sflag:$0x6], $0x80, s21, s21, $0xb8;
	[tilespmem:$0x1C980] =	vst v63  }
.Ltmp0:
0x58: {  	_ =	swait.ge [sflag:s29], $0x4000;
	(pc) =	sbr.rel @p0 .LBB2_2-.Ltmp0, $4  }
0x59: {  	[sflag:s29] =	ssyncset.done $0x0  }
0x5a: {  	s9 =	sadd.s32 s9, s16;
	[sflag:s29] =	ssyncadd.s32 $0xFFFFC000  }
0x5b: {  	[tilespmem:s21], [sflag:$0x2] =	stream.linear.gather [hbm4b:s9+s3], $0x80, $0x38;
	[tilespmem:$0x1C980] =	vst v63  }
0x5c: {  	s7 =	sadd.s32 $0x100, s7;
	s0 =	sadd.s32 $0x1000, s0  }
0x5d: {  	[tilespmem:s22], [sflag:$0x4] =	stream.linear.gather [hbm4b:s15+s3], $0x4000, $0x38;
	[tilespmem:$0x1C980] =	vst v63  }
0x5e: {  	_ =	swait.ge [sflag:s23], $0x80  }
0x5f: {  	[sflag:s23] =	ssyncset.done $0x0  }
0x60: {  	[sflag:s23] =	ssyncadd.s32 $0xFFFFFF80  }
0x61: {  	_ =	swait.ge [sflag:s24], $0x4000  }
0x62: {  	[sflag:s24] =	ssyncset.done $0x0  }
0x63: {  	[sflag:s24] =	ssyncadd.s32 $0xFFFFC000  }
0x64: {  	[spmem:s2] =	stream.indirect.scatter.add.f32 [tilespmem:s20], [sflag:$0x5], $0x80, s3, s21, $0xb8;
	[tilespmem:$0x1C980] =	vst v63  }
0x65: {  	_ =	swait.ge [sflag:s25], $0x4000  }
0x66: {  	[sflag:s25] =	ssyncset.done $0x0  }
0x67: {  	[sflag:s25] =	ssyncadd.s32 $0xFFFFC000  }
0x68: {  	_ =	swait.ge [sflag:s26], $0x80  }
0x69: {  	[sflag:s26] =	ssyncset.done $0x0  }
0x6a: {  	[sflag:s26] =	ssyncadd.s32 $0xFFFFFF80  }
0x6b: {  	_ =	swait.ge [sflag:s28], $0x4000  }
0x6c: {  	[sflag:s28] =	ssyncset.done $0x0  }
0x6d: {  	[sflag:s28] =	ssyncadd.s32 $0xFFFFC000  }
0x6e: {  	[spmem:s2] =	stream.indirect.scatter.add.f32 [tilespmem:s22], [sflag:$0x6], $0x80, s21, s21, $0xb8;
	[tilespmem:$0x1C980] =	vst v63  }
0x6f: {  	_ =	swait.ge [sflag:s29], $0x4000  }
0x70: {  	[sflag:s29] =	ssyncset.done $0x0  }
0x71: {  	[sflag:s29] =	ssyncadd.s32 $0xFFFFC000  }
0x72: {  	[tilespmem:s30], [sflag:$0x7] =	stream.linear.gather [hbm4b:s11+s3], $0x10, $0x38;
	[tilespmem:$0x1C980] =	vst v63  }
0x73: {  	_ =	swait.ge [sflag:s19], $0x10  }
0x74: {  	[sflag:s19] =	ssyncset.done $0x0  }
0x75: {  	[sflag:s19] =	ssyncadd.s32 $0xFFFFFFF0  }
0x76: {  	[tilespmem:s31], [sflag:$0x7] =	stream.linear.gather [hbm4b:s12+s3], $0x800, $0x38;
	[tilespmem:$0x1C980] =	vst v63  }
0x77: {  	_ =	swait.ge [sflag:s19], $0x800  }
0x78: {  	[sflag:s19] =	ssyncset.done $0x0  }
0x79: {  	s0 =	simm.s32 $0x10;
	[sflag:s19] =	ssyncadd.s32 $0xFFFFF800  }
0x7a: {  	[spmem:s2] =	stream.indirect.scatter.add.f32 [tilespmem:s31], [sflag:$0x7], $0x80, s30, s0, $0xb8;
	[tilespmem:$0x1C980] =	vst v63  }
0x7b: {  	_ =	swait.ge [sflag:s19], $0x800  }
0x7c: {  	s4 =	sadd.s32 $0x1, s4;
	[sflag:s19] =	ssyncset.done $0x0  }
0x7d: {  	p0 =	sne.s32 s4, s14;
	[sflag:s19] =	ssyncadd.s32 $0xFFFFF800  }
.Ltmp1:
0x7e: {  	[bflag:$0x0] =	sbarrier.arrive $0xFFFF;
	(pc) =	sbr.rel @p0 .LBB2_1-.Ltmp1, $4  }
0x7f: {  	[hbm:s13], [sflag:s6] =	dma.local [spmem:s18], $0x2800  }
0x80: {  	_ =	swait.ge [sflag:s19], $0x2800  }
0x81: {  	[sflag:s19] =	ssyncset.done $0x0  }
0x82: {  	[sflag:s19] =	ssyncadd.s32 $0xFFFFD800  }
0x83: {  	_ =	sfence.sel $0x180000  }
0x84: {  	[bflag:$0x0] =	sbarrier.arrive $0xFFFF  }
0x85: {  	_ =	strace $0x9000004A  }
0x86: {  	s0 =	stileid.u32;
	[bflag:$0x2] =	sbarrier.arrive $0xFFFF  }
0x87: {  	p0 =	sne.s32 s0, $0x0;
	s0 =	rddreg [dreg:$0x4]  }
0x88: {  	s0 =	sadd.s32 @!p0 $0x100000, s0  }
0x89: {  	[sflag:s0] =	ssyncadd.tile.s32 @!p0 $0x1;
	_ =	shalt  }
.Lfunc_end2:
_tile_overlayer_lowered:
.L_overlay_start_2:
0x8a: {  	(tag) =	ssettag $0x2  }
0x8b: {  	s0 =	rddreg [dreg:$0x0];
	s2 =	stileid.u32  }
0x8c: {  	s1 =	rddreg [dreg:$0x1];
	p0 =	sne.s32 s2, $0x0  }
0x8d: {  	s3 =	rddreg [dreg:$0x2];
	[bflag:$0x3] =	sbarrier.arrive $0xFFFF;
	s2 =	simm.s32 @!p0 $0x1C07  }
0x8e: {  	[timem:s3], [sflag:s2] =	dma.local @!p0 [hbm:s0], s1  }
0x8f: {  	s0 =	simm.s32 @!p0 $0x7  }
0x90: {  	_ =	swait.ge @!p0 [sflag:s0], s1  }
0x91: {  	s1 =	ssub.s32 @!p0 $0x0, s1;
	[sflag:s0] =	ssyncset.done @!p0 $0x0  }
0x92: {  	[sflag:s0] =	ssyncadd.s32 @!p0 s1  }
0x93: {  	[bflag:$0x3] =	sbarrier.arrive $0xFFFF  }
0x94: {  	_ =	shalt  }

// kernel: kernel.15.cloned.1.call-start
scs
__scs_entry_jumppad:
0x0: {  	(pc) =	sbr.rel $0x88, $3  }
0x1: {  	(tag) =	ssettag $0x0;
	lr =	simm.s32 $0x1  }
0x2: {  	[smem:$0x3F93] =	sst lr;
	_ =	strace $0xD0000000  }
0x3: {  	_ = 	snop  }
0x4: {  	_ = 	snop  }
0x5: {  	_ = 	snop  }
0x6: {  	_ = 	snop  }
0x7: {  	_ = 	snop  }
__scs_overlays_trampoline_lowered:
0x8: {  	[smem:$0x3FA2] =	sst s0  }
0x9: {  	[smem:$0x3FA3] =	sst s1  }
0xa: {  	[smem:$0x3FA4] =	sst s2  }
0xb: {  	[smem:$0x3FA5] =	sst s3  }
0xc: {  	[smem:$0x3FA6] =	sst s4  }
0xd: {  	[smem:$0x3FA7] =	sst s5  }
0xe: {  	[smem:$0x3FA8] =	sst s6  }
0xf: {  	[smem:$0x3FA9] =	sst s7  }
0x10: {  	[smem:$0x3FAA] =	sst s8  }
0x11: {  	[smem:$0x3FAB] =	sst s9;
	s0 =	simm.s32 @!p0 $0x0  }
0x12: {  	s1 =	sld [smem:$0x3F91];
	s0 =	simm.s32 @p0 $0x1  }
0x13: {  	[smem:$0x3FAC] =	sst s0;
	s0 =	simm.s32 @!p1 $0x0  }
0x14: {  	s2 =	sld [smem:$0x3F90];
	s0 =	simm.s32 @p1 $0x1  }
0x15: {  	[smem:$0x3FAD] =	sst s0;
	s0 =	simm.s32 @!p2 $0x0  }
0x16: {  	s3 =	sld [smem:$0x3FDB];
	s0 =	simm.s32 @p2 $0x1  }
0x17: {  	s4 =	simm.s32 $0x1BF5;
	[smem:$0x3FAF] =	sst s0  }
0x18: {  	s0 =	sld [smem:$0x3F92];
	_ =	swait.ge [sflag:s4], $0x0  }
0x19: {  	s7 =	sld [smem:$0x3F93]  }
0x1a: {  	s8 =	sadd.s32 $0xFFFFE003, lr  }
0x1b: {  	s9 =	sadd.s32 $0xFFFFFEF7, lr;
	s5 =	simm.s32 $0xFFFFFFFF;
	p2 =	slt.u32 s8, $0xFFFFF086  }
0x1c: {  	p1 =	slt.u32 s9, $0xF7A;
	s5 =	simm.s32 @!p2 $0x0  }
0x1d: {  	s5 =	simm.s32 @p1 $0x1;
	p0 =	seq.s32 s7, s2  }
0x1e: {  	s7 =	smul.u32 @!p0 $0xF7A, s2;
	p2 =	seq.s32 @!p0 s5, $0x0  }
0x1f: {  	s9 =	smul.u32 $0xF7A, s1;
	s8 =	simm.s32 @!p0 $0x1BF5;
	p2 =	por !p2, p0  }
0x20: {  	[sflag:s8] =	ssyncset.s32 @!p0 $0xFFFFF086;
	s6 =	sadd.s32 @!p0 s3, s7;
	s7 =	simm.s32 @!p0 $0x108  }
0x21: {  	s3 =	sadd.s32 s3, s9;
	s6 =	sadd.s32 @!p0 $0x88, s6;
	s7 =	simm.s32 @p2 $0x1082  }
0x22: {  	[simem:s7], [sflag:s8] =	dma.local @!p0 [hbm:s6], $0xF7A  }
0x23: {  	s9 =	sor.u32 $0xD0000000, s2;
	s6 =	simm.s32 $0x108;
	_ =	swait.ge @!p0 [sflag:s8], $0x0  }
0x24: {  	s3 =	sadd.s32 $0x88, s3;
	s6 =	simm.s32 @!p1 $0x1082;
	[sflag:s4] =	ssyncset.s32 $0xFFFFF086  }
0x25: {  	[simem:s6], [sflag:s4] =	dma.local [hbm:s3], $0xF7A  }
0x26: {  	[smem:$0x3F93] =	sst s1;
	(tag) =	ssettag s2;
	_ =	strace s9  }
0x27: {  	s1 =	sld [smem:$0x3FA3]  }
0x28: {  	s2 =	sld [smem:$0x3FA4]  }
0x29: {  	s4 =	sld [smem:$0x3FA6]  }
0x2a: {  	p0 =	seq.s32 s5, $0x0;
	s5 =	sld [smem:$0x3FA7]  }
0x2b: {  	s6 =	sld [smem:$0x3FA8]  }
0x2c: {  	s7 =	sld [smem:$0x3FA9]  }
0x2d: {  	s3 =	simm.s32 $0x108;
	s8 =	sld [smem:$0x3FAA]  }
0x2e: {  	s3 =	simm.s32 @!p0 $0x1082;
	s9 =	sld [smem:$0x3FAB]  }
0x2f: {  	lr =	sadd.s32 s0, s3;
	s0 =	sld [smem:$0x3FA2]  }
0x30: {  	s3 =	sld [smem:$0x3FA5]  }
0x31: {  	[smem:$0x3FAE] =	sst s10  }
0x32: {  	s10 =	sld [smem:$0x3FAC];
	_ =	sdelay $0x3  }
0x33: {  	p0 =	seq.s32 s10, $0x1;
	s10 =	sld [smem:$0x3FAE];
	_ =	sdelay $0x3  }
0x34: {  	[smem:$0x3FAE] =	sst s10  }
0x35: {  	s10 =	sld [smem:$0x3FAD];
	_ =	sdelay $0x3  }
0x36: {  	p1 =	seq.s32 s10, $0x1;
	s10 =	sld [smem:$0x3FAE];
	_ =	sdelay $0x3  }
0x37: {  	[smem:$0x3FAE] =	sst s10  }
0x38: {  	s10 =	sld [smem:$0x3FAF]  }
0x39: {  	_ = 	snop;
	(pc) =	sbr.ind lr, $3  }
0x3a: {  	_ = 	snop  }
0x3b: {  	_ = 	snop  }
0x3c: {  	p2 =	seq.s32 s10, $0x1;
	s10 =	sld [smem:$0x3FAE]  }
0x3d: {  	_ =	shalt  }
0x3e: {  	_ =	shalt  }
0x3f: {  	_ =	shalt  }
0x40: {  	_ =	shalt  }
0x41: {  	_ =	shalt  }
0x42: {  	_ =	shalt  }
0x43: {  	_ =	shalt  }
0x44: {  	_ =	shalt  }
0x45: {  	_ =	shalt  }
0x46: {  	_ =	shalt  }
0x47: {  	_ =	shalt  }
0x48: {  	_ =	shalt  }
0x49: {  	_ =	shalt  }
0x4a: {  	_ =	shalt  }
0x4b: {  	_ =	shalt  }
0x4c: {  	_ =	shalt  }
0x4d: {  	_ =	shalt  }
0x4e: {  	_ =	shalt  }
0x4f: {  	_ =	shalt  }
0x50: {  	_ =	shalt  }
0x51: {  	_ =	shalt  }
0x52: {  	_ =	shalt  }
0x53: {  	_ =	shalt  }
0x54: {  	_ =	shalt  }
0x55: {  	_ =	shalt  }
0x56: {  	_ =	shalt  }
0x57: {  	_ =	shalt  }
0x58: {  	_ =	shalt  }
0x59: {  	_ =	shalt  }
0x5a: {  	_ =	shalt  }
0x5b: {  	_ =	shalt  }
0x5c: {  	_ =	shalt  }
0x5d: {  	_ =	shalt  }
0x5e: {  	_ =	shalt  }
0x5f: {  	_ =	shalt  }
0x60: {  	_ =	shalt  }
0x61: {  	_ =	shalt  }
0x62: {  	_ =	shalt  }
0x63: {  	_ =	shalt  }
0x64: {  	_ =	shalt  }
0x65: {  	_ =	shalt  }
0x66: {  	_ =	shalt  }
0x67: {  	_ =	shalt  }
0x68: {  	_ =	shalt  }
0x69: {  	_ =	shalt  }
0x6a: {  	_ =	shalt  }
0x6b: {  	_ =	shalt  }
0x6c: {  	_ =	shalt  }
0x6d: {  	_ =	shalt  }
0x6e: {  	_ =	shalt  }
0x6f: {  	_ =	shalt  }
0x70: {  	_ =	shalt  }
0x71: {  	_ =	shalt  }
0x72: {  	_ =	shalt  }
0x73: {  	_ =	shalt  }
0x74: {  	_ =	shalt  }
0x75: {  	_ =	shalt  }
0x76: {  	_ =	shalt  }
0x77: {  	_ =	shalt  }
0x78: {  	_ =	shalt  }
0x79: {  	_ =	shalt  }
0x7a: {  	_ =	shalt  }
0x7b: {  	_ =	shalt  }
0x7c: {  	_ =	shalt  }
0x7d: {  	_ =	shalt  }
0x7e: {  	_ =	shalt  }
0x7f: {  	_ =	shalt  }
0x80: {  	_ =	shalt  }
0x81: {  	_ =	shalt  }
0x82: {  	_ =	shalt  }
0x83: {  	_ =	shalt  }
0x84: {  	_ =	shalt  }
0x85: {  	_ =	shalt  }
0x86: {  	_ =	shalt  }
0x87: {  	_ =	shalt  }
.Lfunc_end0:
.L_simem_size_0:
called_computation.2_lowered:
.L_overlay_start_0:
0x88: {  	s2 =	sld [smem:$0x3FD9]  }
0x89: {  	s3 =	sld [smem:$0x3FFE];
	_ =	sdelay $0x1  }
0x8a: {  	s1 =	srdreg.scid  }
0x8b: {  	s0 =	sand.u32 $0x1, s1  }
0x8c: {  	s14 =	sshll.u32 s0, $0xA;
	s2 =	sadd.s32 s3, s2  }
0x8d: {  	s2 =	sadd.s32 s2, s14  }
0x8e: {  	[smem:$0x3FBA] =	sst s2  }
0x8f: {  	_ = 	snop  }
0x90: {  	s2 =	sld [smem:$0x3FD0];
	_ =	sdelay $0x2  }
0x91: {  	s15 =	simm.s32 $0xA;
	s4 =	simm.s32 $0x10  }
0x92: {  	[smem:s4], [sflag:s15] =	dma.local [hbm:s2], $0x1  }
0x93: {  	_ =	swait.eq [sflag:s15], $0x1  }
0x94: {  	[sflag:s15] =	ssyncset.done $0x0  }
0x95: {  	[sflag:s15] =	ssyncadd.s32 $0xFFFFFFFF  }
0x96: {  	s16 =	sld [smem:$0x10];
	(tm) =	ssettm $0x1  }
0x97: {  	s17 =	sld [smem:$0x3FFB];
	_ =	sdelay $0x3  }
0x98: {  	_ =	strace s17  }
0x99: {  	s3 =	sld [smem:$0x3FFC];
	_ =	sdelay $0x3  }
0x9a: {  	_ =	strace s3  }
0x9b: {  	s3 =	sld [smem:$0x3FFD];
	_ =	sdelay $0x3  }
0x9c: {  	_ =	strace s3  }
0x9d: {  	_ =	strace $0x8FFFFFFF  }
0x9e: {  	s18 =	sld [smem:$0x3FDB];
	_ =	sdelay $0x1  }
0x9f: {  	s19 =	simm.s32 $_scs_section_size  }
0xa0: {  	s5 =	simm.s32 $_size__tile_overlayer_lowered;
	s6 =	simm.s32 $_tile_overlayer_lowered  }
0xa1: {  	s22 =	simm.s32 $0x1BFF;
	s21 =	sshll.u32 s6, $0x1;
	s3 =	sadd.s32 s19, s18  }
0xa2: {  	s7 =	simm.s32 $0x0;
	s20 =	sshll.u32 s5, $0x1;
	s5 =	sadd.s32 s21, s3  }
0xa3: {  	[timem:s7], [sflag:s22] =	dma.local [hbm:s5], s20  }
0xa4: {  	_ =	swait.ge [sflag:s22], s20  }
0xa5: {  	s4 =	ssub.s32 $0x0, s20;
	[sflag:s22] =	ssyncset.done $0x0  }
0xa6: {  	[sflag:s22] =	ssyncadd.s32 s4;
	_ =	sdelay $0x1  }
0xa7: {  	s23 =	simm.s32 $0x1B8B  }
0xa8: {  	_ =	swait.ge [sflag:s23], $0x1  }
0xa9: {  	[sflag:s23] =	ssyncset.done $0x0  }
0xaa: {  	s25 =	simm.s32 $0x1B8E;
	s24 =	sld [smem:$0x3FFE];
	[sflag:s23] =	ssyncadd.s32 $0xFFFFFFFF  }
0xab: {  	s26 =	simm.s32 $execute0_lowered;
	[smem:$0x3FD2] =	sst s25  }
0xac: {  	s5 =	sshll.u32 s26, $0x1;
	_ =	strace $0x8000004C;
	[dreg:$0x1] =	wrdreg $0xFFFFFFFF  }
0xad: {  	s28 =	simm.s32 $_size_execute0_lowered;
	s3 =	sadd.s32 s3, s5;
	[dreg:$0x0] =	wrdreg $0x0  }
0xae: {  	s5 =	sshll.u32 s28, $0x1;
	[dreg:$0x2] =	wrdreg s3  }
0xaf: {  	[dreg:$0x3] =	wrdreg s5  }
0xb0: {  	[dreg:$0x4] =	wrdreg $0xC0  }
0xb1: {  	_ =	task [dreg:s7], $0x5FFFF  }
0xb2: {  	[dreg:$0x1] =	wrdreg $0xFFFFFFFF  }
0xb3: {  	[dreg:$0x0] =	wrdreg $0x60  }
0xb4: {  	[dreg:$0x2] =	wrdreg s16  }
0xb5: {  	[dreg:$0x3] =	wrdreg s24  }
0xb6: {  	[dreg:$0x4] =	wrdreg $0x9  }
0xb7: {  	_ =	task.clear_ibuf [dreg:s7], $0x5FFFF;
	_ =	strace $0x9000004C  }
0xb8: {  	s29 =	simm.s32 $0x9;
	_ =	strace $0x8000004E  }
0xb9: {  	_ =	swait.ge [sflag:s29], $0x1  }
0xba: {  	[sflag:s29] =	ssyncadd.s32 $0xFFFFFFFF  }
0xbb: {  	_ =	strace $0x9000004E  }
0xbc: {  	_ =	sfence  }
0xbd: {  	s30 =	sld [smem:$0x0];
	_ =	sdelay $0x2  }
0xbe: {  	s31 =	sshll.u32 s1, $0xD;
	s1 =	sshrl.u32 s1, $0x2  }
0xbf: {  	s3 =	sand.u32 $0x4000, s31;
	s1 =	sadd.s32 s1, s30  }
0xc0: {  	s0 =	sor.u32 s3, s0;
	s1 =	sshll.u32 s1, $0x11  }
0xc1: {  	s0 =	sor.u32 s1, s0  }
0xc2: {  	s0 =	sadd.s32 $0x8F2B, s0  }
0xc3: {  	[sflag:s0] =	ssyncadd.remote.s32 $0x1  }
0xc4: {  	_ =	sfence.sel $0xFFFF  }
0xc5: {  	[dreg:$0x0] =	wrdreg $0xFFFFFFFF;
	(pc) =	sbr.abs _section_cstart, $3  }
0xc6: {  	[dreg:$0x1] =	wrdreg $0xFFFFFFFF  }
0xc7: {  	_ =	task.clear_ibuf [dreg:s7], $0x2FFFF;
	_ =	strace $0x9FFFFFFF  }
0xc8: {  	(tm) =	ssettm $0x7FFFFFFF  }
0xc9: {  	_ =	shalt  }
tec
execute0_lowered:
.L_overlay_start_1:
0x0: {  	(tag) =	ssettag $0x1  }
0x1: {  	s1 =	rddreg [dreg:$0x0]  }
0x2: {  	s0 =	rddreg [dreg:$0x1];
	s3 =	simm.s32 $0x0  }
0x3: {  	s2 =	srdreg.scid;
	s4 =	stileid.u32;
	s14 =	simm.s32 $0xA  }
0x4: {  	s16 =	simm.s32 $0x80;
	s17 =	simm.s32 $0x4F00;
	s19 =	simm.s32 $0x8F00  }
0x5: {  	s28 =	simm.s32 $0x2;
	s29 =	simm.s32 $0x5;
	s30 =	simm.s32 $0x8  }
0x6: {  	s31 =	simm.s32 $0x3;
	s18 =	simm.s32 $0x1CF00;
	s20 =	simm.s32 $0x10  }
0x7: {  	s21 =	simm.s32 $0x1CF80;
	s15 =	simm.s32 $0x0;
	[smem:$0x7FF] =	sst s3  }
0x8: {  	s2 =	sand.u32 $0x1, s2;
	s4 =	sshll.u32 s4, $0x1;
	s7 =	sadd.s32 $0xC600, s0  }
0x9: {  	s10 =	sadd.s32 $0x2800, s0;
	s6 =	ssub.s32 $0x2, s2;
	s2 =	sor.u32 s2, s4  }
0xa: {  	s5 =	sadd.s32 $0x16400, s0;
	s8 =	sshrl.u32 s6, $0x1;
	s4 =	smul.u32 $0x2710, s2  }
0xb: {  	_ =	strace $0x8000004D;
	s22 =	ssub.s32 s6, s8;
	s6 =	smul.u32 $0x138800, s2  }
0xc: {  	s23 =	sshrl.u32 s4, $0x3;
	s24 =	sadd.s32 $0x2700, s4;
	s0 =	smax.u32 s22, $0x1  }
0xd: {  	s22 =	simm.s32 $0xCF00;
	s9 =	sadd.s32 s7, s23;
	s8 =	sadd.s32 s10, s23  }
0xe: {  	s25 =	sshrl.u32 s24, $0x3;
	s2 =	sshll.u32 s24, $0x4;
	[dreg:$0x8] =	wrdreg s0  }
0xf: {  	s23 =	simm.s32 $0x18F00;
	s24 =	simm.s32 $0x1;
	[dreg:$0x3] =	wrdreg s9  }
0x10: {  	s0 =	simm.s32 $0x6;
	[dreg:$0x4] =	wrdreg s8;
	s7 =	sadd.s32 s7, s25  }
0x11: {  	s9 =	sadd.s32 $0x4000, s6;
	s26 =	sadd.s32 s10, s25;
	[dreg:$0x5] =	wrdreg s7  }
0x12: {  	s2 =	sadd.s32 s5, s2;
	s25 =	simm.s32 $0x4;
	[dreg:$0x6] =	wrdreg s26  }
0x13: {  	[dreg:$0x7] =	wrdreg s2;
	s26 =	simm.s32 $0x7;
	s2 =	simm.s32 $0x9  }
.LBB2_1:
0x14: {  	s7 =	rddreg [dreg:$0x3]  }
0x15: {  	[tilespmem:s3], [sflag:$0xA] =	stream.linear.gather [hbm4b:s7+s3], $0x2710, $0x38;
	[tilespmem:$0x1DF80] =	vst v63  }
0x16: {  	_ =	swait.ge [sflag:s14], $0x2710  }
0x17: {  	[sflag:s14] =	ssyncset.done $0x0  }
0x18: {  	s8 =	simm.s32 $0x2780;
	s10 =	rddreg [dreg:$0x4];
	[sflag:s14] =	ssyncadd.s32 $0xFFFFD8F0  }
0x19: {  	[tilespmem:s8], [sflag:$0xA] =	stream.linear.gather [hbm4b:s10+s3], $0x2710, $0x38;
	[tilespmem:$0x1DF80] =	vst v63  }
0x1a: {  	_ =	swait.ge [sflag:s14], $0x2710  }
0x1b: {  	[sflag:s14] =	ssyncset.done $0x0  }
0x1c: {  	[sflag:s14] =	ssyncadd.s32 $0xFFFFD8F0  }
0x1d: {  	[tilespmem:s17], [sflag:$0x1] =	stream.indirect.gather [hbm4b:s1+s16], $0x80, s3, s16, $0xb8;
	[tilespmem:$0x1DF80] =	vst v63  }
0x1e: {  	s11 =	simm.s32 $0x10F00  }
0x1f: {  	[tilespmem:s11], [sflag:$0x4] =	stream.indirect.gather [hbm4b:s1+s16], $0x80, s8, s16, $0xb8;
	[tilespmem:$0x1DF80] =	vst v63  }
0x20: {  	_ = 	snop  }
0x21: {  	[tilespmem:s19], [sflag:$0x2] =	stream.indirect.gather [hbm4b:s1+s16], $0x80, s16, s16, $0xb8;
	[tilespmem:$0x1DF80] =	vst v63  }
0x22: {  	s12 =	simm.s32 $0x2800;
	s13 =	simm.s32 $0x14F00;
	s7 =	simm.s32 $0x0  }
0x23: {  	[tilespmem:s13], [sflag:$0x5] =	stream.indirect.gather [hbm4b:s1+s16], $0x80, s12, s16, $0xb8;
	[tilespmem:$0x1DF80] =	vst v63  }
.LBB2_2:
0x24: {  	p0 =	seq.s32 s7, $0x0  }
0x25: {  	s8 =	smul.u32 $0x3, s7;
	s10 =	simm.s32 @!p0 $0x9  }
0x26: {  	_ =	swait.ge @!p0 [sflag:s10], $0x4000  }
0x27: {  	s8 =	sadd.s32 $0x2, s8;
	[sflag:s10] =	ssyncset.done @!p0 $0x0  }
0x28: {  	s13 =	sshll.u32 s8, $0x7;
	[sflag:s10] =	ssyncadd.s32 @!p0 $0xFFFFC000  }
0x29: {  	[tilespmem:s22], [sflag:$0x3] =	stream.indirect.gather [hbm4b:s1+s16], $0x80, s13, s16, $0xb8;
	[tilespmem:$0x1DF80] =	vst v63  }
0x2a: {  	s10 =	sadd.s32 $0x2780, s13  }
0x2b: {  	[tilespmem:s23], [sflag:$0x6] =	stream.indirect.gather [hbm4b:s1+s16], $0x80, s10, s16, $0xb8;
	[tilespmem:$0x1DF80] =	vst v63  }
0x2c: {  	_ =	swait.ge [sflag:s24], $0x4000  }
0x2d: {  	[sflag:s24] =	ssyncset.done $0x0  }
0x2e: {  	[sflag:s24] =	ssyncadd.s32 $0xFFFFC000  }
0x2f: {  	_ =	swait.ge [sflag:s25], $0x4000  }
0x30: {  	[sflag:s25] =	ssyncset.done $0x0  }
0x31: {  	s11 =	simm.s32 $0x0;
	[sflag:s25] =	ssyncadd.s32 $0xFFFFC000  }
0x32: {  	v6 =	vld [tilespmem:s11+$0x10F00]  }
0x33: {  	v11 =	vld [tilespmem:s11+$0x10F10]  }
0x34: {  	v5 =	vld [tilespmem:s11+$0x10F20]  }
0x35: {  	v4 =	vld [tilespmem:s11+$0x10F30]  }
0x36: {  	v3 =	vld [tilespmem:s11+$0x10F40]  }
0x37: {  	v2 =	vld [tilespmem:s11+$0x10F50]  }
0x38: {  	v1 =	vld [tilespmem:s11+$0x10F60]  }
0x39: {  	v0 =	vld [tilespmem:s11+$0x10F70]  }
0x3a: {  	v12 =	vld [tilespmem:s11+$0x4F00]  }
0x3b: {  	v13 =	vld [tilespmem:s11+$0x4F10]  }
0x3c: {  	v10 =	vld [tilespmem:s11+$0x4F20]  }
0x3d: {  	v9 =	vld [tilespmem:s11+$0x4F30]  }
0x3e: {  	v8 =	vld [tilespmem:s11+$0x4F40]  }
0x3f: {  	v7 =	vld [tilespmem:s11+$0x4F50];
	v12 =	vmul.f32 v6, v12  }
0x40: {  	s10 =	simm.s32 $0x200;
	v11 =	vmul.f32 v11, v13;
	v6 =	vld [tilespmem:s11+$0x4F60]  }
.LBB2_3:
0x41: {  	s12 =	sshra.s32 s10, $0x2;
	p0 =	sne.s32 s10, $0xFE00;
	[tilespmem:s11+$0x4F00] =	vst v12;
	v5 =	vmul.f32 v5, v10;
	v10 =	vld [tilespmem:s11+$0x4F70]  }
0x42: {  	v12 =	vld [tilespmem:s12+$0x10F00];
	[tilespmem:s11+$0x4F10] =	vst v11;
	v4 =	vmul.f32 v4, v9  }
0x43: {  	v11 =	vld [tilespmem:s12+$0x10F10];
	[tilespmem:s11+$0x4F20] =	vst v5;
	v3 =	vmul.f32 v3, v8  }
0x44: {  	v5 =	vld [tilespmem:s12+$0x10F20];
	[tilespmem:s11+$0x4F30] =	vst v4;
	v2 =	vmul.f32 v2, v7  }
0x45: {  	v4 =	vld [tilespmem:s12+$0x10F30];
	[tilespmem:s11+$0x4F40] =	vst v3;
	v1 =	vmul.f32 v1, v6  }
0x46: {  	v3 =	vld [tilespmem:s12+$0x10F40];
	[tilespmem:s11+$0x4F50] =	vst v2;
	v0 =	vmul.f32 v0, v10  }
0x47: {  	v2 =	vld [tilespmem:s12+$0x10F50];
	[tilespmem:s11+$0x4F60] =	vst v1  }
0x48: {  	v1 =	vld [tilespmem:s12+$0x10F60];
	[tilespmem:s11+$0x4F70] =	vst v0;
	s11 =	smov.u32 s12  }
0x49: {  	v0 =	vld [tilespmem:s11+$0x10F70]  }
0x4a: {  	v6 =	vld [tilespmem:s11+$0x4F00]  }
0x4b: {  	v13 =	vld [tilespmem:s11+$0x4F10]  }
.Ltmp0:
0x4c: {  	v10 =	vld [tilespmem:s11+$0x4F20];
	(pc) =	sbr.rel @p0 .LBB2_3-.Ltmp0, $4  }
0x4d: {  	v9 =	vld [tilespmem:s11+$0x4F30]  }
0x4e: {  	v8 =	vld [tilespmem:s11+$0x4F40]  }
0x4f: {  	v12 =	vmul.f32 v12, v6;
	v7 =	vld [tilespmem:s11+$0x4F50]  }
0x50: {  	s10 =	sadd.s32 $0x200, s10;
	v11 =	vmul.f32 v11, v13;
	v6 =	vld [tilespmem:s11+$0x4F60]  }
0x51: {  	[tilespmem:s11+$0x4F00] =	vst v12;
	v5 =	vmul.f32 v5, v10;
	v10 =	vld [tilespmem:s11+$0x4F70]  }
0x52: {  	[tilespmem:s11+$0x4F10] =	vst v11;
	v4 =	vmul.f32 v4, v9  }
0x53: {  	[tilespmem:s11+$0x4F20] =	vst v5;
	v3 =	vmul.f32 v3, v8  }
0x54: {  	s10 =	smul.u32 $0x180, s7;
	[tilespmem:s11+$0x4F30] =	vst v4;
	v2 =	vmul.f32 v2, v7  }
0x55: {  	[tilespmem:s11+$0x4F40] =	vst v3;
	v1 =	vmul.f32 v1, v6  }
0x56: {  	s12 =	sadd.s32 s4, s10;
	[tilespmem:s11+$0x4F50] =	vst v2;
	v0 =	vmul.f32 v0, v10  }
0x57: {  	s12 =	sshll.u32 s12, $0x4;
	[tilespmem:s11+$0x4F60] =	vst v1  }
0x58: {  	s13 =	sadd.s32 s5, s12;
	[tilespmem:s11+$0x4F70] =	vst v0  }
0x59: {  	[hbm4b:s13+s3] =	stream.linear.scatter [tilespmem:s17], [sflag:$0x7], $0x4000, $0x38;
	[tilespmem:$0x1DF80] =	vst v63  }
0x5a: {  	p0 =	seq.s32 s7, $0x19;
	_ =	swait.ge [sflag:s26], $0x4000  }
0x5b: {  	s12 =	simm.s32 @!p0 $0x80;
	[sflag:s26] =	ssyncset.done $0x0  }
0x5c: {  	s11 =	sadd.s32 @!p0 $0x180, s10;
	s13 =	simm.s32 @!p0 $0x4F00;
	[sflag:s26] =	ssyncadd.s32 $0xFFFFC000  }
0x5d: {  	[tilespmem:s13], [sflag:$0x1] =	stream.indirect.gather @!p0 [hbm4b:s1+s12], $0x80, s11, s12, $0xb8;
	[tilespmem:$0x1DF80] =	vst v63  }
0x5e: {  	s11 =	sadd.s32 @!p0 $0x2900, s10;
	s13 =	simm.s32 @!p0 $0x10F00  }
0x5f: {  	[tilespmem:s13], [sflag:$0x4] =	stream.indirect.gather @!p0 [hbm4b:s1+s12], $0x80, s11, s12, $0xb8;
	[tilespmem:$0x1DF80] =	vst v63  }
0x60: {  	_ =	swait.ge [sflag:s28], $0x4000  }
0x61: {  	[sflag:s28] =	ssyncset.done $0x0  }
0x62: {  	[sflag:s28] =	ssyncadd.s32 $0xFFFFC000  }
0x63: {  	_ =	swait.ge [sflag:s29], $0x4000  }
0x64: {  	[sflag:s29] =	ssyncset.done $0x0  }
0x65: {  	s11 =	simm.s32 $0x0;
	[sflag:s29] =	ssyncadd.s32 $0xFFFFC000  }
0x66: {  	v6 =	vld [tilespmem:s11+$0x14F00]  }
0x67: {  	v11 =	vld [tilespmem:s11+$0x14F10]  }
0x68: {  	v5 =	vld [tilespmem:s11+$0x14F20]  }
0x69: {  	v4 =	vld [tilespmem:s11+$0x14F30]  }
0x6a: {  	v3 =	vld [tilespmem:s11+$0x14F40]  }
0x6b: {  	v2 =	vld [tilespmem:s11+$0x14F50]  }
0x6c: {  	v1 =	vld [tilespmem:s11+$0x14F60]  }
0x6d: {  	v0 =	vld [tilespmem:s11+$0x14F70]  }
0x6e: {  	v12 =	vld [tilespmem:s11+$0x8F00]  }
0x6f: {  	v13 =	vld [tilespmem:s11+$0x8F10]  }
0x70: {  	v10 =	vld [tilespmem:s11+$0x8F20]  }
0x71: {  	v9 =	vld [tilespmem:s11+$0x8F30]  }
0x72: {  	v8 =	vld [tilespmem:s11+$0x8F40]  }
0x73: {  	v7 =	vld [tilespmem:s11+$0x8F50];
	v12 =	vmul.f32 v6, v12  }
0x74: {  	s12 =	simm.s32 $0x200;
	v11 =	vmul.f32 v11, v13;
	v6 =	vld [tilespmem:s11+$0x8F60]  }
.LBB2_5:
0x75: {  	s13 =	sshra.s32 s12, $0x2;
	p1 =	sne.s32 s12, $0xFE00;
	[tilespmem:s11+$0x8F00] =	vst v12;
	v5 =	vmul.f32 v5, v10;
	v10 =	vld [tilespmem:s11+$0x8F70]  }
0x76: {  	v12 =	vld [tilespmem:s13+$0x14F00];
	[tilespmem:s11+$0x8F10] =	vst v11;
	v4 =	vmul.f32 v4, v9  }
0x77: {  	v11 =	vld [tilespmem:s13+$0x14F10];
	[tilespmem:s11+$0x8F20] =	vst v5;
	v3 =	vmul.f32 v3, v8  }
0x78: {  	v5 =	vld [tilespmem:s13+$0x14F20];
	[tilespmem:s11+$0x8F30] =	vst v4;
	v2 =	vmul.f32 v2, v7  }
0x79: {  	v4 =	vld [tilespmem:s13+$0x14F30];
	[tilespmem:s11+$0x8F40] =	vst v3;
	v1 =	vmul.f32 v1, v6  }
0x7a: {  	v3 =	vld [tilespmem:s13+$0x14F40];
	[tilespmem:s11+$0x8F50] =	vst v2;
	v0 =	vmul.f32 v0, v10  }
0x7b: {  	v2 =	vld [tilespmem:s13+$0x14F50];
	[tilespmem:s11+$0x8F60] =	vst v1  }
0x7c: {  	v1 =	vld [tilespmem:s13+$0x14F60];
	[tilespmem:s11+$0x8F70] =	vst v0;
	s11 =	smov.u32 s13  }
0x7d: {  	v0 =	vld [tilespmem:s11+$0x14F70]  }
0x7e: {  	v6 =	vld [tilespmem:s11+$0x8F00]  }
0x7f: {  	v13 =	vld [tilespmem:s11+$0x8F10]  }
.Ltmp1:
0x80: {  	v10 =	vld [tilespmem:s11+$0x8F20];
	(pc) =	sbr.rel @p1 .LBB2_5-.Ltmp1, $4  }
0x81: {  	v9 =	vld [tilespmem:s11+$0x8F30]  }
0x82: {  	v8 =	vld [tilespmem:s11+$0x8F40]  }
0x83: {  	v12 =	vmul.f32 v12, v6;
	v7 =	vld [tilespmem:s11+$0x8F50]  }
0x84: {  	s12 =	sadd.s32 $0x200, s12;
	v11 =	vmul.f32 v11, v13;
	v6 =	vld [tilespmem:s11+$0x8F60]  }
0x85: {  	[tilespmem:s11+$0x8F00] =	vst v12;
	v5 =	vmul.f32 v5, v10;
	v10 =	vld [tilespmem:s11+$0x8F70]  }
0x86: {  	[tilespmem:s11+$0x8F10] =	vst v11;
	v4 =	vmul.f32 v4, v9  }
0x87: {  	[tilespmem:s11+$0x8F20] =	vst v5;
	v3 =	vmul.f32 v3, v8  }
0x88: {  	s12 =	smul.u32 $0xC000, s7;
	[tilespmem:s11+$0x8F30] =	vst v4;
	v2 =	vmul.f32 v2, v7  }
0x89: {  	[tilespmem:s11+$0x8F40] =	vst v3;
	v1 =	vmul.f32 v1, v6  }
0x8a: {  	s12 =	sadd.s32 s12, s9;
	[tilespmem:s11+$0x8F50] =	vst v2;
	v0 =	vmul.f32 v0, v10  }
0x8b: {  	s12 =	sshrl.u32 s12, $0x3;
	[tilespmem:s11+$0x8F60] =	vst v1  }
0x8c: {  	s13 =	sadd.s32 s5, s12;
	[tilespmem:s11+$0x8F70] =	vst v0  }
0x8d: {  	[hbm4b:s13+s3] =	stream.linear.scatter [tilespmem:s19], [sflag:$0x8], $0x4000, $0x38;
	[tilespmem:$0x1DF80] =	vst v63  }
0x8e: {  	_ =	swait.ge [sflag:s30], $0x4000  }
0x8f: {  	s12 =	simm.s32 @!p0 $0x80;
	[sflag:s30] =	ssyncset.done $0x0  }
0x90: {  	s11 =	sadd.s32 @!p0 $0x200, s10;
	s13 =	simm.s32 @!p0 $0x8F00;
	[sflag:s30] =	ssyncadd.s32 $0xFFFFC000  }
0x91: {  	[tilespmem:s13], [sflag:$0x2] =	stream.indirect.gather @!p0 [hbm4b:s1+s12], $0x80, s11, s12, $0xb8;
	[tilespmem:$0x1DF80] =	vst v63  }
0x92: {  	s10 =	sadd.s32 @!p0 $0x2980, s10;
	s11 =	simm.s32 @!p0 $0x14F00  }
0x93: {  	[tilespmem:s11], [sflag:$0x5] =	stream.indirect.gather @!p0 [hbm4b:s1+s12], $0x80, s10, s12, $0xb8;
	[tilespmem:$0x1DF80] =	vst v63  }
0x94: {  	_ =	swait.ge [sflag:s31], $0x4000  }
0x95: {  	[sflag:s31] =	ssyncset.done $0x0  }
0x96: {  	[sflag:s31] =	ssyncadd.s32 $0xFFFFC000  }
0x97: {  	_ =	swait.ge [sflag:s0], $0x4000  }
0x98: {  	[sflag:s0] =	ssyncset.done $0x0  }
0x99: {  	s10 =	simm.s32 $0x0;
	[sflag:s0] =	ssyncadd.s32 $0xFFFFC000  }
0x9a: {  	v7 =	vld [tilespmem:s10+$0x18F00]  }
0x9b: {  	v11 =	vld [tilespmem:s10+$0x18F10]  }
0x9c: {  	v5 =	vld [tilespmem:s10+$0x18F20]  }
0x9d: {  	v4 =	vld [tilespmem:s10+$0x18F30]  }
0x9e: {  	v3 =	vld [tilespmem:s10+$0x18F40]  }
0x9f: {  	v2 =	vld [tilespmem:s10+$0x18F50]  }
0xa0: {  	v1 =	vld [tilespmem:s10+$0x18F60]  }
0xa1: {  	v0 =	vld [tilespmem:s10+$0x18F70]  }
0xa2: {  	v12 =	vld [tilespmem:s10+$0xCF00]  }
0xa3: {  	v13 =	vld [tilespmem:s10+$0xCF10]  }
0xa4: {  	v10 =	vld [tilespmem:s10+$0xCF20]  }
0xa5: {  	v9 =	vld [tilespmem:s10+$0xCF30]  }
0xa6: {  	v8 =	vld [tilespmem:s10+$0xCF40]  }
0xa7: {  	v6 =	vld [tilespmem:s10+$0xCF50];
	v12 =	vmul.f32 v7, v12  }
0xa8: {  	s11 =	simm.s32 $0x200;
	v11 =	vmul.f32 v11, v13;
	v7 =	vld [tilespmem:s10+$0xCF60]  }
.LBB2_7:
0xa9: {  	s12 =	sshra.s32 s11, $0x2;
	p0 =	sne.s32 s11, $0xFE00;
	[tilespmem:s10+$0xCF00] =	vst v12;
	v5 =	vmul.f32 v5, v10;
	v10 =	vld [tilespmem:s10+$0xCF70]  }
0xaa: {  	v12 =	vld [tilespmem:s12+$0x18F00];
	[tilespmem:s10+$0xCF10] =	vst v11;
	v4 =	vmul.f32 v4, v9  }
0xab: {  	v11 =	vld [tilespmem:s12+$0x18F10];
	[tilespmem:s10+$0xCF20] =	vst v5;
	v3 =	vmul.f32 v3, v8  }
0xac: {  	v5 =	vld [tilespmem:s12+$0x18F20];
	[tilespmem:s10+$0xCF30] =	vst v4;
	v2 =	vmul.f32 v2, v6  }
0xad: {  	v4 =	vld [tilespmem:s12+$0x18F30];
	[tilespmem:s10+$0xCF40] =	vst v3;
	v1 =	vmul.f32 v1, v7  }
0xae: {  	v3 =	vld [tilespmem:s12+$0x18F40];
	[tilespmem:s10+$0xCF50] =	vst v2;
	v0 =	vmul.f32 v0, v10  }
0xaf: {  	v2 =	vld [tilespmem:s12+$0x18F50];
	[tilespmem:s10+$0xCF60] =	vst v1  }
0xb0: {  	v1 =	vld [tilespmem:s12+$0x18F60];
	[tilespmem:s10+$0xCF70] =	vst v0;
	s10 =	smov.u32 s12  }
0xb1: {  	v0 =	vld [tilespmem:s10+$0x18F70]  }
0xb2: {  	v6 =	vld [tilespmem:s10+$0xCF00]  }
0xb3: {  	v7 =	vld [tilespmem:s10+$0xCF10]  }
.Ltmp2:
0xb4: {  	v10 =	vld [tilespmem:s10+$0xCF20];
	(pc) =	sbr.rel @p0 .LBB2_7-.Ltmp2, $4  }
0xb5: {  	v9 =	vld [tilespmem:s10+$0xCF30]  }
0xb6: {  	v8 =	vld [tilespmem:s10+$0xCF40]  }
0xb7: {  	v12 =	vmul.f32 v12, v6;
	v6 =	vld [tilespmem:s10+$0xCF50]  }
0xb8: {  	s11 =	sadd.s32 $0x200, s11;
	v11 =	vmul.f32 v11, v7;
	v7 =	vld [tilespmem:s10+$0xCF60]  }
0xb9: {  	[tilespmem:s10+$0xCF00] =	vst v12;
	v5 =	vmul.f32 v5, v10;
	v63 =	vld [tilespmem:s10+$0xCF70]  }
0xba: {  	[tilespmem:s10+$0xCF10] =	vst v11;
	v4 =	vmul.f32 v4, v9  }
0xbb: {  	s7 =	sadd.s32 $0x1, s7;
	[tilespmem:s10+$0xCF20] =	vst v5;
	v3 =	vmul.f32 v3, v8  }
0xbc: {  	p0 =	sne.s32 s7, $0x1A;
	[tilespmem:s10+$0xCF30] =	vst v4;
	v2 =	vmul.f32 v2, v6  }
.Ltmp3:
0xbd: {  	s8 =	sshll.u32 s8, $0xE;
	[tilespmem:s10+$0xCF40] =	vst v3;
	v1 =	vmul.f32 v1, v7;
	(pc) =	sbr.rel @p0 .LBB2_2-.Ltmp3, $4  }
0xbe: {  	s8 =	sadd.s32 s6, s8;
	[tilespmem:s10+$0xCF50] =	vst v2;
	v0 =	vmul.f32 v0, v63  }
0xbf: {  	s8 =	sshrl.u32 s8, $0x3;
	[tilespmem:s10+$0xCF60] =	vst v1  }
0xc0: {  	s8 =	sadd.s32 s5, s8;
	[tilespmem:s10+$0xCF70] =	vst v0  }
0xc1: {  	[hbm4b:s8+s3] =	stream.linear.scatter [tilespmem:s22], [sflag:$0x9], $0x4000, $0x38;
	[tilespmem:$0x1DF80] =	vst v63  }
0xc2: {  	_ =	swait.ge [sflag:s2], $0x4000  }
0xc3: {  	[sflag:s2] =	ssyncset.done $0x0  }
0xc4: {  	s7 =	rddreg [dreg:$0x5];
	[sflag:s2] =	ssyncadd.s32 $0xFFFFC000  }
0xc5: {  	[tilespmem:s18], [sflag:$0xA] =	stream.linear.gather [hbm4b:s7+s3], $0x10, $0x38;
	[tilespmem:$0x1DF80] =	vst v63  }
0xc6: {  	_ =	swait.ge [sflag:s14], $0x10  }
0xc7: {  	[sflag:s14] =	ssyncset.done $0x0  }
0xc8: {  	[sflag:s14] =	ssyncadd.s32 $0xFFFFFFF0  }
0xc9: {  	[tilespmem:s21], [sflag:$0x1] =	stream.indirect.gather [hbm4b:s1+s20], $0x80, s18, s20, $0xb8;
	[tilespmem:$0x1DF80] =	vst v63  }
0xca: {  	_ =	swait.ge [sflag:s24], $0x800  }
0xcb: {  	[sflag:s24] =	ssyncset.done $0x0  }
0xcc: {  	s10 =	rddreg [dreg:$0x6];
	[sflag:s24] =	ssyncadd.s32 $0xFFFFF800  }
0xcd: {  	[tilespmem:s18], [sflag:$0xA] =	stream.linear.gather [hbm4b:s10+s3], $0x10, $0x38;
	[tilespmem:$0x1DF80] =	vst v63  }
0xce: {  	_ =	swait.ge [sflag:s14], $0x10  }
0xcf: {  	[sflag:s14] =	ssyncset.done $0x0  }
0xd0: {  	s11 =	simm.s32 $0x1D780;
	[sflag:s14] =	ssyncadd.s32 $0xFFFFFFF0  }
0xd1: {  	[tilespmem:s11], [sflag:$0x4] =	stream.indirect.gather [hbm4b:s1+s20], $0x80, s18, s20, $0xb8;
	[tilespmem:$0x1DF80] =	vst v63  }
0xd2: {  	_ =	swait.ge [sflag:s25], $0x800  }
0xd3: {  	[sflag:s25] =	ssyncset.done $0x0  }
0xd4: {  	[sflag:s25] =	ssyncadd.s32 $0xFFFFF800  }
0xd5: {  	v3 =	vld [tilespmem:$0x1CF80]  }
0xd6: {  	v0 =	vld [tilespmem:$0x1D780]  }
0xd7: {  	v4 =	vld [tilespmem:$0x1CF90]  }
0xd8: {  	v1 =	vld [tilespmem:$0x1D790]  }
0xd9: {  	v6 =	vld [tilespmem:$0x1CFA0]  }
0xda: {  	v2 =	vld [tilespmem:$0x1D7A0]  }
0xdb: {  	v8 =	vld [tilespmem:$0x1CFB0]  }
0xdc: {  	v5 =	vld [tilespmem:$0x1D7B0]  }
0xdd: {  	v10 =	vld [tilespmem:$0x1CFC0]  }
0xde: {  	v7 =	vld [tilespmem:$0x1D7C0]  }
0xdf: {  	v12 =	vld [tilespmem:$0x1CFD0]  }
0xe0: {  	v9 =	vld [tilespmem:$0x1D7D0]  }
0xe1: {  	v14 =	vld [tilespmem:$0x1CFE0]  }
0xe2: {  	v11 =	vld [tilespmem:$0x1D7E0]  }
0xe3: {  	v16 =	vld [tilespmem:$0x1CFF0]  }
0xe4: {  	v13 =	vld [tilespmem:$0x1D7F0]  }
0xe5: {  	v18 =	vld [tilespmem:$0x1D000]  }
0xe6: {  	v15 =	vld [tilespmem:$0x1D800]  }
0xe7: {  	v20 =	vld [tilespmem:$0x1D010]  }
0xe8: {  	v17 =	vld [tilespmem:$0x1D810]  }
0xe9: {  	v22 =	vld [tilespmem:$0x1D020]  }
0xea: {  	v19 =	vld [tilespmem:$0x1D820]  }
0xeb: {  	v24 =	vld [tilespmem:$0x1D030]  }
0xec: {  	v21 =	vld [tilespmem:$0x1D830]  }
0xed: {  	v26 =	vld [tilespmem:$0x1D040]  }
0xee: {  	v23 =	vld [tilespmem:$0x1D840]  }
0xef: {  	v28 =	vld [tilespmem:$0x1D050]  }
0xf0: {  	v25 =	vld [tilespmem:$0x1D850]  }
0xf1: {  	v58 =	vld [tilespmem:$0x1D060]  }
0xf2: {  	v27 =	vld [tilespmem:$0x1D860]  }
0xf3: {  	v59 =	vld [tilespmem:$0x1D070]  }
0xf4: {  	v29 =	vld [tilespmem:$0x1D870]  }
0xf5: {  	v50 =	vld [tilespmem:$0x1D080]  }
0xf6: {  	v30 =	vld [tilespmem:$0x1D880]  }
0xf7: {  	v47 =	vld [tilespmem:$0x1D090]  }
0xf8: {  	v31 =	vld [tilespmem:$0x1D890]  }
0xf9: {  	v38 =	vld [tilespmem:$0x1D0A0]  }
0xfa: {  	v32 =	vld [tilespmem:$0x1D8A0]  }
0xfb: {  	v39 =	vld [tilespmem:$0x1D0B0]  }
0xfc: {  	v33 =	vld [tilespmem:$0x1D8B0]  }
0xfd: {  	v36 =	vld [tilespmem:$0x1D0C0]  }
0xfe: {  	v34 =	vld [tilespmem:$0x1D8C0]  }
0xff: {  	v40 =	vld [tilespmem:$0x1D0D0]  }
0x100: {  	v35 =	vld [tilespmem:$0x1D8D0]  }
0x101: {  	v42 =	vld [tilespmem:$0x1D0E0]  }
0x102: {  	v37 =	vld [tilespmem:$0x1D8E0]  }
0x103: {  	v43 =	vld [tilespmem:$0x1D0F0]  }
0x104: {  	v41 =	vld [tilespmem:$0x1D8F0]  }
0x105: {  	v46 =	vld [tilespmem:$0x1D100]  }
0x106: {  	v44 =	vld [tilespmem:$0x1D900]  }
0x107: {  	v49 =	vld [tilespmem:$0x1D110]  }
0x108: {  	v45 =	vld [tilespmem:$0x1D910]  }
0x109: {  	v52 =	vld [tilespmem:$0x1D120]  }
0x10a: {  	v48 =	vld [tilespmem:$0x1D920]  }
0x10b: {  	v54 =	vld [tilespmem:$0x1D130]  }
0x10c: {  	v51 =	vld [tilespmem:$0x1D930]  }
0x10d: {  	v63 =	vld [tilespmem:$0x1D180];
	_ =	sdelay $0x4  }
0x10e: {  	[tilespmem:$0x1FAE0] =	vst v63;
	v63 =	vld [tilespmem:$0x1D980];
	_ =	sdelay $0x4  }
0x10f: {  	[tilespmem:$0x1FAF0] =	vst v63;
	v63 =	vld [tilespmem:$0x1D190];
	_ =	sdelay $0x4  }
0x110: {  	[tilespmem:$0x1FB00] =	vst v63;
	v63 =	vld [tilespmem:$0x1D990];
	_ =	sdelay $0x4  }
0x111: {  	[tilespmem:$0x1FB10] =	vst v63;
	v63 =	vld [tilespmem:$0x1D1A0];
	_ =	sdelay $0x4  }
0x112: {  	[tilespmem:$0x1FB20] =	vst v63;
	v63 =	vld [tilespmem:$0x1D9A0];
	_ =	sdelay $0x4  }
0x113: {  	[tilespmem:$0x1FB30] =	vst v63;
	v63 =	vld [tilespmem:$0x1D1B0];
	_ =	sdelay $0x4  }
0x114: {  	[tilespmem:$0x1FB40] =	vst v63;
	v63 =	vld [tilespmem:$0x1D9B0];
	_ =	sdelay $0x4  }
0x115: {  	[tilespmem:$0x1FB50] =	vst v63;
	v63 =	vld [tilespmem:$0x1D1C0];
	_ =	sdelay $0x4  }
0x116: {  	[tilespmem:$0x1FB60] =	vst v63;
	v63 =	vld [tilespmem:$0x1D9C0];
	_ =	sdelay $0x4  }
0x117: {  	[tilespmem:$0x1FB70] =	vst v63;
	v63 =	vld [tilespmem:$0x1D1D0];
	_ =	sdelay $0x4  }
0x118: {  	[tilespmem:$0x1FB80] =	vst v63;
	v63 =	vld [tilespmem:$0x1D9D0];
	_ =	sdelay $0x4  }
0x119: {  	[tilespmem:$0x1FB90] =	vst v63;
	v63 =	vld [tilespmem:$0x1D1E0];
	_ =	sdelay $0x4  }
0x11a: {  	[tilespmem:$0x1FBA0] =	vst v63;
	v63 =	vld [tilespmem:$0x1D9E0];
	_ =	sdelay $0x4  }
0x11b: {  	[tilespmem:$0x1FBB0] =	vst v63;
	v63 =	vld [tilespmem:$0x1D1F0];
	_ =	sdelay $0x4  }
0x11c: {  	[tilespmem:$0x1FBC0] =	vst v63;
	v63 =	vld [tilespmem:$0x1D9F0];
	_ =	sdelay $0x4  }
0x11d: {  	[tilespmem:$0x1FBD0] =	vst v63;
	v63 =	vld [tilespmem:$0x1D200];
	_ =	sdelay $0x4  }
0x11e: {  	[tilespmem:$0x1FBE0] =	vst v63;
	v63 =	vld [tilespmem:$0x1DA00];
	_ =	sdelay $0x4  }
0x11f: {  	[tilespmem:$0x1FBF0] =	vst v63;
	v63 =	vld [tilespmem:$0x1D210];
	_ =	sdelay $0x4  }
0x120: {  	[tilespmem:$0x1FC00] =	vst v63;
	v63 =	vld [tilespmem:$0x1DA10];
	_ =	sdelay $0x4  }
0x121: {  	[tilespmem:$0x1FC10] =	vst v63;
	v63 =	vld [tilespmem:$0x1D220];
	_ =	sdelay $0x4  }
0x122: {  	[tilespmem:$0x1FC20] =	vst v63;
	v63 =	vld [tilespmem:$0x1DA20];
	_ =	sdelay $0x4  }
0x123: {  	[tilespmem:$0x1FC30] =	vst v63;
	v63 =	vld [tilespmem:$0x1D230];
	_ =	sdelay $0x4  }
0x124: {  	[tilespmem:$0x1FC40] =	vst v63;
	v63 =	vld [tilespmem:$0x1DA30];
	_ =	sdelay $0x4  }
0x125: {  	[tilespmem:$0x1FC50] =	vst v63;
	v63 =	vld [tilespmem:$0x1D240];
	_ =	sdelay $0x4  }
0x126: {  	[tilespmem:$0x1FC60] =	vst v63;
	v63 =	vld [tilespmem:$0x1DA40];
	_ =	sdelay $0x4  }
0x127: {  	[tilespmem:$0x1FC70] =	vst v63;
	v63 =	vld [tilespmem:$0x1D250];
	_ =	sdelay $0x4  }
0x128: {  	[tilespmem:$0x1FC80] =	vst v63;
	v63 =	vld [tilespmem:$0x1DA50];
	_ =	sdelay $0x4  }
0x129: {  	[tilespmem:$0x1FC90] =	vst v63;
	v63 =	vld [tilespmem:$0x1D260];
	_ =	sdelay $0x4  }
0x12a: {  	[tilespmem:$0x1FCA0] =	vst v63;
	v63 =	vld [tilespmem:$0x1DA60]  }
0x12b: {  	v56 =	vld [tilespmem:$0x1D140]  }
0x12c: {  	v53 =	vld [tilespmem:$0x1D940]  }
0x12d: {  	v57 =	vld [tilespmem:$0x1D150]  }
0x12e: {  	v61 =	vld [tilespmem:$0x1D170]  }
0x12f: {  	[tilespmem:$0x1FCB0] =	vst v63;
	v63 =	vld [tilespmem:$0x1D270]  }
0x130: {  	v55 =	vld [tilespmem:$0x1D950]  }
0x131: {  	v62 =	vld [tilespmem:$0x1D160]  }
0x132: {  	v60 =	vld [tilespmem:$0x1D960]  }
0x133: {  	[tilespmem:$0x1FAD0] =	vst v61;
	v61 =	vld [tilespmem:$0x1D970]  }
0x134: {  	[tilespmem:$0x1FCC0] =	vst v63;
	v63 =	vld [tilespmem:$0x1DA70]  }
0x135: {  	v1 =	vmul.f32 v1, v4;
	v4 =	vld [tilespmem:$0x1DBB0]  }
0x136: {  	v5 =	vmul.f32 v5, v8;
	v8 =	vld [tilespmem:$0x1DBC0]  }
0x137: {  	v7 =	vmul.f32 v7, v10;
	v10 =	vld [tilespmem:$0x1D3D0]  }
0x138: {  	v9 =	vmul.f32 v9, v12;
	v12 =	vld [tilespmem:$0x1DBD0]  }
0x139: {  	[tilespmem:$0x1FCD0] =	vst v63;
	v63 =	vld [tilespmem:$0x1D280]  }
0x13a: {  	v11 =	vmul.f32 v11, v14;
	v14 =	vld [tilespmem:$0x1D3E0]  }
0x13b: {  	v13 =	vmul.f32 v13, v16;
	v16 =	vld [tilespmem:$0x1DBE0]  }
0x13c: {  	v15 =	vmul.f32 v15, v18;
	v18 =	vld [tilespmem:$0x1D3F0]  }
0x13d: {  	v17 =	vmul.f32 v17, v20;
	v20 =	vld [tilespmem:$0x1DBF0]  }
0x13e: {  	[tilespmem:$0x1FCE0] =	vst v63;
	v63 =	vld [tilespmem:$0x1DA80]  }
0x13f: {  	v19 =	vmul.f32 v19, v22;
	v22 =	vld [tilespmem:$0x1D400]  }
0x140: {  	v21 =	vmul.f32 v21, v24;
	v24 =	vld [tilespmem:$0x1DC00]  }
0x141: {  	v23 =	vmul.f32 v23, v26;
	v26 =	vld [tilespmem:$0x1D410]  }
0x142: {  	v25 =	vmul.f32 v25, v28;
	v28 =	vmul.f32 v27, v58;
	v58 =	vld [tilespmem:$0x1DC10]  }
0x143: {  	[tilespmem:$0x1FCF0] =	vst v63;
	v63 =	vld [tilespmem:$0x1D290]  }
0x144: {  	v29 =	vmul.f32 v29, v59;
	v59 =	vld [tilespmem:$0x1D420]  }
0x145: {  	v30 =	vmul.f32 v30, v50;
	v50 =	vld [tilespmem:$0x1DC20]  }
0x146: {  	v31 =	vmul.f32 v31, v47;
	v47 =	vld [tilespmem:$0x1D430]  }
0x147: {  	v32 =	vmul.f32 v32, v38;
	v38 =	vld [tilespmem:$0x1DC30]  }
0x148: {  	[tilespmem:$0x1FD00] =	vst v63;
	v63 =	vld [tilespmem:$0x1DA90]  }
0x149: {  	v33 =	vmul.f32 v33, v39;
	v39 =	vld [tilespmem:$0x1D440]  }
0x14a: {  	v27 =	vld [tilespmem:$0x1D450]  }
0x14b: {  	v0 =	vmul.f32 v0, v3;
	v44 =	vmul.f32 v44, v46;
	v3 =	vld [tilespmem:$0x1D490]  }
0x14c: {  	v46 =	vmul.f32 v45, v49;
	v49 =	vmul.f32 v51, v54;
	v54 =	vld [tilespmem:$0x1FAD0]  }
0x14d: {  	[tilespmem:$0x1FD10] =	vst v63;
	v63 =	vld [tilespmem:$0x1D2A0]  }
0x14e: {  	v51 =	vmul.f32 v53, v56;
	v56 =	vld [tilespmem:$0x1FAE0]  }
0x14f: {  	[tilespmem:$0x1CF80] =	vst v0;
	v0 =	vmul.f32 v2, v6;
	v6 =	vld [tilespmem:$0x1D3C0]  }
0x150: {  	[tilespmem:$0x1D080] =	vst v30;
	v30 =	vld [tilespmem:$0x1DC40]  }
0x151: {  	[tilespmem:$0x1D020] =	vst v19;
	v19 =	vld [tilespmem:$0x1D460]  }
0x152: {  	[tilespmem:$0x1FD20] =	vst v63;
	v63 =	vld [tilespmem:$0x1DAA0]  }
0x153: {  	[tilespmem:$0x1CFC0] =	vst v7;
	v7 =	vld [tilespmem:$0x1D470]  }
0x154: {  	[tilespmem:$0x1CF90] =	vst v1;
	v1 =	vld [tilespmem:$0x1D480]  }
0x155: {  	v2 =	vld [tilespmem:$0x1DC80]  }
0x156: {  	[tilespmem:$0x1CFB0] =	vst v5;
	v5 =	vld [tilespmem:$0x1D4A0]  }
0x157: {  	[tilespmem:$0x1FD30] =	vst v63;
	v63 =	vld [tilespmem:$0x1D2B0]  }
0x158: {  	[tilespmem:$0x1CFA0] =	vst v0;
	v0 =	vld [tilespmem:$0x1DC70]  }
0x159: {  	[tilespmem:$0x1FFB0] =	vst v18;
	v18 =	vld [tilespmem:$0x1DC50]  }
0x15a: {  	[tilespmem:$0x1FF70] =	vst v10;
	v10 =	vld [tilespmem:$0x1DC60]  }
0x15b: {  	v48 =	vmul.f32 v48, v52;
	v52 =	vmul.f32 v55, v57;
	v57 =	vld [tilespmem:$0x1FAF0]  }
0x15c: {  	[tilespmem:$0x1FD40] =	vst v63;
	v63 =	vld [tilespmem:$0x1DAB0]  }
0x15d: {  	[tilespmem:$0x1FF40] =	vst v4;
	v4 =	vld [tilespmem:$0x1DC90]  }
0x15e: {  	[tilespmem:$0x1FF60] =	vst v8;
	v8 =	vld [tilespmem:$0x1D4B0]  }
0x15f: {  	[tilespmem:$0x1FF50] =	vst v6;
	v6 =	vld [tilespmem:$0x1DCA0]  }
0x160: {  	[tilespmem:$0x1CFD0] =	vst v9;
	v1 =	vmul.f32 v2, v1;
	v2 =	vld [tilespmem:$0x1DE20];
	v9 =	vmul.f32 v57, v56  }
0x161: {  	[tilespmem:$0x1FD50] =	vst v63;
	v63 =	vld [tilespmem:$0x1D2C0]  }
0x162: {  	[tilespmem:$0x1D180] =	vst v9;
	v9 =	vld [tilespmem:$0x1DCB0]  }
0x163: {  	v0 =	vmul.f32 v0, v7;
	v7 =	vld [tilespmem:$0x1D620]  }
0x164: {  	v53 =	vmul.f32 v60, v62;
	[tilespmem:$0x1CFE0] =	vst v11;
	v60 =	vld [tilespmem:$0x1FB00]  }
0x165: {  	[tilespmem:$0x1CFF0] =	vst v13;
	v55 =	vmul.f32 v61, v54;
	v10 =	vmul.f32 v10, v19;
	v61 =	vld [tilespmem:$0x1FB10]  }
0x166: {  	[tilespmem:$0x1FD60] =	vst v63;
	v63 =	vld [tilespmem:$0x1DAC0]  }
0x167: {  	[tilespmem:$0x1D460] =	vst v10;
	v10 =	vmul.f32 v9, v8;
	v8 =	vld [tilespmem:$0x1D650]  }
0x168: {  	[tilespmem:$0x1D010] =	vst v17;
	v9 =	vld [tilespmem:$0x1DE50]  }
0x169: {  	[tilespmem:$0x1D030] =	vst v21;
	v62 =	vld [tilespmem:$0x1FB20]  }
0x16a: {  	[tilespmem:$0x1FFA0] =	vst v16;
	v16 =	vld [tilespmem:$0x1FB30]  }
0x16b: {  	[tilespmem:$0x1FD70] =	vst v63;
	v63 =	vld [tilespmem:$0x1D2D0]  }
0x16c: {  	[tilespmem:$0x1FF80] =	vst v12;
	v17 =	vld [tilespmem:$0x1FB40]  }
0x16d: {  	[tilespmem:$0x1FFC0] =	vst v20;
	v20 =	vld [tilespmem:$0x1FB50]  }
0x16e: {  	[tilespmem:$0x1FF90] =	vst v14;
	v21 =	vld [tilespmem:$0x1FB60]  }
0x16f: {  	[tilespmem:$0x1FFD0] =	vst v22;
	v22 =	vld [tilespmem:$0x1FB70]  }
0x170: {  	v11 =	vmul.f32 v61, v60;
	[tilespmem:$0x1FD80] =	vst v63;
	v63 =	vld [tilespmem:$0x1DAD0]  }
0x171: {  	[tilespmem:$0x1D4B0] =	vst v10;
	v10 =	vld [tilespmem:$0x1D660];
	v12 =	vmul.f32 v16, v62  }
0x172: {  	[tilespmem:$0x1D190] =	vst v11;
	v11 =	vld [tilespmem:$0x1D4C0];
	v13 =	vmul.f32 v20, v17  }
0x173: {  	[tilespmem:$0x1D1A0] =	vst v12;
	v12 =	vld [tilespmem:$0x1DCC0]  }
0x174: {  	[tilespmem:$0x1D1B0] =	vst v13;
	v13 =	vld [tilespmem:$0x1D4D0]  }
0x175: {  	v14 =	vmul.f32 v22, v21;
	[tilespmem:$0x1FD90] =	vst v63;
	v63 =	vld [tilespmem:$0x1D2E0]  }
0x176: {  	[tilespmem:$0x1D040] =	vst v23;
	v23 =	vld [tilespmem:$0x1FB80]  }
0x177: {  	[tilespmem:$0x1D1C0] =	vst v14;
	v14 =	vld [tilespmem:$0x1DCD0]  }
0x178: {  	[tilespmem:$0x1FFE0] =	vst v24;
	v24 =	vld [tilespmem:$0x1FB90]  }
0x179: {  	[tilespmem:$0x1D050] =	vst v25;
	v25 =	vld [tilespmem:$0x1FBA0]  }
0x17a: {  	[tilespmem:$0x1FDA0] =	vst v63;
	v63 =	vld [tilespmem:$0x1DAE0]  }
0x17b: {  	[tilespmem:$0x1FFF0] =	vst v26;
	v12 =	vmul.f32 v12, v11;
	v26 =	vld [tilespmem:$0x1FBB0]  }
0x17c: {  	v11 =	vld [tilespmem:$0x1DE60]  }
0x17d: {  	[tilespmem:$0x1D4C0] =	vst v12;
	v12 =	vld [tilespmem:$0x1D670]  }
0x17e: {  	[tilespmem:$0x1D000] =	vst v15;
	v14 =	vmul.f32 v14, v13;
	v13 =	vld [tilespmem:$0x1DE70]  }
0x17f: {  	v15 =	vmul.f32 v24, v23;
	[tilespmem:$0x1FDB0] =	vst v63;
	v63 =	vld [tilespmem:$0x1D2F0]  }
0x180: {  	[tilespmem:$0x1D4D0] =	vst v14;
	v14 =	vld [tilespmem:$0x1D680];
	v16 =	vmul.f32 v26, v25  }
0x181: {  	[tilespmem:$0x1D1D0] =	vst v15;
	v15 =	vld [tilespmem:$0x1D4E0]  }
0x182: {  	[tilespmem:$0x1D1E0] =	vst v16;
	v16 =	vld [tilespmem:$0x1DCE0]  }
0x183: {  	[tilespmem:$0x1D060] =	vst v28;
	v28 =	vld [tilespmem:$0x1FBC0]  }
0x184: {  	[tilespmem:$0x1FDC0] =	vst v63;
	v63 =	vld [tilespmem:$0x1DAF0]  }
0x185: {  	v18 =	vmul.f32 v18, v27;
	v26 =	vld [tilespmem:$0x1DD10]  }
0x186: {  	[tilespmem:$0x1D070] =	vst v29;
	v29 =	vld [tilespmem:$0x1FBD0]  }
0x187: {  	[tilespmem:$0x1D450] =	vst v18;
	v18 =	vmul.f32 v16, v15;
	v15 =	vld [tilespmem:$0x1DE80]  }
0x188: {  	v16 =	vld [tilespmem:$0x1D690]  }
0x189: {  	[tilespmem:$0x1FDD0] =	vst v63;
	v63 =	vld [tilespmem:$0x1D300]  }
0x18a: {  	[tilespmem:$0x1D090] =	vst v31;
	v31 =	vld [tilespmem:$0x1FBE0]  }
0x18b: {  	[tilespmem:$0x1D0A0] =	vst v32;
	v32 =	vld [tilespmem:$0x1FBF0]  }
0x18c: {  	[tilespmem:$0x1D4E0] =	vst v18;
	v18 =	vld [tilespmem:$0x1D6A0]  }
0x18d: {  	v17 =	vmul.f32 v29, v28;
	v28 =	vld [tilespmem:$0x1D520]  }
0x18e: {  	[tilespmem:$0x1FDE0] =	vst v63;
	v63 =	vld [tilespmem:$0x1DB00]  }
0x18f: {  	[tilespmem:$0x1D1F0] =	vst v17;
	v17 =	vld [tilespmem:$0x1D4F0]  }
0x190: {  	v20 =	vmul.f32 v32, v31;
	v31 =	vld [tilespmem:$0x1D530]  }
0x191: {  	v32 =	vld [tilespmem:$0x1DD30]  }
0x192: {  	[tilespmem:$0x1D200] =	vst v20;
	v20 =	vld [tilespmem:$0x1DCF0]  }
0x193: {  	[tilespmem:$0x1FDF0] =	vst v63;
	v63 =	vld [tilespmem:$0x1D310]  }
0x194: {  	v29 =	vld [tilespmem:$0x1DD20]  }
0x195: {  	[tilespmem:$0x1D0B0] =	vst v33;
	v33 =	vld [tilespmem:$0x1FC00]  }
0x196: {  	v36 =	vmul.f32 v34, v36;
	v34 =	vld [tilespmem:$0x1FC10]  }
0x197: {  	v32 =	vmul.f32 v32, v31;
	v20 =	vmul.f32 v20, v17;
	v17 =	vld [tilespmem:$0x1DE90]  }
0x198: {  	[tilespmem:$0x1FE00] =	vst v63;
	v63 =	vld [tilespmem:$0x1DB10]  }
0x199: {  	[tilespmem:$0x1D530] =	vst v32;
	v32 =	vld [tilespmem:$0x1D710]  }
0x19a: {  	v40 =	vmul.f32 v35, v40;
	v35 =	vld [tilespmem:$0x1FC20]  }
0x19b: {  	v21 =	vmul.f32 v34, v33;
	v33 =	vld [tilespmem:$0x1D540]  }
0x19c: {  	v34 =	vld [tilespmem:$0x1DD40]  }
0x19d: {  	[tilespmem:$0x1FE10] =	vst v63;
	v63 =	vld [tilespmem:$0x1D320]  }
0x19e: {  	[tilespmem:$0x1D0C0] =	vst v36;
	v36 =	vld [tilespmem:$0x1FC30]  }
0x19f: {  	[tilespmem:$0x1D210] =	vst v21;
	v21 =	vld [tilespmem:$0x1D500]  }
0x1a0: {  	v42 =	vmul.f32 v37, v42;
	v37 =	vld [tilespmem:$0x1FC40]  }
0x1a1: {  	[tilespmem:$0x1D0D0] =	vst v40;
	v34 =	vmul.f32 v34, v33;
	v40 =	vld [tilespmem:$0x1FC50]  }
0x1a2: {  	[tilespmem:$0x1FE20] =	vst v63;
	v63 =	vld [tilespmem:$0x1DB20]  }
0x1a3: {  	[tilespmem:$0x1D540] =	vst v34;
	v34 =	vld [tilespmem:$0x1DF10];
	v22 =	vmul.f32 v36, v35  }
0x1a4: {  	v35 =	vld [tilespmem:$0x1D550]  }
0x1a5: {  	[tilespmem:$0x1D220] =	vst v22;
	v22 =	vld [tilespmem:$0x1DD00]  }
0x1a6: {  	v43 =	vmul.f32 v41, v43;
	v23 =	vmul.f32 v40, v37;
	v41 =	vld [tilespmem:$0x1FC60]  }
0x1a7: {  	[tilespmem:$0x1FE30] =	vst v63;
	v63 =	vld [tilespmem:$0x1D330]  }
0x1a8: {  	[tilespmem:$0x1D230] =	vst v23;
	v23 =	vld [tilespmem:$0x1D510]  }
0x1a9: {  	[tilespmem:$0x1D0E0] =	vst v42;
	v42 =	vld [tilespmem:$0x1FC70]  }
0x1aa: {  	[tilespmem:$0x1D0F0] =	vst v43;
	v43 =	vld [tilespmem:$0x1FC80]  }
0x1ab: {  	[tilespmem:$0x1D100] =	vst v44;
	v44 =	vld [tilespmem:$0x1FC90]  }
0x1ac: {  	[tilespmem:$0x1FE40] =	vst v63;
	v63 =	vld [tilespmem:$0x1DB30]  }
0x1ad: {  	v45 =	vld [tilespmem:$0x1FCA0]  }
0x1ae: {  	[tilespmem:$0x1D110] =	vst v46;
	v46 =	vld [tilespmem:$0x1FCB0]  }
0x1af: {  	[tilespmem:$0x1D120] =	vst v48;
	v48 =	vld [tilespmem:$0x1FCC0]  }
0x1b0: {  	[tilespmem:$0x1D130] =	vst v49;
	v49 =	vld [tilespmem:$0x1FCD0]  }
0x1b1: {  	[tilespmem:$0x1FE50] =	vst v63;
	v63 =	vld [tilespmem:$0x1D340]  }
0x1b2: {  	[tilespmem:$0x1D140] =	vst v51;
	v51 =	vld [tilespmem:$0x1FCE0]  }
0x1b3: {  	[tilespmem:$0x1D150] =	vst v52;
	v52 =	vld [tilespmem:$0x1FCF0]  }
0x1b4: {  	[tilespmem:$0x1D160] =	vst v53;
	v53 =	vld [tilespmem:$0x1FD00]  }
0x1b5: {  	v54 =	vld [tilespmem:$0x1FD10]  }
0x1b6: {  	v25 =	vmul.f32 v44, v43;
	[tilespmem:$0x1FE60] =	vst v63;
	v63 =	vld [tilespmem:$0x1DB40]  }
0x1b7: {  	v57 =	vld [tilespmem:$0x1FD40]  }
0x1b8: {  	[tilespmem:$0x1D250] =	vst v25;
	v25 =	vmul.f32 v49, v48;
	v60 =	vld [tilespmem:$0x1FD50]  }
0x1b9: {  	v36 =	vld [tilespmem:$0x1FD80]  }
0x1ba: {  	[tilespmem:$0x1D270] =	vst v25;
	v37 =	vld [tilespmem:$0x1FD90]  }
0x1bb: {  	v25 =	vmul.f32 v54, v53;
	[tilespmem:$0x1FE70] =	vst v63;
	v63 =	vld [tilespmem:$0x1D350]  }
0x1bc: {  	[tilespmem:$0x1D170] =	vst v55;
	v55 =	vld [tilespmem:$0x1FD20]  }
0x1bd: {  	[tilespmem:$0x1D290] =	vst v25;
	v56 =	vld [tilespmem:$0x1FD30];
	v25 =	vmul.f32 v60, v57  }
0x1be: {  	v61 =	vld [tilespmem:$0x1FD60]  }
0x1bf: {  	[tilespmem:$0x1D2B0] =	vst v25;
	v25 =	vmul.f32 v37, v36;
	v36 =	vld [tilespmem:$0x1DD50]  }
0x1c0: {  	v24 =	vmul.f32 v42, v41;
	[tilespmem:$0x1FE80] =	vst v63;
	v63 =	vld [tilespmem:$0x1DB50]  }
0x1c1: {  	v62 =	vld [tilespmem:$0x1FD70]  }
0x1c2: {  	[tilespmem:$0x1D240] =	vst v24;
	v24 =	vmul.f32 v46, v45;
	v40 =	vld [tilespmem:$0x1FDA0]  }
0x1c3: {  	v37 =	vld [tilespmem:$0x1D560]  }
0x1c4: {  	[tilespmem:$0x1D260] =	vst v24;
	v41 =	vld [tilespmem:$0x1FDB0];
	v36 =	vmul.f32 v36, v35  }
0x1c5: {  	v24 =	vmul.f32 v52, v51;
	[tilespmem:$0x1FE90] =	vst v63;
	v63 =	vld [tilespmem:$0x1D360]  }
0x1c6: {  	[tilespmem:$0x1D550] =	vst v36;
	v36 =	vld [tilespmem:$0x1D720]  }
0x1c7: {  	[tilespmem:$0x1D280] =	vst v24;
	v24 =	vmul.f32 v56, v55;
	v42 =	vld [tilespmem:$0x1FDC0]  }
0x1c8: {  	v43 =	vld [tilespmem:$0x1FDD0]  }
0x1c9: {  	[tilespmem:$0x1D2A0] =	vst v24;
	v44 =	vld [tilespmem:$0x1FDE0]  }
0x1ca: {  	v24 =	vmul.f32 v62, v61;
	[tilespmem:$0x1FEA0] =	vst v63;
	v63 =	vld [tilespmem:$0x1DB60]  }
0x1cb: {  	v45 =	vld [tilespmem:$0x1FDF0]  }
0x1cc: {  	[tilespmem:$0x1D2C0] =	vst v24;
	v24 =	vmul.f32 v41, v40;
	v40 =	vld [tilespmem:$0x1DD60]  }
0x1cd: {  	v41 =	vld [tilespmem:$0x1D570]  }
0x1ce: {  	[tilespmem:$0x1D2D0] =	vst v25;
	v25 =	vmul.f32 v43, v42;
	v43 =	vld [tilespmem:$0x1D580]  }
0x1cf: {  	[tilespmem:$0x1FEB0] =	vst v63;
	v63 =	vld [tilespmem:$0x1D370]  }
0x1d0: {  	[tilespmem:$0x1D2E0] =	vst v24;
	v24 =	vmul.f32 v45, v44;
	v44 =	vld [tilespmem:$0x1DD80]  }
0x1d1: {  	v42 =	vld [tilespmem:$0x1DD70]  }
0x1d2: {  	v46 =	vld [tilespmem:$0x1FE00]  }
0x1d3: {  	v45 =	vld [tilespmem:$0x1D590]  }
0x1d4: {  	[tilespmem:$0x1FEC0] =	vst v63;
	v63 =	vld [tilespmem:$0x1DB70]  }
0x1d5: {  	v37 =	vmul.f32 v40, v37;
	v48 =	vld [tilespmem:$0x1FE10];
	v40 =	vmul.f32 v44, v43  }
0x1d6: {  	v44 =	vld [tilespmem:$0x1DEB0]  }
0x1d7: {  	[tilespmem:$0x1D580] =	vst v40;
	v40 =	vld [tilespmem:$0x1D730]  }
0x1d8: {  	v49 =	vld [tilespmem:$0x1FE20]  }
0x1d9: {  	[tilespmem:$0x1FED0] =	vst v63;
	v63 =	vld [tilespmem:$0x1D380]  }
0x1da: {  	v51 =	vld [tilespmem:$0x1FE30]  }
0x1db: {  	[tilespmem:$0x1D2F0] =	vst v25;
	v25 =	vmul.f32 v48, v46;
	v46 =	vld [tilespmem:$0x1DD90]  }
0x1dc: {  	v48 =	vld [tilespmem:$0x1D5A0]  }
0x1dd: {  	v52 =	vld [tilespmem:$0x1FE40]  }
0x1de: {  	[tilespmem:$0x1FEE0] =	vst v63;
	v63 =	vld [tilespmem:$0x1DB80]  }
0x1df: {  	[tilespmem:$0x1D300] =	vst v24;
	v24 =	vmul.f32 v51, v49;
	v49 =	vld [tilespmem:$0x1DDA0]  }
0x1e0: {  	v51 =	vld [tilespmem:$0x1D5B0]  }
0x1e1: {  	v53 =	vld [tilespmem:$0x1FE50]  }
0x1e2: {  	v54 =	vld [tilespmem:$0x1FE60]  }
0x1e3: {  	[tilespmem:$0x1FEF0] =	vst v63;
	v63 =	vld [tilespmem:$0x1D390]  }
0x1e4: {  	v55 =	vld [tilespmem:$0x1FE70]  }
0x1e5: {  	v56 =	vld [tilespmem:$0x1FE80]  }
0x1e6: {  	v57 =	vld [tilespmem:$0x1FE90]  }
0x1e7: {  	v60 =	vld [tilespmem:$0x1FEA0]  }
0x1e8: {  	[tilespmem:$0x1FF00] =	vst v63;
	v63 =	vld [tilespmem:$0x1DB90]  }
0x1e9: {  	v61 =	vld [tilespmem:$0x1FEB0]  }
0x1ea: {  	[tilespmem:$0x1D310] =	vst v25;
	v25 =	vmul.f32 v53, v52;
	v62 =	vld [tilespmem:$0x1FEC0]  }
0x1eb: {  	[tilespmem:$0x1D320] =	vst v24;
	v52 =	vld [tilespmem:$0x1FED0]  }
0x1ec: {  	v43 =	vmul.f32 v49, v48;
	v48 =	vld [tilespmem:$0x1DEC0];
	[tilespmem:$0x1D330] =	vst v25;
	v24 =	vmul.f32 v55, v54  }
0x1ed: {  	[tilespmem:$0x1FF10] =	vst v63;
	v63 =	vld [tilespmem:$0x1D3A0]  }
0x1ee: {  	[tilespmem:$0x1D340] =	vst v24;
	v25 =	vmul.f32 v57, v56;
	v24 =	vmul.f32 v61, v60;
	v61 =	vld [tilespmem:$0x1FF40]  }
0x1ef: {  	v53 =	vld [tilespmem:$0x1FEE0]  }
0x1f0: {  	[tilespmem:$0x1D350] =	vst v25;
	v25 =	vmul.f32 v52, v62;
	v52 =	vld [tilespmem:$0x1DDB0]  }
0x1f1: {  	v54 =	vld [tilespmem:$0x1FEF0]  }
0x1f2: {  	[tilespmem:$0x1FF20] =	vst v63;
	v63 =	vld [tilespmem:$0x1DBA0]  }
0x1f3: {  	v62 =	vld [tilespmem:$0x1FF50]  }
0x1f4: {  	v55 =	vld [tilespmem:$0x1FF00]  }
0x1f5: {  	v56 =	vld [tilespmem:$0x1FF10]  }
0x1f6: {  	[tilespmem:$0x1D360] =	vst v24;
	v24 =	vmul.f32 v54, v53;
	v53 =	vld [tilespmem:$0x1D5C0]  }
0x1f7: {  	[tilespmem:$0x1FF30] =	vst v63;
	v63 =	vld [tilespmem:$0x1D3B0]  }
0x1f8: {  	[tilespmem:$0x1D480] =	vst v1;
	v57 =	vld [tilespmem:$0x1FF20]  }
0x1f9: {  	[tilespmem:$0x1D470] =	vst v0;
	v29 =	vmul.f32 v29, v28;
	v60 =	vld [tilespmem:$0x1FF30]  }
0x1fa: {  	[tilespmem:$0x1D370] =	vst v25;
	v54 =	vld [tilespmem:$0x1DDC0];
	v25 =	vmul.f32 v56, v55  }
0x1fb: {  	[tilespmem:$0x1D520] =	vst v29;
	v31 =	vmul.f32 v9, v8;
	v55 =	vld [tilespmem:$0x1D5D0]  }
0x1fc: {  	[tilespmem:$0x1D390] =	vst v25;
	v25 =	vmul.f32 v61, v63;
	v63 =	vld [tilespmem:$0x1FF60]  }
0x1fd: {  	[tilespmem:$0x1D650] =	vst v31;
	v56 =	vld [tilespmem:$0x1DDD0]  }
0x1fe: {  	v33 =	vmul.f32 v11, v10;
	[tilespmem:$0x1D380] =	vst v24;
	v24 =	vmul.f32 v60, v57;
	v57 =	vld [tilespmem:$0x1FF70]  }
0x1ff: {  	[tilespmem:$0x1D4F0] =	vst v20;
	v60 =	vld [tilespmem:$0x1FF80]  }
0x200: {  	[tilespmem:$0x1D660] =	vst v33;
	v27 =	vmul.f32 v26, v23;
	v61 =	vld [tilespmem:$0x1FF90]  }
0x201: {  	v35 =	vmul.f32 v13, v12;
	[tilespmem:$0x1D3A0] =	vst v24;
	v24 =	vmul.f32 v63, v62;
	v62 =	vld [tilespmem:$0x1FFA0]  }
0x202: {  	[tilespmem:$0x1D510] =	vst v27;
	v49 =	vmul.f32 v56, v55;
	v55 =	vld [tilespmem:$0x1D6E0]  }
0x203: {  	[tilespmem:$0x1D670] =	vst v35;
	v63 =	vld [tilespmem:$0x1FFB0]  }
0x204: {  	[tilespmem:$0x1D3B0] =	vst v25;
	v25 =	vmul.f32 v60, v57;
	v60 =	vld [tilespmem:$0x1FFC0]  }
0x205: {  	[tilespmem:$0x1D560] =	vst v37;
	v37 =	vmul.f32 v15, v14;
	v57 =	vld [tilespmem:$0x1D5E0]  }
0x206: {  	[tilespmem:$0x1D3C0] =	vst v24;
	v24 =	vmul.f32 v62, v61;
	v61 =	vld [tilespmem:$0x1FFF0]  }
0x207: {  	[tilespmem:$0x1D680] =	vst v37;
	v62 =	vmul.f32 v50, v59;
	v50 =	vld [tilespmem:$0x1DDF0]  }
0x208: {  	[tilespmem:$0x1D5A0] =	vst v43;
	v59 =	vld [tilespmem:$0x1DE10]  }
0x209: {  	[tilespmem:$0x1D3D0] =	vst v25;
	v25 =	vmul.f32 v60, v63;
	v60 =	vld [tilespmem:$0x1FFE0]  }
0x20a: {  	[tilespmem:$0x1D5D0] =	vst v49;
	v63 =	vmul.f32 v38, v47;
	v38 =	vld [tilespmem:$0x1D600]  }
0x20b: {  	v47 =	vmul.f32 v30, v39;
	v30 =	vld [tilespmem:$0x1DE00];
	[tilespmem:$0x1D3E0] =	vst v24  }
0x20c: {  	v39 =	vmul.f32 v42, v41;
	v41 =	vld [tilespmem:$0x1DEA0];
	[tilespmem:$0x1D420] =	vst v62  }
0x20d: {  	v42 =	vmul.f32 v46, v45;
	v46 =	vld [tilespmem:$0x1D6C0];
	[tilespmem:$0x1D3F0] =	vst v25  }
0x20e: {  	v45 =	vmul.f32 v52, v51;
	v51 =	vld [tilespmem:$0x1D6D0];
	[tilespmem:$0x1D430] =	vst v63  }
0x20f: {  	v24 =	vld [tilespmem:$0x1FFD0];
	[tilespmem:$0x1D440] =	vst v47  }
0x210: {  	v62 =	vmul.f32 v6, v5;
	v5 =	vld [tilespmem:$0x1D640];
	[tilespmem:$0x1D570] =	vst v39  }
0x211: {  	v6 =	vld [tilespmem:$0x1DE40];
	[tilespmem:$0x1D590] =	vst v42  }
0x212: {  	v63 =	vld [tilespmem:$0x1DE30];
	v47 =	vmul.f32 v54, v53;
	[tilespmem:$0x1D5B0] =	vst v45  }
0x213: {  	v53 =	vld [tilespmem:$0x1DED0];
	v39 =	vmul.f32 v17, v16;
	[tilespmem:$0x1D4A0] =	vst v62  }
0x214: {  	v42 =	vld [tilespmem:$0x1DF30];
	v25 =	vmul.f32 v58, v61;
	[tilespmem:$0x1D5C0] =	vst v47  }
0x215: {  	v58 =	vld [tilespmem:$0x1D5F0];
	v61 =	vmul.f32 v4, v3;
	[tilespmem:$0x1D690] =	vst v39  }
0x216: {  	v3 =	vld [tilespmem:$0x1D630];
	v56 =	vmul.f32 v30, v38;
	[tilespmem:$0x1D410] =	vst v25  }
0x217: {  	v30 =	vld [tilespmem:$0x1DF00];
	v41 =	vmul.f32 v41, v18;
	[tilespmem:$0x1D490] =	vst v61  }
0x218: {  	v38 =	vld [tilespmem:$0x1DF20];
	v45 =	vmul.f32 v48, v46;
	[tilespmem:$0x1D600] =	vst v56  }
0x219: {  	v24 =	vmul.f32 v60, v24;
	v60 =	vld [tilespmem:$0x1DDE0];
	[tilespmem:$0x1D6A0] =	vst v41  }
0x21a: {  	v25 =	vld [tilespmem:$0x1D610];
	v47 =	vmul.f32 v53, v51;
	[tilespmem:$0x1D6C0] =	vst v45  }
0x21b: {  	v46 =	vld [tilespmem:$0x1DF40];
	[tilespmem:$0x1D400] =	vst v24;
	v24 =	vmul.f32 v22, v21  }
0x21c: {  	v61 =	vld [tilespmem:$0x1DEF0];
	v54 =	vmul.f32 v50, v58;
	[tilespmem:$0x1D6D0] =	vst v47  }
0x21d: {  	v21 =	vld [tilespmem:$0x1D6B0];
	v62 =	vmul.f32 v63, v3;
	[tilespmem:$0x1D500] =	vst v24  }
0x21e: {  	v63 =	vld [tilespmem:$0x1D700];
	v52 =	vmul.f32 v60, v57;
	[tilespmem:$0x1D5F0] =	vst v54  }
0x21f: {  	v57 =	vld [tilespmem:$0x1DEE0];
	v58 =	vmul.f32 v59, v25;
	[tilespmem:$0x1D630] =	vst v62  }
0x220: {  	v59 =	vld [tilespmem:$0x1D6F0];
	v60 =	vmul.f32 v2, v7;
	[tilespmem:$0x1D5E0] =	vst v52  }
0x221: {  	v48 =	vld [tilespmem:$0x1D750];
	v25 =	vmul.f32 v6, v5;
	[tilespmem:$0x1D610] =	vst v58  }
0x222: {  	v56 =	vld [tilespmem:$0x1D770];
	[tilespmem:$0x1D620] =	vst v60;
	v43 =	vmul.f32 v44, v21  }
0x223: {  	v50 =	vld [tilespmem:$0x1DF50];
	[tilespmem:$0x1D640] =	vst v25;
	v53 =	vmul.f32 v30, v63  }
0x224: {  	v54 =	vld [tilespmem:$0x1DF60];
	[tilespmem:$0x1D6B0] =	vst v43;
	v49 =	vmul.f32 v57, v55  }
0x225: {  	v44 =	vld [tilespmem:$0x1D740];
	v51 =	vmul.f32 v61, v59;
	[tilespmem:$0x1D700] =	vst v53  }
0x226: {  	v52 =	vld [tilespmem:$0x1D760];
	v55 =	vmul.f32 v34, v32;
	[tilespmem:$0x1D6E0] =	vst v49  }
0x227: {  	v58 =	vld [tilespmem:$0x1DF70];
	v57 =	vmul.f32 v38, v36;
	[tilespmem:$0x1D6F0] =	vst v51  }
0x228: {  	v59 =	vmul.f32 v42, v40;
	[tilespmem:$0x1D710] =	vst v55  }
0x229: {  	v61 =	vmul.f32 v50, v48;
	[tilespmem:$0x1D720] =	vst v57  }
0x22a: {  	v60 =	vmul.f32 v46, v44;
	[tilespmem:$0x1D730] =	vst v59  }
0x22b: {  	v62 =	vmul.f32 v54, v52;
	[tilespmem:$0x1D750] =	vst v61  }
0x22c: {  	v63 =	vmul.f32 v58, v56;
	[tilespmem:$0x1D740] =	vst v60  }
0x22d: {  	[tilespmem:$0x1D760] =	vst v62  }
0x22e: {  	s12 =	rddreg [dreg:$0x7];
	[tilespmem:$0x1D770] =	vst v63  }
0x22f: {  	[hbm4b:s12+s3] =	stream.linear.scatter [tilespmem:s21], [sflag:$0xA], $0x800, $0x38;
	[tilespmem:$0x1DF80] =	vst v63  }
0x230: {  	_ =	swait.ge [sflag:s14], $0x800  }
0x231: {  	s15 =	sadd.s32 $0x1, s15;
	s13 =	rddreg [dreg:$0x8]  }
0x232: {  	p0 =	sne.s32 s15, s13  }
.Ltmp4:
0x233: {  	_ = 	snop;
	(pc) =	sbr.rel @p0 .LBB2_1-.Ltmp4, $3  }
0x234: {  	_ =	sdelay $0x1  }
0x235: {  	[sflag:s14] =	ssyncset.done $0x0  }
0x236: {  	[sflag:s14] =	ssyncadd.s32 $0xFFFFF800  }
0x237: {  	_ =	sfence.sel $0x180000  }
0x238: {  	[bflag:$0x0] =	sbarrier.arrive $0xFFFF  }
0x239: {  	_ =	strace $0x9000004D  }
0x23a: {  	s0 =	stileid.u32;
	[bflag:$0x2] =	sbarrier.arrive $0xFFFF  }
0x23b: {  	p0 =	sne.s32 s0, $0x0;
	s0 =	rddreg [dreg:$0x2]  }
0x23c: {  	s0 =	sadd.s32 @!p0 $0x100000, s0  }
0x23d: {  	[sflag:s0] =	ssyncadd.tile.s32 @!p0 $0x1;
	_ =	shalt  }
.Lfunc_end2:
_tile_overlayer_lowered:
.L_overlay_start_2:
0x23e: {  	(tag) =	ssettag $0x2  }
0x23f: {  	s0 =	rddreg [dreg:$0x0];
	s2 =	stileid.u32  }
0x240: {  	s1 =	rddreg [dreg:$0x1];
	p0 =	sne.s32 s2, $0x0  }
0x241: {  	s3 =	rddreg [dreg:$0x2];
	[bflag:$0x3] =	sbarrier.arrive $0xFFFF;
	s2 =	simm.s32 @!p0 $0x1C0A  }
0x242: {  	[timem:s3], [sflag:s2] =	dma.local @!p0 [hbm:s0], s1  }
0x243: {  	s0 =	simm.s32 @!p0 $0xA  }
0x244: {  	_ =	swait.ge @!p0 [sflag:s0], s1  }
0x245: {  	s1 =	ssub.s32 @!p0 $0x0, s1;
	[sflag:s0] =	ssyncset.done @!p0 $0x0  }
0x246: {  	[sflag:s0] =	ssyncadd.s32 @!p0 s1  }
0x247: {  	[bflag:$0x3] =	sbarrier.arrive $0xFFFF  }
0x248: {  	_ =	shalt  }

// kernel: kernel.9.cloned.1.call-start
scs
__scs_entry_jumppad:
0x0: {  	(pc) =	sbr.rel $0x88, $3  }
0x1: {  	(tag) =	ssettag $0x0;
	lr =	simm.s32 $0x1  }
0x2: {  	[smem:$0x3F93] =	sst lr;
	_ =	strace $0xD0000000  }
0x3: {  	_ = 	snop  }
0x4: {  	_ = 	snop  }
0x5: {  	_ = 	snop  }
0x6: {  	_ = 	snop  }
0x7: {  	_ = 	snop  }
__scs_overlays_trampoline_lowered:
0x8: {  	[smem:$0x3FA2] =	sst s0  }
0x9: {  	[smem:$0x3FA3] =	sst s1  }
0xa: {  	[smem:$0x3FA4] =	sst s2  }
0xb: {  	[smem:$0x3FA5] =	sst s3  }
0xc: {  	[smem:$0x3FA6] =	sst s4  }
0xd: {  	[smem:$0x3FA7] =	sst s5  }
0xe: {  	[smem:$0x3FA8] =	sst s6  }
0xf: {  	[smem:$0x3FA9] =	sst s7  }
0x10: {  	[smem:$0x3FAA] =	sst s8  }
0x11: {  	[smem:$0x3FAB] =	sst s9;
	s0 =	simm.s32 @!p0 $0x0  }
0x12: {  	s1 =	sld [smem:$0x3F91];
	s0 =	simm.s32 @p0 $0x1  }
0x13: {  	[smem:$0x3FAC] =	sst s0;
	s0 =	simm.s32 @!p1 $0x0  }
0x14: {  	s2 =	sld [smem:$0x3F90];
	s0 =	simm.s32 @p1 $0x1  }
0x15: {  	[smem:$0x3FAD] =	sst s0;
	s0 =	simm.s32 @!p2 $0x0  }
0x16: {  	s3 =	sld [smem:$0x3FDB];
	s0 =	simm.s32 @p2 $0x1  }
0x17: {  	s4 =	simm.s32 $0x1BF5;
	[smem:$0x3FAF] =	sst s0  }
0x18: {  	s0 =	sld [smem:$0x3F92];
	_ =	swait.ge [sflag:s4], $0x0  }
0x19: {  	s7 =	sld [smem:$0x3F93]  }
0x1a: {  	s8 =	sadd.s32 $0xFFFFE003, lr  }
0x1b: {  	s9 =	sadd.s32 $0xFFFFFEF7, lr;
	s5 =	simm.s32 $0xFFFFFFFF;
	p2 =	slt.u32 s8, $0xFFFFF086  }
0x1c: {  	p1 =	slt.u32 s9, $0xF7A;
	s5 =	simm.s32 @!p2 $0x0  }
0x1d: {  	s5 =	simm.s32 @p1 $0x1;
	p0 =	seq.s32 s7, s2  }
0x1e: {  	s7 =	smul.u32 @!p0 $0xF7A, s2;
	p2 =	seq.s32 @!p0 s5, $0x0  }
0x1f: {  	s9 =	smul.u32 $0xF7A, s1;
	s8 =	simm.s32 @!p0 $0x1BF5;
	p2 =	por !p2, p0  }
0x20: {  	[sflag:s8] =	ssyncset.s32 @!p0 $0xFFFFF086;
	s6 =	sadd.s32 @!p0 s3, s7;
	s7 =	simm.s32 @!p0 $0x108  }
0x21: {  	s3 =	sadd.s32 s3, s9;
	s6 =	sadd.s32 @!p0 $0x88, s6;
	s7 =	simm.s32 @p2 $0x1082  }
0x22: {  	[simem:s7], [sflag:s8] =	dma.local @!p0 [hbm:s6], $0xF7A  }
0x23: {  	s9 =	sor.u32 $0xD0000000, s2;
	s6 =	simm.s32 $0x108;
	_ =	swait.ge @!p0 [sflag:s8], $0x0  }
0x24: {  	s3 =	sadd.s32 $0x88, s3;
	s6 =	simm.s32 @!p1 $0x1082;
	[sflag:s4] =	ssyncset.s32 $0xFFFFF086  }
0x25: {  	[simem:s6], [sflag:s4] =	dma.local [hbm:s3], $0xF7A  }
0x26: {  	[smem:$0x3F93] =	sst s1;
	(tag) =	ssettag s2;
	_ =	strace s9  }
0x27: {  	s1 =	sld [smem:$0x3FA3]  }
0x28: {  	s2 =	sld [smem:$0x3FA4]  }
0x29: {  	s4 =	sld [smem:$0x3FA6]  }
0x2a: {  	p0 =	seq.s32 s5, $0x0;
	s5 =	sld [smem:$0x3FA7]  }
0x2b: {  	s6 =	sld [smem:$0x3FA8]  }
0x2c: {  	s7 =	sld [smem:$0x3FA9]  }
0x2d: {  	s3 =	simm.s32 $0x108;
	s8 =	sld [smem:$0x3FAA]  }
0x2e: {  	s3 =	simm.s32 @!p0 $0x1082;
	s9 =	sld [smem:$0x3FAB]  }
0x2f: {  	lr =	sadd.s32 s0, s3;
	s0 =	sld [smem:$0x3FA2]  }
0x30: {  	s3 =	sld [smem:$0x3FA5]  }
0x31: {  	[smem:$0x3FAE] =	sst s10  }
0x32: {  	s10 =	sld [smem:$0x3FAC];
	_ =	sdelay $0x3  }
0x33: {  	p0 =	seq.s32 s10, $0x1;
	s10 =	sld [smem:$0x3FAE];
	_ =	sdelay $0x3  }
0x34: {  	[smem:$0x3FAE] =	sst s10  }
0x35: {  	s10 =	sld [smem:$0x3FAD];
	_ =	sdelay $0x3  }
0x36: {  	p1 =	seq.s32 s10, $0x1;
	s10 =	sld [smem:$0x3FAE];
	_ =	sdelay $0x3  }
0x37: {  	[smem:$0x3FAE] =	sst s10  }
0x38: {  	s10 =	sld [smem:$0x3FAF]  }
0x39: {  	_ = 	snop;
	(pc) =	sbr.ind lr, $3  }
0x3a: {  	_ = 	snop  }
0x3b: {  	_ = 	snop  }
0x3c: {  	p2 =	seq.s32 s10, $0x1;
	s10 =	sld [smem:$0x3FAE]  }
0x3d: {  	_ =	shalt  }
0x3e: {  	_ =	shalt  }
0x3f: {  	_ =	shalt  }
0x40: {  	_ =	shalt  }
0x41: {  	_ =	shalt  }
0x42: {  	_ =	shalt  }
0x43: {  	_ =	shalt  }
0x44: {  	_ =	shalt  }
0x45: {  	_ =	shalt  }
0x46: {  	_ =	shalt  }
0x47: {  	_ =	shalt  }
0x48: {  	_ =	shalt  }
0x49: {  	_ =	shalt  }
0x4a: {  	_ =	shalt  }
0x4b: {  	_ =	shalt  }
0x4c: {  	_ =	shalt  }
0x4d: {  	_ =	shalt  }
0x4e: {  	_ =	shalt  }
0x4f: {  	_ =	shalt  }
0x50: {  	_ =	shalt  }
0x51: {  	_ =	shalt  }
0x52: {  	_ =	shalt  }
0x53: {  	_ =	shalt  }
0x54: {  	_ =	shalt  }
0x55: {  	_ =	shalt  }
0x56: {  	_ =	shalt  }
0x57: {  	_ =	shalt  }
0x58: {  	_ =	shalt  }
0x59: {  	_ =	shalt  }
0x5a: {  	_ =	shalt  }
0x5b: {  	_ =	shalt  }
0x5c: {  	_ =	shalt  }
0x5d: {  	_ =	shalt  }
0x5e: {  	_ =	shalt  }
0x5f: {  	_ =	shalt  }
0x60: {  	_ =	shalt  }
0x61: {  	_ =	shalt  }
0x62: {  	_ =	shalt  }
0x63: {  	_ =	shalt  }
0x64: {  	_ =	shalt  }
0x65: {  	_ =	shalt  }
0x66: {  	_ =	shalt  }
0x67: {  	_ =	shalt  }
0x68: {  	_ =	shalt  }
0x69: {  	_ =	shalt  }
0x6a: {  	_ =	shalt  }
0x6b: {  	_ =	shalt  }
0x6c: {  	_ =	shalt  }
0x6d: {  	_ =	shalt  }
0x6e: {  	_ =	shalt  }
0x6f: {  	_ =	shalt  }
0x70: {  	_ =	shalt  }
0x71: {  	_ =	shalt  }
0x72: {  	_ =	shalt  }
0x73: {  	_ =	shalt  }
0x74: {  	_ =	shalt  }
0x75: {  	_ =	shalt  }
0x76: {  	_ =	shalt  }
0x77: {  	_ =	shalt  }
0x78: {  	_ =	shalt  }
0x79: {  	_ =	shalt  }
0x7a: {  	_ =	shalt  }
0x7b: {  	_ =	shalt  }
0x7c: {  	_ =	shalt  }
0x7d: {  	_ =	shalt  }
0x7e: {  	_ =	shalt  }
0x7f: {  	_ =	shalt  }
0x80: {  	_ =	shalt  }
0x81: {  	_ =	shalt  }
0x82: {  	_ =	shalt  }
0x83: {  	_ =	shalt  }
0x84: {  	_ =	shalt  }
0x85: {  	_ =	shalt  }
0x86: {  	_ =	shalt  }
0x87: {  	_ =	shalt  }
.Lfunc_end0:
.L_simem_size_0:
called_computation_lowered:
.L_overlay_start_0:
0x88: {  	s2 =	sld [smem:$0x3FD9]  }
0x89: {  	s3 =	sld [smem:$0x3FFE];
	_ =	sdelay $0x1  }
0x8a: {  	s1 =	srdreg.scid  }
0x8b: {  	s0 =	sand.u32 $0x1, s1  }
0x8c: {  	s14 =	sshll.u32 s0, $0xA;
	s2 =	sadd.s32 s3, s2  }
0x8d: {  	s2 =	sadd.s32 s2, s14  }
0x8e: {  	[smem:$0x3FBA] =	sst s2  }
0x8f: {  	_ = 	snop  }
0x90: {  	s2 =	sld [smem:$0x3FD0];
	_ =	sdelay $0x2  }
0x91: {  	s15 =	simm.s32 $0xA;
	s4 =	simm.s32 $0x10  }
0x92: {  	[smem:s4], [sflag:s15] =	dma.local [hbm:s2], $0x1  }
0x93: {  	_ =	swait.eq [sflag:s15], $0x1  }
0x94: {  	[sflag:s15] =	ssyncset.done $0x0  }
0x95: {  	[sflag:s15] =	ssyncadd.s32 $0xFFFFFFFF  }
0x96: {  	s16 =	sld [smem:$0x10];
	(tm) =	ssettm $0x1  }
0x97: {  	s17 =	sld [smem:$0x3FFB];
	_ =	sdelay $0x3  }
0x98: {  	_ =	strace s17  }
0x99: {  	s3 =	sld [smem:$0x3FFC];
	_ =	sdelay $0x3  }
0x9a: {  	_ =	strace s3  }
0x9b: {  	s3 =	sld [smem:$0x3FFD];
	_ =	sdelay $0x3  }
0x9c: {  	_ =	strace s3  }
0x9d: {  	_ =	strace $0x8FFFFFFF  }
0x9e: {  	s18 =	sld [smem:$0x3FDB];
	_ =	sdelay $0x1  }
0x9f: {  	s19 =	simm.s32 $_scs_section_size  }
0xa0: {  	s5 =	simm.s32 $_size__tile_overlayer_lowered;
	s6 =	simm.s32 $_tile_overlayer_lowered  }
0xa1: {  	s22 =	simm.s32 $0x1BFF;
	s21 =	sshll.u32 s6, $0x1;
	s3 =	sadd.s32 s19, s18  }
0xa2: {  	s7 =	simm.s32 $0x0;
	s20 =	sshll.u32 s5, $0x1;
	s5 =	sadd.s32 s21, s3  }
0xa3: {  	[timem:s7], [sflag:s22] =	dma.local [hbm:s5], s20  }
0xa4: {  	_ =	swait.ge [sflag:s22], s20  }
0xa5: {  	s4 =	ssub.s32 $0x0, s20;
	[sflag:s22] =	ssyncset.done $0x0  }
0xa6: {  	[sflag:s22] =	ssyncadd.s32 s4;
	_ =	sdelay $0x1  }
0xa7: {  	s23 =	simm.s32 $0x1B8B  }
0xa8: {  	_ =	swait.ge [sflag:s23], $0x1  }
0xa9: {  	[sflag:s23] =	ssyncset.done $0x0  }
0xaa: {  	s25 =	simm.s32 $0x1B8E;
	s24 =	sld [smem:$0x3FFE];
	[sflag:s23] =	ssyncadd.s32 $0xFFFFFFFF  }
0xab: {  	s26 =	simm.s32 $execute0_lowered;
	[smem:$0x3FD2] =	sst s25  }
0xac: {  	s5 =	sshll.u32 s26, $0x1;
	_ =	strace $0x80000046;
	[dreg:$0x1] =	wrdreg $0xFFFFFFFF  }
0xad: {  	s28 =	simm.s32 $_size_execute0_lowered;
	s3 =	sadd.s32 s3, s5;
	[dreg:$0x0] =	wrdreg $0x0  }
0xae: {  	s5 =	sshll.u32 s28, $0x1;
	[dreg:$0x2] =	wrdreg s3  }
0xaf: {  	[dreg:$0x3] =	wrdreg s5  }
0xb0: {  	[dreg:$0x4] =	wrdreg $0xC0  }
0xb1: {  	_ =	task [dreg:s7], $0x5FFFF  }
0xb2: {  	[dreg:$0x1] =	wrdreg $0xFFFFFFFF  }
0xb3: {  	[dreg:$0x0] =	wrdreg $0x60  }
0xb4: {  	[dreg:$0x2] =	wrdreg s16  }
0xb5: {  	[dreg:$0x3] =	wrdreg s24  }
0xb6: {  	[dreg:$0x4] =	wrdreg $0xB0000  }
0xb7: {  	[dreg:$0x5] =	wrdreg $0x9  }
0xb8: {  	_ =	task.clear_ibuf [dreg:s7], $0x6FFFF;
	_ =	strace $0x90000046  }
0xb9: {  	s29 =	simm.s32 $0x9;
	_ =	strace $0x80000048  }
0xba: {  	_ =	swait.ge [sflag:s29], $0x1  }
0xbb: {  	[sflag:s29] =	ssyncadd.s32 $0xFFFFFFFF  }
0xbc: {  	_ =	strace $0x90000048  }
0xbd: {  	_ =	sfence  }
0xbe: {  	s30 =	sld [smem:$0x0];
	_ =	sdelay $0x2  }
0xbf: {  	s31 =	sshll.u32 s1, $0xD;
	s1 =	sshrl.u32 s1, $0x2  }
0xc0: {  	s3 =	sand.u32 $0x4000, s31;
	s1 =	sadd.s32 s1, s30  }
0xc1: {  	s0 =	sor.u32 s3, s0;
	s1 =	sshll.u32 s1, $0x11  }
0xc2: {  	s0 =	sor.u32 s1, s0  }
0xc3: {  	s0 =	sadd.s32 $0x8F2B, s0  }
0xc4: {  	[sflag:s0] =	ssyncadd.remote.s32 $0x1  }
0xc5: {  	_ =	sfence.sel $0xFFFF  }
0xc6: {  	[dreg:$0x0] =	wrdreg $0xFFFFFFFF;
	(pc) =	sbr.abs _section_cstart, $3  }
0xc7: {  	[dreg:$0x1] =	wrdreg $0xFFFFFFFF  }
0xc8: {  	_ =	task.clear_ibuf [dreg:s7], $0x2FFFF;
	_ =	strace $0x9FFFFFFF  }
0xc9: {  	(tm) =	ssettm $0x7FFFFFFF  }
tec
execute0_lowered:
.L_overlay_start_1:
0x0: {  	(tag) =	ssettag $0x1  }
0x1: {  	s0 =	rddreg [dreg:$0x0]  }
0x2: {  	s3 =	rddreg [dreg:$0x1]  }
0x3: {  	s1 =	rddreg [dreg:$0x2];
	s2 =	simm.s32 $0x0  }
0x4: {  	s20 =	srdreg.scid;
	s16 =	stileid.u32;
	s28 =	simm.s32 $0x2  }
0x5: {  	s29 =	simm.s32 $0x4;
	s31 =	simm.s32 $0xA780;
	[smem:$0x7FF] =	sst s2  }
0x6: {  	s5 =	sadd.s32 $0xC600, s3;
	s4 =	sadd.s32 $0x16400, s3;
	s7 =	smul.u32 $0x50000, s16  }
0x7: {  	s3 =	sand.u32 $0x1, s20;
	s6 =	sshll.u32 s16, $0x1;
	s9 =	smul.u32 $0x2800, s16  }
0x8: {  	s17 =	sadd.s32 $0x12C000, s1;
	s25 =	smul.u32 $0x271000, s16;
	p0 =	seq.s32 s16, $0xF  }
0x9: {  	s20 =	simm.s32 $0x5;
	_ =	strace $0x80000047;
	s8 =	ssub.s32 $0x2, s3  }
0xa: {  	s6 =	sor.u32 s3, s6;
	s3 =	smul.u32 $0x138800, s3;
	s17 =	sshrl.u32 @p0 s17, $0x3  }
0xb: {  	s10 =	sshrl.u32 s8, $0x1;
	s11 =	smul.u32 $0x2710, s6;
	s7 =	sshrl.u32 s7, $0x2  }
0xc: {  	s21 =	sadd.s32 s0, s9;
	s0 =	sadd.s32 $0x25800, s0;
	s6 =	smul.u32 $0x138800, s6  }
0xd: {  	s10 =	ssub.s32 s8, s10;
	s19 =	sadd.s32 s7, s1;
	[dreg:$0x4] =	wrdreg s21  }
0xe: {  	[dreg:$0x5] =	wrdreg s0;
	s26 =	sadd.s32 s3, s25;
	s21 =	simm.s32 $0x80  }
0xf: {  	s25 =	simm.s32 $0x3;
	s22 =	sadd.s32 $0x2700, s11;
	s23 =	sshrl.u32 s11, $0x3  }
0x10: {  	s6 =	sshrl.u32 s6, $0x3;
	s10 =	smax.u32 s10, $0x1;
	s3 =	sadd.s32 $0xC000, s26  }
0x11: {  	s15 =	sadd.s32 $0x8000, s26;
	s19 =	sshrl.u32 @!p0 s19, $0x3;
	s26 =	simm.s32 $0x0  }
0x12: {  	s24 =	sshrl.u32 s22, $0x3;
	s7 =	sadd.s32 s5, s23;
	s0 =	sshll.u32 s22, $0x4  }
0x13: {  	s11 =	sadd.s32 s4, s6;
	s30 =	sshrl.u32 s3, $0x3;
	s3 =	sshll.u32 @!p0 s16, $0x6  }
0x14: {  	s22 =	simm.s32 $0x2780;
	s23 =	simm.s32 $0x6780;
	[dreg:$0x6] =	wrdreg s7  }
0x15: {  	s8 =	sadd.s32 s5, s24;
	s9 =	sadd.s32 s4, s0;
	s12 =	sadd.s32 $0x800, s11  }
0x16: {  	s13 =	sadd.s32 $0x26000, s11;
	s14 =	sadd.s32 $0x26800, s11;
	s16 =	sadd.s32 s30, s4  }
0x17: {  	s18 =	sor.u32 @!p0 $0x1C05, s3;
	s24 =	simm.s32 $0x1;
	s3 =	simm.s32 $0xA800  }
.LBB2_1:
0x18: {  	s0 =	simm.s32 @p0 $0x1FC5;
	s5 =	rddreg [dreg:$0x5]  }
0x19: {  	[spmem:s17], [sflag:s0] =	dma.local @p0 [hbm:s5], $0x1900  }
0x1a: {  	s0 =	simm.s32 @p0 $0x5  }
0x1b: {  	_ =	swait.ge @p0 [sflag:s0], $0x1900  }
0x1c: {  	[sflag:s0] =	ssyncset.done @p0 $0x0  }
0x1d: {  	[sflag:s0] =	ssyncadd.s32 @p0 $0xFFFFE700;
	s0 =	rddreg [dreg:$0x4]  }
0x1e: {  	[spmem:s19], [sflag:s18] =	dma.local @!p0 [hbm:s0], $0x2800  }
0x1f: {  	s0 =	simm.s32 @!p0 $0x5  }
0x20: {  	_ =	swait.ge @!p0 [sflag:s0], $0x2800  }
0x21: {  	[sflag:s0] =	ssyncset.done @!p0 $0x0  }
0x22: {  	s6 =	rddreg [dreg:$0x6];
	[sflag:s0] =	ssyncadd.s32 @!p0 $0xFFFFD800  }
0x23: {  	[tilespmem:s2], [sflag:$0x5] =	stream.linear.gather [hbm4b:s6+s2], $0x2710, $0x38;
	[tilespmem:$0x1E880] =	vst v63  }
0x24: {  	_ =	swait.ge [sflag:s20], $0x2710  }
0x25: {  	[sflag:s20] =	ssyncset.done $0x0  }
0x26: {  	[sflag:s20] =	ssyncadd.s32 $0xFFFFD8F0  }
0x27: {  	[bflag:$0x0] =	sbarrier.arrive $0xFFFF  }
0x28: {  	[tilespmem:s22], [sflag:$0x1] =	stream.indirect.gather [spmem:s1], $0x80, s2, s21, $0xb8;
	[tilespmem:$0x1E880] =	vst v63  }
0x29: {  	_ = 	snop  }
0x2a: {  	[tilespmem:s23], [sflag:$0x2] =	stream.indirect.gather [spmem:s1], $0x80, s21, s21, $0xb8;
	[tilespmem:$0x1E880] =	vst v63  }
0x2b: {  	_ =	swait.ge [sflag:s24], $0x4000  }
0x2c: {  	[sflag:s24] =	ssyncset.done $0x0  }
0x2d: {  	[sflag:s24] =	ssyncadd.s32 $0xFFFFC000  }
0x2e: {  	[hbm4b:s11+s2] =	stream.linear.scatter [tilespmem:s22], [sflag:$0x3], $0x4000, $0x38;
	[tilespmem:$0x1E880] =	vst v63  }
0x2f: {  	_ =	swait.ge [sflag:s25], $0x4000  }
0x30: {  	[sflag:s25] =	ssyncset.done $0x0  }
0x31: {  	s7 =	simm.s32 $0x100;
	[sflag:s25] =	ssyncadd.s32 $0xFFFFC000  }
0x32: {  	[tilespmem:s22], [sflag:$0x1] =	stream.indirect.gather [spmem:s1], $0x80, s7, s21, $0xb8;
	[tilespmem:$0x1E880] =	vst v63  }
0x33: {  	_ =	swait.ge [sflag:s28], $0x4000  }
0x34: {  	[sflag:s28] =	ssyncset.done $0x0  }
0x35: {  	[sflag:s28] =	ssyncadd.s32 $0xFFFFC000  }
0x36: {  	[hbm4b:s12+s2] =	stream.linear.scatter [tilespmem:s23], [sflag:$0x4], $0x4000, $0x38;
	[tilespmem:$0x1E880] =	vst v63  }
0x37: {  	_ =	swait.ge [sflag:s29], $0x4000  }
0x38: {  	[sflag:s29] =	ssyncset.done $0x0  }
0x39: {  	s5 =	simm.s32 $0x180;
	[sflag:s29] =	ssyncadd.s32 $0xFFFFC000  }
0x3a: {  	[tilespmem:s23], [sflag:$0x2] =	stream.indirect.gather [spmem:s1], $0x80, s5, s21, $0xb8;
	[tilespmem:$0x1E880] =	vst v63  }
0x3b: {  	_ =	swait.ge [sflag:s24], $0x4000  }
0x3c: {  	s6 =	sshrl.u32 s15, $0x3;
	[sflag:s24] =	ssyncset.done $0x0  }
0x3d: {  	s0 =	sadd.s32 s4, s6;
	[sflag:s24] =	ssyncadd.s32 $0xFFFFC000  }
0x3e: {  	[hbm4b:s0+s2] =	stream.linear.scatter [tilespmem:s22], [sflag:$0x3], $0x4000, $0x38;
	[tilespmem:$0x1E880] =	vst v63  }
0x3f: {  	_ =	swait.ge [sflag:s25], $0x4000  }
0x40: {  	[sflag:s25] =	ssyncset.done $0x0  }
0x41: {  	s7 =	simm.s32 $0x200;
	[sflag:s25] =	ssyncadd.s32 $0xFFFFC000  }
0x42: {  	[tilespmem:s22], [sflag:$0x1] =	stream.indirect.gather [spmem:s1], $0x80, s7, s21, $0xb8;
	[tilespmem:$0x1E880] =	vst v63  }
0x43: {  	_ =	swait.ge [sflag:s28], $0x4000  }
0x44: {  	s30 =	simm.s32 $0x1000;
	s6 =	sadd.s32 $0x0, s16;
	[sflag:s28] =	ssyncset.done $0x0  }
0x45: {  	s5 =	simm.s32 $0x300;
	s0 =	sadd.s32 $0x8000, s15;
	[sflag:s28] =	ssyncadd.s32 $0xFFFFC000  }
.LBB2_2:
0x46: {  	[hbm4b:s6+s2] =	stream.linear.scatter [tilespmem:s23], [sflag:$0x4], $0x4000, $0x38;
	[tilespmem:$0x1E880] =	vst v63  }
0x47: {  	s6 =	smov.u32 s30  }
0x48: {  	p1 =	sne.s32 s30, $0x24000;
	s30 =	sadd.s32 $0x1000, s30;
	_ =	swait.ge [sflag:s29], $0x4000  }
0x49: {  	[sflag:s29] =	ssyncset.done $0x0  }
0x4a: {  	s7 =	sadd.s32 $0xFFFFFF80, s5;
	[sflag:s29] =	ssyncadd.s32 $0xFFFFC000  }
0x4b: {  	[tilespmem:s23], [sflag:$0x2] =	stream.indirect.gather [spmem:s1], $0x80, s7, s21, $0xb8;
	[tilespmem:$0x1E880] =	vst v63  }
0x4c: {  	_ =	swait.ge [sflag:s24], $0x4000  }
0x4d: {  	s7 =	sshrl.u32 s0, $0x3;
	[sflag:s24] =	ssyncset.done $0x0  }
0x4e: {  	s7 =	sadd.s32 s4, s7;
	[sflag:s24] =	ssyncadd.s32 $0xFFFFC000  }
0x4f: {  	[hbm4b:s7+s2] =	stream.linear.scatter [tilespmem:s22], [sflag:$0x3], $0x4000, $0x38;
	[tilespmem:$0x1E880] =	vst v63  }
0x50: {  	_ =	swait.ge [sflag:s25], $0x4000  }
0x51: {  	[sflag:s25] =	ssyncset.done $0x0  }
.Ltmp0:
0x52: {  	[sflag:s25] =	ssyncadd.s32 $0xFFFFC000;
	(pc) =	sbr.rel @p1 .LBB2_2-.Ltmp0, $4  }
0x53: {  	[tilespmem:s22], [sflag:$0x1] =	stream.indirect.gather [spmem:s1], $0x80, s5, s21, $0xb8;
	[tilespmem:$0x1E880] =	vst v63  }
0x54: {  	_ =	swait.ge [sflag:s28], $0x4000  }
0x55: {  	s0 =	sadd.s32 $0x8000, s0;
	[sflag:s28] =	ssyncset.done $0x0  }
0x56: {  	s6 =	sadd.s32 s6, s16;
	s5 =	sadd.s32 $0x100, s5;
	[sflag:s28] =	ssyncadd.s32 $0xFFFFC000  }
0x57: {  	[hbm4b:s6+s2] =	stream.linear.scatter [tilespmem:s23], [sflag:$0x4], $0x4000, $0x38;
	[tilespmem:$0x1E880] =	vst v63  }
0x58: {  	_ =	swait.ge [sflag:s29], $0x4000  }
0x59: {  	[sflag:s29] =	ssyncset.done $0x0  }
0x5a: {  	s0 =	simm.s32 $0x2680;
	[sflag:s29] =	ssyncadd.s32 $0xFFFFC000  }
0x5b: {  	[tilespmem:s23], [sflag:$0x2] =	stream.indirect.gather [spmem:s1], $0x80, s0, s21, $0xb8;
	[tilespmem:$0x1E880] =	vst v63  }
0x5c: {  	_ =	swait.ge [sflag:s24], $0x4000  }
0x5d: {  	[sflag:s24] =	ssyncset.done $0x0  }
0x5e: {  	[sflag:s24] =	ssyncadd.s32 $0xFFFFC000  }
0x5f: {  	[hbm4b:s13+s2] =	stream.linear.scatter [tilespmem:s22], [sflag:$0x3], $0x4000, $0x38;
	[tilespmem:$0x1E880] =	vst v63  }
0x60: {  	_ =	swait.ge [sflag:s25], $0x4000  }
0x61: {  	[sflag:s25] =	ssyncset.done $0x0  }
0x62: {  	[sflag:s25] =	ssyncadd.s32 $0xFFFFC000  }
0x63: {  	_ =	swait.ge [sflag:s28], $0x4000  }
0x64: {  	[sflag:s28] =	ssyncset.done $0x0  }
0x65: {  	[sflag:s28] =	ssyncadd.s32 $0xFFFFC000  }
0x66: {  	[hbm4b:s14+s2] =	stream.linear.scatter [tilespmem:s23], [sflag:$0x4], $0x4000, $0x38;
	[tilespmem:$0x1E880] =	vst v63  }
0x67: {  	_ =	swait.ge [sflag:s29], $0x4000  }
0x68: {  	[sflag:s29] =	ssyncset.done $0x0  }
0x69: {  	[sflag:s29] =	ssyncadd.s32 $0xFFFFC000  }
0x6a: {  	[tilespmem:s31], [sflag:$0x5] =	stream.linear.gather [hbm4b:s8+s2], $0x10, $0x38;
	[tilespmem:$0x1E880] =	vst v63  }
0x6b: {  	_ =	swait.ge [sflag:s20], $0x10  }
0x6c: {  	[sflag:s20] =	ssyncset.done $0x0  }
0x6d: {  	s30 =	simm.s32 $0x10;
	[sflag:s20] =	ssyncadd.s32 $0xFFFFFFF0  }
0x6e: {  	[tilespmem:s3], [sflag:$0x1] =	stream.indirect.gather [spmem:s1], $0x80, s31, s30, $0xb8;
	[tilespmem:$0x1E880] =	vst v63  }
0x6f: {  	s26 =	sadd.s32 $0x1, s26;
	_ =	swait.ge [sflag:s24], $0x800  }
0x70: {  	p1 =	sne.s32 s26, s10;
	[sflag:s24] =	ssyncset.done $0x0  }
.Ltmp1:
0x71: {  	[sflag:s24] =	ssyncadd.s32 $0xFFFFF800;
	(pc) =	sbr.rel @p1 .LBB2_1-.Ltmp1, $4  }
0x72: {  	[hbm4b:s9+s2] =	stream.linear.scatter [tilespmem:s3], [sflag:$0x5], $0x800, $0x38;
	[tilespmem:$0x1E880] =	vst v63  }
0x73: {  	_ =	swait.ge [sflag:s20], $0x800  }
0x74: {  	[sflag:s20] =	ssyncset.done $0x0  }
0x75: {  	[sflag:s20] =	ssyncadd.s32 $0xFFFFF800  }
0x76: {  	_ =	sfence.sel $0x180000  }
0x77: {  	[bflag:$0x0] =	sbarrier.arrive $0xFFFF  }
0x78: {  	_ =	strace $0x90000047  }
0x79: {  	s0 =	stileid.u32;
	[bflag:$0x2] =	sbarrier.arrive $0xFFFF  }
0x7a: {  	p0 =	sne.s32 s0, $0x0;
	s0 =	rddreg [dreg:$0x3]  }
0x7b: {  	s0 =	sadd.s32 @!p0 $0x100000, s0  }
0x7c: {  	[sflag:s0] =	ssyncadd.tile.s32 @!p0 $0x1;
	_ =	shalt  }
.Lfunc_end2:
_tile_overlayer_lowered:
.L_overlay_start_2:
0x7d: {  	(tag) =	ssettag $0x2  }
0x7e: {  	s0 =	rddreg [dreg:$0x0];
	s2 =	stileid.u32  }
0x7f: {  	s1 =	rddreg [dreg:$0x1];
	p0 =	sne.s32 s2, $0x0  }
0x80: {  	s3 =	rddreg [dreg:$0x2];
	[bflag:$0x3] =	sbarrier.arrive $0xFFFF;
	s2 =	simm.s32 @!p0 $0x1C05  }
0x81: {  	[timem:s3], [sflag:s2] =	dma.local @!p0 [hbm:s0], s1  }
0x82: {  	s0 =	simm.s32 @!p0 $0x5  }
0x83: {  	_ =	swait.ge @!p0 [sflag:s0], s1  }
0x84: {  	s1 =	ssub.s32 @!p0 $0x0, s1;
	[sflag:s0] =	ssyncset.done @!p0 $0x0  }
0x85: {  	[sflag:s0] =	ssyncadd.s32 @!p0 s1  }
0x86: {  	[bflag:$0x3] =	sbarrier.arrive $0xFFFF  }
0x87: {  	_ =	shalt  }

</sc_bundles>
